<compile_context>
chip_gen: v7x
topology: tpu7x:2x2x1
jax: 0.10.2.dev20260603
libtpu: 0.0.44.dev20260713+nightly
codegen_flags: <defaults>
</compile_context>

<pallas_src>
import functools

import jax
import jax.numpy as jnp
from jax import lax
from jax.experimental import pallas as pl
from jax.experimental.pallas import tpu as pltpu
from jax.experimental.pallas import tpu_sc as plsc

N = 10000
E = 320000
D = 128
H = 2 * D
BN_EPS = 1e-5

NC = 2
NS = 16
NW = NC * NS

N_PAD = 10112
ROWS_PER_TILE = N_PAD // NS
CHUNK = 80
TOTAL_CHUNKS = E // CHUNK
BASE_CHUNKS = TOTAL_CHUNKS // NW
EXTRA_CHUNKS = TOTAL_CHUNKS - BASE_CHUNKS * NW


SUP = 25
NSUP = 125 // SUP
SUP_E = SUP * CHUNK


def _sc_body(x_hbm, src_hbm, dst_hbm, ea_hbm, zero_hbm, out_hbm,
             srcS, dstS, sv0, sv1, dst_v, ea0, ea1, xr0, xr1, acc_sh,
             sem_io0, sem_io1, sem_stage):
    c = lax.axis_index("c")
    s = lax.axis_index("s")
    wid = s * jnp.int32(NC) + c

    row0 = s * jnp.int32(ROWS_PER_TILE)
    pltpu.sync_copy(zero_hbm, acc_sh.at[pl.ds(row0, ROWS_PER_TILE)])
    plsc.subcore_barrier()

    base_e = wid * jnp.int32(125 * CHUNK)
    nchunks = jnp.int32(125)

    def issue_stage(sup):
        off = base_e + sup * jnp.int32(SUP_E)
        sb = (sup % jnp.int32(2)) * jnp.int32(SUP_E)
        pltpu.async_copy(src_hbm.at[pl.ds(off, SUP_E)],
                         srcS.at[pl.ds(sb, SUP_E)], sem_stage)
        pltpu.async_copy(dst_hbm.at[pl.ds(off, SUP_E)],
                         dstS.at[pl.ds(sb, SUP_E)], sem_stage)

    def wait_stage():
        pltpu.make_async_copy(src_hbm.at[pl.ds(0, SUP_E)],
                              srcS.at[pl.ds(0, SUP_E)], sem_stage).wait()
        pltpu.make_async_copy(dst_hbm.at[pl.ds(0, SUP_E)],
                              dstS.at[pl.ds(0, SUP_E)], sem_stage).wait()

    def stage_off(g):
        sb = ((g // jnp.int32(SUP)) % jnp.int32(2)) * jnp.int32(SUP_E)
        return sb + (g % jnp.int32(SUP)) * jnp.int32(CHUNK)

    def issue_io(g, P):
        src_v, ea_v, xr_v, sem = P
        pltpu.async_copy(ea_hbm.at[pl.ds(base_e + g * jnp.int32(CHUNK), CHUNK)],
                         ea_v, sem)
        ioff = stage_off(g)
        for k in range(CHUNK // 16):
            src_v[pl.ds(k * 16, 16)] = srcS[pl.ds(ioff + k * 16, 16)]
        pltpu.async_copy(x_hbm.at[src_v], xr_v, sem)

    def wait_io(P):
        _, ea_v, xr_v, sem = P
        pltpu.make_async_copy(ea_hbm.at[pl.ds(0, CHUNK)], ea_v, sem).wait()
        pltpu.make_async_copy(x_hbm.at[pl.ds(0, CHUNK)], xr_v, sem).wait()

    def do_chunk(g, cur, nxt):

        @pl.when(g % jnp.int32(SUP) == jnp.int32(0))
        def _():
            @pl.when(g + jnp.int32(SUP) < nchunks)
            def _():
                issue_stage(g // jnp.int32(SUP) + jnp.int32(1))

        @pl.when((g + jnp.int32(1)) % jnp.int32(SUP) == jnp.int32(0))
        def _():
            @pl.when(g + jnp.int32(1) < nchunks)
            def _():
                wait_stage()

        @pl.when(g + jnp.int32(1) < nchunks)
        def _():
            issue_io(g + jnp.int32(1), nxt)

        wait_io(cur)
        ea_c, xr_c = cur[1], cur[2]

        def row_body(r, cc2):
            for k in range(D // 16):
                sl = pl.ds(k * 16, 16)
                xr_c[r, sl] = jnp.maximum(xr_c[r, sl] + ea_c[r, sl], 0.0)
            return cc2

        lax.fori_loop(jnp.int32(0), jnp.int32(CHUNK), row_body, jnp.int32(0))

        ioff = stage_off(g)
        for k in range(CHUNK // 16):
            dst_v[pl.ds(k * 16, 16)] = dstS[pl.ds(ioff + k * 16, 16)]

        pltpu.sync_copy(xr_c, acc_sh.at[dst_v], add=True)

    P0 = (sv0, ea0, xr0, sem_io0)
    P1 = (sv1, ea1, xr1, sem_io1)

    issue_stage(jnp.int32(0))
    wait_stage()
    issue_io(jnp.int32(0), P0)

    def pair_body(p, cc):
        g = p * jnp.int32(2)
        do_chunk(g, P0, P1)
        do_chunk(g + jnp.int32(1), P1, P0)
        return cc

    lax.fori_loop(jnp.int32(0), jnp.int32(62), pair_body, jnp.int32(0))
    do_chunk(jnp.int32(124), P0, P1)

    plsc.subcore_barrier()
    rs = pl.ds(row0, ROWS_PER_TILE)
    pltpu.sync_copy(acc_sh.at[rs], out_hbm.at[c, rs])


@functools.cache
def _sc_scatter():
    return pl.kernel(
        _sc_body,
        mesh=plsc.VectorSubcoreMesh(core_axis_name="c", subcore_axis_name="s"),
        out_type=jax.ShapeDtypeStruct((NC, N_PAD, D), jnp.float32),
        scratch_types=[
            pltpu.VMEM((2 * SUP_E,), jnp.int32),
            pltpu.VMEM((2 * SUP_E,), jnp.int32),
            pltpu.VMEM((CHUNK,), jnp.int32),
            pltpu.VMEM((CHUNK,), jnp.int32),
            pltpu.VMEM((CHUNK,), jnp.int32),
            pltpu.VMEM((CHUNK, D), jnp.float32),
            pltpu.VMEM((CHUNK, D), jnp.float32),
            pltpu.VMEM((CHUNK, D), jnp.float32),
            pltpu.VMEM((CHUNK, D), jnp.float32),
            pltpu.VMEM_SHARED((N_PAD, D), jnp.float32),
            pltpu.SemaphoreType.DMA,
            pltpu.SemaphoreType.DMA,
            pltpu.SemaphoreType.DMA,
        ],
    )


def _tc_body(acc_ref, x_ref, w1_ref, g1_ref, b1_ref, w2_ref, g2_ref,
             b2_ref, eps_ref, o_ref):
    nn = acc_ref[0][:N, :] + acc_ref[1][:N, :]
    h = nn + (1.0 + eps_ref[0, 0]) * x_ref[...]
    h = jnp.dot(h, w1_ref[...], preferred_element_type=jnp.float32,
                precision=lax.Precision.HIGHEST)
    mu = jnp.mean(h, axis=0, keepdims=True)
    d = h - mu
    var = jnp.mean(d * d, axis=0, keepdims=True)
    h = d * lax.rsqrt(var + BN_EPS) * g1_ref[...] + b1_ref[...]
    h = jnp.maximum(h, 0.0)
    h = jnp.dot(h, w2_ref[...], preferred_element_type=jnp.float32,
                precision=lax.Precision.HIGHEST)
    mu = jnp.mean(h, axis=0, keepdims=True)
    d = h - mu
    var = jnp.mean(d * d, axis=0, keepdims=True)
    h = d * lax.rsqrt(var + BN_EPS) * g2_ref[...] + b2_ref[...]
    o_ref[...] = jnp.maximum(h, 0.0)


_tc_mlp = pl.pallas_call(
    _tc_body,
    out_shape=jax.ShapeDtypeStruct((N, D), jnp.float32),
)


@jax.jit
def kernel(x, edge_index, edge_attr, W1, gamma1, beta1, W2, gamma2, beta2,
           epsilon):
    out_dtype = jnp.result_type(x.dtype, W1.dtype, W2.dtype)
    src = edge_index[0].astype(jnp.int32)
    dst = edge_index[1].astype(jnp.int32)
    zero = jnp.zeros((ROWS_PER_TILE, D), jnp.float32)
    acc = _sc_scatter()(x, src, dst, edge_attr, zero)
    out = _tc_mlp(acc, x, W1.astype(jnp.float32),
                  gamma1.reshape(1, H).astype(jnp.float32),
                  beta1.reshape(1, H).astype(jnp.float32),
                  W2.astype(jnp.float32),
                  gamma2.reshape(1, D).astype(jnp.float32),
                  beta2.reshape(1, D).astype(jnp.float32),
                  epsilon.reshape(1, 1).astype(jnp.float32))
    return out.astype(out_dtype)

# --- scband reference (transcript-rebuilt; emitter-appended) ---
"""Pipeline reference for scband-model-test-add-50869592655498 (READ-ONLY COPY).

The authoritative reference and input builder live on the scoring server;
editing this copy changes nothing except your own understanding.
"""

import jax
jax.config.update('jax_enable_x64', True)
import jax.numpy as jnp
import numpy as np

N = 10000
E = 320000
D = 128
H = D * 2  # _inner_mlp_mult = 2
BN_EPS = 1e-5


def setup_inputs(seed: int = 0) -> dict:
    key = jax.random.key(seed)
    ks = jax.random.split(key, 10)
    x = jax.random.normal(ks[0], (N, D), dtype=jnp.float32)
    edge_index = jax.random.randint(ks[1], (2, E), 0, N, dtype=jnp.int64)
    edge_attr = jax.random.normal(ks[2], (E, D), dtype=jnp.float32)
    # learned parameters of Node_node (GINEConv replicate)
    W1 = jax.random.normal(ks[3], (D, H), dtype=jnp.float32) * (1.0 / np.sqrt(D))
    gamma1 = jnp.ones((H,), dtype=jnp.float32)
    beta1 = jnp.zeros((H,), dtype=jnp.float32)
    W2 = jax.random.normal(ks[4], (H, D), dtype=jnp.float32) * (1.0 / np.sqrt(H))
    gamma2 = jnp.ones((D,), dtype=jnp.float32)
    beta2 = jnp.zeros((D,), dtype=jnp.float32)
    epsilon = jnp.zeros((1,), dtype=jnp.float32)
    return {
        'x': x,
        'edge_index': edge_index,
        'edge_attr': edge_attr,
        'W1': W1,
        'gamma1': gamma1,
        'beta1': beta1,
        'W2': W2,
        'gamma2': gamma2,
        'beta2': beta2,
        'epsilon': epsilon,
    }


def _batchnorm(h, gamma, beta):
    mu = jnp.mean(h, axis=0)
    var = jnp.var(h, axis=0)
    return (h - mu) / jnp.sqrt(var + BN_EPS) * gamma + beta


def reference(x, edge_index, edge_attr, W1, gamma1, beta1, W2, gamma2, beta2, epsilon):
    # Node_node.forward (GINEConv replicate):
    # node2edge = gather node features onto edges, add edge_attr, ReLU
    src = edge_index[0]
    dst = edge_index[1]
    node2edge = x[src] + edge_attr          # gather_from_ptensors(node_rep, G, edge) + edge_attr
    node2edge = jax.nn.relu(node2edge)       # .relu(0)
    # gather back to nodes = scatter-add over destination nodes
    node_new = jax.ops.segment_sum(node2edge, dst, num_segments=x.shape[0])
    # node_mlp( node_new + (1 + epsilon) * node_rep )
    h = node_new + (1.0 + epsilon[0]) * x
    h = h @ W1                               # Linear(D, 2D, bias=False)
    h = _batchnorm(h, gamma1, beta1)         # BatchNorm1d(2D)
    h = jax.nn.relu(h)
    h = h @ W2                               # Linear(2D, D, bias=False)
    h = _batchnorm(h, gamma2, beta2)         # BatchNorm1d(D)
    h = jax.nn.relu(h)
    return h


if False:  # reference __main__ guard neutralized (emitter)
    out = reference(**setup_inputs())
    print(out.shape, out.dtype)

if __name__ == "__main__":
    import jax
    _d = setup_inputs()
    print(jax.jit(kernel)(*tuple(_d.values())))

</pallas_src>

<mosaic_0001>
#map = affine_map<(d0, d1) -> (0, 0)>
#map1 = affine_map<(d0, d1) -> (0)>
#map2 = affine_map<(d0, d1) -> (0, 0, 0)>
module attributes {stable_mosaic.version = 14 : i64} {
  func.func @_sc_body(%arg0: i32, %arg1: i32, %arg2: memref<10000x128xf32, #tpu.memory_space<hbm>>, %arg3: memref<320000xi32, #tpu.memory_space<hbm>>, %arg4: memref<320000xi32, #tpu.memory_space<hbm>>, %arg5: memref<320000x128xf32, #tpu.memory_space<hbm>>, %arg6: memref<632x128xf32, #tpu.memory_space<hbm>>, %arg7: memref<2x10112x128xf32, #tpu.memory_space<hbm>>, %arg8: memref<4000xi32, #tpu.memory_space<vmem>>, %arg9: memref<4000xi32, #tpu.memory_space<vmem>>, %arg10: memref<80xi32, #tpu.memory_space<vmem>>, %arg11: memref<80xi32, #tpu.memory_space<vmem>>, %arg12: memref<80xi32, #tpu.memory_space<vmem>>, %arg13: memref<80x128xf32, #tpu.memory_space<vmem>>, %arg14: memref<80x128xf32, #tpu.memory_space<vmem>>, %arg15: memref<80x128xf32, #tpu.memory_space<vmem>>, %arg16: memref<80x128xf32, #tpu.memory_space<vmem>>, %arg17: memref<10112x128xf32, #tpu.memory_space<vmem_shared>>, %arg18: memref<!tpu.dma_semaphore, #tpu.memory_space<semaphore_mem>>, %arg19: memref<!tpu.dma_semaphore, #tpu.memory_space<semaphore_mem>>, %arg20: memref<!tpu.dma_semaphore, #tpu.memory_space<semaphore_mem>>) attributes {dimension_semantics = [#tpu.dimension_semantics<core_parallel>, #tpu.dimension_semantics<subcore_parallel>], iteration_bounds = array<i64: 2, 16>, scalar_prefetch = 0 : i64, scratch_operands = 13 : i64, tpu.core_type = #tpu.core_type<sc_vector_subcore>, window_params = [{transform_indices = #map}, {transform_indices = #map1}, {transform_indices = #map1}, {transform_indices = #map}, {transform_indices = #map}, {transform_indices = #map2}]} {
    %mul3A = arith.constant 2 : i32
    %mul3A_0 = arith.muli %arg1, %mul3A : i32
    %add3A = arith.addi %mul3A_0, %arg0 : i32
    %mul3A_1 = arith.constant 632 : i32
    %mul3A_2 = arith.muli %arg1, %mul3A_1 : i32
    "tpu.region"() ({
      %run_scoped3A = tpu.sem_alloc : memref<!tpu.dma_semaphore, #tpu.memory_space<semaphore_mem>>
      %dma_start3A_357 = arith.constant 0 : i32
      %dma_start3A_358 = tpu.memref_slice %arg17[%mul3A_2, %dma_start3A_357] : memref<10112x128xf32, #tpu.memory_space<vmem_shared>> -> memref<632x128xf32, #tpu.memory_space<vmem_shared>>
      tpu.enqueue_dma source(%arg6 : memref<632x128xf32, #tpu.memory_space<hbm>>) target(%dma_start3A_358 : memref<632x128xf32, #tpu.memory_space<vmem_shared>>) target_semaphore(%run_scoped3A : memref<!tpu.dma_semaphore, #tpu.memory_space<semaphore_mem>>)
      %dma_wait3A_359 = arith.constant 0 : i32
      %dma_wait3A_360 = tpu.memref_slice %arg17[%mul3A_2, %dma_wait3A_359] : memref<10112x128xf32, #tpu.memory_space<vmem_shared>> -> memref<632x128xf32, #tpu.memory_space<vmem_shared>>
      tpu.wait_dma2 semaphore(%run_scoped3A : memref<!tpu.dma_semaphore, #tpu.memory_space<semaphore_mem>>) src(%arg6 : memref<632x128xf32, #tpu.memory_space<hbm>>) dst(%dma_wait3A_360 : memref<632x128xf32, #tpu.memory_space<vmem_shared>>)
      tpu.yield
    }) : () -> ()
    %barrier3A = arith.constant 0 : index
    tpu.barrier barrier_id(%barrier3A)
    %mul3A_3 = arith.constant 10000 : i32
    %mul3A_4 = arith.muli %add3A, %mul3A_3 : i32
    %mul3A_5 = arith.constant 0 : i32
    %mul3A_6 = arith.constant 2000 : i32
    %mul3A_7 = arith.muli %mul3A_5, %mul3A_6 : i32
    %add3A_8 = arith.addi %mul3A_4, %mul3A_7 : i32
    %jit3A = arith.constant 0 : i32
    %jit3A_9 = arith.constant 2 : i32
    %eq3A = arith.constant 0 : i32
    %eq3A_10 = arith.cmpi eq, %jit3A_9, %eq3A : i32
    %jit3A_11 = arith.constant 1 : i32
    %select_n3A = arith.select %eq3A_10, %jit3A_11, %jit3A_9 : i32
    %rem3A = arith.remsi %jit3A, %select_n3A : i32
    %ne3A = arith.constant 0 : i32
    %ne3A_12 = arith.cmpi ne, %rem3A, %ne3A : i32
    %lt3A = arith.constant 0 : i32
    %lt3A_13 = arith.cmpi slt, %rem3A, %lt3A : i32
    %lt3A_14 = arith.constant 0 : i32
    %lt3A_15 = arith.cmpi slt, %select_n3A, %lt3A_14 : i32
    %ne3A_16 = arith.xori %lt3A_13, %lt3A_15 : i1
    %and3A = arith.andi %ne3A_16, %ne3A_12 : i1
    %add3A_17 = arith.addi %rem3A, %select_n3A : i32
    %select_n3A_18 = arith.select %and3A, %add3A_17, %rem3A : i32
    %mul3A_19 = arith.constant 2000 : i32
    %mul3A_20 = arith.muli %select_n3A_18, %mul3A_19 : i32
    %dma_start3A = tpu.memref_slice %arg8[%mul3A_20] : memref<4000xi32, #tpu.memory_space<vmem>> -> memref<2000xi32, #tpu.memory_space<vmem>>
    %dma_start3A_21 = tpu.memref_slice %arg3[%add3A_8] : memref<320000xi32, #tpu.memory_space<hbm>> -> memref<2000xi32, #tpu.memory_space<hbm>>
    %dma_start3A_22 = tpu.memref_slice %arg8[%mul3A_20] : memref<4000xi32, #tpu.memory_space<vmem>> -> memref<2000xi32, #tpu.memory_space<vmem>>
    %dma_start3A_23 = tpu.memref_slice %arg3[%add3A_8] : memref<320000xi32, #tpu.memory_space<hbm>> -> memref<2000xi32, #tpu.memory_space<hbm>>
    tpu.enqueue_dma source(%dma_start3A_23 : memref<2000xi32, #tpu.memory_space<hbm>>) target(%dma_start3A_22 : memref<2000xi32, #tpu.memory_space<vmem>>) target_semaphore(%arg20 : memref<!tpu.dma_semaphore, #tpu.memory_space<semaphore_mem>>)
    %dma_start3A_24 = tpu.memref_slice %arg9[%mul3A_20] : memref<4000xi32, #tpu.memory_space<vmem>> -> memref<2000xi32, #tpu.memory_space<vmem>>
    %dma_start3A_25 = tpu.memref_slice %arg4[%add3A_8] : memref<320000xi32, #tpu.memory_space<hbm>> -> memref<2000xi32, #tpu.memory_space<hbm>>
    %dma_start3A_26 = tpu.memref_slice %arg9[%mul3A_20] : memref<4000xi32, #tpu.memory_space<vmem>> -> memref<2000xi32, #tpu.memory_space<vmem>>
    %dma_start3A_27 = tpu.memref_slice %arg4[%add3A_8] : memref<320000xi32, #tpu.memory_space<hbm>> -> memref<2000xi32, #tpu.memory_space<hbm>>
    tpu.enqueue_dma source(%dma_start3A_27 : memref<2000xi32, #tpu.memory_space<hbm>>) target(%dma_start3A_26 : memref<2000xi32, #tpu.memory_space<vmem>>) target_semaphore(%arg20 : memref<!tpu.dma_semaphore, #tpu.memory_space<semaphore_mem>>)
    %dma_wait3A = arith.constant 0 : i32
    %dma_wait3A_28 = tpu.memref_slice %arg8[%dma_wait3A] : memref<4000xi32, #tpu.memory_space<vmem>> -> memref<2000xi32, #tpu.memory_space<vmem>>
    %dma_wait3A_29 = arith.constant 0 : i32
    %dma_wait3A_30 = tpu.memref_slice %arg3[%dma_wait3A_29] : memref<320000xi32, #tpu.memory_space<hbm>> -> memref<2000xi32, #tpu.memory_space<hbm>>
    %dma_wait3A_31 = arith.constant 0 : i32
    %dma_wait3A_32 = tpu.memref_slice %arg8[%dma_wait3A_31] : memref<4000xi32, #tpu.memory_space<vmem>> -> memref<2000xi32, #tpu.memory_space<vmem>>
    %dma_wait3A_33 = arith.constant 0 : i32
    %dma_wait3A_34 = tpu.memref_slice %arg3[%dma_wait3A_33] : memref<320000xi32, #tpu.memory_space<hbm>> -> memref<2000xi32, #tpu.memory_space<hbm>>
    tpu.wait_dma2 semaphore(%arg20 : memref<!tpu.dma_semaphore, #tpu.memory_space<semaphore_mem>>) src(%dma_wait3A_34 : memref<2000xi32, #tpu.memory_space<hbm>>) dst(%dma_wait3A_32 : memref<2000xi32, #tpu.memory_space<vmem>>)
    %dma_wait3A_35 = arith.constant 0 : i32
    %dma_wait3A_36 = tpu.memref_slice %arg9[%dma_wait3A_35] : memref<4000xi32, #tpu.memory_space<vmem>> -> memref<2000xi32, #tpu.memory_space<vmem>>
    %dma_wait3A_37 = arith.constant 0 : i32
    %dma_wait3A_38 = tpu.memref_slice %arg4[%dma_wait3A_37] : memref<320000xi32, #tpu.memory_space<hbm>> -> memref<2000xi32, #tpu.memory_space<hbm>>
    %dma_wait3A_39 = arith.constant 0 : i32
    %dma_wait3A_40 = tpu.memref_slice %arg9[%dma_wait3A_39] : memref<4000xi32, #tpu.memory_space<vmem>> -> memref<2000xi32, #tpu.memory_space<vmem>>
    %dma_wait3A_41 = arith.constant 0 : i32
    %dma_wait3A_42 = tpu.memref_slice %arg4[%dma_wait3A_41] : memref<320000xi32, #tpu.memory_space<hbm>> -> memref<2000xi32, #tpu.memory_space<hbm>>
    tpu.wait_dma2 semaphore(%arg20 : memref<!tpu.dma_semaphore, #tpu.memory_space<semaphore_mem>>) src(%dma_wait3A_42 : memref<2000xi32, #tpu.memory_space<hbm>>) dst(%dma_wait3A_40 : memref<2000xi32, #tpu.memory_space<vmem>>)
    %mul3A_43 = arith.constant 0 : i32
    %mul3A_44 = arith.constant 80 : i32
    %mul3A_45 = arith.muli %mul3A_43, %mul3A_44 : i32
    %add3A_46 = arith.addi %mul3A_4, %mul3A_45 : i32
    %dma_start3A_47 = arith.constant 0 : i32
    %dma_start3A_48 = tpu.memref_slice %arg5[%add3A_46, %dma_start3A_47] : memref<320000x128xf32, #tpu.memory_space<hbm>> -> memref<80x128xf32, #tpu.memory_space<hbm>>
    %dma_start3A_49 = arith.constant 0 : i32
    %dma_start3A_50 = tpu.memref_slice %arg5[%add3A_46, %dma_start3A_49] : memref<320000x128xf32, #tpu.memory_space<hbm>> -> memref<80x128xf32, #tpu.memory_space<hbm>>
    tpu.enqueue_dma source(%dma_start3A_50 : memref<80x128xf32, #tpu.memory_space<hbm>>) target(%arg13 : memref<80x128xf32, #tpu.memory_space<vmem>>) target_semaphore(%arg18 : memref<!tpu.dma_semaphore, #tpu.memory_space<semaphore_mem>>)
    %jit3A_51 = arith.constant 0 : i32
    %jit3A_52 = arith.constant 25 : i32
    %div3A = arith.divsi %jit3A_51, %jit3A_52 : i32
    %sign3A = arith.constant 0 : i32
    %sign3A_53 = arith.cmpi sgt, %jit3A_51, %sign3A : i32
    %sign3A_54 = arith.extui %sign3A_53 : i1 to i32
    %sign3A_55 = arith.constant 0 : i32
    %sign3A_56 = arith.cmpi slt, %jit3A_51, %sign3A_55 : i32
    %sign3A_57 = arith.extui %sign3A_56 : i1 to i32
    %sign3A_58 = arith.subi %sign3A_54, %sign3A_57 : i32
    %sign3A_59 = arith.constant 0 : i32
    %sign3A_60 = arith.cmpi sgt, %jit3A_52, %sign3A_59 : i32
    %sign3A_61 = arith.extui %sign3A_60 : i1 to i32
    %sign3A_62 = arith.constant 0 : i32
    %sign3A_63 = arith.cmpi slt, %jit3A_52, %sign3A_62 : i32
    %sign3A_64 = arith.extui %sign3A_63 : i1 to i32
    %sign3A_65 = arith.subi %sign3A_61, %sign3A_64 : i32
    %ne3A_66 = arith.cmpi ne, %sign3A_58, %sign3A_65 : i32
    %rem3A_67 = arith.remsi %jit3A_51, %jit3A_52 : i32
    %ne3A_68 = arith.constant 0 : i32
    %ne3A_69 = arith.cmpi ne, %rem3A_67, %ne3A_68 : i32
    %and3A_70 = arith.andi %ne3A_66, %ne3A_69 : i1
    %sub3A = arith.constant 1 : i32
    %sub3A_71 = arith.subi %div3A, %sub3A : i32
    %select_n3A_72 = arith.select %and3A_70, %sub3A_71, %div3A : i32
    %jit3A_73 = arith.constant 2 : i32
    %eq3A_74 = arith.constant 0 : i32
    %eq3A_75 = arith.cmpi eq, %jit3A_73, %eq3A_74 : i32
    %jit3A_76 = arith.constant 1 : i32
    %select_n3A_77 = arith.select %eq3A_75, %jit3A_76, %jit3A_73 : i32
    %rem3A_78 = arith.remsi %select_n3A_72, %select_n3A_77 : i32
    %ne3A_79 = arith.constant 0 : i32
    %ne3A_80 = arith.cmpi ne, %rem3A_78, %ne3A_79 : i32
    %lt3A_81 = arith.constant 0 : i32
    %lt3A_82 = arith.cmpi slt, %rem3A_78, %lt3A_81 : i32
    %lt3A_83 = arith.constant 0 : i32
    %lt3A_84 = arith.cmpi slt, %select_n3A_77, %lt3A_83 : i32
    %ne3A_85 = arith.xori %lt3A_82, %lt3A_84 : i1
    %and3A_86 = arith.andi %ne3A_85, %ne3A_80 : i1
    %add3A_87 = arith.addi %rem3A_78, %select_n3A_77 : i32
    %select_n3A_88 = arith.select %and3A_86, %add3A_87, %rem3A_78 : i32
    %mul3A_89 = arith.constant 2000 : i32
    %mul3A_90 = arith.muli %select_n3A_88, %mul3A_89 : i32
    %jit3A_91 = arith.constant 0 : i32
    %jit3A_92 = arith.constant 25 : i32
    %eq3A_93 = arith.constant 0 : i32
    %eq3A_94 = arith.cmpi eq, %jit3A_92, %eq3A_93 : i32
    %jit3A_95 = arith.constant 1 : i32
    %select_n3A_96 = arith.select %eq3A_94, %jit3A_95, %jit3A_92 : i32
    %rem3A_97 = arith.remsi %jit3A_91, %select_n3A_96 : i32
    %ne3A_98 = arith.constant 0 : i32
    %ne3A_99 = arith.cmpi ne, %rem3A_97, %ne3A_98 : i32
    %lt3A_100 = arith.constant 0 : i32
    %lt3A_101 = arith.cmpi slt, %rem3A_97, %lt3A_100 : i32
    %lt3A_102 = arith.constant 0 : i32
    %lt3A_103 = arith.cmpi slt, %select_n3A_96, %lt3A_102 : i32
    %ne3A_104 = arith.xori %lt3A_101, %lt3A_103 : i1
    %and3A_105 = arith.andi %ne3A_104, %ne3A_99 : i1
    %add3A_106 = arith.addi %rem3A_97, %select_n3A_96 : i32
    %select_n3A_107 = arith.select %and3A_105, %add3A_106, %rem3A_97 : i32
    %mul3A_108 = arith.constant 80 : i32
    %mul3A_109 = arith.muli %select_n3A_107, %mul3A_108 : i32
    %add3A_110 = arith.addi %mul3A_90, %mul3A_109 : i32
    %add3A_111 = arith.constant 0 : i32
    %add3A_112 = arith.addi %add3A_110, %add3A_111 : i32
    %get3A = arith.index_cast %add3A_112 : i32 to index
    %get3A_113 = tpu.vector_load %arg8[%get3A] {strides = array<i32>} : memref<4000xi32, #tpu.memory_space<vmem>>, vector<16xi32>,
    %get3A_114 = vector.shape_cast %get3A_113 : vector<16xi32> to vector<16xi32>
    %swap3A = arith.constant 0 : index
    %swap3A_115 = tpu.vector_load %arg10[%swap3A] {strides = array<i32>} : memref<80xi32, #tpu.memory_space<vmem>>, vector<16xi32>,
    %swap3A_116 = vector.shape_cast %swap3A_115 : vector<16xi32> to vector<16xi32>
    %swap3A_117 = vector.shape_cast %get3A_114 : vector<16xi32> to vector<16xi32>
    tpu.vector_store %arg10[%swap3A], %swap3A_117 {strides = array<i32>} : memref<80xi32, #tpu.memory_space<vmem>>, vector<16xi32>,
    %add3A_118 = arith.constant 16 : i32
    %add3A_119 = arith.addi %add3A_110, %add3A_118 : i32
    %get3A_120 = arith.index_cast %add3A_119 : i32 to index
    %get3A_121 = tpu.vector_load %arg8[%get3A_120] {strides = array<i32>} : memref<4000xi32, #tpu.memory_space<vmem>>, vector<16xi32>,
    %get3A_122 = vector.shape_cast %get3A_121 : vector<16xi32> to vector<16xi32>
    %swap3A_123 = arith.constant 16 : index
    %swap3A_124 = tpu.vector_load %arg10[%swap3A_123] {strides = array<i32>} : memref<80xi32, #tpu.memory_space<vmem>>, vector<16xi32>,
    %swap3A_125 = vector.shape_cast %swap3A_124 : vector<16xi32> to vector<16xi32>
    %swap3A_126 = vector.shape_cast %get3A_122 : vector<16xi32> to vector<16xi32>
    tpu.vector_store %arg10[%swap3A_123], %swap3A_126 {strides = array<i32>} : memref<80xi32, #tpu.memory_space<vmem>>, vector<16xi32>,
    %add3A_127 = arith.constant 32 : i32
    %add3A_128 = arith.addi %add3A_110, %add3A_127 : i32
    %get3A_129 = arith.index_cast %add3A_128 : i32 to index
    %get3A_130 = tpu.vector_load %arg8[%get3A_129] {strides = array<i32>} : memref<4000xi32, #tpu.memory_space<vmem>>, vector<16xi32>,
    %get3A_131 = vector.shape_cast %get3A_130 : vector<16xi32> to vector<16xi32>
    %swap3A_132 = arith.constant 32 : index
    %swap3A_133 = tpu.vector_load %arg10[%swap3A_132] {strides = array<i32>} : memref<80xi32, #tpu.memory_space<vmem>>, vector<16xi32>,
    %swap3A_134 = vector.shape_cast %swap3A_133 : vector<16xi32> to vector<16xi32>
    %swap3A_135 = vector.shape_cast %get3A_131 : vector<16xi32> to vector<16xi32>
    tpu.vector_store %arg10[%swap3A_132], %swap3A_135 {strides = array<i32>} : memref<80xi32, #tpu.memory_space<vmem>>, vector<16xi32>,
    %add3A_136 = arith.constant 48 : i32
    %add3A_137 = arith.addi %add3A_110, %add3A_136 : i32
    %get3A_138 = arith.index_cast %add3A_137 : i32 to index
    %get3A_139 = tpu.vector_load %arg8[%get3A_138] {strides = array<i32>} : memref<4000xi32, #tpu.memory_space<vmem>>, vector<16xi32>,
    %get3A_140 = vector.shape_cast %get3A_139 : vector<16xi32> to vector<16xi32>
    %swap3A_141 = arith.constant 48 : index
    %swap3A_142 = tpu.vector_load %arg10[%swap3A_141] {strides = array<i32>} : memref<80xi32, #tpu.memory_space<vmem>>, vector<16xi32>,
    %swap3A_143 = vector.shape_cast %swap3A_142 : vector<16xi32> to vector<16xi32>
    %swap3A_144 = vector.shape_cast %get3A_140 : vector<16xi32> to vector<16xi32>
    tpu.vector_store %arg10[%swap3A_141], %swap3A_144 {strides = array<i32>} : memref<80xi32, #tpu.memory_space<vmem>>, vector<16xi32>,
    %add3A_145 = arith.constant 64 : i32
    %add3A_146 = arith.addi %add3A_110, %add3A_145 : i32
    %get3A_147 = arith.index_cast %add3A_146 : i32 to index
    %get3A_148 = tpu.vector_load %arg8[%get3A_147] {strides = array<i32>} : memref<4000xi32, #tpu.memory_space<vmem>>, vector<16xi32>,
    %get3A_149 = vector.shape_cast %get3A_148 : vector<16xi32> to vector<16xi32>
    %swap3A_150 = arith.constant 64 : index
    %swap3A_151 = tpu.vector_load %arg10[%swap3A_150] {strides = array<i32>} : memref<80xi32, #tpu.memory_space<vmem>>, vector<16xi32>,
    %swap3A_152 = vector.shape_cast %swap3A_151 : vector<16xi32> to vector<16xi32>
    %swap3A_153 = vector.shape_cast %get3A_149 : vector<16xi32> to vector<16xi32>
    tpu.vector_store %arg10[%swap3A_150], %swap3A_153 {strides = array<i32>} : memref<80xi32, #tpu.memory_space<vmem>>, vector<16xi32>,
    %dma_start3A_154 = arith.constant 0 : i32
    %dma_start3A_155 = arith.constant 0 : i32
    %dma_start3A_156 = tpu.memref_slice %arg2[%dma_start3A_154, %dma_start3A_155] : memref<10000x128xf32, #tpu.memory_space<hbm>> -> memref<10000x128xf32, #tpu.memory_space<hbm>>
    tpu.enqueue_indirect_dma source(%dma_start3A_156 : memref<10000x128xf32, #tpu.memory_space<hbm>>) target(%arg15 : memref<80x128xf32, #tpu.memory_space<vmem>>) offsets(%arg10 : memref<80xi32, #tpu.memory_space<vmem>>) semaphore(%arg18 : memref<!tpu.dma_semaphore, #tpu.memory_space<semaphore_mem>>)
    %while3A = arith.constant 0 : i32
    %while3A_157 = arith.constant 125 : i32
    %while3A_158 = arith.constant 0 : i32
    %while3A_159 = arith.constant 62 : i32
    %while3A_160 = arith.subi %while3A_159, %while3A_158 : i32
    %while3A_161 = arith.addi %while3A_158, %while3A_160 : i32
    %while3A_162 = arith.constant 1 : i32
    %while3A_163 = arith.divsi %while3A_160, %while3A_162 : i32
    %while3A_164 = arith.muli %while3A_163, %while3A_162 : i32
    %while3A_165 = arith.addi %while3A_158, %while3A_164 : i32
    %while3A_166 = arith.constant 1 : i32
    scf.for %while3A_357 = %while3A_158 to %while3A_165 step %while3A_166  : i32 {
      %mul3A_358 = arith.constant 2 : i32
      %mul3A_359 = arith.muli %while3A_357, %mul3A_358 : i32
      %jit3A_360 = arith.constant 25 : i32
      %eq3A_361 = arith.constant 0 : i32
      %eq3A_362 = arith.cmpi eq, %jit3A_360, %eq3A_361 : i32
      %jit3A_363 = arith.constant 1 : i32
      %select_n3A_364 = arith.select %eq3A_362, %jit3A_363, %jit3A_360 : i32
      %rem3A_365 = arith.remsi %mul3A_359, %select_n3A_364 : i32
      %ne3A_366 = arith.constant 0 : i32
      %ne3A_367 = arith.cmpi ne, %rem3A_365, %ne3A_366 : i32
      %lt3A_368 = arith.constant 0 : i32
      %lt3A_369 = arith.cmpi slt, %rem3A_365, %lt3A_368 : i32
      %lt3A_370 = arith.constant 0 : i32
      %lt3A_371 = arith.cmpi slt, %select_n3A_364, %lt3A_370 : i32
      %ne3A_372 = arith.xori %lt3A_369, %lt3A_371 : i1
      %and3A_373 = arith.andi %ne3A_372, %ne3A_367 : i1
      %add3A_374 = arith.addi %rem3A_365, %select_n3A_364 : i32
      %select_n3A_375 = arith.select %and3A_373, %add3A_374, %rem3A_365 : i32
      %eq3A_376 = arith.constant 0 : i32
      %eq3A_377 = arith.cmpi eq, %select_n3A_375, %eq3A_376 : i32
      %convert_element_type3A_378 = arith.extui %eq3A_377 : i1 to i32
      %cond3A_379 = arith.constant 0 : i32
      %cond3A_380 = arith.cmpi ne, %convert_element_type3A_378, %cond3A_379 : i32
      scf.if %cond3A_380 {
        %add3A_720 = arith.constant 25 : i32
        %add3A_721 = arith.addi %mul3A_359, %add3A_720 : i32
        %lt3A_722 = arith.cmpi slt, %add3A_721, %while3A_157 : i32
        %convert_element_type3A_723 = arith.extui %lt3A_722 : i1 to i32
        %cond3A_724 = arith.constant 0 : i32
        %cond3A_725 = arith.cmpi ne, %convert_element_type3A_723, %cond3A_724 : i32
        scf.if %cond3A_725 {
          %jit3A_726 = arith.constant 25 : i32
          %div3A_727 = arith.divsi %mul3A_359, %jit3A_726 : i32
          %sign3A_728 = arith.constant 0 : i32
          %sign3A_729 = arith.cmpi sgt, %mul3A_359, %sign3A_728 : i32
          %sign3A_730 = arith.extui %sign3A_729 : i1 to i32
          %sign3A_731 = arith.constant 0 : i32
          %sign3A_732 = arith.cmpi slt, %mul3A_359, %sign3A_731 : i32
          %sign3A_733 = arith.extui %sign3A_732 : i1 to i32
          %sign3A_734 = arith.subi %sign3A_730, %sign3A_733 : i32
          %sign3A_735 = arith.constant 0 : i32
          %sign3A_736 = arith.cmpi sgt, %jit3A_726, %sign3A_735 : i32
          %sign3A_737 = arith.extui %sign3A_736 : i1 to i32
          %sign3A_738 = arith.constant 0 : i32
          %sign3A_739 = arith.cmpi slt, %jit3A_726, %sign3A_738 : i32
          %sign3A_740 = arith.extui %sign3A_739 : i1 to i32
          %sign3A_741 = arith.subi %sign3A_737, %sign3A_740 : i32
          %ne3A_742 = arith.cmpi ne, %sign3A_734, %sign3A_741 : i32
          %rem3A_743 = arith.remsi %mul3A_359, %jit3A_726 : i32
          %ne3A_744 = arith.constant 0 : i32
          %ne3A_745 = arith.cmpi ne, %rem3A_743, %ne3A_744 : i32
          %and3A_746 = arith.andi %ne3A_742, %ne3A_745 : i1
          %sub3A_747 = arith.constant 1 : i32
          %sub3A_748 = arith.subi %div3A_727, %sub3A_747 : i32
          %select_n3A_749 = arith.select %and3A_746, %sub3A_748, %div3A_727 : i32
          %add3A_750 = arith.constant 1 : i32
          %add3A_751 = arith.addi %select_n3A_749, %add3A_750 : i32
          %mul3A_752 = arith.constant 2000 : i32
          %mul3A_753 = arith.muli %add3A_751, %mul3A_752 : i32
          %add3A_754 = arith.addi %mul3A_4, %mul3A_753 : i32
          %jit3A_755 = arith.constant 2 : i32
          %eq3A_756 = arith.constant 0 : i32
          %eq3A_757 = arith.cmpi eq, %jit3A_755, %eq3A_756 : i32
          %jit3A_758 = arith.constant 1 : i32
          %select_n3A_759 = arith.select %eq3A_757, %jit3A_758, %jit3A_755 : i32
          %rem3A_760 = arith.remsi %add3A_751, %select_n3A_759 : i32
          %ne3A_761 = arith.constant 0 : i32
          %ne3A_762 = arith.cmpi ne, %rem3A_760, %ne3A_761 : i32
          %lt3A_763 = arith.constant 0 : i32
          %lt3A_764 = arith.cmpi slt, %rem3A_760, %lt3A_763 : i32
          %lt3A_765 = arith.constant 0 : i32
          %lt3A_766 = arith.cmpi slt, %select_n3A_759, %lt3A_765 : i32
          %ne3A_767 = arith.xori %lt3A_764, %lt3A_766 : i1
          %and3A_768 = arith.andi %ne3A_767, %ne3A_762 : i1
          %add3A_769 = arith.addi %rem3A_760, %select_n3A_759 : i32
          %select_n3A_770 = arith.select %and3A_768, %add3A_769, %rem3A_760 : i32
          %mul3A_771 = arith.constant 2000 : i32
          %mul3A_772 = arith.muli %select_n3A_770, %mul3A_771 : i32
          %dma_start3A_773 = tpu.memref_slice %arg8[%mul3A_772] : memref<4000xi32, #tpu.memory_space<vmem>> -> memref<2000xi32, #tpu.memory_space<vmem>>
          %dma_start3A_774 = tpu.memref_slice %arg3[%add3A_754] : memref<320000xi32, #tpu.memory_space<hbm>> -> memref<2000xi32, #tpu.memory_space<hbm>>
          %dma_start3A_775 = tpu.memref_slice %arg8[%mul3A_772] : memref<4000xi32, #tpu.memory_space<vmem>> -> memref<2000xi32, #tpu.memory_space<vmem>>
          %dma_start3A_776 = tpu.memref_slice %arg3[%add3A_754] : memref<320000xi32, #tpu.memory_space<hbm>> -> memref<2000xi32, #tpu.memory_space<hbm>>
          tpu.enqueue_dma source(%dma_start3A_776 : memref<2000xi32, #tpu.memory_space<hbm>>) target(%dma_start3A_775 : memref<2000xi32, #tpu.memory_space<vmem>>) target_semaphore(%arg20 : memref<!tpu.dma_semaphore, #tpu.memory_space<semaphore_mem>>)
          %dma_start3A_777 = tpu.memref_slice %arg9[%mul3A_772] : memref<4000xi32, #tpu.memory_space<vmem>> -> memref<2000xi32, #tpu.memory_space<vmem>>
          %dma_start3A_778 = tpu.memref_slice %arg4[%add3A_754] : memref<320000xi32, #tpu.memory_space<hbm>> -> memref<2000xi32, #tpu.memory_space<hbm>>
          %dma_start3A_779 = tpu.memref_slice %arg9[%mul3A_772] : memref<4000xi32, #tpu.memory_space<vmem>> -> memref<2000xi32, #tpu.memory_space<vmem>>
          %dma_start3A_780 = tpu.memref_slice %arg4[%add3A_754] : memref<320000xi32, #tpu.memory_space<hbm>> -> memref<2000xi32, #tpu.memory_space<hbm>>
          tpu.enqueue_dma source(%dma_start3A_780 : memref<2000xi32, #tpu.memory_space<hbm>>) target(%dma_start3A_779 : memref<2000xi32, #tpu.memory_space<vmem>>) target_semaphore(%arg20 : memref<!tpu.dma_semaphore, #tpu.memory_space<semaphore_mem>>)
        } else {
        }
      } else {
      }
      %add3A_381 = arith.constant 1 : i32
      %add3A_382 = arith.addi %mul3A_359, %add3A_381 : i32
      %jit3A_383 = arith.constant 25 : i32
      %eq3A_384 = arith.constant 0 : i32
      %eq3A_385 = arith.cmpi eq, %jit3A_383, %eq3A_384 : i32
      %jit3A_386 = arith.constant 1 : i32
      %select_n3A_387 = arith.select %eq3A_385, %jit3A_386, %jit3A_383 : i32
      %rem3A_388 = arith.remsi %add3A_382, %select_n3A_387 : i32
      %ne3A_389 = arith.constant 0 : i32
      %ne3A_390 = arith.cmpi ne, %rem3A_388, %ne3A_389 : i32
      %lt3A_391 = arith.constant 0 : i32
      %lt3A_392 = arith.cmpi slt, %rem3A_388, %lt3A_391 : i32
      %lt3A_393 = arith.constant 0 : i32
      %lt3A_394 = arith.cmpi slt, %select_n3A_387, %lt3A_393 : i32
      %ne3A_395 = arith.xori %lt3A_392, %lt3A_394 : i1
      %and3A_396 = arith.andi %ne3A_395, %ne3A_390 : i1
      %add3A_397 = arith.addi %rem3A_388, %select_n3A_387 : i32
      %select_n3A_398 = arith.select %and3A_396, %add3A_397, %rem3A_388 : i32
      %eq3A_399 = arith.constant 0 : i32
      %eq3A_400 = arith.cmpi eq, %select_n3A_398, %eq3A_399 : i32
      %convert_element_type3A_401 = arith.extui %eq3A_400 : i1 to i32
      %cond3A_402 = arith.constant 0 : i32
      %cond3A_403 = arith.cmpi ne, %convert_element_type3A_401, %cond3A_402 : i32
      scf.if %cond3A_403 {
        %add3A_720 = arith.constant 1 : i32
        %add3A_721 = arith.addi %mul3A_359, %add3A_720 : i32
        %lt3A_722 = arith.cmpi slt, %add3A_721, %while3A_157 : i32
        %convert_element_type3A_723 = arith.extui %lt3A_722 : i1 to i32
        %cond3A_724 = arith.constant 0 : i32
        %cond3A_725 = arith.cmpi ne, %convert_element_type3A_723, %cond3A_724 : i32
        scf.if %cond3A_725 {
          %dma_wait3A_726 = arith.constant 0 : i32
          %dma_wait3A_727 = tpu.memref_slice %arg8[%dma_wait3A_726] : memref<4000xi32, #tpu.memory_space<vmem>> -> memref<2000xi32, #tpu.memory_space<vmem>>
          %dma_wait3A_728 = arith.constant 0 : i32
          %dma_wait3A_729 = tpu.memref_slice %arg3[%dma_wait3A_728] : memref<320000xi32, #tpu.memory_space<hbm>> -> memref<2000xi32, #tpu.memory_space<hbm>>
          %dma_wait3A_730 = arith.constant 0 : i32
          %dma_wait3A_731 = tpu.memref_slice %arg8[%dma_wait3A_730] : memref<4000xi32, #tpu.memory_space<vmem>> -> memref<2000xi32, #tpu.memory_space<vmem>>
          %dma_wait3A_732 = arith.constant 0 : i32
          %dma_wait3A_733 = tpu.memref_slice %arg3[%dma_wait3A_732] : memref<320000xi32, #tpu.memory_space<hbm>> -> memref<2000xi32, #tpu.memory_space<hbm>>
          tpu.wait_dma2 semaphore(%arg20 : memref<!tpu.dma_semaphore, #tpu.memory_space<semaphore_mem>>) src(%dma_wait3A_733 : memref<2000xi32, #tpu.memory_space<hbm>>) dst(%dma_wait3A_731 : memref<2000xi32, #tpu.memory_space<vmem>>)
          %dma_wait3A_734 = arith.constant 0 : i32
          %dma_wait3A_735 = tpu.memref_slice %arg9[%dma_wait3A_734] : memref<4000xi32, #tpu.memory_space<vmem>> -> memref<2000xi32, #tpu.memory_space<vmem>>
          %dma_wait3A_736 = arith.constant 0 : i32
          %dma_wait3A_737 = tpu.memref_slice %arg4[%dma_wait3A_736] : memref<320000xi32, #tpu.memory_space<hbm>> -> memref<2000xi32, #tpu.memory_space<hbm>>
          %dma_wait3A_738 = arith.constant 0 : i32
          %dma_wait3A_739 = tpu.memref_slice %arg9[%dma_wait3A_738] : memref<4000xi32, #tpu.memory_space<vmem>> -> memref<2000xi32, #tpu.memory_space<vmem>>
          %dma_wait3A_740 = arith.constant 0 : i32
          %dma_wait3A_741 = tpu.memref_slice %arg4[%dma_wait3A_740] : memref<320000xi32, #tpu.memory_space<hbm>> -> memref<2000xi32, #tpu.memory_space<hbm>>
          tpu.wait_dma2 semaphore(%arg20 : memref<!tpu.dma_semaphore, #tpu.memory_space<semaphore_mem>>) src(%dma_wait3A_741 : memref<2000xi32, #tpu.memory_space<hbm>>) dst(%dma_wait3A_739 : memref<2000xi32, #tpu.memory_space<vmem>>)
        } else {
        }
      } else {
      }
      %add3A_404 = arith.constant 1 : i32
      %add3A_405 = arith.addi %mul3A_359, %add3A_404 : i32
      %lt3A_406 = arith.cmpi slt, %add3A_405, %while3A_157 : i32
      %convert_element_type3A_407 = arith.extui %lt3A_406 : i1 to i32
      %cond3A_408 = arith.constant 0 : i32
      %cond3A_409 = arith.cmpi ne, %convert_element_type3A_407, %cond3A_408 : i32
      scf.if %cond3A_409 {
        %add3A_720 = arith.constant 1 : i32
        %add3A_721 = arith.addi %mul3A_359, %add3A_720 : i32
        %mul3A_722 = arith.constant 80 : i32
        %mul3A_723 = arith.muli %add3A_721, %mul3A_722 : i32
        %add3A_724 = arith.addi %mul3A_4, %mul3A_723 : i32
        %dma_start3A_725 = arith.constant 0 : i32
        %dma_start3A_726 = tpu.memref_slice %arg5[%add3A_724, %dma_start3A_725] : memref<320000x128xf32, #tpu.memory_space<hbm>> -> memref<80x128xf32, #tpu.memory_space<hbm>>
        %dma_start3A_727 = arith.constant 0 : i32
        %dma_start3A_728 = tpu.memref_slice %arg5[%add3A_724, %dma_start3A_727] : memref<320000x128xf32, #tpu.memory_space<hbm>> -> memref<80x128xf32, #tpu.memory_space<hbm>>
        tpu.enqueue_dma source(%dma_start3A_728 : memref<80x128xf32, #tpu.memory_space<hbm>>) target(%arg14 : memref<80x128xf32, #tpu.memory_space<vmem>>) target_semaphore(%arg19 : memref<!tpu.dma_semaphore, #tpu.memory_space<semaphore_mem>>)
        %jit3A_729 = arith.constant 25 : i32
        %div3A_730 = arith.divsi %add3A_721, %jit3A_729 : i32
        %sign3A_731 = arith.constant 0 : i32
        %sign3A_732 = arith.cmpi sgt, %add3A_721, %sign3A_731 : i32
        %sign3A_733 = arith.extui %sign3A_732 : i1 to i32
        %sign3A_734 = arith.constant 0 : i32
        %sign3A_735 = arith.cmpi slt, %add3A_721, %sign3A_734 : i32
        %sign3A_736 = arith.extui %sign3A_735 : i1 to i32
        %sign3A_737 = arith.subi %sign3A_733, %sign3A_736 : i32
        %sign3A_738 = arith.constant 0 : i32
        %sign3A_739 = arith.cmpi sgt, %jit3A_729, %sign3A_738 : i32
        %sign3A_740 = arith.extui %sign3A_739 : i1 to i32
        %sign3A_741 = arith.constant 0 : i32
        %sign3A_742 = arith.cmpi slt, %jit3A_729, %sign3A_741 : i32
        %sign3A_743 = arith.extui %sign3A_742 : i1 to i32
        %sign3A_744 = arith.subi %sign3A_740, %sign3A_743 : i32
        %ne3A_745 = arith.cmpi ne, %sign3A_737, %sign3A_744 : i32
        %rem3A_746 = arith.remsi %add3A_721, %jit3A_729 : i32
        %ne3A_747 = arith.constant 0 : i32
        %ne3A_748 = arith.cmpi ne, %rem3A_746, %ne3A_747 : i32
        %and3A_749 = arith.andi %ne3A_745, %ne3A_748 : i1
        %sub3A_750 = arith.constant 1 : i32
        %sub3A_751 = arith.subi %div3A_730, %sub3A_750 : i32
        %select_n3A_752 = arith.select %and3A_749, %sub3A_751, %div3A_730 : i32
        %jit3A_753 = arith.constant 2 : i32
        %eq3A_754 = arith.constant 0 : i32
        %eq3A_755 = arith.cmpi eq, %jit3A_753, %eq3A_754 : i32
        %jit3A_756 = arith.constant 1 : i32
        %select_n3A_757 = arith.select %eq3A_755, %jit3A_756, %jit3A_753 : i32
        %rem3A_758 = arith.remsi %select_n3A_752, %select_n3A_757 : i32
        %ne3A_759 = arith.constant 0 : i32
        %ne3A_760 = arith.cmpi ne, %rem3A_758, %ne3A_759 : i32
        %lt3A_761 = arith.constant 0 : i32
        %lt3A_762 = arith.cmpi slt, %rem3A_758, %lt3A_761 : i32
        %lt3A_763 = arith.constant 0 : i32
        %lt3A_764 = arith.cmpi slt, %select_n3A_757, %lt3A_763 : i32
        %ne3A_765 = arith.xori %lt3A_762, %lt3A_764 : i1
        %and3A_766 = arith.andi %ne3A_765, %ne3A_760 : i1
        %add3A_767 = arith.addi %rem3A_758, %select_n3A_757 : i32
        %select_n3A_768 = arith.select %and3A_766, %add3A_767, %rem3A_758 : i32
        %mul3A_769 = arith.constant 2000 : i32
        %mul3A_770 = arith.muli %select_n3A_768, %mul3A_769 : i32
        %jit3A_771 = arith.constant 25 : i32
        %eq3A_772 = arith.constant 0 : i32
        %eq3A_773 = arith.cmpi eq, %jit3A_771, %eq3A_772 : i32
        %jit3A_774 = arith.constant 1 : i32
        %select_n3A_775 = arith.select %eq3A_773, %jit3A_774, %jit3A_771 : i32
        %rem3A_776 = arith.remsi %add3A_721, %select_n3A_775 : i32
        %ne3A_777 = arith.constant 0 : i32
        %ne3A_778 = arith.cmpi ne, %rem3A_776, %ne3A_777 : i32
        %lt3A_779 = arith.constant 0 : i32
        %lt3A_780 = arith.cmpi slt, %rem3A_776, %lt3A_779 : i32
        %lt3A_781 = arith.constant 0 : i32
        %lt3A_782 = arith.cmpi slt, %select_n3A_775, %lt3A_781 : i32
        %ne3A_783 = arith.xori %lt3A_780, %lt3A_782 : i1
        %and3A_784 = arith.andi %ne3A_783, %ne3A_778 : i1
        %add3A_785 = arith.addi %rem3A_776, %select_n3A_775 : i32
        %select_n3A_786 = arith.select %and3A_784, %add3A_785, %rem3A_776 : i32
        %mul3A_787 = arith.constant 80 : i32
        %mul3A_788 = arith.muli %select_n3A_786, %mul3A_787 : i32
        %add3A_789 = arith.addi %mul3A_770, %mul3A_788 : i32
        %add3A_790 = arith.constant 0 : i32
        %add3A_791 = arith.addi %add3A_789, %add3A_790 : i32
        %get3A_792 = arith.index_cast %add3A_791 : i32 to index
        %get3A_793 = tpu.vector_load %arg8[%get3A_792] {strides = array<i32>} : memref<4000xi32, #tpu.memory_space<vmem>>, vector<16xi32>,
        %get3A_794 = vector.shape_cast %get3A_793 : vector<16xi32> to vector<16xi32>
        %swap3A_795 = arith.constant 0 : index
        %swap3A_796 = tpu.vector_load %arg11[%swap3A_795] {strides = array<i32>} : memref<80xi32, #tpu.memory_space<vmem>>, vector<16xi32>,
        %swap3A_797 = vector.shape_cast %swap3A_796 : vector<16xi32> to vector<16xi32>
        %swap3A_798 = vector.shape_cast %get3A_794 : vector<16xi32> to vector<16xi32>
        tpu.vector_store %arg11[%swap3A_795], %swap3A_798 {strides = array<i32>} : memref<80xi32, #tpu.memory_space<vmem>>, vector<16xi32>,
        %add3A_799 = arith.constant 16 : i32
        %add3A_800 = arith.addi %add3A_789, %add3A_799 : i32
        %get3A_801 = arith.index_cast %add3A_800 : i32 to index
        %get3A_802 = tpu.vector_load %arg8[%get3A_801] {strides = array<i32>} : memref<4000xi32, #tpu.memory_space<vmem>>, vector<16xi32>,
        %get3A_803 = vector.shape_cast %get3A_802 : vector<16xi32> to vector<16xi32>
        %swap3A_804 = arith.constant 16 : index
        %swap3A_805 = tpu.vector_load %arg11[%swap3A_804] {strides = array<i32>} : memref<80xi32, #tpu.memory_space<vmem>>, vector<16xi32>,
        %swap3A_806 = vector.shape_cast %swap3A_805 : vector<16xi32> to vector<16xi32>
        %swap3A_807 = vector.shape_cast %get3A_803 : vector<16xi32> to vector<16xi32>
        tpu.vector_store %arg11[%swap3A_804], %swap3A_807 {strides = array<i32>} : memref<80xi32, #tpu.memory_space<vmem>>, vector<16xi32>,
        %add3A_808 = arith.constant 32 : i32
        %add3A_809 = arith.addi %add3A_789, %add3A_808 : i32
        %get3A_810 = arith.index_cast %add3A_809 : i32 to index
        %get3A_811 = tpu.vector_load %arg8[%get3A_810] {strides = array<i32>} : memref<4000xi32, #tpu.memory_space<vmem>>, vector<16xi32>,
        %get3A_812 = vector.shape_cast %get3A_811 : vector<16xi32> to vector<16xi32>
        %swap3A_813 = arith.constant 32 : index
        %swap3A_814 = tpu.vector_load %arg11[%swap3A_813] {strides = array<i32>} : memref<80xi32, #tpu.memory_space<vmem>>, vector<16xi32>,
        %swap3A_815 = vector.shape_cast %swap3A_814 : vector<16xi32> to vector<16xi32>
        %swap3A_816 = vector.shape_cast %get3A_812 : vector<16xi32> to vector<16xi32>
        tpu.vector_store %arg11[%swap3A_813], %swap3A_816 {strides = array<i32>} : memref<80xi32, #tpu.memory_space<vmem>>, vector<16xi32>,
        %add3A_817 = arith.constant 48 : i32
        %add3A_818 = arith.addi %add3A_789, %add3A_817 : i32
        %get3A_819 = arith.index_cast %add3A_818 : i32 to index
        %get3A_820 = tpu.vector_load %arg8[%get3A_819] {strides = array<i32>} : memref<4000xi32, #tpu.memory_space<vmem>>, vector<16xi32>,
        %get3A_821 = vector.shape_cast %get3A_820 : vector<16xi32> to vector<16xi32>
        %swap3A_822 = arith.constant 48 : index
        %swap3A_823 = tpu.vector_load %arg11[%swap3A_822] {strides = array<i32>} : memref<80xi32, #tpu.memory_space<vmem>>, vector<16xi32>,
        %swap3A_824 = vector.shape_cast %swap3A_823 : vector<16xi32> to vector<16xi32>
        %swap3A_825 = vector.shape_cast %get3A_821 : vector<16xi32> to vector<16xi32>
        tpu.vector_store %arg11[%swap3A_822], %swap3A_825 {strides = array<i32>} : memref<80xi32, #tpu.memory_space<vmem>>, vector<16xi32>,
        %add3A_826 = arith.constant 64 : i32
        %add3A_827 = arith.addi %add3A_789, %add3A_826 : i32
        %get3A_828 = arith.index_cast %add3A_827 : i32 to index
        %get3A_829 = tpu.vector_load %arg8[%get3A_828] {strides = array<i32>} : memref<4000xi32, #tpu.memory_space<vmem>>, vector<16xi32>,
        %get3A_830 = vector.shape_cast %get3A_829 : vector<16xi32> to vector<16xi32>
        %swap3A_831 = arith.constant 64 : index
        %swap3A_832 = tpu.vector_load %arg11[%swap3A_831] {strides = array<i32>} : memref<80xi32, #tpu.memory_space<vmem>>, vector<16xi32>,
        %swap3A_833 = vector.shape_cast %swap3A_832 : vector<16xi32> to vector<16xi32>
        %swap3A_834 = vector.shape_cast %get3A_830 : vector<16xi32> to vector<16xi32>
        tpu.vector_store %arg11[%swap3A_831], %swap3A_834 {strides = array<i32>} : memref<80xi32, #tpu.memory_space<vmem>>, vector<16xi32>,
        %dma_start3A_835 = arith.constant 0 : i32
        %dma_start3A_836 = arith.constant 0 : i32
        %dma_start3A_837 = tpu.memref_slice %arg2[%dma_start3A_835, %dma_start3A_836] : memref<10000x128xf32, #tpu.memory_space<hbm>> -> memref<10000x128xf32, #tpu.memory_space<hbm>>
        tpu.enqueue_indirect_dma source(%dma_start3A_837 : memref<10000x128xf32, #tpu.memory_space<hbm>>) target(%arg16 : memref<80x128xf32, #tpu.memory_space<vmem>>) offsets(%arg11 : memref<80xi32, #tpu.memory_space<vmem>>) semaphore(%arg19 : memref<!tpu.dma_semaphore, #tpu.memory_space<semaphore_mem>>)
      } else {
      }
      %dma_wait3A_410 = arith.constant 0 : i32
      %dma_wait3A_411 = arith.constant 0 : i32
      %dma_wait3A_412 = tpu.memref_slice %arg5[%dma_wait3A_410, %dma_wait3A_411] : memref<320000x128xf32, #tpu.memory_space<hbm>> -> memref<80x128xf32, #tpu.memory_space<hbm>>
      %dma_wait3A_413 = arith.constant 0 : i32
      %dma_wait3A_414 = arith.constant 0 : i32
      %dma_wait3A_415 = tpu.memref_slice %arg5[%dma_wait3A_413, %dma_wait3A_414] : memref<320000x128xf32, #tpu.memory_space<hbm>> -> memref<80x128xf32, #tpu.memory_space<hbm>>
      tpu.wait_dma2 semaphore(%arg18 : memref<!tpu.dma_semaphore, #tpu.memory_space<semaphore_mem>>) src(%dma_wait3A_415 : memref<80x128xf32, #tpu.memory_space<hbm>>) dst(%arg13 : memref<80x128xf32, #tpu.memory_space<vmem>>)
      %dma_wait3A_416 = arith.constant 0 : i32
      %dma_wait3A_417 = arith.constant 0 : i32
      %dma_wait3A_418 = tpu.memref_slice %arg2[%dma_wait3A_416, %dma_wait3A_417] : memref<10000x128xf32, #tpu.memory_space<hbm>> -> memref<80x128xf32, #tpu.memory_space<hbm>>
      %dma_wait3A_419 = arith.constant 0 : i32
      %dma_wait3A_420 = arith.constant 0 : i32
      %dma_wait3A_421 = tpu.memref_slice %arg2[%dma_wait3A_419, %dma_wait3A_420] : memref<10000x128xf32, #tpu.memory_space<hbm>> -> memref<80x128xf32, #tpu.memory_space<hbm>>
      tpu.wait_dma2 semaphore(%arg18 : memref<!tpu.dma_semaphore, #tpu.memory_space<semaphore_mem>>) src(%dma_wait3A_421 : memref<80x128xf32, #tpu.memory_space<hbm>>) dst(%arg15 : memref<80x128xf32, #tpu.memory_space<vmem>>)
      %while3A_422 = arith.constant 0 : i32
      %while3A_423 = arith.constant 0 : i32
      %while3A_424 = arith.constant 80 : i32
      %while3A_425 = arith.subi %while3A_424, %while3A_423 : i32
      %while3A_426 = arith.addi %while3A_423, %while3A_425 : i32
      %while3A_427 = arith.constant 1 : i32
      %while3A_428 = arith.divsi %while3A_425, %while3A_427 : i32
      %while3A_429 = arith.muli %while3A_428, %while3A_427 : i32
      %while3A_430 = arith.addi %while3A_423, %while3A_429 : i32
      %while3A_431 = arith.constant 1 : i32
      scf.for %while3A_720 = %while3A_423 to %while3A_430 step %while3A_431  : i32 {
        %get3A_721 = arith.index_cast %while3A_720 : i32 to index
        %get3A_722 = arith.constant 0 : index
        %get3A_723 = tpu.vector_load %arg15[%get3A_721, %get3A_722] {strides = array<i32>} : memref<80x128xf32, #tpu.memory_space<vmem>>, vector<1x16xf32>,
        %get3A_724 = vector.shape_cast %get3A_723 : vector<1x16xf32> to vector<16xf32>
        %get3A_725 = arith.index_cast %while3A_720 : i32 to index
        %get3A_726 = arith.constant 0 : index
        %get3A_727 = tpu.vector_load %arg13[%get3A_725, %get3A_726] {strides = array<i32>} : memref<80x128xf32, #tpu.memory_space<vmem>>, vector<1x16xf32>,
        %get3A_728 = vector.shape_cast %get3A_727 : vector<1x16xf32> to vector<16xf32>
        %add3A_729 = arith.addf %get3A_724, %get3A_728 : vector<16xf32>
        %max3A = arith.constant 0.000000e+00 : f32
        %max3A_730 = vector.broadcast %max3A : f32 to vector<16xf32>
        %max3A_731 = arith.maximumf %add3A_729, %max3A_730 : vector<16xf32>
        %swap3A_732 = arith.index_cast %while3A_720 : i32 to index
        %swap3A_733 = arith.constant 0 : index
        %swap3A_734 = tpu.vector_load %arg15[%swap3A_732, %swap3A_733] {strides = array<i32>} : memref<80x128xf32, #tpu.memory_space<vmem>>, vector<1x16xf32>,
        %swap3A_735 = vector.shape_cast %swap3A_734 : vector<1x16xf32> to vector<16xf32>
        %swap3A_736 = vector.shape_cast %max3A_731 : vector<16xf32> to vector<1x16xf32>
        tpu.vector_store %arg15[%swap3A_732, %swap3A_733], %swap3A_736 {strides = array<i32>} : memref<80x128xf32, #tpu.memory_space<vmem>>, vector<1x16xf32>,
        %get3A_737 = arith.index_cast %while3A_720 : i32 to index
        %get3A_738 = arith.constant 16 : index
        %get3A_739 = tpu.vector_load %arg15[%get3A_737, %get3A_738] {strides = array<i32>} : memref<80x128xf32, #tpu.memory_space<vmem>>, vector<1x16xf32>,
        %get3A_740 = vector.shape_cast %get3A_739 : vector<1x16xf32> to vector<16xf32>
        %get3A_741 = arith.index_cast %while3A_720 : i32 to index
        %get3A_742 = arith.constant 16 : index
        %get3A_743 = tpu.vector_load %arg13[%get3A_741, %get3A_742] {strides = array<i32>} : memref<80x128xf32, #tpu.memory_space<vmem>>, vector<1x16xf32>,
        %get3A_744 = vector.shape_cast %get3A_743 : vector<1x16xf32> to vector<16xf32>
        %add3A_745 = arith.addf %get3A_740, %get3A_744 : vector<16xf32>
        %max3A_746 = arith.constant 0.000000e+00 : f32
        %max3A_747 = vector.broadcast %max3A_746 : f32 to vector<16xf32>
        %max3A_748 = arith.maximumf %add3A_745, %max3A_747 : vector<16xf32>
        %swap3A_749 = arith.index_cast %while3A_720 : i32 to index
        %swap3A_750 = arith.constant 16 : index
        %swap3A_751 = tpu.vector_load %arg15[%swap3A_749, %swap3A_750] {strides = array<i32>} : memref<80x128xf32, #tpu.memory_space<vmem>>, vector<1x16xf32>,
        %swap3A_752 = vector.shape_cast %swap3A_751 : vector<1x16xf32> to vector<16xf32>
        %swap3A_753 = vector.shape_cast %max3A_748 : vector<16xf32> to vector<1x16xf32>
        tpu.vector_store %arg15[%swap3A_749, %swap3A_750], %swap3A_753 {strides = array<i32>} : memref<80x128xf32, #tpu.memory_space<vmem>>, vector<1x16xf32>,
        %get3A_754 = arith.index_cast %while3A_720 : i32 to index
        %get3A_755 = arith.constant 32 : index
        %get3A_756 = tpu.vector_load %arg15[%get3A_754, %get3A_755] {strides = array<i32>} : memref<80x128xf32, #tpu.memory_space<vmem>>, vector<1x16xf32>,
        %get3A_757 = vector.shape_cast %get3A_756 : vector<1x16xf32> to vector<16xf32>
        %get3A_758 = arith.index_cast %while3A_720 : i32 to index
        %get3A_759 = arith.constant 32 : index
        %get3A_760 = tpu.vector_load %arg13[%get3A_758, %get3A_759] {strides = array<i32>} : memref<80x128xf32, #tpu.memory_space<vmem>>, vector<1x16xf32>,
        %get3A_761 = vector.shape_cast %get3A_760 : vector<1x16xf32> to vector<16xf32>
        %add3A_762 = arith.addf %get3A_757, %get3A_761 : vector<16xf32>
        %max3A_763 = arith.constant 0.000000e+00 : f32
        %max3A_764 = vector.broadcast %max3A_763 : f32 to vector<16xf32>
        %max3A_765 = arith.maximumf %add3A_762, %max3A_764 : vector<16xf32>
        %swap3A_766 = arith.index_cast %while3A_720 : i32 to index
        %swap3A_767 = arith.constant 32 : index
        %swap3A_768 = tpu.vector_load %arg15[%swap3A_766, %swap3A_767] {strides = array<i32>} : memref<80x128xf32, #tpu.memory_space<vmem>>, vector<1x16xf32>,
        %swap3A_769 = vector.shape_cast %swap3A_768 : vector<1x16xf32> to vector<16xf32>
        %swap3A_770 = vector.shape_cast %max3A_765 : vector<16xf32> to vector<1x16xf32>
        tpu.vector_store %arg15[%swap3A_766, %swap3A_767], %swap3A_770 {strides = array<i32>} : memref<80x128xf32, #tpu.memory_space<vmem>>, vector<1x16xf32>,
        %get3A_771 = arith.index_cast %while3A_720 : i32 to index
        %get3A_772 = arith.constant 48 : index
        %get3A_773 = tpu.vector_load %arg15[%get3A_771, %get3A_772] {strides = array<i32>} : memref<80x128xf32, #tpu.memory_space<vmem>>, vector<1x16xf32>,
        %get3A_774 = vector.shape_cast %get3A_773 : vector<1x16xf32> to vector<16xf32>
        %get3A_775 = arith.index_cast %while3A_720 : i32 to index
        %get3A_776 = arith.constant 48 : index
        %get3A_777 = tpu.vector_load %arg13[%get3A_775, %get3A_776] {strides = array<i32>} : memref<80x128xf32, #tpu.memory_space<vmem>>, vector<1x16xf32>,
        %get3A_778 = vector.shape_cast %get3A_777 : vector<1x16xf32> to vector<16xf32>
        %add3A_779 = arith.addf %get3A_774, %get3A_778 : vector<16xf32>
        %max3A_780 = arith.constant 0.000000e+00 : f32
        %max3A_781 = vector.broadcast %max3A_780 : f32 to vector<16xf32>
        %max3A_782 = arith.maximumf %add3A_779, %max3A_781 : vector<16xf32>
        %swap3A_783 = arith.index_cast %while3A_720 : i32 to index
        %swap3A_784 = arith.constant 48 : index
        %swap3A_785 = tpu.vector_load %arg15[%swap3A_783, %swap3A_784] {strides = array<i32>} : memref<80x128xf32, #tpu.memory_space<vmem>>, vector<1x16xf32>,
        %swap3A_786 = vector.shape_cast %swap3A_785 : vector<1x16xf32> to vector<16xf32>
        %swap3A_787 = vector.shape_cast %max3A_782 : vector<16xf32> to vector<1x16xf32>
        tpu.vector_store %arg15[%swap3A_783, %swap3A_784], %swap3A_787 {strides = array<i32>} : memref<80x128xf32, #tpu.memory_space<vmem>>, vector<1x16xf32>,
        %get3A_788 = arith.index_cast %while3A_720 : i32 to index
        %get3A_789 = arith.constant 64 : index
        %get3A_790 = tpu.vector_load %arg15[%get3A_788, %get3A_789] {strides = array<i32>} : memref<80x128xf32, #tpu.memory_space<vmem>>, vector<1x16xf32>,
        %get3A_791 = vector.shape_cast %get3A_790 : vector<1x16xf32> to vector<16xf32>
        %get3A_792 = arith.index_cast %while3A_720 : i32 to index
        %get3A_793 = arith.constant 64 : index
        %get3A_794 = tpu.vector_load %arg13[%get3A_792, %get3A_793] {strides = array<i32>} : memref<80x128xf32, #tpu.memory_space<vmem>>, vector<1x16xf32>,
        %get3A_795 = vector.shape_cast %get3A_794 : vector<1x16xf32> to vector<16xf32>
        %add3A_796 = arith.addf %get3A_791, %get3A_795 : vector<16xf32>
        %max3A_797 = arith.constant 0.000000e+00 : f32
        %max3A_798 = vector.broadcast %max3A_797 : f32 to vector<16xf32>
        %max3A_799 = arith.maximumf %add3A_796, %max3A_798 : vector<16xf32>
        %swap3A_800 = arith.index_cast %while3A_720 : i32 to index
        %swap3A_801 = arith.constant 64 : index
        %swap3A_802 = tpu.vector_load %arg15[%swap3A_800, %swap3A_801] {strides = array<i32>} : memref<80x128xf32, #tpu.memory_space<vmem>>, vector<1x16xf32>,
        %swap3A_803 = vector.shape_cast %swap3A_802 : vector<1x16xf32> to vector<16xf32>
        %swap3A_804 = vector.shape_cast %max3A_799 : vector<16xf32> to vector<1x16xf32>
        tpu.vector_store %arg15[%swap3A_800, %swap3A_801], %swap3A_804 {strides = array<i32>} : memref<80x128xf32, #tpu.memory_space<vmem>>, vector<1x16xf32>,
        %get3A_805 = arith.index_cast %while3A_720 : i32 to index
        %get3A_806 = arith.constant 80 : index
        %get3A_807 = tpu.vector_load %arg15[%get3A_805, %get3A_806] {strides = array<i32>} : memref<80x128xf32, #tpu.memory_space<vmem>>, vector<1x16xf32>,
        %get3A_808 = vector.shape_cast %get3A_807 : vector<1x16xf32> to vector<16xf32>
        %get3A_809 = arith.index_cast %while3A_720 : i32 to index
        %get3A_810 = arith.constant 80 : index
        %get3A_811 = tpu.vector_load %arg13[%get3A_809, %get3A_810] {strides = array<i32>} : memref<80x128xf32, #tpu.memory_space<vmem>>, vector<1x16xf32>,
        %get3A_812 = vector.shape_cast %get3A_811 : vector<1x16xf32> to vector<16xf32>
        %add3A_813 = arith.addf %get3A_808, %get3A_812 : vector<16xf32>
        %max3A_814 = arith.constant 0.000000e+00 : f32
        %max3A_815 = vector.broadcast %max3A_814 : f32 to vector<16xf32>
        %max3A_816 = arith.maximumf %add3A_813, %max3A_815 : vector<16xf32>
        %swap3A_817 = arith.index_cast %while3A_720 : i32 to index
        %swap3A_818 = arith.constant 80 : index
        %swap3A_819 = tpu.vector_load %arg15[%swap3A_817, %swap3A_818] {strides = array<i32>} : memref<80x128xf32, #tpu.memory_space<vmem>>, vector<1x16xf32>,
        %swap3A_820 = vector.shape_cast %swap3A_819 : vector<1x16xf32> to vector<16xf32>
        %swap3A_821 = vector.shape_cast %max3A_816 : vector<16xf32> to vector<1x16xf32>
        tpu.vector_store %arg15[%swap3A_817, %swap3A_818], %swap3A_821 {strides = array<i32>} : memref<80x128xf32, #tpu.memory_space<vmem>>, vector<1x16xf32>,
        %get3A_822 = arith.index_cast %while3A_720 : i32 to index
        %get3A_823 = arith.constant 96 : index
        %get3A_824 = tpu.vector_load %arg15[%get3A_822, %get3A_823] {strides = array<i32>} : memref<80x128xf32, #tpu.memory_space<vmem>>, vector<1x16xf32>,
        %get3A_825 = vector.shape_cast %get3A_824 : vector<1x16xf32> to vector<16xf32>
        %get3A_826 = arith.index_cast %while3A_720 : i32 to index
        %get3A_827 = arith.constant 96 : index
        %get3A_828 = tpu.vector_load %arg13[%get3A_826, %get3A_827] {strides = array<i32>} : memref<80x128xf32, #tpu.memory_space<vmem>>, vector<1x16xf32>,
        %get3A_829 = vector.shape_cast %get3A_828 : vector<1x16xf32> to vector<16xf32>
        %add3A_830 = arith.addf %get3A_825, %get3A_829 : vector<16xf32>
        %max3A_831 = arith.constant 0.000000e+00 : f32
        %max3A_832 = vector.broadcast %max3A_831 : f32 to vector<16xf32>
        %max3A_833 = arith.maximumf %add3A_830, %max3A_832 : vector<16xf32>
        %swap3A_834 = arith.index_cast %while3A_720 : i32 to index
        %swap3A_835 = arith.constant 96 : index
        %swap3A_836 = tpu.vector_load %arg15[%swap3A_834, %swap3A_835] {strides = array<i32>} : memref<80x128xf32, #tpu.memory_space<vmem>>, vector<1x16xf32>,
        %swap3A_837 = vector.shape_cast %swap3A_836 : vector<1x16xf32> to vector<16xf32>
        %swap3A_838 = vector.shape_cast %max3A_833 : vector<16xf32> to vector<1x16xf32>
        tpu.vector_store %arg15[%swap3A_834, %swap3A_835], %swap3A_838 {strides = array<i32>} : memref<80x128xf32, #tpu.memory_space<vmem>>, vector<1x16xf32>,
        %get3A_839 = arith.index_cast %while3A_720 : i32 to index
        %get3A_840 = arith.constant 112 : index
        %get3A_841 = tpu.vector_load %arg15[%get3A_839, %get3A_840] {strides = array<i32>} : memref<80x128xf32, #tpu.memory_space<vmem>>, vector<1x16xf32>,
        %get3A_842 = vector.shape_cast %get3A_841 : vector<1x16xf32> to vector<16xf32>
        %get3A_843 = arith.index_cast %while3A_720 : i32 to index
        %get3A_844 = arith.constant 112 : index
        %get3A_845 = tpu.vector_load %arg13[%get3A_843, %get3A_844] {strides = array<i32>} : memref<80x128xf32, #tpu.memory_space<vmem>>, vector<1x16xf32>,
        %get3A_846 = vector.shape_cast %get3A_845 : vector<1x16xf32> to vector<16xf32>
        %add3A_847 = arith.addf %get3A_842, %get3A_846 : vector<16xf32>
        %max3A_848 = arith.constant 0.000000e+00 : f32
        %max3A_849 = vector.broadcast %max3A_848 : f32 to vector<16xf32>
        %max3A_850 = arith.maximumf %add3A_847, %max3A_849 : vector<16xf32>
        %swap3A_851 = arith.index_cast %while3A_720 : i32 to index
        %swap3A_852 = arith.constant 112 : index
        %swap3A_853 = tpu.vector_load %arg15[%swap3A_851, %swap3A_852] {strides = array<i32>} : memref<80x128xf32, #tpu.memory_space<vmem>>, vector<1x16xf32>,
        %swap3A_854 = vector.shape_cast %swap3A_853 : vector<1x16xf32> to vector<16xf32>
        %swap3A_855 = vector.shape_cast %max3A_850 : vector<16xf32> to vector<1x16xf32>
        tpu.vector_store %arg15[%swap3A_851, %swap3A_852], %swap3A_855 {strides = array<i32>} : memref<80x128xf32, #tpu.memory_space<vmem>>, vector<1x16xf32>,
      }
      %while3A_432 = arith.constant 1 : i32
      scf.for %while3A_720 = %while3A_430 to %while3A_426 step %while3A_432  : i32 {
        %get3A_721 = arith.index_cast %while3A_720 : i32 to index
        %get3A_722 = arith.constant 0 : index
        %get3A_723 = tpu.vector_load %arg15[%get3A_721, %get3A_722] {strides = array<i32>} : memref<80x128xf32, #tpu.memory_space<vmem>>, vector<1x16xf32>,
        %get3A_724 = vector.shape_cast %get3A_723 : vector<1x16xf32> to vector<16xf32>
        %get3A_725 = arith.index_cast %while3A_720 : i32 to index
        %get3A_726 = arith.constant 0 : index
        %get3A_727 = tpu.vector_load %arg13[%get3A_725, %get3A_726] {strides = array<i32>} : memref<80x128xf32, #tpu.memory_space<vmem>>, vector<1x16xf32>,
        %get3A_728 = vector.shape_cast %get3A_727 : vector<1x16xf32> to vector<16xf32>
        %add3A_729 = arith.addf %get3A_724, %get3A_728 : vector<16xf32>
        %max3A = arith.constant 0.000000e+00 : f32
        %max3A_730 = vector.broadcast %max3A : f32 to vector<16xf32>
        %max3A_731 = arith.maximumf %add3A_729, %max3A_730 : vector<16xf32>
        %swap3A_732 = arith.index_cast %while3A_720 : i32 to index
        %swap3A_733 = arith.constant 0 : index
        %swap3A_734 = tpu.vector_load %arg15[%swap3A_732, %swap3A_733] {strides = array<i32>} : memref<80x128xf32, #tpu.memory_space<vmem>>, vector<1x16xf32>,
        %swap3A_735 = vector.shape_cast %swap3A_734 : vector<1x16xf32> to vector<16xf32>
        %swap3A_736 = vector.shape_cast %max3A_731 : vector<16xf32> to vector<1x16xf32>
        tpu.vector_store %arg15[%swap3A_732, %swap3A_733], %swap3A_736 {strides = array<i32>} : memref<80x128xf32, #tpu.memory_space<vmem>>, vector<1x16xf32>,
        %get3A_737 = arith.index_cast %while3A_720 : i32 to index
        %get3A_738 = arith.constant 16 : index
        %get3A_739 = tpu.vector_load %arg15[%get3A_737, %get3A_738] {strides = array<i32>} : memref<80x128xf32, #tpu.memory_space<vmem>>, vector<1x16xf32>,
        %get3A_740 = vector.shape_cast %get3A_739 : vector<1x16xf32> to vector<16xf32>
        %get3A_741 = arith.index_cast %while3A_720 : i32 to index
        %get3A_742 = arith.constant 16 : index
        %get3A_743 = tpu.vector_load %arg13[%get3A_741, %get3A_742] {strides = array<i32>} : memref<80x128xf32, #tpu.memory_space<vmem>>, vector<1x16xf32>,
        %get3A_744 = vector.shape_cast %get3A_743 : vector<1x16xf32> to vector<16xf32>
        %add3A_745 = arith.addf %get3A_740, %get3A_744 : vector<16xf32>
        %max3A_746 = arith.constant 0.000000e+00 : f32
        %max3A_747 = vector.broadcast %max3A_746 : f32 to vector<16xf32>
        %max3A_748 = arith.maximumf %add3A_745, %max3A_747 : vector<16xf32>
        %swap3A_749 = arith.index_cast %while3A_720 : i32 to index
        %swap3A_750 = arith.constant 16 : index
        %swap3A_751 = tpu.vector_load %arg15[%swap3A_749, %swap3A_750] {strides = array<i32>} : memref<80x128xf32, #tpu.memory_space<vmem>>, vector<1x16xf32>,
        %swap3A_752 = vector.shape_cast %swap3A_751 : vector<1x16xf32> to vector<16xf32>
        %swap3A_753 = vector.shape_cast %max3A_748 : vector<16xf32> to vector<1x16xf32>
        tpu.vector_store %arg15[%swap3A_749, %swap3A_750], %swap3A_753 {strides = array<i32>} : memref<80x128xf32, #tpu.memory_space<vmem>>, vector<1x16xf32>,
        %get3A_754 = arith.index_cast %while3A_720 : i32 to index
        %get3A_755 = arith.constant 32 : index
        %get3A_756 = tpu.vector_load %arg15[%get3A_754, %get3A_755] {strides = array<i32>} : memref<80x128xf32, #tpu.memory_space<vmem>>, vector<1x16xf32>,
        %get3A_757 = vector.shape_cast %get3A_756 : vector<1x16xf32> to vector<16xf32>
        %get3A_758 = arith.index_cast %while3A_720 : i32 to index
        %get3A_759 = arith.constant 32 : index
        %get3A_760 = tpu.vector_load %arg13[%get3A_758, %get3A_759] {strides = array<i32>} : memref<80x128xf32, #tpu.memory_space<vmem>>, vector<1x16xf32>,
        %get3A_761 = vector.shape_cast %get3A_760 : vector<1x16xf32> to vector<16xf32>
        %add3A_762 = arith.addf %get3A_757, %get3A_761 : vector<16xf32>
        %max3A_763 = arith.constant 0.000000e+00 : f32
        %max3A_764 = vector.broadcast %max3A_763 : f32 to vector<16xf32>
        %max3A_765 = arith.maximumf %add3A_762, %max3A_764 : vector<16xf32>
        %swap3A_766 = arith.index_cast %while3A_720 : i32 to index
        %swap3A_767 = arith.constant 32 : index
        %swap3A_768 = tpu.vector_load %arg15[%swap3A_766, %swap3A_767] {strides = array<i32>} : memref<80x128xf32, #tpu.memory_space<vmem>>, vector<1x16xf32>,
        %swap3A_769 = vector.shape_cast %swap3A_768 : vector<1x16xf32> to vector<16xf32>
        %swap3A_770 = vector.shape_cast %max3A_765 : vector<16xf32> to vector<1x16xf32>
        tpu.vector_store %arg15[%swap3A_766, %swap3A_767], %swap3A_770 {strides = array<i32>} : memref<80x128xf32, #tpu.memory_space<vmem>>, vector<1x16xf32>,
        %get3A_771 = arith.index_cast %while3A_720 : i32 to index
        %get3A_772 = arith.constant 48 : index
        %get3A_773 = tpu.vector_load %arg15[%get3A_771, %get3A_772] {strides = array<i32>} : memref<80x128xf32, #tpu.memory_space<vmem>>, vector<1x16xf32>,
        %get3A_774 = vector.shape_cast %get3A_773 : vector<1x16xf32> to vector<16xf32>
        %get3A_775 = arith.index_cast %while3A_720 : i32 to index
        %get3A_776 = arith.constant 48 : index
        %get3A_777 = tpu.vector_load %arg13[%get3A_775, %get3A_776] {strides = array<i32>} : memref<80x128xf32, #tpu.memory_space<vmem>>, vector<1x16xf32>,
        %get3A_778 = vector.shape_cast %get3A_777 : vector<1x16xf32> to vector<16xf32>
        %add3A_779 = arith.addf %get3A_774, %get3A_778 : vector<16xf32>
        %max3A_780 = arith.constant 0.000000e+00 : f32
        %max3A_781 = vector.broadcast %max3A_780 : f32 to vector<16xf32>
        %max3A_782 = arith.maximumf %add3A_779, %max3A_781 : vector<16xf32>
        %swap3A_783 = arith.index_cast %while3A_720 : i32 to index
        %swap3A_784 = arith.constant 48 : index
        %swap3A_785 = tpu.vector_load %arg15[%swap3A_783, %swap3A_784] {strides = array<i32>} : memref<80x128xf32, #tpu.memory_space<vmem>>, vector<1x16xf32>,
        %swap3A_786 = vector.shape_cast %swap3A_785 : vector<1x16xf32> to vector<16xf32>
        %swap3A_787 = vector.shape_cast %max3A_782 : vector<16xf32> to vector<1x16xf32>
        tpu.vector_store %arg15[%swap3A_783, %swap3A_784], %swap3A_787 {strides = array<i32>} : memref<80x128xf32, #tpu.memory_space<vmem>>, vector<1x16xf32>,
        %get3A_788 = arith.index_cast %while3A_720 : i32 to index
        %get3A_789 = arith.constant 64 : index
        %get3A_790 = tpu.vector_load %arg15[%get3A_788, %get3A_789] {strides = array<i32>} : memref<80x128xf32, #tpu.memory_space<vmem>>, vector<1x16xf32>,
        %get3A_791 = vector.shape_cast %get3A_790 : vector<1x16xf32> to vector<16xf32>
        %get3A_792 = arith.index_cast %while3A_720 : i32 to index
        %get3A_793 = arith.constant 64 : index
        %get3A_794 = tpu.vector_load %arg13[%get3A_792, %get3A_793] {strides = array<i32>} : memref<80x128xf32, #tpu.memory_space<vmem>>, vector<1x16xf32>,
        %get3A_795 = vector.shape_cast %get3A_794 : vector<1x16xf32> to vector<16xf32>
        %add3A_796 = arith.addf %get3A_791, %get3A_795 : vector<16xf32>
        %max3A_797 = arith.constant 0.000000e+00 : f32
        %max3A_798 = vector.broadcast %max3A_797 : f32 to vector<16xf32>
        %max3A_799 = arith.maximumf %add3A_796, %max3A_798 : vector<16xf32>
        %swap3A_800 = arith.index_cast %while3A_720 : i32 to index
        %swap3A_801 = arith.constant 64 : index
        %swap3A_802 = tpu.vector_load %arg15[%swap3A_800, %swap3A_801] {strides = array<i32>} : memref<80x128xf32, #tpu.memory_space<vmem>>, vector<1x16xf32>,
        %swap3A_803 = vector.shape_cast %swap3A_802 : vector<1x16xf32> to vector<16xf32>
        %swap3A_804 = vector.shape_cast %max3A_799 : vector<16xf32> to vector<1x16xf32>
        tpu.vector_store %arg15[%swap3A_800, %swap3A_801], %swap3A_804 {strides = array<i32>} : memref<80x128xf32, #tpu.memory_space<vmem>>, vector<1x16xf32>,
        %get3A_805 = arith.index_cast %while3A_720 : i32 to index
        %get3A_806 = arith.constant 80 : index
        %get3A_807 = tpu.vector_load %arg15[%get3A_805, %get3A_806] {strides = array<i32>} : memref<80x128xf32, #tpu.memory_space<vmem>>, vector<1x16xf32>,
        %get3A_808 = vector.shape_cast %get3A_807 : vector<1x16xf32> to vector<16xf32>
        %get3A_809 = arith.index_cast %while3A_720 : i32 to index
        %get3A_810 = arith.constant 80 : index
        %get3A_811 = tpu.vector_load %arg13[%get3A_809, %get3A_810] {strides = array<i32>} : memref<80x128xf32, #tpu.memory_space<vmem>>, vector<1x16xf32>,
        %get3A_812 = vector.shape_cast %get3A_811 : vector<1x16xf32> to vector<16xf32>
        %add3A_813 = arith.addf %get3A_808, %get3A_812 : vector<16xf32>
        %max3A_814 = arith.constant 0.000000e+00 : f32
        %max3A_815 = vector.broadcast %max3A_814 : f32 to vector<16xf32>
        %max3A_816 = arith.maximumf %add3A_813, %max3A_815 : vector<16xf32>
        %swap3A_817 = arith.index_cast %while3A_720 : i32 to index
        %swap3A_818 = arith.constant 80 : index
        %swap3A_819 = tpu.vector_load %arg15[%swap3A_817, %swap3A_818] {strides = array<i32>} : memref<80x128xf32, #tpu.memory_space<vmem>>, vector<1x16xf32>,
        %swap3A_820 = vector.shape_cast %swap3A_819 : vector<1x16xf32> to vector<16xf32>
        %swap3A_821 = vector.shape_cast %max3A_816 : vector<16xf32> to vector<1x16xf32>
        tpu.vector_store %arg15[%swap3A_817, %swap3A_818], %swap3A_821 {strides = array<i32>} : memref<80x128xf32, #tpu.memory_space<vmem>>, vector<1x16xf32>,
        %get3A_822 = arith.index_cast %while3A_720 : i32 to index
        %get3A_823 = arith.constant 96 : index
        %get3A_824 = tpu.vector_load %arg15[%get3A_822, %get3A_823] {strides = array<i32>} : memref<80x128xf32, #tpu.memory_space<vmem>>, vector<1x16xf32>,
        %get3A_825 = vector.shape_cast %get3A_824 : vector<1x16xf32> to vector<16xf32>
        %get3A_826 = arith.index_cast %while3A_720 : i32 to index
        %get3A_827 = arith.constant 96 : index
        %get3A_828 = tpu.vector_load %arg13[%get3A_826, %get3A_827] {strides = array<i32>} : memref<80x128xf32, #tpu.memory_space<vmem>>, vector<1x16xf32>,
        %get3A_829 = vector.shape_cast %get3A_828 : vector<1x16xf32> to vector<16xf32>
        %add3A_830 = arith.addf %get3A_825, %get3A_829 : vector<16xf32>
        %max3A_831 = arith.constant 0.000000e+00 : f32
        %max3A_832 = vector.broadcast %max3A_831 : f32 to vector<16xf32>
        %max3A_833 = arith.maximumf %add3A_830, %max3A_832 : vector<16xf32>
        %swap3A_834 = arith.index_cast %while3A_720 : i32 to index
        %swap3A_835 = arith.constant 96 : index
        %swap3A_836 = tpu.vector_load %arg15[%swap3A_834, %swap3A_835] {strides = array<i32>} : memref<80x128xf32, #tpu.memory_space<vmem>>, vector<1x16xf32>,
        %swap3A_837 = vector.shape_cast %swap3A_836 : vector<1x16xf32> to vector<16xf32>
        %swap3A_838 = vector.shape_cast %max3A_833 : vector<16xf32> to vector<1x16xf32>
        tpu.vector_store %arg15[%swap3A_834, %swap3A_835], %swap3A_838 {strides = array<i32>} : memref<80x128xf32, #tpu.memory_space<vmem>>, vector<1x16xf32>,
        %get3A_839 = arith.index_cast %while3A_720 : i32 to index
        %get3A_840 = arith.constant 112 : index
        %get3A_841 = tpu.vector_load %arg15[%get3A_839, %get3A_840] {strides = array<i32>} : memref<80x128xf32, #tpu.memory_space<vmem>>, vector<1x16xf32>,
        %get3A_842 = vector.shape_cast %get3A_841 : vector<1x16xf32> to vector<16xf32>
        %get3A_843 = arith.index_cast %while3A_720 : i32 to index
        %get3A_844 = arith.constant 112 : index
        %get3A_845 = tpu.vector_load %arg13[%get3A_843, %get3A_844] {strides = array<i32>} : memref<80x128xf32, #tpu.memory_space<vmem>>, vector<1x16xf32>,
        %get3A_846 = vector.shape_cast %get3A_845 : vector<1x16xf32> to vector<16xf32>
        %add3A_847 = arith.addf %get3A_842, %get3A_846 : vector<16xf32>
        %max3A_848 = arith.constant 0.000000e+00 : f32
        %max3A_849 = vector.broadcast %max3A_848 : f32 to vector<16xf32>
        %max3A_850 = arith.maximumf %add3A_847, %max3A_849 : vector<16xf32>
        %swap3A_851 = arith.index_cast %while3A_720 : i32 to index
        %swap3A_852 = arith.constant 112 : index
        %swap3A_853 = tpu.vector_load %arg15[%swap3A_851, %swap3A_852] {strides = array<i32>} : memref<80x128xf32, #tpu.memory_space<vmem>>, vector<1x16xf32>,
        %swap3A_854 = vector.shape_cast %swap3A_853 : vector<1x16xf32> to vector<16xf32>
        %swap3A_855 = vector.shape_cast %max3A_850 : vector<16xf32> to vector<1x16xf32>
        tpu.vector_store %arg15[%swap3A_851, %swap3A_852], %swap3A_855 {strides = array<i32>} : memref<80x128xf32, #tpu.memory_space<vmem>>, vector<1x16xf32>,
      }
      %jit3A_433 = arith.constant 25 : i32
      %div3A_434 = arith.divsi %mul3A_359, %jit3A_433 : i32
      %sign3A_435 = arith.constant 0 : i32
      %sign3A_436 = arith.cmpi sgt, %mul3A_359, %sign3A_435 : i32
      %sign3A_437 = arith.extui %sign3A_436 : i1 to i32
      %sign3A_438 = arith.constant 0 : i32
      %sign3A_439 = arith.cmpi slt, %mul3A_359, %sign3A_438 : i32
      %sign3A_440 = arith.extui %sign3A_439 : i1 to i32
      %sign3A_441 = arith.subi %sign3A_437, %sign3A_440 : i32
      %sign3A_442 = arith.constant 0 : i32
      %sign3A_443 = arith.cmpi sgt, %jit3A_433, %sign3A_442 : i32
      %sign3A_444 = arith.extui %sign3A_443 : i1 to i32
      %sign3A_445 = arith.constant 0 : i32
      %sign3A_446 = arith.cmpi slt, %jit3A_433, %sign3A_445 : i32
      %sign3A_447 = arith.extui %sign3A_446 : i1 to i32
      %sign3A_448 = arith.subi %sign3A_444, %sign3A_447 : i32
      %ne3A_449 = arith.cmpi ne, %sign3A_441, %sign3A_448 : i32
      %rem3A_450 = arith.remsi %mul3A_359, %jit3A_433 : i32
      %ne3A_451 = arith.constant 0 : i32
      %ne3A_452 = arith.cmpi ne, %rem3A_450, %ne3A_451 : i32
      %and3A_453 = arith.andi %ne3A_449, %ne3A_452 : i1
      %sub3A_454 = arith.constant 1 : i32
      %sub3A_455 = arith.subi %div3A_434, %sub3A_454 : i32
      %select_n3A_456 = arith.select %and3A_453, %sub3A_455, %div3A_434 : i32
      %jit3A_457 = arith.constant 2 : i32
      %eq3A_458 = arith.constant 0 : i32
      %eq3A_459 = arith.cmpi eq, %jit3A_457, %eq3A_458 : i32
      %jit3A_460 = arith.constant 1 : i32
      %select_n3A_461 = arith.select %eq3A_459, %jit3A_460, %jit3A_457 : i32
      %rem3A_462 = arith.remsi %select_n3A_456, %select_n3A_461 : i32
      %ne3A_463 = arith.constant 0 : i32
      %ne3A_464 = arith.cmpi ne, %rem3A_462, %ne3A_463 : i32
      %lt3A_465 = arith.constant 0 : i32
      %lt3A_466 = arith.cmpi slt, %rem3A_462, %lt3A_465 : i32
      %lt3A_467 = arith.constant 0 : i32
      %lt3A_468 = arith.cmpi slt, %select_n3A_461, %lt3A_467 : i32
      %ne3A_469 = arith.xori %lt3A_466, %lt3A_468 : i1
      %and3A_470 = arith.andi %ne3A_469, %ne3A_464 : i1
      %add3A_471 = arith.addi %rem3A_462, %select_n3A_461 : i32
      %select_n3A_472 = arith.select %and3A_470, %add3A_471, %rem3A_462 : i32
      %mul3A_473 = arith.constant 2000 : i32
      %mul3A_474 = arith.muli %select_n3A_472, %mul3A_473 : i32
      %jit3A_475 = arith.constant 25 : i32
      %eq3A_476 = arith.constant 0 : i32
      %eq3A_477 = arith.cmpi eq, %jit3A_475, %eq3A_476 : i32
      %jit3A_478 = arith.constant 1 : i32
      %select_n3A_479 = arith.select %eq3A_477, %jit3A_478, %jit3A_475 : i32
      %rem3A_480 = arith.remsi %mul3A_359, %select_n3A_479 : i32
      %ne3A_481 = arith.constant 0 : i32
      %ne3A_482 = arith.cmpi ne, %rem3A_480, %ne3A_481 : i32
      %lt3A_483 = arith.constant 0 : i32
      %lt3A_484 = arith.cmpi slt, %rem3A_480, %lt3A_483 : i32
      %lt3A_485 = arith.constant 0 : i32
      %lt3A_486 = arith.cmpi slt, %select_n3A_479, %lt3A_485 : i32
      %ne3A_487 = arith.xori %lt3A_484, %lt3A_486 : i1
      %and3A_488 = arith.andi %ne3A_487, %ne3A_482 : i1
      %add3A_489 = arith.addi %rem3A_480, %select_n3A_479 : i32
      %select_n3A_490 = arith.select %and3A_488, %add3A_489, %rem3A_480 : i32
      %mul3A_491 = arith.constant 80 : i32
      %mul3A_492 = arith.muli %select_n3A_490, %mul3A_491 : i32
      %add3A_493 = arith.addi %mul3A_474, %mul3A_492 : i32
      %add3A_494 = arith.constant 0 : i32
      %add3A_495 = arith.addi %add3A_493, %add3A_494 : i32
      %get3A_496 = arith.index_cast %add3A_495 : i32 to index
      %get3A_497 = tpu.vector_load %arg9[%get3A_496] {strides = array<i32>} : memref<4000xi32, #tpu.memory_space<vmem>>, vector<16xi32>,
      %get3A_498 = vector.shape_cast %get3A_497 : vector<16xi32> to vector<16xi32>
      %swap3A_499 = arith.constant 0 : index
      %swap3A_500 = tpu.vector_load %arg12[%swap3A_499] {strides = array<i32>} : memref<80xi32, #tpu.memory_space<vmem>>, vector<16xi32>,
      %swap3A_501 = vector.shape_cast %swap3A_500 : vector<16xi32> to vector<16xi32>
      %swap3A_502 = vector.shape_cast %get3A_498 : vector<16xi32> to vector<16xi32>
      tpu.vector_store %arg12[%swap3A_499], %swap3A_502 {strides = array<i32>} : memref<80xi32, #tpu.memory_space<vmem>>, vector<16xi32>,
      %add3A_503 = arith.constant 16 : i32
      %add3A_504 = arith.addi %add3A_493, %add3A_503 : i32
      %get3A_505 = arith.index_cast %add3A_504 : i32 to index
      %get3A_506 = tpu.vector_load %arg9[%get3A_505] {strides = array<i32>} : memref<4000xi32, #tpu.memory_space<vmem>>, vector<16xi32>,
      %get3A_507 = vector.shape_cast %get3A_506 : vector<16xi32> to vector<16xi32>
      %swap3A_508 = arith.constant 16 : index
      %swap3A_509 = tpu.vector_load %arg12[%swap3A_508] {strides = array<i32>} : memref<80xi32, #tpu.memory_space<vmem>>, vector<16xi32>,
      %swap3A_510 = vector.shape_cast %swap3A_509 : vector<16xi32> to vector<16xi32>
      %swap3A_511 = vector.shape_cast %get3A_507 : vector<16xi32> to vector<16xi32>
      tpu.vector_store %arg12[%swap3A_508], %swap3A_511 {strides = array<i32>} : memref<80xi32, #tpu.memory_space<vmem>>, vector<16xi32>,
      %add3A_512 = arith.constant 32 : i32
      %add3A_513 = arith.addi %add3A_493, %add3A_512 : i32
      %get3A_514 = arith.index_cast %add3A_513 : i32 to index
      %get3A_515 = tpu.vector_load %arg9[%get3A_514] {strides = array<i32>} : memref<4000xi32, #tpu.memory_space<vmem>>, vector<16xi32>,
      %get3A_516 = vector.shape_cast %get3A_515 : vector<16xi32> to vector<16xi32>
      %swap3A_517 = arith.constant 32 : index
      %swap3A_518 = tpu.vector_load %arg12[%swap3A_517] {strides = array<i32>} : memref<80xi32, #tpu.memory_space<vmem>>, vector<16xi32>,
      %swap3A_519 = vector.shape_cast %swap3A_518 : vector<16xi32> to vector<16xi32>
      %swap3A_520 = vector.shape_cast %get3A_516 : vector<16xi32> to vector<16xi32>
      tpu.vector_store %arg12[%swap3A_517], %swap3A_520 {strides = array<i32>} : memref<80xi32, #tpu.memory_space<vmem>>, vector<16xi32>,
      %add3A_521 = arith.constant 48 : i32
      %add3A_522 = arith.addi %add3A_493, %add3A_521 : i32
      %get3A_523 = arith.index_cast %add3A_522 : i32 to index
      %get3A_524 = tpu.vector_load %arg9[%get3A_523] {strides = array<i32>} : memref<4000xi32, #tpu.memory_space<vmem>>, vector<16xi32>,
      %get3A_525 = vector.shape_cast %get3A_524 : vector<16xi32> to vector<16xi32>
      %swap3A_526 = arith.constant 48 : index
      %swap3A_527 = tpu.vector_load %arg12[%swap3A_526] {strides = array<i32>} : memref<80xi32, #tpu.memory_space<vmem>>, vector<16xi32>,
      %swap3A_528 = vector.shape_cast %swap3A_527 : vector<16xi32> to vector<16xi32>
      %swap3A_529 = vector.shape_cast %get3A_525 : vector<16xi32> to vector<16xi32>
      tpu.vector_store %arg12[%swap3A_526], %swap3A_529 {strides = array<i32>} : memref<80xi32, #tpu.memory_space<vmem>>, vector<16xi32>,
      %add3A_530 = arith.constant 64 : i32
      %add3A_531 = arith.addi %add3A_493, %add3A_530 : i32
      %get3A_532 = arith.index_cast %add3A_531 : i32 to index
      %get3A_533 = tpu.vector_load %arg9[%get3A_532] {strides = array<i32>} : memref<4000xi32, #tpu.memory_space<vmem>>, vector<16xi32>,
      %get3A_534 = vector.shape_cast %get3A_533 : vector<16xi32> to vector<16xi32>
      %swap3A_535 = arith.constant 64 : index
      %swap3A_536 = tpu.vector_load %arg12[%swap3A_535] {strides = array<i32>} : memref<80xi32, #tpu.memory_space<vmem>>, vector<16xi32>,
      %swap3A_537 = vector.shape_cast %swap3A_536 : vector<16xi32> to vector<16xi32>
      %swap3A_538 = vector.shape_cast %get3A_534 : vector<16xi32> to vector<16xi32>
      tpu.vector_store %arg12[%swap3A_535], %swap3A_538 {strides = array<i32>} : memref<80xi32, #tpu.memory_space<vmem>>, vector<16xi32>,
      "tpu.region"() ({
        %run_scoped3A = tpu.sem_alloc : memref<!tpu.dma_semaphore, #tpu.memory_space<semaphore_mem>>
        %dma_start3A_720 = arith.constant 0 : i32
        %dma_start3A_721 = arith.constant 0 : i32
        %dma_start3A_722 = tpu.memref_slice %arg17[%dma_start3A_720, %dma_start3A_721] : memref<10112x128xf32, #tpu.memory_space<vmem_shared>> -> memref<10112x128xf32, #tpu.memory_space<vmem_shared>>
        tpu.enqueue_indirect_dma source(%arg15 : memref<80x128xf32, #tpu.memory_space<vmem>>) target(%dma_start3A_722 : memref<10112x128xf32, #tpu.memory_space<vmem_shared>>) offsets(%arg12 : memref<80xi32, #tpu.memory_space<vmem>>) semaphore(%run_scoped3A : memref<!tpu.dma_semaphore, #tpu.memory_space<semaphore_mem>>) {add = true}
        %dma_wait3A_723 = arith.constant 0 : i32
        %dma_wait3A_724 = arith.constant 0 : i32
        %dma_wait3A_725 = tpu.memref_slice %arg17[%dma_wait3A_723, %dma_wait3A_724] : memref<10112x128xf32, #tpu.memory_space<vmem_shared>> -> memref<10112x128xf32, #tpu.memory_space<vmem_shared>>
        tpu.wait_indirect_dma semaphore(%run_scoped3A : memref<!tpu.dma_semaphore, #tpu.memory_space<semaphore_mem>>) src(%arg15 : memref<80x128xf32, #tpu.memory_space<vmem>>) dst(%dma_wait3A_725 : memref<10112x128xf32, #tpu.memory_space<vmem_shared>>)
        tpu.yield
      }) : () -> ()
      %add3A_539 = arith.constant 1 : i32
      %add3A_540 = arith.addi %mul3A_359, %add3A_539 : i32
      %jit3A_541 = arith.constant 25 : i32
      %eq3A_542 = arith.constant 0 : i32
      %eq3A_543 = arith.cmpi eq, %jit3A_541, %eq3A_542 : i32
      %jit3A_544 = arith.constant 1 : i32
      %select_n3A_545 = arith.select %eq3A_543, %jit3A_544, %jit3A_541 : i32
      %rem3A_546 = arith.remsi %add3A_540, %select_n3A_545 : i32
      %ne3A_547 = arith.constant 0 : i32
      %ne3A_548 = arith.cmpi ne, %rem3A_546, %ne3A_547 : i32
      %lt3A_549 = arith.constant 0 : i32
      %lt3A_550 = arith.cmpi slt, %rem3A_546, %lt3A_549 : i32
      %lt3A_551 = arith.constant 0 : i32
      %lt3A_552 = arith.cmpi slt, %select_n3A_545, %lt3A_551 : i32
      %ne3A_553 = arith.xori %lt3A_550, %lt3A_552 : i1
      %and3A_554 = arith.andi %ne3A_553, %ne3A_548 : i1
      %add3A_555 = arith.addi %rem3A_546, %select_n3A_545 : i32
      %select_n3A_556 = arith.select %and3A_554, %add3A_555, %rem3A_546 : i32
      %eq3A_557 = arith.constant 0 : i32
      %eq3A_558 = arith.cmpi eq, %select_n3A_556, %eq3A_557 : i32
      %convert_element_type3A_559 = arith.extui %eq3A_558 : i1 to i32
      %cond3A_560 = arith.constant 0 : i32
      %cond3A_561 = arith.cmpi ne, %convert_element_type3A_559, %cond3A_560 : i32
      scf.if %cond3A_561 {
        %add3A_720 = arith.constant 25 : i32
        %add3A_721 = arith.addi %add3A_540, %add3A_720 : i32
        %lt3A_722 = arith.cmpi slt, %add3A_721, %while3A_157 : i32
        %convert_element_type3A_723 = arith.extui %lt3A_722 : i1 to i32
        %cond3A_724 = arith.constant 0 : i32
        %cond3A_725 = arith.cmpi ne, %convert_element_type3A_723, %cond3A_724 : i32
        scf.if %cond3A_725 {
          %jit3A_726 = arith.constant 25 : i32
          %div3A_727 = arith.divsi %add3A_540, %jit3A_726 : i32
          %sign3A_728 = arith.constant 0 : i32
          %sign3A_729 = arith.cmpi sgt, %add3A_540, %sign3A_728 : i32
          %sign3A_730 = arith.extui %sign3A_729 : i1 to i32
          %sign3A_731 = arith.constant 0 : i32
          %sign3A_732 = arith.cmpi slt, %add3A_540, %sign3A_731 : i32
          %sign3A_733 = arith.extui %sign3A_732 : i1 to i32
          %sign3A_734 = arith.subi %sign3A_730, %sign3A_733 : i32
          %sign3A_735 = arith.constant 0 : i32
          %sign3A_736 = arith.cmpi sgt, %jit3A_726, %sign3A_735 : i32
          %sign3A_737 = arith.extui %sign3A_736 : i1 to i32
          %sign3A_738 = arith.constant 0 : i32
          %sign3A_739 = arith.cmpi slt, %jit3A_726, %sign3A_738 : i32
          %sign3A_740 = arith.extui %sign3A_739 : i1 to i32
          %sign3A_741 = arith.subi %sign3A_737, %sign3A_740 : i32
          %ne3A_742 = arith.cmpi ne, %sign3A_734, %sign3A_741 : i32
          %rem3A_743 = arith.remsi %add3A_540, %jit3A_726 : i32
          %ne3A_744 = arith.constant 0 : i32
          %ne3A_745 = arith.cmpi ne, %rem3A_743, %ne3A_744 : i32
          %and3A_746 = arith.andi %ne3A_742, %ne3A_745 : i1
          %sub3A_747 = arith.constant 1 : i32
          %sub3A_748 = arith.subi %div3A_727, %sub3A_747 : i32
          %select_n3A_749 = arith.select %and3A_746, %sub3A_748, %div3A_727 : i32
          %add3A_750 = arith.constant 1 : i32
          %add3A_751 = arith.addi %select_n3A_749, %add3A_750 : i32
          %mul3A_752 = arith.constant 2000 : i32
          %mul3A_753 = arith.muli %add3A_751, %mul3A_752 : i32
          %add3A_754 = arith.addi %mul3A_4, %mul3A_753 : i32
          %jit3A_755 = arith.constant 2 : i32
          %eq3A_756 = arith.constant 0 : i32
          %eq3A_757 = arith.cmpi eq, %jit3A_755, %eq3A_756 : i32
          %jit3A_758 = arith.constant 1 : i32
          %select_n3A_759 = arith.select %eq3A_757, %jit3A_758, %jit3A_755 : i32
          %rem3A_760 = arith.remsi %add3A_751, %select_n3A_759 : i32
          %ne3A_761 = arith.constant 0 : i32
          %ne3A_762 = arith.cmpi ne, %rem3A_760, %ne3A_761 : i32
          %lt3A_763 = arith.constant 0 : i32
          %lt3A_764 = arith.cmpi slt, %rem3A_760, %lt3A_763 : i32
          %lt3A_765 = arith.constant 0 : i32
          %lt3A_766 = arith.cmpi slt, %select_n3A_759, %lt3A_765 : i32
          %ne3A_767 = arith.xori %lt3A_764, %lt3A_766 : i1
          %and3A_768 = arith.andi %ne3A_767, %ne3A_762 : i1
          %add3A_769 = arith.addi %rem3A_760, %select_n3A_759 : i32
          %select_n3A_770 = arith.select %and3A_768, %add3A_769, %rem3A_760 : i32
          %mul3A_771 = arith.constant 2000 : i32
          %mul3A_772 = arith.muli %select_n3A_770, %mul3A_771 : i32
          %dma_start3A_773 = tpu.memref_slice %arg8[%mul3A_772] : memref<4000xi32, #tpu.memory_space<vmem>> -> memref<2000xi32, #tpu.memory_space<vmem>>
          %dma_start3A_774 = tpu.memref_slice %arg3[%add3A_754] : memref<320000xi32, #tpu.memory_space<hbm>> -> memref<2000xi32, #tpu.memory_space<hbm>>
          %dma_start3A_775 = tpu.memref_slice %arg8[%mul3A_772] : memref<4000xi32, #tpu.memory_space<vmem>> -> memref<2000xi32, #tpu.memory_space<vmem>>
          %dma_start3A_776 = tpu.memref_slice %arg3[%add3A_754] : memref<320000xi32, #tpu.memory_space<hbm>> -> memref<2000xi32, #tpu.memory_space<hbm>>
          tpu.enqueue_dma source(%dma_start3A_776 : memref<2000xi32, #tpu.memory_space<hbm>>) target(%dma_start3A_775 : memref<2000xi32, #tpu.memory_space<vmem>>) target_semaphore(%arg20 : memref<!tpu.dma_semaphore, #tpu.memory_space<semaphore_mem>>)
          %dma_start3A_777 = tpu.memref_slice %arg9[%mul3A_772] : memref<4000xi32, #tpu.memory_space<vmem>> -> memref<2000xi32, #tpu.memory_space<vmem>>
          %dma_start3A_778 = tpu.memref_slice %arg4[%add3A_754] : memref<320000xi32, #tpu.memory_space<hbm>> -> memref<2000xi32, #tpu.memory_space<hbm>>
          %dma_start3A_779 = tpu.memref_slice %arg9[%mul3A_772] : memref<4000xi32, #tpu.memory_space<vmem>> -> memref<2000xi32, #tpu.memory_space<vmem>>
          %dma_start3A_780 = tpu.memref_slice %arg4[%add3A_754] : memref<320000xi32, #tpu.memory_space<hbm>> -> memref<2000xi32, #tpu.memory_space<hbm>>
          tpu.enqueue_dma source(%dma_start3A_780 : memref<2000xi32, #tpu.memory_space<hbm>>) target(%dma_start3A_779 : memref<2000xi32, #tpu.memory_space<vmem>>) target_semaphore(%arg20 : memref<!tpu.dma_semaphore, #tpu.memory_space<semaphore_mem>>)
        } else {
        }
      } else {
      }
      %add3A_562 = arith.constant 1 : i32
      %add3A_563 = arith.addi %add3A_540, %add3A_562 : i32
      %jit3A_564 = arith.constant 25 : i32
      %eq3A_565 = arith.constant 0 : i32
      %eq3A_566 = arith.cmpi eq, %jit3A_564, %eq3A_565 : i32
      %jit3A_567 = arith.constant 1 : i32
      %select_n3A_568 = arith.select %eq3A_566, %jit3A_567, %jit3A_564 : i32
      %rem3A_569 = arith.remsi %add3A_563, %select_n3A_568 : i32
      %ne3A_570 = arith.constant 0 : i32
      %ne3A_571 = arith.cmpi ne, %rem3A_569, %ne3A_570 : i32
      %lt3A_572 = arith.constant 0 : i32
      %lt3A_573 = arith.cmpi slt, %rem3A_569, %lt3A_572 : i32
      %lt3A_574 = arith.constant 0 : i32
      %lt3A_575 = arith.cmpi slt, %select_n3A_568, %lt3A_574 : i32
      %ne3A_576 = arith.xori %lt3A_573, %lt3A_575 : i1
      %and3A_577 = arith.andi %ne3A_576, %ne3A_571 : i1
      %add3A_578 = arith.addi %rem3A_569, %select_n3A_568 : i32
      %select_n3A_579 = arith.select %and3A_577, %add3A_578, %rem3A_569 : i32
      %eq3A_580 = arith.constant 0 : i32
      %eq3A_581 = arith.cmpi eq, %select_n3A_579, %eq3A_580 : i32
      %convert_element_type3A_582 = arith.extui %eq3A_581 : i1 to i32
      %cond3A_583 = arith.constant 0 : i32
      %cond3A_584 = arith.cmpi ne, %convert_element_type3A_582, %cond3A_583 : i32
      scf.if %cond3A_584 {
        %add3A_720 = arith.constant 1 : i32
        %add3A_721 = arith.addi %add3A_540, %add3A_720 : i32
        %lt3A_722 = arith.cmpi slt, %add3A_721, %while3A_157 : i32
        %convert_element_type3A_723 = arith.extui %lt3A_722 : i1 to i32
        %cond3A_724 = arith.constant 0 : i32
        %cond3A_725 = arith.cmpi ne, %convert_element_type3A_723, %cond3A_724 : i32
        scf.if %cond3A_725 {
          %dma_wait3A_726 = arith.constant 0 : i32
          %dma_wait3A_727 = tpu.memref_slice %arg8[%dma_wait3A_726] : memref<4000xi32, #tpu.memory_space<vmem>> -> memref<2000xi32, #tpu.memory_space<vmem>>
          %dma_wait3A_728 = arith.constant 0 : i32
          %dma_wait3A_729 = tpu.memref_slice %arg3[%dma_wait3A_728] : memref<320000xi32, #tpu.memory_space<hbm>> -> memref<2000xi32, #tpu.memory_space<hbm>>
          %dma_wait3A_730 = arith.constant 0 : i32
          %dma_wait3A_731 = tpu.memref_slice %arg8[%dma_wait3A_730] : memref<4000xi32, #tpu.memory_space<vmem>> -> memref<2000xi32, #tpu.memory_space<vmem>>
          %dma_wait3A_732 = arith.constant 0 : i32
          %dma_wait3A_733 = tpu.memref_slice %arg3[%dma_wait3A_732] : memref<320000xi32, #tpu.memory_space<hbm>> -> memref<2000xi32, #tpu.memory_space<hbm>>
          tpu.wait_dma2 semaphore(%arg20 : memref<!tpu.dma_semaphore, #tpu.memory_space<semaphore_mem>>) src(%dma_wait3A_733 : memref<2000xi32, #tpu.memory_space<hbm>>) dst(%dma_wait3A_731 : memref<2000xi32, #tpu.memory_space<vmem>>)
          %dma_wait3A_734 = arith.constant 0 : i32
          %dma_wait3A_735 = tpu.memref_slice %arg9[%dma_wait3A_734] : memref<4000xi32, #tpu.memory_space<vmem>> -> memref<2000xi32, #tpu.memory_space<vmem>>
          %dma_wait3A_736 = arith.constant 0 : i32
          %dma_wait3A_737 = tpu.memref_slice %arg4[%dma_wait3A_736] : memref<320000xi32, #tpu.memory_space<hbm>> -> memref<2000xi32, #tpu.memory_space<hbm>>
          %dma_wait3A_738 = arith.constant 0 : i32
          %dma_wait3A_739 = tpu.memref_slice %arg9[%dma_wait3A_738] : memref<4000xi32, #tpu.memory_space<vmem>> -> memref<2000xi32, #tpu.memory_space<vmem>>
          %dma_wait3A_740 = arith.constant 0 : i32
          %dma_wait3A_741 = tpu.memref_slice %arg4[%dma_wait3A_740] : memref<320000xi32, #tpu.memory_space<hbm>> -> memref<2000xi32, #tpu.memory_space<hbm>>
          tpu.wait_dma2 semaphore(%arg20 : memref<!tpu.dma_semaphore, #tpu.memory_space<semaphore_mem>>) src(%dma_wait3A_741 : memref<2000xi32, #tpu.memory_space<hbm>>) dst(%dma_wait3A_739 : memref<2000xi32, #tpu.memory_space<vmem>>)
        } else {
        }
      } else {
      }
      %add3A_585 = arith.constant 1 : i32
      %add3A_586 = arith.addi %add3A_540, %add3A_585 : i32
      %lt3A_587 = arith.cmpi slt, %add3A_586, %while3A_157 : i32
      %convert_element_type3A_588 = arith.extui %lt3A_587 : i1 to i32
      %cond3A_589 = arith.constant 0 : i32
      %cond3A_590 = arith.cmpi ne, %convert_element_type3A_588, %cond3A_589 : i32
      scf.if %cond3A_590 {
        %add3A_720 = arith.constant 1 : i32
        %add3A_721 = arith.addi %add3A_540, %add3A_720 : i32
        %mul3A_722 = arith.constant 80 : i32
        %mul3A_723 = arith.muli %add3A_721, %mul3A_722 : i32
        %add3A_724 = arith.addi %mul3A_4, %mul3A_723 : i32
        %dma_start3A_725 = arith.constant 0 : i32
        %dma_start3A_726 = tpu.memref_slice %arg5[%add3A_724, %dma_start3A_725] : memref<320000x128xf32, #tpu.memory_space<hbm>> -> memref<80x128xf32, #tpu.memory_space<hbm>>
        %dma_start3A_727 = arith.constant 0 : i32
        %dma_start3A_728 = tpu.memref_slice %arg5[%add3A_724, %dma_start3A_727] : memref<320000x128xf32, #tpu.memory_space<hbm>> -> memref<80x128xf32, #tpu.memory_space<hbm>>
        tpu.enqueue_dma source(%dma_start3A_728 : memref<80x128xf32, #tpu.memory_space<hbm>>) target(%arg13 : memref<80x128xf32, #tpu.memory_space<vmem>>) target_semaphore(%arg18 : memref<!tpu.dma_semaphore, #tpu.memory_space<semaphore_mem>>)
        %jit3A_729 = arith.constant 25 : i32
        %div3A_730 = arith.divsi %add3A_721, %jit3A_729 : i32
        %sign3A_731 = arith.constant 0 : i32
        %sign3A_732 = arith.cmpi sgt, %add3A_721, %sign3A_731 : i32
        %sign3A_733 = arith.extui %sign3A_732 : i1 to i32
        %sign3A_734 = arith.constant 0 : i32
        %sign3A_735 = arith.cmpi slt, %add3A_721, %sign3A_734 : i32
        %sign3A_736 = arith.extui %sign3A_735 : i1 to i32
        %sign3A_737 = arith.subi %sign3A_733, %sign3A_736 : i32
        %sign3A_738 = arith.constant 0 : i32
        %sign3A_739 = arith.cmpi sgt, %jit3A_729, %sign3A_738 : i32
        %sign3A_740 = arith.extui %sign3A_739 : i1 to i32
        %sign3A_741 = arith.constant 0 : i32
        %sign3A_742 = arith.cmpi slt, %jit3A_729, %sign3A_741 : i32
        %sign3A_743 = arith.extui %sign3A_742 : i1 to i32
        %sign3A_744 = arith.subi %sign3A_740, %sign3A_743 : i32
        %ne3A_745 = arith.cmpi ne, %sign3A_737, %sign3A_744 : i32
        %rem3A_746 = arith.remsi %add3A_721, %jit3A_729 : i32
        %ne3A_747 = arith.constant 0 : i32
        %ne3A_748 = arith.cmpi ne, %rem3A_746, %ne3A_747 : i32
        %and3A_749 = arith.andi %ne3A_745, %ne3A_748 : i1
        %sub3A_750 = arith.constant 1 : i32
        %sub3A_751 = arith.subi %div3A_730, %sub3A_750 : i32
        %select_n3A_752 = arith.select %and3A_749, %sub3A_751, %div3A_730 : i32
        %jit3A_753 = arith.constant 2 : i32
        %eq3A_754 = arith.constant 0 : i32
        %eq3A_755 = arith.cmpi eq, %jit3A_753, %eq3A_754 : i32
        %jit3A_756 = arith.constant 1 : i32
        %select_n3A_757 = arith.select %eq3A_755, %jit3A_756, %jit3A_753 : i32
        %rem3A_758 = arith.remsi %select_n3A_752, %select_n3A_757 : i32
        %ne3A_759 = arith.constant 0 : i32
        %ne3A_760 = arith.cmpi ne, %rem3A_758, %ne3A_759 : i32
        %lt3A_761 = arith.constant 0 : i32
        %lt3A_762 = arith.cmpi slt, %rem3A_758, %lt3A_761 : i32
        %lt3A_763 = arith.constant 0 : i32
        %lt3A_764 = arith.cmpi slt, %select_n3A_757, %lt3A_763 : i32
        %ne3A_765 = arith.xori %lt3A_762, %lt3A_764 : i1
        %and3A_766 = arith.andi %ne3A_765, %ne3A_760 : i1
        %add3A_767 = arith.addi %rem3A_758, %select_n3A_757 : i32
        %select_n3A_768 = arith.select %and3A_766, %add3A_767, %rem3A_758 : i32
        %mul3A_769 = arith.constant 2000 : i32
        %mul3A_770 = arith.muli %select_n3A_768, %mul3A_769 : i32
        %jit3A_771 = arith.constant 25 : i32
        %eq3A_772 = arith.constant 0 : i32
        %eq3A_773 = arith.cmpi eq, %jit3A_771, %eq3A_772 : i32
        %jit3A_774 = arith.constant 1 : i32
        %select_n3A_775 = arith.select %eq3A_773, %jit3A_774, %jit3A_771 : i32
        %rem3A_776 = arith.remsi %add3A_721, %select_n3A_775 : i32
        %ne3A_777 = arith.constant 0 : i32
        %ne3A_778 = arith.cmpi ne, %rem3A_776, %ne3A_777 : i32
        %lt3A_779 = arith.constant 0 : i32
        %lt3A_780 = arith.cmpi slt, %rem3A_776, %lt3A_779 : i32
        %lt3A_781 = arith.constant 0 : i32
        %lt3A_782 = arith.cmpi slt, %select_n3A_775, %lt3A_781 : i32
        %ne3A_783 = arith.xori %lt3A_780, %lt3A_782 : i1
        %and3A_784 = arith.andi %ne3A_783, %ne3A_778 : i1
        %add3A_785 = arith.addi %rem3A_776, %select_n3A_775 : i32
        %select_n3A_786 = arith.select %and3A_784, %add3A_785, %rem3A_776 : i32
        %mul3A_787 = arith.constant 80 : i32
        %mul3A_788 = arith.muli %select_n3A_786, %mul3A_787 : i32
        %add3A_789 = arith.addi %mul3A_770, %mul3A_788 : i32
        %add3A_790 = arith.constant 0 : i32
        %add3A_791 = arith.addi %add3A_789, %add3A_790 : i32
        %get3A_792 = arith.index_cast %add3A_791 : i32 to index
        %get3A_793 = tpu.vector_load %arg8[%get3A_792] {strides = array<i32>} : memref<4000xi32, #tpu.memory_space<vmem>>, vector<16xi32>,
        %get3A_794 = vector.shape_cast %get3A_793 : vector<16xi32> to vector<16xi32>
        %swap3A_795 = arith.constant 0 : index
        %swap3A_796 = tpu.vector_load %arg10[%swap3A_795] {strides = array<i32>} : memref<80xi32, #tpu.memory_space<vmem>>, vector<16xi32>,
        %swap3A_797 = vector.shape_cast %swap3A_796 : vector<16xi32> to vector<16xi32>
        %swap3A_798 = vector.shape_cast %get3A_794 : vector<16xi32> to vector<16xi32>
        tpu.vector_store %arg10[%swap3A_795], %swap3A_798 {strides = array<i32>} : memref<80xi32, #tpu.memory_space<vmem>>, vector<16xi32>,
        %add3A_799 = arith.constant 16 : i32
        %add3A_800 = arith.addi %add3A_789, %add3A_799 : i32
        %get3A_801 = arith.index_cast %add3A_800 : i32 to index
        %get3A_802 = tpu.vector_load %arg8[%get3A_801] {strides = array<i32>} : memref<4000xi32, #tpu.memory_space<vmem>>, vector<16xi32>,
        %get3A_803 = vector.shape_cast %get3A_802 : vector<16xi32> to vector<16xi32>
        %swap3A_804 = arith.constant 16 : index
        %swap3A_805 = tpu.vector_load %arg10[%swap3A_804] {strides = array<i32>} : memref<80xi32, #tpu.memory_space<vmem>>, vector<16xi32>,
        %swap3A_806 = vector.shape_cast %swap3A_805 : vector<16xi32> to vector<16xi32>
        %swap3A_807 = vector.shape_cast %get3A_803 : vector<16xi32> to vector<16xi32>
        tpu.vector_store %arg10[%swap3A_804], %swap3A_807 {strides = array<i32>} : memref<80xi32, #tpu.memory_space<vmem>>, vector<16xi32>,
        %add3A_808 = arith.constant 32 : i32
        %add3A_809 = arith.addi %add3A_789, %add3A_808 : i32
        %get3A_810 = arith.index_cast %add3A_809 : i32 to index
        %get3A_811 = tpu.vector_load %arg8[%get3A_810] {strides = array<i32>} : memref<4000xi32, #tpu.memory_space<vmem>>, vector<16xi32>,
        %get3A_812 = vector.shape_cast %get3A_811 : vector<16xi32> to vector<16xi32>
        %swap3A_813 = arith.constant 32 : index
        %swap3A_814 = tpu.vector_load %arg10[%swap3A_813] {strides = array<i32>} : memref<80xi32, #tpu.memory_space<vmem>>, vector<16xi32>,
        %swap3A_815 = vector.shape_cast %swap3A_814 : vector<16xi32> to vector<16xi32>
        %swap3A_816 = vector.shape_cast %get3A_812 : vector<16xi32> to vector<16xi32>
        tpu.vector_store %arg10[%swap3A_813], %swap3A_816 {strides = array<i32>} : memref<80xi32, #tpu.memory_space<vmem>>, vector<16xi32>,
        %add3A_817 = arith.constant 48 : i32
        %add3A_818 = arith.addi %add3A_789, %add3A_817 : i32
        %get3A_819 = arith.index_cast %add3A_818 : i32 to index
        %get3A_820 = tpu.vector_load %arg8[%get3A_819] {strides = array<i32>} : memref<4000xi32, #tpu.memory_space<vmem>>, vector<16xi32>,
        %get3A_821 = vector.shape_cast %get3A_820 : vector<16xi32> to vector<16xi32>
        %swap3A_822 = arith.constant 48 : index
        %swap3A_823 = tpu.vector_load %arg10[%swap3A_822] {strides = array<i32>} : memref<80xi32, #tpu.memory_space<vmem>>, vector<16xi32>,
        %swap3A_824 = vector.shape_cast %swap3A_823 : vector<16xi32> to vector<16xi32>
        %swap3A_825 = vector.shape_cast %get3A_821 : vector<16xi32> to vector<16xi32>
        tpu.vector_store %arg10[%swap3A_822], %swap3A_825 {strides = array<i32>} : memref<80xi32, #tpu.memory_space<vmem>>, vector<16xi32>,
        %add3A_826 = arith.constant 64 : i32
        %add3A_827 = arith.addi %add3A_789, %add3A_826 : i32
        %get3A_828 = arith.index_cast %add3A_827 : i32 to index
        %get3A_829 = tpu.vector_load %arg8[%get3A_828] {strides = array<i32>} : memref<4000xi32, #tpu.memory_space<vmem>>, vector<16xi32>,
        %get3A_830 = vector.shape_cast %get3A_829 : vector<16xi32> to vector<16xi32>
        %swap3A_831 = arith.constant 64 : index
        %swap3A_832 = tpu.vector_load %arg10[%swap3A_831] {strides = array<i32>} : memref<80xi32, #tpu.memory_space<vmem>>, vector<16xi32>,
        %swap3A_833 = vector.shape_cast %swap3A_832 : vector<16xi32> to vector<16xi32>
        %swap3A_834 = vector.shape_cast %get3A_830 : vector<16xi32> to vector<16xi32>
        tpu.vector_store %arg10[%swap3A_831], %swap3A_834 {strides = array<i32>} : memref<80xi32, #tpu.memory_space<vmem>>, vector<16xi32>,
        %dma_start3A_835 = arith.constant 0 : i32
        %dma_start3A_836 = arith.constant 0 : i32
        %dma_start3A_837 = tpu.memref_slice %arg2[%dma_start3A_835, %dma_start3A_836] : memref<10000x128xf32, #tpu.memory_space<hbm>> -> memref<10000x128xf32, #tpu.memory_space<hbm>>
        tpu.enqueue_indirect_dma source(%dma_start3A_837 : memref<10000x128xf32, #tpu.memory_space<hbm>>) target(%arg15 : memref<80x128xf32, #tpu.memory_space<vmem>>) offsets(%arg10 : memref<80xi32, #tpu.memory_space<vmem>>) semaphore(%arg18 : memref<!tpu.dma_semaphore, #tpu.memory_space<semaphore_mem>>)
      } else {
      }
      %dma_wait3A_591 = arith.constant 0 : i32
      %dma_wait3A_592 = arith.constant 0 : i32
      %dma_wait3A_593 = tpu.memref_slice %arg5[%dma_wait3A_591, %dma_wait3A_592] : memref<320000x128xf32, #tpu.memory_space<hbm>> -> memref<80x128xf32, #tpu.memory_space<hbm>>
      %dma_wait3A_594 = arith.constant 0 : i32
      %dma_wait3A_595 = arith.constant 0 : i32
      %dma_wait3A_596 = tpu.memref_slice %arg5[%dma_wait3A_594, %dma_wait3A_595] : memref<320000x128xf32, #tpu.memory_space<hbm>> -> memref<80x128xf32, #tpu.memory_space<hbm>>
      tpu.wait_dma2 semaphore(%arg19 : memref<!tpu.dma_semaphore, #tpu.memory_space<semaphore_mem>>) src(%dma_wait3A_596 : memref<80x128xf32, #tpu.memory_space<hbm>>) dst(%arg14 : memref<80x128xf32, #tpu.memory_space<vmem>>)
      %dma_wait3A_597 = arith.constant 0 : i32
      %dma_wait3A_598 = arith.constant 0 : i32
      %dma_wait3A_599 = tpu.memref_slice %arg2[%dma_wait3A_597, %dma_wait3A_598] : memref<10000x128xf32, #tpu.memory_space<hbm>> -> memref<80x128xf32, #tpu.memory_space<hbm>>
      %dma_wait3A_600 = arith.constant 0 : i32
      %dma_wait3A_601 = arith.constant 0 : i32
      %dma_wait3A_602 = tpu.memref_slice %arg2[%dma_wait3A_600, %dma_wait3A_601] : memref<10000x128xf32, #tpu.memory_space<hbm>> -> memref<80x128xf32, #tpu.memory_space<hbm>>
      tpu.wait_dma2 semaphore(%arg19 : memref<!tpu.dma_semaphore, #tpu.memory_space<semaphore_mem>>) src(%dma_wait3A_602 : memref<80x128xf32, #tpu.memory_space<hbm>>) dst(%arg16 : memref<80x128xf32, #tpu.memory_space<vmem>>)
      %while3A_603 = arith.constant 0 : i32
      %while3A_604 = arith.constant 0 : i32
      %while3A_605 = arith.constant 80 : i32
      %while3A_606 = arith.subi %while3A_605, %while3A_604 : i32
      %while3A_607 = arith.addi %while3A_604, %while3A_606 : i32
      %while3A_608 = arith.constant 1 : i32
      %while3A_609 = arith.divsi %while3A_606, %while3A_608 : i32
      %while3A_610 = arith.muli %while3A_609, %while3A_608 : i32
      %while3A_611 = arith.addi %while3A_604, %while3A_610 : i32
      %while3A_612 = arith.constant 1 : i32
      scf.for %while3A_720 = %while3A_604 to %while3A_611 step %while3A_612  : i32 {
        %get3A_721 = arith.index_cast %while3A_720 : i32 to index
        %get3A_722 = arith.constant 0 : index
        %get3A_723 = tpu.vector_load %arg16[%get3A_721, %get3A_722] {strides = array<i32>} : memref<80x128xf32, #tpu.memory_space<vmem>>, vector<1x16xf32>,
        %get3A_724 = vector.shape_cast %get3A_723 : vector<1x16xf32> to vector<16xf32>
        %get3A_725 = arith.index_cast %while3A_720 : i32 to index
        %get3A_726 = arith.constant 0 : index
        %get3A_727 = tpu.vector_load %arg14[%get3A_725, %get3A_726] {strides = array<i32>} : memref<80x128xf32, #tpu.memory_space<vmem>>, vector<1x16xf32>,
        %get3A_728 = vector.shape_cast %get3A_727 : vector<1x16xf32> to vector<16xf32>
        %add3A_729 = arith.addf %get3A_724, %get3A_728 : vector<16xf32>
        %max3A = arith.constant 0.000000e+00 : f32
        %max3A_730 = vector.broadcast %max3A : f32 to vector<16xf32>
        %max3A_731 = arith.maximumf %add3A_729, %max3A_730 : vector<16xf32>
        %swap3A_732 = arith.index_cast %while3A_720 : i32 to index
        %swap3A_733 = arith.constant 0 : index
        %swap3A_734 = tpu.vector_load %arg16[%swap3A_732, %swap3A_733] {strides = array<i32>} : memref<80x128xf32, #tpu.memory_space<vmem>>, vector<1x16xf32>,
        %swap3A_735 = vector.shape_cast %swap3A_734 : vector<1x16xf32> to vector<16xf32>
        %swap3A_736 = vector.shape_cast %max3A_731 : vector<16xf32> to vector<1x16xf32>
        tpu.vector_store %arg16[%swap3A_732, %swap3A_733], %swap3A_736 {strides = array<i32>} : memref<80x128xf32, #tpu.memory_space<vmem>>, vector<1x16xf32>,
        %get3A_737 = arith.index_cast %while3A_720 : i32 to index
        %get3A_738 = arith.constant 16 : index
        %get3A_739 = tpu.vector_load %arg16[%get3A_737, %get3A_738] {strides = array<i32>} : memref<80x128xf32, #tpu.memory_space<vmem>>, vector<1x16xf32>,
        %get3A_740 = vector.shape_cast %get3A_739 : vector<1x16xf32> to vector<16xf32>
        %get3A_741 = arith.index_cast %while3A_720 : i32 to index
        %get3A_742 = arith.constant 16 : index
        %get3A_743 = tpu.vector_load %arg14[%get3A_741, %get3A_742] {strides = array<i32>} : memref<80x128xf32, #tpu.memory_space<vmem>>, vector<1x16xf32>,
        %get3A_744 = vector.shape_cast %get3A_743 : vector<1x16xf32> to vector<16xf32>
        %add3A_745 = arith.addf %get3A_740, %get3A_744 : vector<16xf32>
        %max3A_746 = arith.constant 0.000000e+00 : f32
        %max3A_747 = vector.broadcast %max3A_746 : f32 to vector<16xf32>
        %max3A_748 = arith.maximumf %add3A_745, %max3A_747 : vector<16xf32>
        %swap3A_749 = arith.index_cast %while3A_720 : i32 to index
        %swap3A_750 = arith.constant 16 : index
        %swap3A_751 = tpu.vector_load %arg16[%swap3A_749, %swap3A_750] {strides = array<i32>} : memref<80x128xf32, #tpu.memory_space<vmem>>, vector<1x16xf32>,
        %swap3A_752 = vector.shape_cast %swap3A_751 : vector<1x16xf32> to vector<16xf32>
        %swap3A_753 = vector.shape_cast %max3A_748 : vector<16xf32> to vector<1x16xf32>
        tpu.vector_store %arg16[%swap3A_749, %swap3A_750], %swap3A_753 {strides = array<i32>} : memref<80x128xf32, #tpu.memory_space<vmem>>, vector<1x16xf32>,
        %get3A_754 = arith.index_cast %while3A_720 : i32 to index
        %get3A_755 = arith.constant 32 : index
        %get3A_756 = tpu.vector_load %arg16[%get3A_754, %get3A_755] {strides = array<i32>} : memref<80x128xf32, #tpu.memory_space<vmem>>, vector<1x16xf32>,
        %get3A_757 = vector.shape_cast %get3A_756 : vector<1x16xf32> to vector<16xf32>
        %get3A_758 = arith.index_cast %while3A_720 : i32 to index
        %get3A_759 = arith.constant 32 : index
        %get3A_760 = tpu.vector_load %arg14[%get3A_758, %get3A_759] {strides = array<i32>} : memref<80x128xf32, #tpu.memory_space<vmem>>, vector<1x16xf32>,
        %get3A_761 = vector.shape_cast %get3A_760 : vector<1x16xf32> to vector<16xf32>
        %add3A_762 = arith.addf %get3A_757, %get3A_761 : vector<16xf32>
        %max3A_763 = arith.constant 0.000000e+00 : f32
        %max3A_764 = vector.broadcast %max3A_763 : f32 to vector<16xf32>
        %max3A_765 = arith.maximumf %add3A_762, %max3A_764 : vector<16xf32>
        %swap3A_766 = arith.index_cast %while3A_720 : i32 to index
        %swap3A_767 = arith.constant 32 : index
        %swap3A_768 = tpu.vector_load %arg16[%swap3A_766, %swap3A_767] {strides = array<i32>} : memref<80x128xf32, #tpu.memory_space<vmem>>, vector<1x16xf32>,
        %swap3A_769 = vector.shape_cast %swap3A_768 : vector<1x16xf32> to vector<16xf32>
        %swap3A_770 = vector.shape_cast %max3A_765 : vector<16xf32> to vector<1x16xf32>
        tpu.vector_store %arg16[%swap3A_766, %swap3A_767], %swap3A_770 {strides = array<i32>} : memref<80x128xf32, #tpu.memory_space<vmem>>, vector<1x16xf32>,
        %get3A_771 = arith.index_cast %while3A_720 : i32 to index
        %get3A_772 = arith.constant 48 : index
        %get3A_773 = tpu.vector_load %arg16[%get3A_771, %get3A_772] {strides = array<i32>} : memref<80x128xf32, #tpu.memory_space<vmem>>, vector<1x16xf32>,
        %get3A_774 = vector.shape_cast %get3A_773 : vector<1x16xf32> to vector<16xf32>
        %get3A_775 = arith.index_cast %while3A_720 : i32 to index
        %get3A_776 = arith.constant 48 : index
        %get3A_777 = tpu.vector_load %arg14[%get3A_775, %get3A_776] {strides = array<i32>} : memref<80x128xf32, #tpu.memory_space<vmem>>, vector<1x16xf32>,
        %get3A_778 = vector.shape_cast %get3A_777 : vector<1x16xf32> to vector<16xf32>
        %add3A_779 = arith.addf %get3A_774, %get3A_778 : vector<16xf32>
        %max3A_780 = arith.constant 0.000000e+00 : f32
        %max3A_781 = vector.broadcast %max3A_780 : f32 to vector<16xf32>
        %max3A_782 = arith.maximumf %add3A_779, %max3A_781 : vector<16xf32>
        %swap3A_783 = arith.index_cast %while3A_720 : i32 to index
        %swap3A_784 = arith.constant 48 : index
        %swap3A_785 = tpu.vector_load %arg16[%swap3A_783, %swap3A_784] {strides = array<i32>} : memref<80x128xf32, #tpu.memory_space<vmem>>, vector<1x16xf32>,
        %swap3A_786 = vector.shape_cast %swap3A_785 : vector<1x16xf32> to vector<16xf32>
        %swap3A_787 = vector.shape_cast %max3A_782 : vector<16xf32> to vector<1x16xf32>
        tpu.vector_store %arg16[%swap3A_783, %swap3A_784], %swap3A_787 {strides = array<i32>} : memref<80x128xf32, #tpu.memory_space<vmem>>, vector<1x16xf32>,
        %get3A_788 = arith.index_cast %while3A_720 : i32 to index
        %get3A_789 = arith.constant 64 : index
        %get3A_790 = tpu.vector_load %arg16[%get3A_788, %get3A_789] {strides = array<i32>} : memref<80x128xf32, #tpu.memory_space<vmem>>, vector<1x16xf32>,
        %get3A_791 = vector.shape_cast %get3A_790 : vector<1x16xf32> to vector<16xf32>
        %get3A_792 = arith.index_cast %while3A_720 : i32 to index
        %get3A_793 = arith.constant 64 : index
        %get3A_794 = tpu.vector_load %arg14[%get3A_792, %get3A_793] {strides = array<i32>} : memref<80x128xf32, #tpu.memory_space<vmem>>, vector<1x16xf32>,
        %get3A_795 = vector.shape_cast %get3A_794 : vector<1x16xf32> to vector<16xf32>
        %add3A_796 = arith.addf %get3A_791, %get3A_795 : vector<16xf32>
        %max3A_797 = arith.constant 0.000000e+00 : f32
        %max3A_798 = vector.broadcast %max3A_797 : f32 to vector<16xf32>
        %max3A_799 = arith.maximumf %add3A_796, %max3A_798 : vector<16xf32>
        %swap3A_800 = arith.index_cast %while3A_720 : i32 to index
        %swap3A_801 = arith.constant 64 : index
        %swap3A_802 = tpu.vector_load %arg16[%swap3A_800, %swap3A_801] {strides = array<i32>} : memref<80x128xf32, #tpu.memory_space<vmem>>, vector<1x16xf32>,
        %swap3A_803 = vector.shape_cast %swap3A_802 : vector<1x16xf32> to vector<16xf32>
        %swap3A_804 = vector.shape_cast %max3A_799 : vector<16xf32> to vector<1x16xf32>
        tpu.vector_store %arg16[%swap3A_800, %swap3A_801], %swap3A_804 {strides = array<i32>} : memref<80x128xf32, #tpu.memory_space<vmem>>, vector<1x16xf32>,
        %get3A_805 = arith.index_cast %while3A_720 : i32 to index
        %get3A_806 = arith.constant 80 : index
        %get3A_807 = tpu.vector_load %arg16[%get3A_805, %get3A_806] {strides = array<i32>} : memref<80x128xf32, #tpu.memory_space<vmem>>, vector<1x16xf32>,
        %get3A_808 = vector.shape_cast %get3A_807 : vector<1x16xf32> to vector<16xf32>
        %get3A_809 = arith.index_cast %while3A_720 : i32 to index
        %get3A_810 = arith.constant 80 : index
        %get3A_811 = tpu.vector_load %arg14[%get3A_809, %get3A_810] {strides = array<i32>} : memref<80x128xf32, #tpu.memory_space<vmem>>, vector<1x16xf32>,
        %get3A_812 = vector.shape_cast %get3A_811 : vector<1x16xf32> to vector<16xf32>
        %add3A_813 = arith.addf %get3A_808, %get3A_812 : vector<16xf32>
        %max3A_814 = arith.constant 0.000000e+00 : f32
        %max3A_815 = vector.broadcast %max3A_814 : f32 to vector<16xf32>
        %max3A_816 = arith.maximumf %add3A_813, %max3A_815 : vector<16xf32>
        %swap3A_817 = arith.index_cast %while3A_720 : i32 to index
        %swap3A_818 = arith.constant 80 : index
        %swap3A_819 = tpu.vector_load %arg16[%swap3A_817, %swap3A_818] {strides = array<i32>} : memref<80x128xf32, #tpu.memory_space<vmem>>, vector<1x16xf32>,
        %swap3A_820 = vector.shape_cast %swap3A_819 : vector<1x16xf32> to vector<16xf32>
        %swap3A_821 = vector.shape_cast %max3A_816 : vector<16xf32> to vector<1x16xf32>
        tpu.vector_store %arg16[%swap3A_817, %swap3A_818], %swap3A_821 {strides = array<i32>} : memref<80x128xf32, #tpu.memory_space<vmem>>, vector<1x16xf32>,
        %get3A_822 = arith.index_cast %while3A_720 : i32 to index
        %get3A_823 = arith.constant 96 : index
        %get3A_824 = tpu.vector_load %arg16[%get3A_822, %get3A_823] {strides = array<i32>} : memref<80x128xf32, #tpu.memory_space<vmem>>, vector<1x16xf32>,
        %get3A_825 = vector.shape_cast %get3A_824 : vector<1x16xf32> to vector<16xf32>
        %get3A_826 = arith.index_cast %while3A_720 : i32 to index
        %get3A_827 = arith.constant 96 : index
        %get3A_828 = tpu.vector_load %arg14[%get3A_826, %get3A_827] {strides = array<i32>} : memref<80x128xf32, #tpu.memory_space<vmem>>, vector<1x16xf32>,
        %get3A_829 = vector.shape_cast %get3A_828 : vector<1x16xf32> to vector<16xf32>
        %add3A_830 = arith.addf %get3A_825, %get3A_829 : vector<16xf32>
        %max3A_831 = arith.constant 0.000000e+00 : f32
        %max3A_832 = vector.broadcast %max3A_831 : f32 to vector<16xf32>
        %max3A_833 = arith.maximumf %add3A_830, %max3A_832 : vector<16xf32>
        %swap3A_834 = arith.index_cast %while3A_720 : i32 to index
        %swap3A_835 = arith.constant 96 : index
        %swap3A_836 = tpu.vector_load %arg16[%swap3A_834, %swap3A_835] {strides = array<i32>} : memref<80x128xf32, #tpu.memory_space<vmem>>, vector<1x16xf32>,
        %swap3A_837 = vector.shape_cast %swap3A_836 : vector<1x16xf32> to vector<16xf32>
        %swap3A_838 = vector.shape_cast %max3A_833 : vector<16xf32> to vector<1x16xf32>
        tpu.vector_store %arg16[%swap3A_834, %swap3A_835], %swap3A_838 {strides = array<i32>} : memref<80x128xf32, #tpu.memory_space<vmem>>, vector<1x16xf32>,
        %get3A_839 = arith.index_cast %while3A_720 : i32 to index
        %get3A_840 = arith.constant 112 : index
        %get3A_841 = tpu.vector_load %arg16[%get3A_839, %get3A_840] {strides = array<i32>} : memref<80x128xf32, #tpu.memory_space<vmem>>, vector<1x16xf32>,
        %get3A_842 = vector.shape_cast %get3A_841 : vector<1x16xf32> to vector<16xf32>
        %get3A_843 = arith.index_cast %while3A_720 : i32 to index
        %get3A_844 = arith.constant 112 : index
        %get3A_845 = tpu.vector_load %arg14[%get3A_843, %get3A_844] {strides = array<i32>} : memref<80x128xf32, #tpu.memory_space<vmem>>, vector<1x16xf32>,
        %get3A_846 = vector.shape_cast %get3A_845 : vector<1x16xf32> to vector<16xf32>
        %add3A_847 = arith.addf %get3A_842, %get3A_846 : vector<16xf32>
        %max3A_848 = arith.constant 0.000000e+00 : f32
        %max3A_849 = vector.broadcast %max3A_848 : f32 to vector<16xf32>
        %max3A_850 = arith.maximumf %add3A_847, %max3A_849 : vector<16xf32>
        %swap3A_851 = arith.index_cast %while3A_720 : i32 to index
        %swap3A_852 = arith.constant 112 : index
        %swap3A_853 = tpu.vector_load %arg16[%swap3A_851, %swap3A_852] {strides = array<i32>} : memref<80x128xf32, #tpu.memory_space<vmem>>, vector<1x16xf32>,
        %swap3A_854 = vector.shape_cast %swap3A_853 : vector<1x16xf32> to vector<16xf32>
        %swap3A_855 = vector.shape_cast %max3A_850 : vector<16xf32> to vector<1x16xf32>
        tpu.vector_store %arg16[%swap3A_851, %swap3A_852], %swap3A_855 {strides = array<i32>} : memref<80x128xf32, #tpu.memory_space<vmem>>, vector<1x16xf32>,
      }
      %while3A_613 = arith.constant 1 : i32
      scf.for %while3A_720 = %while3A_611 to %while3A_607 step %while3A_613  : i32 {
        %get3A_721 = arith.index_cast %while3A_720 : i32 to index
        %get3A_722 = arith.constant 0 : index
        %get3A_723 = tpu.vector_load %arg16[%get3A_721, %get3A_722] {strides = array<i32>} : memref<80x128xf32, #tpu.memory_space<vmem>>, vector<1x16xf32>,
        %get3A_724 = vector.shape_cast %get3A_723 : vector<1x16xf32> to vector<16xf32>
        %get3A_725 = arith.index_cast %while3A_720 : i32 to index
        %get3A_726 = arith.constant 0 : index
        %get3A_727 = tpu.vector_load %arg14[%get3A_725, %get3A_726] {strides = array<i32>} : memref<80x128xf32, #tpu.memory_space<vmem>>, vector<1x16xf32>,
        %get3A_728 = vector.shape_cast %get3A_727 : vector<1x16xf32> to vector<16xf32>
        %add3A_729 = arith.addf %get3A_724, %get3A_728 : vector<16xf32>
        %max3A = arith.constant 0.000000e+00 : f32
        %max3A_730 = vector.broadcast %max3A : f32 to vector<16xf32>
        %max3A_731 = arith.maximumf %add3A_729, %max3A_730 : vector<16xf32>
        %swap3A_732 = arith.index_cast %while3A_720 : i32 to index
        %swap3A_733 = arith.constant 0 : index
        %swap3A_734 = tpu.vector_load %arg16[%swap3A_732, %swap3A_733] {strides = array<i32>} : memref<80x128xf32, #tpu.memory_space<vmem>>, vector<1x16xf32>,
        %swap3A_735 = vector.shape_cast %swap3A_734 : vector<1x16xf32> to vector<16xf32>
        %swap3A_736 = vector.shape_cast %max3A_731 : vector<16xf32> to vector<1x16xf32>
        tpu.vector_store %arg16[%swap3A_732, %swap3A_733], %swap3A_736 {strides = array<i32>} : memref<80x128xf32, #tpu.memory_space<vmem>>, vector<1x16xf32>,
        %get3A_737 = arith.index_cast %while3A_720 : i32 to index
        %get3A_738 = arith.constant 16 : index
        %get3A_739 = tpu.vector_load %arg16[%get3A_737, %get3A_738] {strides = array<i32>} : memref<80x128xf32, #tpu.memory_space<vmem>>, vector<1x16xf32>,
        %get3A_740 = vector.shape_cast %get3A_739 : vector<1x16xf32> to vector<16xf32>
        %get3A_741 = arith.index_cast %while3A_720 : i32 to index
        %get3A_742 = arith.constant 16 : index
        %get3A_743 = tpu.vector_load %arg14[%get3A_741, %get3A_742] {strides = array<i32>} : memref<80x128xf32, #tpu.memory_space<vmem>>, vector<1x16xf32>,
        %get3A_744 = vector.shape_cast %get3A_743 : vector<1x16xf32> to vector<16xf32>
        %add3A_745 = arith.addf %get3A_740, %get3A_744 : vector<16xf32>
        %max3A_746 = arith.constant 0.000000e+00 : f32
        %max3A_747 = vector.broadcast %max3A_746 : f32 to vector<16xf32>
        %max3A_748 = arith.maximumf %add3A_745, %max3A_747 : vector<16xf32>
        %swap3A_749 = arith.index_cast %while3A_720 : i32 to index
        %swap3A_750 = arith.constant 16 : index
        %swap3A_751 = tpu.vector_load %arg16[%swap3A_749, %swap3A_750] {strides = array<i32>} : memref<80x128xf32, #tpu.memory_space<vmem>>, vector<1x16xf32>,
        %swap3A_752 = vector.shape_cast %swap3A_751 : vector<1x16xf32> to vector<16xf32>
        %swap3A_753 = vector.shape_cast %max3A_748 : vector<16xf32> to vector<1x16xf32>
        tpu.vector_store %arg16[%swap3A_749, %swap3A_750], %swap3A_753 {strides = array<i32>} : memref<80x128xf32, #tpu.memory_space<vmem>>, vector<1x16xf32>,
        %get3A_754 = arith.index_cast %while3A_720 : i32 to index
        %get3A_755 = arith.constant 32 : index
        %get3A_756 = tpu.vector_load %arg16[%get3A_754, %get3A_755] {strides = array<i32>} : memref<80x128xf32, #tpu.memory_space<vmem>>, vector<1x16xf32>,
        %get3A_757 = vector.shape_cast %get3A_756 : vector<1x16xf32> to vector<16xf32>
        %get3A_758 = arith.index_cast %while3A_720 : i32 to index
        %get3A_759 = arith.constant 32 : index
        %get3A_760 = tpu.vector_load %arg14[%get3A_758, %get3A_759] {strides = array<i32>} : memref<80x128xf32, #tpu.memory_space<vmem>>, vector<1x16xf32>,
        %get3A_761 = vector.shape_cast %get3A_760 : vector<1x16xf32> to vector<16xf32>
        %add3A_762 = arith.addf %get3A_757, %get3A_761 : vector<16xf32>
        %max3A_763 = arith.constant 0.000000e+00 : f32
        %max3A_764 = vector.broadcast %max3A_763 : f32 to vector<16xf32>
        %max3A_765 = arith.maximumf %add3A_762, %max3A_764 : vector<16xf32>
        %swap3A_766 = arith.index_cast %while3A_720 : i32 to index
        %swap3A_767 = arith.constant 32 : index
        %swap3A_768 = tpu.vector_load %arg16[%swap3A_766, %swap3A_767] {strides = array<i32>} : memref<80x128xf32, #tpu.memory_space<vmem>>, vector<1x16xf32>,
        %swap3A_769 = vector.shape_cast %swap3A_768 : vector<1x16xf32> to vector<16xf32>
        %swap3A_770 = vector.shape_cast %max3A_765 : vector<16xf32> to vector<1x16xf32>
        tpu.vector_store %arg16[%swap3A_766, %swap3A_767], %swap3A_770 {strides = array<i32>} : memref<80x128xf32, #tpu.memory_space<vmem>>, vector<1x16xf32>,
        %get3A_771 = arith.index_cast %while3A_720 : i32 to index
        %get3A_772 = arith.constant 48 : index
        %get3A_773 = tpu.vector_load %arg16[%get3A_771, %get3A_772] {strides = array<i32>} : memref<80x128xf32, #tpu.memory_space<vmem>>, vector<1x16xf32>,
        %get3A_774 = vector.shape_cast %get3A_773 : vector<1x16xf32> to vector<16xf32>
        %get3A_775 = arith.index_cast %while3A_720 : i32 to index
        %get3A_776 = arith.constant 48 : index
        %get3A_777 = tpu.vector_load %arg14[%get3A_775, %get3A_776] {strides = array<i32>} : memref<80x128xf32, #tpu.memory_space<vmem>>, vector<1x16xf32>,
        %get3A_778 = vector.shape_cast %get3A_777 : vector<1x16xf32> to vector<16xf32>
        %add3A_779 = arith.addf %get3A_774, %get3A_778 : vector<16xf32>
        %max3A_780 = arith.constant 0.000000e+00 : f32
        %max3A_781 = vector.broadcast %max3A_780 : f32 to vector<16xf32>
        %max3A_782 = arith.maximumf %add3A_779, %max3A_781 : vector<16xf32>
        %swap3A_783 = arith.index_cast %while3A_720 : i32 to index
        %swap3A_784 = arith.constant 48 : index
        %swap3A_785 = tpu.vector_load %arg16[%swap3A_783, %swap3A_784] {strides = array<i32>} : memref<80x128xf32, #tpu.memory_space<vmem>>, vector<1x16xf32>,
        %swap3A_786 = vector.shape_cast %swap3A_785 : vector<1x16xf32> to vector<16xf32>
        %swap3A_787 = vector.shape_cast %max3A_782 : vector<16xf32> to vector<1x16xf32>
        tpu.vector_store %arg16[%swap3A_783, %swap3A_784], %swap3A_787 {strides = array<i32>} : memref<80x128xf32, #tpu.memory_space<vmem>>, vector<1x16xf32>,
        %get3A_788 = arith.index_cast %while3A_720 : i32 to index
        %get3A_789 = arith.constant 64 : index
        %get3A_790 = tpu.vector_load %arg16[%get3A_788, %get3A_789] {strides = array<i32>} : memref<80x128xf32, #tpu.memory_space<vmem>>, vector<1x16xf32>,
        %get3A_791 = vector.shape_cast %get3A_790 : vector<1x16xf32> to vector<16xf32>
        %get3A_792 = arith.index_cast %while3A_720 : i32 to index
        %get3A_793 = arith.constant 64 : index
        %get3A_794 = tpu.vector_load %arg14[%get3A_792, %get3A_793] {strides = array<i32>} : memref<80x128xf32, #tpu.memory_space<vmem>>, vector<1x16xf32>,
        %get3A_795 = vector.shape_cast %get3A_794 : vector<1x16xf32> to vector<16xf32>
        %add3A_796 = arith.addf %get3A_791, %get3A_795 : vector<16xf32>
        %max3A_797 = arith.constant 0.000000e+00 : f32
        %max3A_798 = vector.broadcast %max3A_797 : f32 to vector<16xf32>
        %max3A_799 = arith.maximumf %add3A_796, %max3A_798 : vector<16xf32>
        %swap3A_800 = arith.index_cast %while3A_720 : i32 to index
        %swap3A_801 = arith.constant 64 : index
        %swap3A_802 = tpu.vector_load %arg16[%swap3A_800, %swap3A_801] {strides = array<i32>} : memref<80x128xf32, #tpu.memory_space<vmem>>, vector<1x16xf32>,
        %swap3A_803 = vector.shape_cast %swap3A_802 : vector<1x16xf32> to vector<16xf32>
        %swap3A_804 = vector.shape_cast %max3A_799 : vector<16xf32> to vector<1x16xf32>
        tpu.vector_store %arg16[%swap3A_800, %swap3A_801], %swap3A_804 {strides = array<i32>} : memref<80x128xf32, #tpu.memory_space<vmem>>, vector<1x16xf32>,
        %get3A_805 = arith.index_cast %while3A_720 : i32 to index
        %get3A_806 = arith.constant 80 : index
        %get3A_807 = tpu.vector_load %arg16[%get3A_805, %get3A_806] {strides = array<i32>} : memref<80x128xf32, #tpu.memory_space<vmem>>, vector<1x16xf32>,
        %get3A_808 = vector.shape_cast %get3A_807 : vector<1x16xf32> to vector<16xf32>
        %get3A_809 = arith.index_cast %while3A_720 : i32 to index
        %get3A_810 = arith.constant 80 : index
        %get3A_811 = tpu.vector_load %arg14[%get3A_809, %get3A_810] {strides = array<i32>} : memref<80x128xf32, #tpu.memory_space<vmem>>, vector<1x16xf32>,
        %get3A_812 = vector.shape_cast %get3A_811 : vector<1x16xf32> to vector<16xf32>
        %add3A_813 = arith.addf %get3A_808, %get3A_812 : vector<16xf32>
        %max3A_814 = arith.constant 0.000000e+00 : f32
        %max3A_815 = vector.broadcast %max3A_814 : f32 to vector<16xf32>
        %max3A_816 = arith.maximumf %add3A_813, %max3A_815 : vector<16xf32>
        %swap3A_817 = arith.index_cast %while3A_720 : i32 to index
        %swap3A_818 = arith.constant 80 : index
        %swap3A_819 = tpu.vector_load %arg16[%swap3A_817, %swap3A_818] {strides = array<i32>} : memref<80x128xf32, #tpu.memory_space<vmem>>, vector<1x16xf32>,
        %swap3A_820 = vector.shape_cast %swap3A_819 : vector<1x16xf32> to vector<16xf32>
        %swap3A_821 = vector.shape_cast %max3A_816 : vector<16xf32> to vector<1x16xf32>
        tpu.vector_store %arg16[%swap3A_817, %swap3A_818], %swap3A_821 {strides = array<i32>} : memref<80x128xf32, #tpu.memory_space<vmem>>, vector<1x16xf32>,
        %get3A_822 = arith.index_cast %while3A_720 : i32 to index
        %get3A_823 = arith.constant 96 : index
        %get3A_824 = tpu.vector_load %arg16[%get3A_822, %get3A_823] {strides = array<i32>} : memref<80x128xf32, #tpu.memory_space<vmem>>, vector<1x16xf32>,
        %get3A_825 = vector.shape_cast %get3A_824 : vector<1x16xf32> to vector<16xf32>
        %get3A_826 = arith.index_cast %while3A_720 : i32 to index
        %get3A_827 = arith.constant 96 : index
        %get3A_828 = tpu.vector_load %arg14[%get3A_826, %get3A_827] {strides = array<i32>} : memref<80x128xf32, #tpu.memory_space<vmem>>, vector<1x16xf32>,
        %get3A_829 = vector.shape_cast %get3A_828 : vector<1x16xf32> to vector<16xf32>
        %add3A_830 = arith.addf %get3A_825, %get3A_829 : vector<16xf32>
        %max3A_831 = arith.constant 0.000000e+00 : f32
        %max3A_832 = vector.broadcast %max3A_831 : f32 to vector<16xf32>
        %max3A_833 = arith.maximumf %add3A_830, %max3A_832 : vector<16xf32>
        %swap3A_834 = arith.index_cast %while3A_720 : i32 to index
        %swap3A_835 = arith.constant 96 : index
        %swap3A_836 = tpu.vector_load %arg16[%swap3A_834, %swap3A_835] {strides = array<i32>} : memref<80x128xf32, #tpu.memory_space<vmem>>, vector<1x16xf32>,
        %swap3A_837 = vector.shape_cast %swap3A_836 : vector<1x16xf32> to vector<16xf32>
        %swap3A_838 = vector.shape_cast %max3A_833 : vector<16xf32> to vector<1x16xf32>
        tpu.vector_store %arg16[%swap3A_834, %swap3A_835], %swap3A_838 {strides = array<i32>} : memref<80x128xf32, #tpu.memory_space<vmem>>, vector<1x16xf32>,
        %get3A_839 = arith.index_cast %while3A_720 : i32 to index
        %get3A_840 = arith.constant 112 : index
        %get3A_841 = tpu.vector_load %arg16[%get3A_839, %get3A_840] {strides = array<i32>} : memref<80x128xf32, #tpu.memory_space<vmem>>, vector<1x16xf32>,
        %get3A_842 = vector.shape_cast %get3A_841 : vector<1x16xf32> to vector<16xf32>
        %get3A_843 = arith.index_cast %while3A_720 : i32 to index
        %get3A_844 = arith.constant 112 : index
        %get3A_845 = tpu.vector_load %arg14[%get3A_843, %get3A_844] {strides = array<i32>} : memref<80x128xf32, #tpu.memory_space<vmem>>, vector<1x16xf32>,
        %get3A_846 = vector.shape_cast %get3A_845 : vector<1x16xf32> to vector<16xf32>
        %add3A_847 = arith.addf %get3A_842, %get3A_846 : vector<16xf32>
        %max3A_848 = arith.constant 0.000000e+00 : f32
        %max3A_849 = vector.broadcast %max3A_848 : f32 to vector<16xf32>
        %max3A_850 = arith.maximumf %add3A_847, %max3A_849 : vector<16xf32>
        %swap3A_851 = arith.index_cast %while3A_720 : i32 to index
        %swap3A_852 = arith.constant 112 : index
        %swap3A_853 = tpu.vector_load %arg16[%swap3A_851, %swap3A_852] {strides = array<i32>} : memref<80x128xf32, #tpu.memory_space<vmem>>, vector<1x16xf32>,
        %swap3A_854 = vector.shape_cast %swap3A_853 : vector<1x16xf32> to vector<16xf32>
        %swap3A_855 = vector.shape_cast %max3A_850 : vector<16xf32> to vector<1x16xf32>
        tpu.vector_store %arg16[%swap3A_851, %swap3A_852], %swap3A_855 {strides = array<i32>} : memref<80x128xf32, #tpu.memory_space<vmem>>, vector<1x16xf32>,
      }
      %jit3A_614 = arith.constant 25 : i32
      %div3A_615 = arith.divsi %add3A_540, %jit3A_614 : i32
      %sign3A_616 = arith.constant 0 : i32
      %sign3A_617 = arith.cmpi sgt, %add3A_540, %sign3A_616 : i32
      %sign3A_618 = arith.extui %sign3A_617 : i1 to i32
      %sign3A_619 = arith.constant 0 : i32
      %sign3A_620 = arith.cmpi slt, %add3A_540, %sign3A_619 : i32
      %sign3A_621 = arith.extui %sign3A_620 : i1 to i32
      %sign3A_622 = arith.subi %sign3A_618, %sign3A_621 : i32
      %sign3A_623 = arith.constant 0 : i32
      %sign3A_624 = arith.cmpi sgt, %jit3A_614, %sign3A_623 : i32
      %sign3A_625 = arith.extui %sign3A_624 : i1 to i32
      %sign3A_626 = arith.constant 0 : i32
      %sign3A_627 = arith.cmpi slt, %jit3A_614, %sign3A_626 : i32
      %sign3A_628 = arith.extui %sign3A_627 : i1 to i32
      %sign3A_629 = arith.subi %sign3A_625, %sign3A_628 : i32
      %ne3A_630 = arith.cmpi ne, %sign3A_622, %sign3A_629 : i32
      %rem3A_631 = arith.remsi %add3A_540, %jit3A_614 : i32
      %ne3A_632 = arith.constant 0 : i32
      %ne3A_633 = arith.cmpi ne, %rem3A_631, %ne3A_632 : i32
      %and3A_634 = arith.andi %ne3A_630, %ne3A_633 : i1
      %sub3A_635 = arith.constant 1 : i32
      %sub3A_636 = arith.subi %div3A_615, %sub3A_635 : i32
      %select_n3A_637 = arith.select %and3A_634, %sub3A_636, %div3A_615 : i32
      %jit3A_638 = arith.constant 2 : i32
      %eq3A_639 = arith.constant 0 : i32
      %eq3A_640 = arith.cmpi eq, %jit3A_638, %eq3A_639 : i32
      %jit3A_641 = arith.constant 1 : i32
      %select_n3A_642 = arith.select %eq3A_640, %jit3A_641, %jit3A_638 : i32
      %rem3A_643 = arith.remsi %select_n3A_637, %select_n3A_642 : i32
      %ne3A_644 = arith.constant 0 : i32
      %ne3A_645 = arith.cmpi ne, %rem3A_643, %ne3A_644 : i32
      %lt3A_646 = arith.constant 0 : i32
      %lt3A_647 = arith.cmpi slt, %rem3A_643, %lt3A_646 : i32
      %lt3A_648 = arith.constant 0 : i32
      %lt3A_649 = arith.cmpi slt, %select_n3A_642, %lt3A_648 : i32
      %ne3A_650 = arith.xori %lt3A_647, %lt3A_649 : i1
      %and3A_651 = arith.andi %ne3A_650, %ne3A_645 : i1
      %add3A_652 = arith.addi %rem3A_643, %select_n3A_642 : i32
      %select_n3A_653 = arith.select %and3A_651, %add3A_652, %rem3A_643 : i32
      %mul3A_654 = arith.constant 2000 : i32
      %mul3A_655 = arith.muli %select_n3A_653, %mul3A_654 : i32
      %jit3A_656 = arith.constant 25 : i32
      %eq3A_657 = arith.constant 0 : i32
      %eq3A_658 = arith.cmpi eq, %jit3A_656, %eq3A_657 : i32
      %jit3A_659 = arith.constant 1 : i32
      %select_n3A_660 = arith.select %eq3A_658, %jit3A_659, %jit3A_656 : i32
      %rem3A_661 = arith.remsi %add3A_540, %select_n3A_660 : i32
      %ne3A_662 = arith.constant 0 : i32
      %ne3A_663 = arith.cmpi ne, %rem3A_661, %ne3A_662 : i32
      %lt3A_664 = arith.constant 0 : i32
      %lt3A_665 = arith.cmpi slt, %rem3A_661, %lt3A_664 : i32
      %lt3A_666 = arith.constant 0 : i32
      %lt3A_667 = arith.cmpi slt, %select_n3A_660, %lt3A_666 : i32
      %ne3A_668 = arith.xori %lt3A_665, %lt3A_667 : i1
      %and3A_669 = arith.andi %ne3A_668, %ne3A_663 : i1
      %add3A_670 = arith.addi %rem3A_661, %select_n3A_660 : i32
      %select_n3A_671 = arith.select %and3A_669, %add3A_670, %rem3A_661 : i32
      %mul3A_672 = arith.constant 80 : i32
      %mul3A_673 = arith.muli %select_n3A_671, %mul3A_672 : i32
      %add3A_674 = arith.addi %mul3A_655, %mul3A_673 : i32
      %add3A_675 = arith.constant 0 : i32
      %add3A_676 = arith.addi %add3A_674, %add3A_675 : i32
      %get3A_677 = arith.index_cast %add3A_676 : i32 to index
      %get3A_678 = tpu.vector_load %arg9[%get3A_677] {strides = array<i32>} : memref<4000xi32, #tpu.memory_space<vmem>>, vector<16xi32>,
      %get3A_679 = vector.shape_cast %get3A_678 : vector<16xi32> to vector<16xi32>
      %swap3A_680 = arith.constant 0 : index
      %swap3A_681 = tpu.vector_load %arg12[%swap3A_680] {strides = array<i32>} : memref<80xi32, #tpu.memory_space<vmem>>, vector<16xi32>,
      %swap3A_682 = vector.shape_cast %swap3A_681 : vector<16xi32> to vector<16xi32>
      %swap3A_683 = vector.shape_cast %get3A_679 : vector<16xi32> to vector<16xi32>
      tpu.vector_store %arg12[%swap3A_680], %swap3A_683 {strides = array<i32>} : memref<80xi32, #tpu.memory_space<vmem>>, vector<16xi32>,
      %add3A_684 = arith.constant 16 : i32
      %add3A_685 = arith.addi %add3A_674, %add3A_684 : i32
      %get3A_686 = arith.index_cast %add3A_685 : i32 to index
      %get3A_687 = tpu.vector_load %arg9[%get3A_686] {strides = array<i32>} : memref<4000xi32, #tpu.memory_space<vmem>>, vector<16xi32>,
      %get3A_688 = vector.shape_cast %get3A_687 : vector<16xi32> to vector<16xi32>
      %swap3A_689 = arith.constant 16 : index
      %swap3A_690 = tpu.vector_load %arg12[%swap3A_689] {strides = array<i32>} : memref<80xi32, #tpu.memory_space<vmem>>, vector<16xi32>,
      %swap3A_691 = vector.shape_cast %swap3A_690 : vector<16xi32> to vector<16xi32>
      %swap3A_692 = vector.shape_cast %get3A_688 : vector<16xi32> to vector<16xi32>
      tpu.vector_store %arg12[%swap3A_689], %swap3A_692 {strides = array<i32>} : memref<80xi32, #tpu.memory_space<vmem>>, vector<16xi32>,
      %add3A_693 = arith.constant 32 : i32
      %add3A_694 = arith.addi %add3A_674, %add3A_693 : i32
      %get3A_695 = arith.index_cast %add3A_694 : i32 to index
      %get3A_696 = tpu.vector_load %arg9[%get3A_695] {strides = array<i32>} : memref<4000xi32, #tpu.memory_space<vmem>>, vector<16xi32>,
      %get3A_697 = vector.shape_cast %get3A_696 : vector<16xi32> to vector<16xi32>
      %swap3A_698 = arith.constant 32 : index
      %swap3A_699 = tpu.vector_load %arg12[%swap3A_698] {strides = array<i32>} : memref<80xi32, #tpu.memory_space<vmem>>, vector<16xi32>,
      %swap3A_700 = vector.shape_cast %swap3A_699 : vector<16xi32> to vector<16xi32>
      %swap3A_701 = vector.shape_cast %get3A_697 : vector<16xi32> to vector<16xi32>
      tpu.vector_store %arg12[%swap3A_698], %swap3A_701 {strides = array<i32>} : memref<80xi32, #tpu.memory_space<vmem>>, vector<16xi32>,
      %add3A_702 = arith.constant 48 : i32
      %add3A_703 = arith.addi %add3A_674, %add3A_702 : i32
      %get3A_704 = arith.index_cast %add3A_703 : i32 to index
      %get3A_705 = tpu.vector_load %arg9[%get3A_704] {strides = array<i32>} : memref<4000xi32, #tpu.memory_space<vmem>>, vector<16xi32>,
      %get3A_706 = vector.shape_cast %get3A_705 : vector<16xi32> to vector<16xi32>
      %swap3A_707 = arith.constant 48 : index
      %swap3A_708 = tpu.vector_load %arg12[%swap3A_707] {strides = array<i32>} : memref<80xi32, #tpu.memory_space<vmem>>, vector<16xi32>,
      %swap3A_709 = vector.shape_cast %swap3A_708 : vector<16xi32> to vector<16xi32>
      %swap3A_710 = vector.shape_cast %get3A_706 : vector<16xi32> to vector<16xi32>
      tpu.vector_store %arg12[%swap3A_707], %swap3A_710 {strides = array<i32>} : memref<80xi32, #tpu.memory_space<vmem>>, vector<16xi32>,
      %add3A_711 = arith.constant 64 : i32
      %add3A_712 = arith.addi %add3A_674, %add3A_711 : i32
      %get3A_713 = arith.index_cast %add3A_712 : i32 to index
      %get3A_714 = tpu.vector_load %arg9[%get3A_713] {strides = array<i32>} : memref<4000xi32, #tpu.memory_space<vmem>>, vector<16xi32>,
      %get3A_715 = vector.shape_cast %get3A_714 : vector<16xi32> to vector<16xi32>
      %swap3A_716 = arith.constant 64 : index
      %swap3A_717 = tpu.vector_load %arg12[%swap3A_716] {strides = array<i32>} : memref<80xi32, #tpu.memory_space<vmem>>, vector<16xi32>,
      %swap3A_718 = vector.shape_cast %swap3A_717 : vector<16xi32> to vector<16xi32>
      %swap3A_719 = vector.shape_cast %get3A_715 : vector<16xi32> to vector<16xi32>
      tpu.vector_store %arg12[%swap3A_716], %swap3A_719 {strides = array<i32>} : memref<80xi32, #tpu.memory_space<vmem>>, vector<16xi32>,
      "tpu.region"() ({
        %run_scoped3A = tpu.sem_alloc : memref<!tpu.dma_semaphore, #tpu.memory_space<semaphore_mem>>
        %dma_start3A_720 = arith.constant 0 : i32
        %dma_start3A_721 = arith.constant 0 : i32
        %dma_start3A_722 = tpu.memref_slice %arg17[%dma_start3A_720, %dma_start3A_721] : memref<10112x128xf32, #tpu.memory_space<vmem_shared>> -> memref<10112x128xf32, #tpu.memory_space<vmem_shared>>
        tpu.enqueue_indirect_dma source(%arg16 : memref<80x128xf32, #tpu.memory_space<vmem>>) target(%dma_start3A_722 : memref<10112x128xf32, #tpu.memory_space<vmem_shared>>) offsets(%arg12 : memref<80xi32, #tpu.memory_space<vmem>>) semaphore(%run_scoped3A : memref<!tpu.dma_semaphore, #tpu.memory_space<semaphore_mem>>) {add = true}
        %dma_wait3A_723 = arith.constant 0 : i32
        %dma_wait3A_724 = arith.constant 0 : i32
        %dma_wait3A_725 = tpu.memref_slice %arg17[%dma_wait3A_723, %dma_wait3A_724] : memref<10112x128xf32, #tpu.memory_space<vmem_shared>> -> memref<10112x128xf32, #tpu.memory_space<vmem_shared>>
        tpu.wait_indirect_dma semaphore(%run_scoped3A : memref<!tpu.dma_semaphore, #tpu.memory_space<semaphore_mem>>) src(%arg16 : memref<80x128xf32, #tpu.memory_space<vmem>>) dst(%dma_wait3A_725 : memref<10112x128xf32, #tpu.memory_space<vmem_shared>>)
        tpu.yield
      }) : () -> ()
    }
    %while3A_167 = arith.constant 1 : i32
    scf.for %while3A_357 = %while3A_165 to %while3A_161 step %while3A_167  : i32 {
      %mul3A_358 = arith.constant 2 : i32
      %mul3A_359 = arith.muli %while3A_357, %mul3A_358 : i32
      %jit3A_360 = arith.constant 25 : i32
      %eq3A_361 = arith.constant 0 : i32
      %eq3A_362 = arith.cmpi eq, %jit3A_360, %eq3A_361 : i32
      %jit3A_363 = arith.constant 1 : i32
      %select_n3A_364 = arith.select %eq3A_362, %jit3A_363, %jit3A_360 : i32
      %rem3A_365 = arith.remsi %mul3A_359, %select_n3A_364 : i32
      %ne3A_366 = arith.constant 0 : i32
      %ne3A_367 = arith.cmpi ne, %rem3A_365, %ne3A_366 : i32
      %lt3A_368 = arith.constant 0 : i32
      %lt3A_369 = arith.cmpi slt, %rem3A_365, %lt3A_368 : i32
      %lt3A_370 = arith.constant 0 : i32
      %lt3A_371 = arith.cmpi slt, %select_n3A_364, %lt3A_370 : i32
      %ne3A_372 = arith.xori %lt3A_369, %lt3A_371 : i1
      %and3A_373 = arith.andi %ne3A_372, %ne3A_367 : i1
      %add3A_374 = arith.addi %rem3A_365, %select_n3A_364 : i32
      %select_n3A_375 = arith.select %and3A_373, %add3A_374, %rem3A_365 : i32
      %eq3A_376 = arith.constant 0 : i32
      %eq3A_377 = arith.cmpi eq, %select_n3A_375, %eq3A_376 : i32
      %convert_element_type3A_378 = arith.extui %eq3A_377 : i1 to i32
      %cond3A_379 = arith.constant 0 : i32
      %cond3A_380 = arith.cmpi ne, %convert_element_type3A_378, %cond3A_379 : i32
      scf.if %cond3A_380 {
        %add3A_720 = arith.constant 25 : i32
        %add3A_721 = arith.addi %mul3A_359, %add3A_720 : i32
        %lt3A_722 = arith.cmpi slt, %add3A_721, %while3A_157 : i32
        %convert_element_type3A_723 = arith.extui %lt3A_722 : i1 to i32
        %cond3A_724 = arith.constant 0 : i32
        %cond3A_725 = arith.cmpi ne, %convert_element_type3A_723, %cond3A_724 : i32
        scf.if %cond3A_725 {
          %jit3A_726 = arith.constant 25 : i32
          %div3A_727 = arith.divsi %mul3A_359, %jit3A_726 : i32
          %sign3A_728 = arith.constant 0 : i32
          %sign3A_729 = arith.cmpi sgt, %mul3A_359, %sign3A_728 : i32
          %sign3A_730 = arith.extui %sign3A_729 : i1 to i32
          %sign3A_731 = arith.constant 0 : i32
          %sign3A_732 = arith.cmpi slt, %mul3A_359, %sign3A_731 : i32
          %sign3A_733 = arith.extui %sign3A_732 : i1 to i32
          %sign3A_734 = arith.subi %sign3A_730, %sign3A_733 : i32
          %sign3A_735 = arith.constant 0 : i32
          %sign3A_736 = arith.cmpi sgt, %jit3A_726, %sign3A_735 : i32
          %sign3A_737 = arith.extui %sign3A_736 : i1 to i32
          %sign3A_738 = arith.constant 0 : i32
          %sign3A_739 = arith.cmpi slt, %jit3A_726, %sign3A_738 : i32
          %sign3A_740 = arith.extui %sign3A_739 : i1 to i32
          %sign3A_741 = arith.subi %sign3A_737, %sign3A_740 : i32
          %ne3A_742 = arith.cmpi ne, %sign3A_734, %sign3A_741 : i32
          %rem3A_743 = arith.remsi %mul3A_359, %jit3A_726 : i32
          %ne3A_744 = arith.constant 0 : i32
          %ne3A_745 = arith.cmpi ne, %rem3A_743, %ne3A_744 : i32
          %and3A_746 = arith.andi %ne3A_742, %ne3A_745 : i1
          %sub3A_747 = arith.constant 1 : i32
          %sub3A_748 = arith.subi %div3A_727, %sub3A_747 : i32
          %select_n3A_749 = arith.select %and3A_746, %sub3A_748, %div3A_727 : i32
          %add3A_750 = arith.constant 1 : i32
          %add3A_751 = arith.addi %select_n3A_749, %add3A_750 : i32
          %mul3A_752 = arith.constant 2000 : i32
          %mul3A_753 = arith.muli %add3A_751, %mul3A_752 : i32
          %add3A_754 = arith.addi %mul3A_4, %mul3A_753 : i32
          %jit3A_755 = arith.constant 2 : i32
          %eq3A_756 = arith.constant 0 : i32
          %eq3A_757 = arith.cmpi eq, %jit3A_755, %eq3A_756 : i32
          %jit3A_758 = arith.constant 1 : i32
          %select_n3A_759 = arith.select %eq3A_757, %jit3A_758, %jit3A_755 : i32
          %rem3A_760 = arith.remsi %add3A_751, %select_n3A_759 : i32
          %ne3A_761 = arith.constant 0 : i32
          %ne3A_762 = arith.cmpi ne, %rem3A_760, %ne3A_761 : i32
          %lt3A_763 = arith.constant 0 : i32
          %lt3A_764 = arith.cmpi slt, %rem3A_760, %lt3A_763 : i32
          %lt3A_765 = arith.constant 0 : i32
          %lt3A_766 = arith.cmpi slt, %select_n3A_759, %lt3A_765 : i32
          %ne3A_767 = arith.xori %lt3A_764, %lt3A_766 : i1
          %and3A_768 = arith.andi %ne3A_767, %ne3A_762 : i1
          %add3A_769 = arith.addi %rem3A_760, %select_n3A_759 : i32
          %select_n3A_770 = arith.select %and3A_768, %add3A_769, %rem3A_760 : i32
          %mul3A_771 = arith.constant 2000 : i32
          %mul3A_772 = arith.muli %select_n3A_770, %mul3A_771 : i32
          %dma_start3A_773 = tpu.memref_slice %arg8[%mul3A_772] : memref<4000xi32, #tpu.memory_space<vmem>> -> memref<2000xi32, #tpu.memory_space<vmem>>
          %dma_start3A_774 = tpu.memref_slice %arg3[%add3A_754] : memref<320000xi32, #tpu.memory_space<hbm>> -> memref<2000xi32, #tpu.memory_space<hbm>>
          %dma_start3A_775 = tpu.memref_slice %arg8[%mul3A_772] : memref<4000xi32, #tpu.memory_space<vmem>> -> memref<2000xi32, #tpu.memory_space<vmem>>
          %dma_start3A_776 = tpu.memref_slice %arg3[%add3A_754] : memref<320000xi32, #tpu.memory_space<hbm>> -> memref<2000xi32, #tpu.memory_space<hbm>>
          tpu.enqueue_dma source(%dma_start3A_776 : memref<2000xi32, #tpu.memory_space<hbm>>) target(%dma_start3A_775 : memref<2000xi32, #tpu.memory_space<vmem>>) target_semaphore(%arg20 : memref<!tpu.dma_semaphore, #tpu.memory_space<semaphore_mem>>)
          %dma_start3A_777 = tpu.memref_slice %arg9[%mul3A_772] : memref<4000xi32, #tpu.memory_space<vmem>> -> memref<2000xi32, #tpu.memory_space<vmem>>
          %dma_start3A_778 = tpu.memref_slice %arg4[%add3A_754] : memref<320000xi32, #tpu.memory_space<hbm>> -> memref<2000xi32, #tpu.memory_space<hbm>>
          %dma_start3A_779 = tpu.memref_slice %arg9[%mul3A_772] : memref<4000xi32, #tpu.memory_space<vmem>> -> memref<2000xi32, #tpu.memory_space<vmem>>
          %dma_start3A_780 = tpu.memref_slice %arg4[%add3A_754] : memref<320000xi32, #tpu.memory_space<hbm>> -> memref<2000xi32, #tpu.memory_space<hbm>>
          tpu.enqueue_dma source(%dma_start3A_780 : memref<2000xi32, #tpu.memory_space<hbm>>) target(%dma_start3A_779 : memref<2000xi32, #tpu.memory_space<vmem>>) target_semaphore(%arg20 : memref<!tpu.dma_semaphore, #tpu.memory_space<semaphore_mem>>)
        } else {
        }
      } else {
      }
      %add3A_381 = arith.constant 1 : i32
      %add3A_382 = arith.addi %mul3A_359, %add3A_381 : i32
      %jit3A_383 = arith.constant 25 : i32
      %eq3A_384 = arith.constant 0 : i32
      %eq3A_385 = arith.cmpi eq, %jit3A_383, %eq3A_384 : i32
      %jit3A_386 = arith.constant 1 : i32
      %select_n3A_387 = arith.select %eq3A_385, %jit3A_386, %jit3A_383 : i32
      %rem3A_388 = arith.remsi %add3A_382, %select_n3A_387 : i32
      %ne3A_389 = arith.constant 0 : i32
      %ne3A_390 = arith.cmpi ne, %rem3A_388, %ne3A_389 : i32
      %lt3A_391 = arith.constant 0 : i32
      %lt3A_392 = arith.cmpi slt, %rem3A_388, %lt3A_391 : i32
      %lt3A_393 = arith.constant 0 : i32
      %lt3A_394 = arith.cmpi slt, %select_n3A_387, %lt3A_393 : i32
      %ne3A_395 = arith.xori %lt3A_392, %lt3A_394 : i1
      %and3A_396 = arith.andi %ne3A_395, %ne3A_390 : i1
      %add3A_397 = arith.addi %rem3A_388, %select_n3A_387 : i32
      %select_n3A_398 = arith.select %and3A_396, %add3A_397, %rem3A_388 : i32
      %eq3A_399 = arith.constant 0 : i32
      %eq3A_400 = arith.cmpi eq, %select_n3A_398, %eq3A_399 : i32
      %convert_element_type3A_401 = arith.extui %eq3A_400 : i1 to i32
      %cond3A_402 = arith.constant 0 : i32
      %cond3A_403 = arith.cmpi ne, %convert_element_type3A_401, %cond3A_402 : i32
      scf.if %cond3A_403 {
        %add3A_720 = arith.constant 1 : i32
        %add3A_721 = arith.addi %mul3A_359, %add3A_720 : i32
        %lt3A_722 = arith.cmpi slt, %add3A_721, %while3A_157 : i32
        %convert_element_type3A_723 = arith.extui %lt3A_722 : i1 to i32
        %cond3A_724 = arith.constant 0 : i32
        %cond3A_725 = arith.cmpi ne, %convert_element_type3A_723, %cond3A_724 : i32
        scf.if %cond3A_725 {
          %dma_wait3A_726 = arith.constant 0 : i32
          %dma_wait3A_727 = tpu.memref_slice %arg8[%dma_wait3A_726] : memref<4000xi32, #tpu.memory_space<vmem>> -> memref<2000xi32, #tpu.memory_space<vmem>>
          %dma_wait3A_728 = arith.constant 0 : i32
          %dma_wait3A_729 = tpu.memref_slice %arg3[%dma_wait3A_728] : memref<320000xi32, #tpu.memory_space<hbm>> -> memref<2000xi32, #tpu.memory_space<hbm>>
          %dma_wait3A_730 = arith.constant 0 : i32
          %dma_wait3A_731 = tpu.memref_slice %arg8[%dma_wait3A_730] : memref<4000xi32, #tpu.memory_space<vmem>> -> memref<2000xi32, #tpu.memory_space<vmem>>
          %dma_wait3A_732 = arith.constant 0 : i32
          %dma_wait3A_733 = tpu.memref_slice %arg3[%dma_wait3A_732] : memref<320000xi32, #tpu.memory_space<hbm>> -> memref<2000xi32, #tpu.memory_space<hbm>>
          tpu.wait_dma2 semaphore(%arg20 : memref<!tpu.dma_semaphore, #tpu.memory_space<semaphore_mem>>) src(%dma_wait3A_733 : memref<2000xi32, #tpu.memory_space<hbm>>) dst(%dma_wait3A_731 : memref<2000xi32, #tpu.memory_space<vmem>>)
          %dma_wait3A_734 = arith.constant 0 : i32
          %dma_wait3A_735 = tpu.memref_slice %arg9[%dma_wait3A_734] : memref<4000xi32, #tpu.memory_space<vmem>> -> memref<2000xi32, #tpu.memory_space<vmem>>
          %dma_wait3A_736 = arith.constant 0 : i32
          %dma_wait3A_737 = tpu.memref_slice %arg4[%dma_wait3A_736] : memref<320000xi32, #tpu.memory_space<hbm>> -> memref<2000xi32, #tpu.memory_space<hbm>>
          %dma_wait3A_738 = arith.constant 0 : i32
          %dma_wait3A_739 = tpu.memref_slice %arg9[%dma_wait3A_738] : memref<4000xi32, #tpu.memory_space<vmem>> -> memref<2000xi32, #tpu.memory_space<vmem>>
          %dma_wait3A_740 = arith.constant 0 : i32
          %dma_wait3A_741 = tpu.memref_slice %arg4[%dma_wait3A_740] : memref<320000xi32, #tpu.memory_space<hbm>> -> memref<2000xi32, #tpu.memory_space<hbm>>
          tpu.wait_dma2 semaphore(%arg20 : memref<!tpu.dma_semaphore, #tpu.memory_space<semaphore_mem>>) src(%dma_wait3A_741 : memref<2000xi32, #tpu.memory_space<hbm>>) dst(%dma_wait3A_739 : memref<2000xi32, #tpu.memory_space<vmem>>)
        } else {
        }
      } else {
      }
      %add3A_404 = arith.constant 1 : i32
      %add3A_405 = arith.addi %mul3A_359, %add3A_404 : i32
      %lt3A_406 = arith.cmpi slt, %add3A_405, %while3A_157 : i32
      %convert_element_type3A_407 = arith.extui %lt3A_406 : i1 to i32
      %cond3A_408 = arith.constant 0 : i32
      %cond3A_409 = arith.cmpi ne, %convert_element_type3A_407, %cond3A_408 : i32
      scf.if %cond3A_409 {
        %add3A_720 = arith.constant 1 : i32
        %add3A_721 = arith.addi %mul3A_359, %add3A_720 : i32
        %mul3A_722 = arith.constant 80 : i32
        %mul3A_723 = arith.muli %add3A_721, %mul3A_722 : i32
        %add3A_724 = arith.addi %mul3A_4, %mul3A_723 : i32
        %dma_start3A_725 = arith.constant 0 : i32
        %dma_start3A_726 = tpu.memref_slice %arg5[%add3A_724, %dma_start3A_725] : memref<320000x128xf32, #tpu.memory_space<hbm>> -> memref<80x128xf32, #tpu.memory_space<hbm>>
        %dma_start3A_727 = arith.constant 0 : i32
        %dma_start3A_728 = tpu.memref_slice %arg5[%add3A_724, %dma_start3A_727] : memref<320000x128xf32, #tpu.memory_space<hbm>> -> memref<80x128xf32, #tpu.memory_space<hbm>>
        tpu.enqueue_dma source(%dma_start3A_728 : memref<80x128xf32, #tpu.memory_space<hbm>>) target(%arg14 : memref<80x128xf32, #tpu.memory_space<vmem>>) target_semaphore(%arg19 : memref<!tpu.dma_semaphore, #tpu.memory_space<semaphore_mem>>)
        %jit3A_729 = arith.constant 25 : i32
        %div3A_730 = arith.divsi %add3A_721, %jit3A_729 : i32
        %sign3A_731 = arith.constant 0 : i32
        %sign3A_732 = arith.cmpi sgt, %add3A_721, %sign3A_731 : i32
        %sign3A_733 = arith.extui %sign3A_732 : i1 to i32
        %sign3A_734 = arith.constant 0 : i32
        %sign3A_735 = arith.cmpi slt, %add3A_721, %sign3A_734 : i32
        %sign3A_736 = arith.extui %sign3A_735 : i1 to i32
        %sign3A_737 = arith.subi %sign3A_733, %sign3A_736 : i32
        %sign3A_738 = arith.constant 0 : i32
        %sign3A_739 = arith.cmpi sgt, %jit3A_729, %sign3A_738 : i32
        %sign3A_740 = arith.extui %sign3A_739 : i1 to i32
        %sign3A_741 = arith.constant 0 : i32
        %sign3A_742 = arith.cmpi slt, %jit3A_729, %sign3A_741 : i32
        %sign3A_743 = arith.extui %sign3A_742 : i1 to i32
        %sign3A_744 = arith.subi %sign3A_740, %sign3A_743 : i32
        %ne3A_745 = arith.cmpi ne, %sign3A_737, %sign3A_744 : i32
        %rem3A_746 = arith.remsi %add3A_721, %jit3A_729 : i32
        %ne3A_747 = arith.constant 0 : i32
        %ne3A_748 = arith.cmpi ne, %rem3A_746, %ne3A_747 : i32
        %and3A_749 = arith.andi %ne3A_745, %ne3A_748 : i1
        %sub3A_750 = arith.constant 1 : i32
        %sub3A_751 = arith.subi %div3A_730, %sub3A_750 : i32
        %select_n3A_752 = arith.select %and3A_749, %sub3A_751, %div3A_730 : i32
        %jit3A_753 = arith.constant 2 : i32
        %eq3A_754 = arith.constant 0 : i32
        %eq3A_755 = arith.cmpi eq, %jit3A_753, %eq3A_754 : i32
        %jit3A_756 = arith.constant 1 : i32
        %select_n3A_757 = arith.select %eq3A_755, %jit3A_756, %jit3A_753 : i32
        %rem3A_758 = arith.remsi %select_n3A_752, %select_n3A_757 : i32
        %ne3A_759 = arith.constant 0 : i32
        %ne3A_760 = arith.cmpi ne, %rem3A_758, %ne3A_759 : i32
        %lt3A_761 = arith.constant 0 : i32
        %lt3A_762 = arith.cmpi slt, %rem3A_758, %lt3A_761 : i32
        %lt3A_763 = arith.constant 0 : i32
        %lt3A_764 = arith.cmpi slt, %select_n3A_757, %lt3A_763 : i32
        %ne3A_765 = arith.xori %lt3A_762, %lt3A_764 : i1
        %and3A_766 = arith.andi %ne3A_765, %ne3A_760 : i1
        %add3A_767 = arith.addi %rem3A_758, %select_n3A_757 : i32
        %select_n3A_768 = arith.select %and3A_766, %add3A_767, %rem3A_758 : i32
        %mul3A_769 = arith.constant 2000 : i32
        %mul3A_770 = arith.muli %select_n3A_768, %mul3A_769 : i32
        %jit3A_771 = arith.constant 25 : i32
        %eq3A_772 = arith.constant 0 : i32
        %eq3A_773 = arith.cmpi eq, %jit3A_771, %eq3A_772 : i32
        %jit3A_774 = arith.constant 1 : i32
        %select_n3A_775 = arith.select %eq3A_773, %jit3A_774, %jit3A_771 : i32
        %rem3A_776 = arith.remsi %add3A_721, %select_n3A_775 : i32
        %ne3A_777 = arith.constant 0 : i32
        %ne3A_778 = arith.cmpi ne, %rem3A_776, %ne3A_777 : i32
        %lt3A_779 = arith.constant 0 : i32
        %lt3A_780 = arith.cmpi slt, %rem3A_776, %lt3A_779 : i32
        %lt3A_781 = arith.constant 0 : i32
        %lt3A_782 = arith.cmpi slt, %select_n3A_775, %lt3A_781 : i32
        %ne3A_783 = arith.xori %lt3A_780, %lt3A_782 : i1
        %and3A_784 = arith.andi %ne3A_783, %ne3A_778 : i1
        %add3A_785 = arith.addi %rem3A_776, %select_n3A_775 : i32
        %select_n3A_786 = arith.select %and3A_784, %add3A_785, %rem3A_776 : i32
        %mul3A_787 = arith.constant 80 : i32
        %mul3A_788 = arith.muli %select_n3A_786, %mul3A_787 : i32
        %add3A_789 = arith.addi %mul3A_770, %mul3A_788 : i32
        %add3A_790 = arith.constant 0 : i32
        %add3A_791 = arith.addi %add3A_789, %add3A_790 : i32
        %get3A_792 = arith.index_cast %add3A_791 : i32 to index
        %get3A_793 = tpu.vector_load %arg8[%get3A_792] {strides = array<i32>} : memref<4000xi32, #tpu.memory_space<vmem>>, vector<16xi32>,
        %get3A_794 = vector.shape_cast %get3A_793 : vector<16xi32> to vector<16xi32>
        %swap3A_795 = arith.constant 0 : index
        %swap3A_796 = tpu.vector_load %arg11[%swap3A_795] {strides = array<i32>} : memref<80xi32, #tpu.memory_space<vmem>>, vector<16xi32>,
        %swap3A_797 = vector.shape_cast %swap3A_796 : vector<16xi32> to vector<16xi32>
        %swap3A_798 = vector.shape_cast %get3A_794 : vector<16xi32> to vector<16xi32>
        tpu.vector_store %arg11[%swap3A_795], %swap3A_798 {strides = array<i32>} : memref<80xi32, #tpu.memory_space<vmem>>, vector<16xi32>,
        %add3A_799 = arith.constant 16 : i32
        %add3A_800 = arith.addi %add3A_789, %add3A_799 : i32
        %get3A_801 = arith.index_cast %add3A_800 : i32 to index
        %get3A_802 = tpu.vector_load %arg8[%get3A_801] {strides = array<i32>} : memref<4000xi32, #tpu.memory_space<vmem>>, vector<16xi32>,
        %get3A_803 = vector.shape_cast %get3A_802 : vector<16xi32> to vector<16xi32>
        %swap3A_804 = arith.constant 16 : index
        %swap3A_805 = tpu.vector_load %arg11[%swap3A_804] {strides = array<i32>} : memref<80xi32, #tpu.memory_space<vmem>>, vector<16xi32>,
        %swap3A_806 = vector.shape_cast %swap3A_805 : vector<16xi32> to vector<16xi32>
        %swap3A_807 = vector.shape_cast %get3A_803 : vector<16xi32> to vector<16xi32>
        tpu.vector_store %arg11[%swap3A_804], %swap3A_807 {strides = array<i32>} : memref<80xi32, #tpu.memory_space<vmem>>, vector<16xi32>,
        %add3A_808 = arith.constant 32 : i32
        %add3A_809 = arith.addi %add3A_789, %add3A_808 : i32
        %get3A_810 = arith.index_cast %add3A_809 : i32 to index
        %get3A_811 = tpu.vector_load %arg8[%get3A_810] {strides = array<i32>} : memref<4000xi32, #tpu.memory_space<vmem>>, vector<16xi32>,
        %get3A_812 = vector.shape_cast %get3A_811 : vector<16xi32> to vector<16xi32>
        %swap3A_813 = arith.constant 32 : index
        %swap3A_814 = tpu.vector_load %arg11[%swap3A_813] {strides = array<i32>} : memref<80xi32, #tpu.memory_space<vmem>>, vector<16xi32>,
        %swap3A_815 = vector.shape_cast %swap3A_814 : vector<16xi32> to vector<16xi32>
        %swap3A_816 = vector.shape_cast %get3A_812 : vector<16xi32> to vector<16xi32>
        tpu.vector_store %arg11[%swap3A_813], %swap3A_816 {strides = array<i32>} : memref<80xi32, #tpu.memory_space<vmem>>, vector<16xi32>,
        %add3A_817 = arith.constant 48 : i32
        %add3A_818 = arith.addi %add3A_789, %add3A_817 : i32
        %get3A_819 = arith.index_cast %add3A_818 : i32 to index
        %get3A_820 = tpu.vector_load %arg8[%get3A_819] {strides = array<i32>} : memref<4000xi32, #tpu.memory_space<vmem>>, vector<16xi32>,
        %get3A_821 = vector.shape_cast %get3A_820 : vector<16xi32> to vector<16xi32>
        %swap3A_822 = arith.constant 48 : index
        %swap3A_823 = tpu.vector_load %arg11[%swap3A_822] {strides = array<i32>} : memref<80xi32, #tpu.memory_space<vmem>>, vector<16xi32>,
        %swap3A_824 = vector.shape_cast %swap3A_823 : vector<16xi32> to vector<16xi32>
        %swap3A_825 = vector.shape_cast %get3A_821 : vector<16xi32> to vector<16xi32>
        tpu.vector_store %arg11[%swap3A_822], %swap3A_825 {strides = array<i32>} : memref<80xi32, #tpu.memory_space<vmem>>, vector<16xi32>,
        %add3A_826 = arith.constant 64 : i32
        %add3A_827 = arith.addi %add3A_789, %add3A_826 : i32
        %get3A_828 = arith.index_cast %add3A_827 : i32 to index
        %get3A_829 = tpu.vector_load %arg8[%get3A_828] {strides = array<i32>} : memref<4000xi32, #tpu.memory_space<vmem>>, vector<16xi32>,
        %get3A_830 = vector.shape_cast %get3A_829 : vector<16xi32> to vector<16xi32>
        %swap3A_831 = arith.constant 64 : index
        %swap3A_832 = tpu.vector_load %arg11[%swap3A_831] {strides = array<i32>} : memref<80xi32, #tpu.memory_space<vmem>>, vector<16xi32>,
        %swap3A_833 = vector.shape_cast %swap3A_832 : vector<16xi32> to vector<16xi32>
        %swap3A_834 = vector.shape_cast %get3A_830 : vector<16xi32> to vector<16xi32>
        tpu.vector_store %arg11[%swap3A_831], %swap3A_834 {strides = array<i32>} : memref<80xi32, #tpu.memory_space<vmem>>, vector<16xi32>,
        %dma_start3A_835 = arith.constant 0 : i32
        %dma_start3A_836 = arith.constant 0 : i32
        %dma_start3A_837 = tpu.memref_slice %arg2[%dma_start3A_835, %dma_start3A_836] : memref<10000x128xf32, #tpu.memory_space<hbm>> -> memref<10000x128xf32, #tpu.memory_space<hbm>>
        tpu.enqueue_indirect_dma source(%dma_start3A_837 : memref<10000x128xf32, #tpu.memory_space<hbm>>) target(%arg16 : memref<80x128xf32, #tpu.memory_space<vmem>>) offsets(%arg11 : memref<80xi32, #tpu.memory_space<vmem>>) semaphore(%arg19 : memref<!tpu.dma_semaphore, #tpu.memory_space<semaphore_mem>>)
      } else {
      }
      %dma_wait3A_410 = arith.constant 0 : i32
      %dma_wait3A_411 = arith.constant 0 : i32
      %dma_wait3A_412 = tpu.memref_slice %arg5[%dma_wait3A_410, %dma_wait3A_411] : memref<320000x128xf32, #tpu.memory_space<hbm>> -> memref<80x128xf32, #tpu.memory_space<hbm>>
      %dma_wait3A_413 = arith.constant 0 : i32
      %dma_wait3A_414 = arith.constant 0 : i32
      %dma_wait3A_415 = tpu.memref_slice %arg5[%dma_wait3A_413, %dma_wait3A_414] : memref<320000x128xf32, #tpu.memory_space<hbm>> -> memref<80x128xf32, #tpu.memory_space<hbm>>
      tpu.wait_dma2 semaphore(%arg18 : memref<!tpu.dma_semaphore, #tpu.memory_space<semaphore_mem>>) src(%dma_wait3A_415 : memref<80x128xf32, #tpu.memory_space<hbm>>) dst(%arg13 : memref<80x128xf32, #tpu.memory_space<vmem>>)
      %dma_wait3A_416 = arith.constant 0 : i32
      %dma_wait3A_417 = arith.constant 0 : i32
      %dma_wait3A_418 = tpu.memref_slice %arg2[%dma_wait3A_416, %dma_wait3A_417] : memref<10000x128xf32, #tpu.memory_space<hbm>> -> memref<80x128xf32, #tpu.memory_space<hbm>>
      %dma_wait3A_419 = arith.constant 0 : i32
      %dma_wait3A_420 = arith.constant 0 : i32
      %dma_wait3A_421 = tpu.memref_slice %arg2[%dma_wait3A_419, %dma_wait3A_420] : memref<10000x128xf32, #tpu.memory_space<hbm>> -> memref<80x128xf32, #tpu.memory_space<hbm>>
      tpu.wait_dma2 semaphore(%arg18 : memref<!tpu.dma_semaphore, #tpu.memory_space<semaphore_mem>>) src(%dma_wait3A_421 : memref<80x128xf32, #tpu.memory_space<hbm>>) dst(%arg15 : memref<80x128xf32, #tpu.memory_space<vmem>>)
      %while3A_422 = arith.constant 0 : i32
      %while3A_423 = arith.constant 0 : i32
      %while3A_424 = arith.constant 80 : i32
      %while3A_425 = arith.subi %while3A_424, %while3A_423 : i32
      %while3A_426 = arith.addi %while3A_423, %while3A_425 : i32
      %while3A_427 = arith.constant 1 : i32
      %while3A_428 = arith.divsi %while3A_425, %while3A_427 : i32
      %while3A_429 = arith.muli %while3A_428, %while3A_427 : i32
      %while3A_430 = arith.addi %while3A_423, %while3A_429 : i32
      %while3A_431 = arith.constant 1 : i32
      scf.for %while3A_720 = %while3A_423 to %while3A_430 step %while3A_431  : i32 {
        %get3A_721 = arith.index_cast %while3A_720 : i32 to index
        %get3A_722 = arith.constant 0 : index
        %get3A_723 = tpu.vector_load %arg15[%get3A_721, %get3A_722] {strides = array<i32>} : memref<80x128xf32, #tpu.memory_space<vmem>>, vector<1x16xf32>,
        %get3A_724 = vector.shape_cast %get3A_723 : vector<1x16xf32> to vector<16xf32>
        %get3A_725 = arith.index_cast %while3A_720 : i32 to index
        %get3A_726 = arith.constant 0 : index
        %get3A_727 = tpu.vector_load %arg13[%get3A_725, %get3A_726] {strides = array<i32>} : memref<80x128xf32, #tpu.memory_space<vmem>>, vector<1x16xf32>,
        %get3A_728 = vector.shape_cast %get3A_727 : vector<1x16xf32> to vector<16xf32>
        %add3A_729 = arith.addf %get3A_724, %get3A_728 : vector<16xf32>
        %max3A = arith.constant 0.000000e+00 : f32
        %max3A_730 = vector.broadcast %max3A : f32 to vector<16xf32>
        %max3A_731 = arith.maximumf %add3A_729, %max3A_730 : vector<16xf32>
        %swap3A_732 = arith.index_cast %while3A_720 : i32 to index
        %swap3A_733 = arith.constant 0 : index
        %swap3A_734 = tpu.vector_load %arg15[%swap3A_732, %swap3A_733] {strides = array<i32>} : memref<80x128xf32, #tpu.memory_space<vmem>>, vector<1x16xf32>,
        %swap3A_735 = vector.shape_cast %swap3A_734 : vector<1x16xf32> to vector<16xf32>
        %swap3A_736 = vector.shape_cast %max3A_731 : vector<16xf32> to vector<1x16xf32>
        tpu.vector_store %arg15[%swap3A_732, %swap3A_733], %swap3A_736 {strides = array<i32>} : memref<80x128xf32, #tpu.memory_space<vmem>>, vector<1x16xf32>,
        %get3A_737 = arith.index_cast %while3A_720 : i32 to index
        %get3A_738 = arith.constant 16 : index
        %get3A_739 = tpu.vector_load %arg15[%get3A_737, %get3A_738] {strides = array<i32>} : memref<80x128xf32, #tpu.memory_space<vmem>>, vector<1x16xf32>,
        %get3A_740 = vector.shape_cast %get3A_739 : vector<1x16xf32> to vector<16xf32>
        %get3A_741 = arith.index_cast %while3A_720 : i32 to index
        %get3A_742 = arith.constant 16 : index
        %get3A_743 = tpu.vector_load %arg13[%get3A_741, %get3A_742] {strides = array<i32>} : memref<80x128xf32, #tpu.memory_space<vmem>>, vector<1x16xf32>,
        %get3A_744 = vector.shape_cast %get3A_743 : vector<1x16xf32> to vector<16xf32>
        %add3A_745 = arith.addf %get3A_740, %get3A_744 : vector<16xf32>
        %max3A_746 = arith.constant 0.000000e+00 : f32
        %max3A_747 = vector.broadcast %max3A_746 : f32 to vector<16xf32>
        %max3A_748 = arith.maximumf %add3A_745, %max3A_747 : vector<16xf32>
        %swap3A_749 = arith.index_cast %while3A_720 : i32 to index
        %swap3A_750 = arith.constant 16 : index
        %swap3A_751 = tpu.vector_load %arg15[%swap3A_749, %swap3A_750] {strides = array<i32>} : memref<80x128xf32, #tpu.memory_space<vmem>>, vector<1x16xf32>,
        %swap3A_752 = vector.shape_cast %swap3A_751 : vector<1x16xf32> to vector<16xf32>
        %swap3A_753 = vector.shape_cast %max3A_748 : vector<16xf32> to vector<1x16xf32>
        tpu.vector_store %arg15[%swap3A_749, %swap3A_750], %swap3A_753 {strides = array<i32>} : memref<80x128xf32, #tpu.memory_space<vmem>>, vector<1x16xf32>,
        %get3A_754 = arith.index_cast %while3A_720 : i32 to index
        %get3A_755 = arith.constant 32 : index
        %get3A_756 = tpu.vector_load %arg15[%get3A_754, %get3A_755] {strides = array<i32>} : memref<80x128xf32, #tpu.memory_space<vmem>>, vector<1x16xf32>,
        %get3A_757 = vector.shape_cast %get3A_756 : vector<1x16xf32> to vector<16xf32>
        %get3A_758 = arith.index_cast %while3A_720 : i32 to index
        %get3A_759 = arith.constant 32 : index
        %get3A_760 = tpu.vector_load %arg13[%get3A_758, %get3A_759] {strides = array<i32>} : memref<80x128xf32, #tpu.memory_space<vmem>>, vector<1x16xf32>,
        %get3A_761 = vector.shape_cast %get3A_760 : vector<1x16xf32> to vector<16xf32>
        %add3A_762 = arith.addf %get3A_757, %get3A_761 : vector<16xf32>
        %max3A_763 = arith.constant 0.000000e+00 : f32
        %max3A_764 = vector.broadcast %max3A_763 : f32 to vector<16xf32>
        %max3A_765 = arith.maximumf %add3A_762, %max3A_764 : vector<16xf32>
        %swap3A_766 = arith.index_cast %while3A_720 : i32 to index
        %swap3A_767 = arith.constant 32 : index
        %swap3A_768 = tpu.vector_load %arg15[%swap3A_766, %swap3A_767] {strides = array<i32>} : memref<80x128xf32, #tpu.memory_space<vmem>>, vector<1x16xf32>,
        %swap3A_769 = vector.shape_cast %swap3A_768 : vector<1x16xf32> to vector<16xf32>
        %swap3A_770 = vector.shape_cast %max3A_765 : vector<16xf32> to vector<1x16xf32>
        tpu.vector_store %arg15[%swap3A_766, %swap3A_767], %swap3A_770 {strides = array<i32>} : memref<80x128xf32, #tpu.memory_space<vmem>>, vector<1x16xf32>,
        %get3A_771 = arith.index_cast %while3A_720 : i32 to index
        %get3A_772 = arith.constant 48 : index
        %get3A_773 = tpu.vector_load %arg15[%get3A_771, %get3A_772] {strides = array<i32>} : memref<80x128xf32, #tpu.memory_space<vmem>>, vector<1x16xf32>,
        %get3A_774 = vector.shape_cast %get3A_773 : vector<1x16xf32> to vector<16xf32>
        %get3A_775 = arith.index_cast %while3A_720 : i32 to index
        %get3A_776 = arith.constant 48 : index
        %get3A_777 = tpu.vector_load %arg13[%get3A_775, %get3A_776] {strides = array<i32>} : memref<80x128xf32, #tpu.memory_space<vmem>>, vector<1x16xf32>,
        %get3A_778 = vector.shape_cast %get3A_777 : vector<1x16xf32> to vector<16xf32>
        %add3A_779 = arith.addf %get3A_774, %get3A_778 : vector<16xf32>
        %max3A_780 = arith.constant 0.000000e+00 : f32
        %max3A_781 = vector.broadcast %max3A_780 : f32 to vector<16xf32>
        %max3A_782 = arith.maximumf %add3A_779, %max3A_781 : vector<16xf32>
        %swap3A_783 = arith.index_cast %while3A_720 : i32 to index
        %swap3A_784 = arith.constant 48 : index
        %swap3A_785 = tpu.vector_load %arg15[%swap3A_783, %swap3A_784] {strides = array<i32>} : memref<80x128xf32, #tpu.memory_space<vmem>>, vector<1x16xf32>,
        %swap3A_786 = vector.shape_cast %swap3A_785 : vector<1x16xf32> to vector<16xf32>
        %swap3A_787 = vector.shape_cast %max3A_782 : vector<16xf32> to vector<1x16xf32>
        tpu.vector_store %arg15[%swap3A_783, %swap3A_784], %swap3A_787 {strides = array<i32>} : memref<80x128xf32, #tpu.memory_space<vmem>>, vector<1x16xf32>,
        %get3A_788 = arith.index_cast %while3A_720 : i32 to index
        %get3A_789 = arith.constant 64 : index
        %get3A_790 = tpu.vector_load %arg15[%get3A_788, %get3A_789] {strides = array<i32>} : memref<80x128xf32, #tpu.memory_space<vmem>>, vector<1x16xf32>,
        %get3A_791 = vector.shape_cast %get3A_790 : vector<1x16xf32> to vector<16xf32>
        %get3A_792 = arith.index_cast %while3A_720 : i32 to index
        %get3A_793 = arith.constant 64 : index
        %get3A_794 = tpu.vector_load %arg13[%get3A_792, %get3A_793] {strides = array<i32>} : memref<80x128xf32, #tpu.memory_space<vmem>>, vector<1x16xf32>,
        %get3A_795 = vector.shape_cast %get3A_794 : vector<1x16xf32> to vector<16xf32>
        %add3A_796 = arith.addf %get3A_791, %get3A_795 : vector<16xf32>
        %max3A_797 = arith.constant 0.000000e+00 : f32
        %max3A_798 = vector.broadcast %max3A_797 : f32 to vector<16xf32>
        %max3A_799 = arith.maximumf %add3A_796, %max3A_798 : vector<16xf32>
        %swap3A_800 = arith.index_cast %while3A_720 : i32 to index
        %swap3A_801 = arith.constant 64 : index
        %swap3A_802 = tpu.vector_load %arg15[%swap3A_800, %swap3A_801] {strides = array<i32>} : memref<80x128xf32, #tpu.memory_space<vmem>>, vector<1x16xf32>,
        %swap3A_803 = vector.shape_cast %swap3A_802 : vector<1x16xf32> to vector<16xf32>
        %swap3A_804 = vector.shape_cast %max3A_799 : vector<16xf32> to vector<1x16xf32>
        tpu.vector_store %arg15[%swap3A_800, %swap3A_801], %swap3A_804 {strides = array<i32>} : memref<80x128xf32, #tpu.memory_space<vmem>>, vector<1x16xf32>,
        %get3A_805 = arith.index_cast %while3A_720 : i32 to index
        %get3A_806 = arith.constant 80 : index
        %get3A_807 = tpu.vector_load %arg15[%get3A_805, %get3A_806] {strides = array<i32>} : memref<80x128xf32, #tpu.memory_space<vmem>>, vector<1x16xf32>,
        %get3A_808 = vector.shape_cast %get3A_807 : vector<1x16xf32> to vector<16xf32>
        %get3A_809 = arith.index_cast %while3A_720 : i32 to index
        %get3A_810 = arith.constant 80 : index
        %get3A_811 = tpu.vector_load %arg13[%get3A_809, %get3A_810] {strides = array<i32>} : memref<80x128xf32, #tpu.memory_space<vmem>>, vector<1x16xf32>,
        %get3A_812 = vector.shape_cast %get3A_811 : vector<1x16xf32> to vector<16xf32>
        %add3A_813 = arith.addf %get3A_808, %get3A_812 : vector<16xf32>
        %max3A_814 = arith.constant 0.000000e+00 : f32
        %max3A_815 = vector.broadcast %max3A_814 : f32 to vector<16xf32>
        %max3A_816 = arith.maximumf %add3A_813, %max3A_815 : vector<16xf32>
        %swap3A_817 = arith.index_cast %while3A_720 : i32 to index
        %swap3A_818 = arith.constant 80 : index
        %swap3A_819 = tpu.vector_load %arg15[%swap3A_817, %swap3A_818] {strides = array<i32>} : memref<80x128xf32, #tpu.memory_space<vmem>>, vector<1x16xf32>,
        %swap3A_820 = vector.shape_cast %swap3A_819 : vector<1x16xf32> to vector<16xf32>
        %swap3A_821 = vector.shape_cast %max3A_816 : vector<16xf32> to vector<1x16xf32>
        tpu.vector_store %arg15[%swap3A_817, %swap3A_818], %swap3A_821 {strides = array<i32>} : memref<80x128xf32, #tpu.memory_space<vmem>>, vector<1x16xf32>,
        %get3A_822 = arith.index_cast %while3A_720 : i32 to index
        %get3A_823 = arith.constant 96 : index
        %get3A_824 = tpu.vector_load %arg15[%get3A_822, %get3A_823] {strides = array<i32>} : memref<80x128xf32, #tpu.memory_space<vmem>>, vector<1x16xf32>,
        %get3A_825 = vector.shape_cast %get3A_824 : vector<1x16xf32> to vector<16xf32>
        %get3A_826 = arith.index_cast %while3A_720 : i32 to index
        %get3A_827 = arith.constant 96 : index
        %get3A_828 = tpu.vector_load %arg13[%get3A_826, %get3A_827] {strides = array<i32>} : memref<80x128xf32, #tpu.memory_space<vmem>>, vector<1x16xf32>,
        %get3A_829 = vector.shape_cast %get3A_828 : vector<1x16xf32> to vector<16xf32>
        %add3A_830 = arith.addf %get3A_825, %get3A_829 : vector<16xf32>
        %max3A_831 = arith.constant 0.000000e+00 : f32
        %max3A_832 = vector.broadcast %max3A_831 : f32 to vector<16xf32>
        %max3A_833 = arith.maximumf %add3A_830, %max3A_832 : vector<16xf32>
        %swap3A_834 = arith.index_cast %while3A_720 : i32 to index
        %swap3A_835 = arith.constant 96 : index
        %swap3A_836 = tpu.vector_load %arg15[%swap3A_834, %swap3A_835] {strides = array<i32>} : memref<80x128xf32, #tpu.memory_space<vmem>>, vector<1x16xf32>,
        %swap3A_837 = vector.shape_cast %swap3A_836 : vector<1x16xf32> to vector<16xf32>
        %swap3A_838 = vector.shape_cast %max3A_833 : vector<16xf32> to vector<1x16xf32>
        tpu.vector_store %arg15[%swap3A_834, %swap3A_835], %swap3A_838 {strides = array<i32>} : memref<80x128xf32, #tpu.memory_space<vmem>>, vector<1x16xf32>,
        %get3A_839 = arith.index_cast %while3A_720 : i32 to index
        %get3A_840 = arith.constant 112 : index
        %get3A_841 = tpu.vector_load %arg15[%get3A_839, %get3A_840] {strides = array<i32>} : memref<80x128xf32, #tpu.memory_space<vmem>>, vector<1x16xf32>,
        %get3A_842 = vector.shape_cast %get3A_841 : vector<1x16xf32> to vector<16xf32>
        %get3A_843 = arith.index_cast %while3A_720 : i32 to index
        %get3A_844 = arith.constant 112 : index
        %get3A_845 = tpu.vector_load %arg13[%get3A_843, %get3A_844] {strides = array<i32>} : memref<80x128xf32, #tpu.memory_space<vmem>>, vector<1x16xf32>,
        %get3A_846 = vector.shape_cast %get3A_845 : vector<1x16xf32> to vector<16xf32>
        %add3A_847 = arith.addf %get3A_842, %get3A_846 : vector<16xf32>
        %max3A_848 = arith.constant 0.000000e+00 : f32
        %max3A_849 = vector.broadcast %max3A_848 : f32 to vector<16xf32>
        %max3A_850 = arith.maximumf %add3A_847, %max3A_849 : vector<16xf32>
        %swap3A_851 = arith.index_cast %while3A_720 : i32 to index
        %swap3A_852 = arith.constant 112 : index
        %swap3A_853 = tpu.vector_load %arg15[%swap3A_851, %swap3A_852] {strides = array<i32>} : memref<80x128xf32, #tpu.memory_space<vmem>>, vector<1x16xf32>,
        %swap3A_854 = vector.shape_cast %swap3A_853 : vector<1x16xf32> to vector<16xf32>
        %swap3A_855 = vector.shape_cast %max3A_850 : vector<16xf32> to vector<1x16xf32>
        tpu.vector_store %arg15[%swap3A_851, %swap3A_852], %swap3A_855 {strides = array<i32>} : memref<80x128xf32, #tpu.memory_space<vmem>>, vector<1x16xf32>,
      }
      %while3A_432 = arith.constant 1 : i32
      scf.for %while3A_720 = %while3A_430 to %while3A_426 step %while3A_432  : i32 {
        %get3A_721 = arith.index_cast %while3A_720 : i32 to index
        %get3A_722 = arith.constant 0 : index
        %get3A_723 = tpu.vector_load %arg15[%get3A_721, %get3A_722] {strides = array<i32>} : memref<80x128xf32, #tpu.memory_space<vmem>>, vector<1x16xf32>,
        %get3A_724 = vector.shape_cast %get3A_723 : vector<1x16xf32> to vector<16xf32>
        %get3A_725 = arith.index_cast %while3A_720 : i32 to index
        %get3A_726 = arith.constant 0 : index
        %get3A_727 = tpu.vector_load %arg13[%get3A_725, %get3A_726] {strides = array<i32>} : memref<80x128xf32, #tpu.memory_space<vmem>>, vector<1x16xf32>,
        %get3A_728 = vector.shape_cast %get3A_727 : vector<1x16xf32> to vector<16xf32>
        %add3A_729 = arith.addf %get3A_724, %get3A_728 : vector<16xf32>
        %max3A = arith.constant 0.000000e+00 : f32
        %max3A_730 = vector.broadcast %max3A : f32 to vector<16xf32>
        %max3A_731 = arith.maximumf %add3A_729, %max3A_730 : vector<16xf32>
        %swap3A_732 = arith.index_cast %while3A_720 : i32 to index
        %swap3A_733 = arith.constant 0 : index
        %swap3A_734 = tpu.vector_load %arg15[%swap3A_732, %swap3A_733] {strides = array<i32>} : memref<80x128xf32, #tpu.memory_space<vmem>>, vector<1x16xf32>,
        %swap3A_735 = vector.shape_cast %swap3A_734 : vector<1x16xf32> to vector<16xf32>
        %swap3A_736 = vector.shape_cast %max3A_731 : vector<16xf32> to vector<1x16xf32>
        tpu.vector_store %arg15[%swap3A_732, %swap3A_733], %swap3A_736 {strides = array<i32>} : memref<80x128xf32, #tpu.memory_space<vmem>>, vector<1x16xf32>,
        %get3A_737 = arith.index_cast %while3A_720 : i32 to index
        %get3A_738 = arith.constant 16 : index
        %get3A_739 = tpu.vector_load %arg15[%get3A_737, %get3A_738] {strides = array<i32>} : memref<80x128xf32, #tpu.memory_space<vmem>>, vector<1x16xf32>,
        %get3A_740 = vector.shape_cast %get3A_739 : vector<1x16xf32> to vector<16xf32>
        %get3A_741 = arith.index_cast %while3A_720 : i32 to index
        %get3A_742 = arith.constant 16 : index
        %get3A_743 = tpu.vector_load %arg13[%get3A_741, %get3A_742] {strides = array<i32>} : memref<80x128xf32, #tpu.memory_space<vmem>>, vector<1x16xf32>,
        %get3A_744 = vector.shape_cast %get3A_743 : vector<1x16xf32> to vector<16xf32>
        %add3A_745 = arith.addf %get3A_740, %get3A_744 : vector<16xf32>
        %max3A_746 = arith.constant 0.000000e+00 : f32
        %max3A_747 = vector.broadcast %max3A_746 : f32 to vector<16xf32>
        %max3A_748 = arith.maximumf %add3A_745, %max3A_747 : vector<16xf32>
        %swap3A_749 = arith.index_cast %while3A_720 : i32 to index
        %swap3A_750 = arith.constant 16 : index
        %swap3A_751 = tpu.vector_load %arg15[%swap3A_749, %swap3A_750] {strides = array<i32>} : memref<80x128xf32, #tpu.memory_space<vmem>>, vector<1x16xf32>,
        %swap3A_752 = vector.shape_cast %swap3A_751 : vector<1x16xf32> to vector<16xf32>
        %swap3A_753 = vector.shape_cast %max3A_748 : vector<16xf32> to vector<1x16xf32>
        tpu.vector_store %arg15[%swap3A_749, %swap3A_750], %swap3A_753 {strides = array<i32>} : memref<80x128xf32, #tpu.memory_space<vmem>>, vector<1x16xf32>,
        %get3A_754 = arith.index_cast %while3A_720 : i32 to index
        %get3A_755 = arith.constant 32 : index
        %get3A_756 = tpu.vector_load %arg15[%get3A_754, %get3A_755] {strides = array<i32>} : memref<80x128xf32, #tpu.memory_space<vmem>>, vector<1x16xf32>,
        %get3A_757 = vector.shape_cast %get3A_756 : vector<1x16xf32> to vector<16xf32>
        %get3A_758 = arith.index_cast %while3A_720 : i32 to index
        %get3A_759 = arith.constant 32 : index
        %get3A_760 = tpu.vector_load %arg13[%get3A_758, %get3A_759] {strides = array<i32>} : memref<80x128xf32, #tpu.memory_space<vmem>>, vector<1x16xf32>,
        %get3A_761 = vector.shape_cast %get3A_760 : vector<1x16xf32> to vector<16xf32>
        %add3A_762 = arith.addf %get3A_757, %get3A_761 : vector<16xf32>
        %max3A_763 = arith.constant 0.000000e+00 : f32
        %max3A_764 = vector.broadcast %max3A_763 : f32 to vector<16xf32>
        %max3A_765 = arith.maximumf %add3A_762, %max3A_764 : vector<16xf32>
        %swap3A_766 = arith.index_cast %while3A_720 : i32 to index
        %swap3A_767 = arith.constant 32 : index
        %swap3A_768 = tpu.vector_load %arg15[%swap3A_766, %swap3A_767] {strides = array<i32>} : memref<80x128xf32, #tpu.memory_space<vmem>>, vector<1x16xf32>,
        %swap3A_769 = vector.shape_cast %swap3A_768 : vector<1x16xf32> to vector<16xf32>
        %swap3A_770 = vector.shape_cast %max3A_765 : vector<16xf32> to vector<1x16xf32>
        tpu.vector_store %arg15[%swap3A_766, %swap3A_767], %swap3A_770 {strides = array<i32>} : memref<80x128xf32, #tpu.memory_space<vmem>>, vector<1x16xf32>,
        %get3A_771 = arith.index_cast %while3A_720 : i32 to index
        %get3A_772 = arith.constant 48 : index
        %get3A_773 = tpu.vector_load %arg15[%get3A_771, %get3A_772] {strides = array<i32>} : memref<80x128xf32, #tpu.memory_space<vmem>>, vector<1x16xf32>,
        %get3A_774 = vector.shape_cast %get3A_773 : vector<1x16xf32> to vector<16xf32>
        %get3A_775 = arith.index_cast %while3A_720 : i32 to index
        %get3A_776 = arith.constant 48 : index
        %get3A_777 = tpu.vector_load %arg13[%get3A_775, %get3A_776] {strides = array<i32>} : memref<80x128xf32, #tpu.memory_space<vmem>>, vector<1x16xf32>,
        %get3A_778 = vector.shape_cast %get3A_777 : vector<1x16xf32> to vector<16xf32>
        %add3A_779 = arith.addf %get3A_774, %get3A_778 : vector<16xf32>
        %max3A_780 = arith.constant 0.000000e+00 : f32
        %max3A_781 = vector.broadcast %max3A_780 : f32 to vector<16xf32>
        %max3A_782 = arith.maximumf %add3A_779, %max3A_781 : vector<16xf32>
        %swap3A_783 = arith.index_cast %while3A_720 : i32 to index
        %swap3A_784 = arith.constant 48 : index
        %swap3A_785 = tpu.vector_load %arg15[%swap3A_783, %swap3A_784] {strides = array<i32>} : memref<80x128xf32, #tpu.memory_space<vmem>>, vector<1x16xf32>,
        %swap3A_786 = vector.shape_cast %swap3A_785 : vector<1x16xf32> to vector<16xf32>
        %swap3A_787 = vector.shape_cast %max3A_782 : vector<16xf32> to vector<1x16xf32>
        tpu.vector_store %arg15[%swap3A_783, %swap3A_784], %swap3A_787 {strides = array<i32>} : memref<80x128xf32, #tpu.memory_space<vmem>>, vector<1x16xf32>,
        %get3A_788 = arith.index_cast %while3A_720 : i32 to index
        %get3A_789 = arith.constant 64 : index
        %get3A_790 = tpu.vector_load %arg15[%get3A_788, %get3A_789] {strides = array<i32>} : memref<80x128xf32, #tpu.memory_space<vmem>>, vector<1x16xf32>,
        %get3A_791 = vector.shape_cast %get3A_790 : vector<1x16xf32> to vector<16xf32>
        %get3A_792 = arith.index_cast %while3A_720 : i32 to index
        %get3A_793 = arith.constant 64 : index
        %get3A_794 = tpu.vector_load %arg13[%get3A_792, %get3A_793] {strides = array<i32>} : memref<80x128xf32, #tpu.memory_space<vmem>>, vector<1x16xf32>,
        %get3A_795 = vector.shape_cast %get3A_794 : vector<1x16xf32> to vector<16xf32>
        %add3A_796 = arith.addf %get3A_791, %get3A_795 : vector<16xf32>
        %max3A_797 = arith.constant 0.000000e+00 : f32
        %max3A_798 = vector.broadcast %max3A_797 : f32 to vector<16xf32>
        %max3A_799 = arith.maximumf %add3A_796, %max3A_798 : vector<16xf32>
        %swap3A_800 = arith.index_cast %while3A_720 : i32 to index
        %swap3A_801 = arith.constant 64 : index
        %swap3A_802 = tpu.vector_load %arg15[%swap3A_800, %swap3A_801] {strides = array<i32>} : memref<80x128xf32, #tpu.memory_space<vmem>>, vector<1x16xf32>,
        %swap3A_803 = vector.shape_cast %swap3A_802 : vector<1x16xf32> to vector<16xf32>
        %swap3A_804 = vector.shape_cast %max3A_799 : vector<16xf32> to vector<1x16xf32>
        tpu.vector_store %arg15[%swap3A_800, %swap3A_801], %swap3A_804 {strides = array<i32>} : memref<80x128xf32, #tpu.memory_space<vmem>>, vector<1x16xf32>,
        %get3A_805 = arith.index_cast %while3A_720 : i32 to index
        %get3A_806 = arith.constant 80 : index
        %get3A_807 = tpu.vector_load %arg15[%get3A_805, %get3A_806] {strides = array<i32>} : memref<80x128xf32, #tpu.memory_space<vmem>>, vector<1x16xf32>,
        %get3A_808 = vector.shape_cast %get3A_807 : vector<1x16xf32> to vector<16xf32>
        %get3A_809 = arith.index_cast %while3A_720 : i32 to index
        %get3A_810 = arith.constant 80 : index
        %get3A_811 = tpu.vector_load %arg13[%get3A_809, %get3A_810] {strides = array<i32>} : memref<80x128xf32, #tpu.memory_space<vmem>>, vector<1x16xf32>,
        %get3A_812 = vector.shape_cast %get3A_811 : vector<1x16xf32> to vector<16xf32>
        %add3A_813 = arith.addf %get3A_808, %get3A_812 : vector<16xf32>
        %max3A_814 = arith.constant 0.000000e+00 : f32
        %max3A_815 = vector.broadcast %max3A_814 : f32 to vector<16xf32>
        %max3A_816 = arith.maximumf %add3A_813, %max3A_815 : vector<16xf32>
        %swap3A_817 = arith.index_cast %while3A_720 : i32 to index
        %swap3A_818 = arith.constant 80 : index
        %swap3A_819 = tpu.vector_load %arg15[%swap3A_817, %swap3A_818] {strides = array<i32>} : memref<80x128xf32, #tpu.memory_space<vmem>>, vector<1x16xf32>,
        %swap3A_820 = vector.shape_cast %swap3A_819 : vector<1x16xf32> to vector<16xf32>
        %swap3A_821 = vector.shape_cast %max3A_816 : vector<16xf32> to vector<1x16xf32>
        tpu.vector_store %arg15[%swap3A_817, %swap3A_818], %swap3A_821 {strides = array<i32>} : memref<80x128xf32, #tpu.memory_space<vmem>>, vector<1x16xf32>,
        %get3A_822 = arith.index_cast %while3A_720 : i32 to index
        %get3A_823 = arith.constant 96 : index
        %get3A_824 = tpu.vector_load %arg15[%get3A_822, %get3A_823] {strides = array<i32>} : memref<80x128xf32, #tpu.memory_space<vmem>>, vector<1x16xf32>,
        %get3A_825 = vector.shape_cast %get3A_824 : vector<1x16xf32> to vector<16xf32>
        %get3A_826 = arith.index_cast %while3A_720 : i32 to index
        %get3A_827 = arith.constant 96 : index
        %get3A_828 = tpu.vector_load %arg13[%get3A_826, %get3A_827] {strides = array<i32>} : memref<80x128xf32, #tpu.memory_space<vmem>>, vector<1x16xf32>,
        %get3A_829 = vector.shape_cast %get3A_828 : vector<1x16xf32> to vector<16xf32>
        %add3A_830 = arith.addf %get3A_825, %get3A_829 : vector<16xf32>
        %max3A_831 = arith.constant 0.000000e+00 : f32
        %max3A_832 = vector.broadcast %max3A_831 : f32 to vector<16xf32>
        %max3A_833 = arith.maximumf %add3A_830, %max3A_832 : vector<16xf32>
        %swap3A_834 = arith.index_cast %while3A_720 : i32 to index
        %swap3A_835 = arith.constant 96 : index
        %swap3A_836 = tpu.vector_load %arg15[%swap3A_834, %swap3A_835] {strides = array<i32>} : memref<80x128xf32, #tpu.memory_space<vmem>>, vector<1x16xf32>,
        %swap3A_837 = vector.shape_cast %swap3A_836 : vector<1x16xf32> to vector<16xf32>
        %swap3A_838 = vector.shape_cast %max3A_833 : vector<16xf32> to vector<1x16xf32>
        tpu.vector_store %arg15[%swap3A_834, %swap3A_835], %swap3A_838 {strides = array<i32>} : memref<80x128xf32, #tpu.memory_space<vmem>>, vector<1x16xf32>,
        %get3A_839 = arith.index_cast %while3A_720 : i32 to index
        %get3A_840 = arith.constant 112 : index
        %get3A_841 = tpu.vector_load %arg15[%get3A_839, %get3A_840] {strides = array<i32>} : memref<80x128xf32, #tpu.memory_space<vmem>>, vector<1x16xf32>,
        %get3A_842 = vector.shape_cast %get3A_841 : vector<1x16xf32> to vector<16xf32>
        %get3A_843 = arith.index_cast %while3A_720 : i32 to index
        %get3A_844 = arith.constant 112 : index
        %get3A_845 = tpu.vector_load %arg13[%get3A_843, %get3A_844] {strides = array<i32>} : memref<80x128xf32, #tpu.memory_space<vmem>>, vector<1x16xf32>,
        %get3A_846 = vector.shape_cast %get3A_845 : vector<1x16xf32> to vector<16xf32>
        %add3A_847 = arith.addf %get3A_842, %get3A_846 : vector<16xf32>
        %max3A_848 = arith.constant 0.000000e+00 : f32
        %max3A_849 = vector.broadcast %max3A_848 : f32 to vector<16xf32>
        %max3A_850 = arith.maximumf %add3A_847, %max3A_849 : vector<16xf32>
        %swap3A_851 = arith.index_cast %while3A_720 : i32 to index
        %swap3A_852 = arith.constant 112 : index
        %swap3A_853 = tpu.vector_load %arg15[%swap3A_851, %swap3A_852] {strides = array<i32>} : memref<80x128xf32, #tpu.memory_space<vmem>>, vector<1x16xf32>,
        %swap3A_854 = vector.shape_cast %swap3A_853 : vector<1x16xf32> to vector<16xf32>
        %swap3A_855 = vector.shape_cast %max3A_850 : vector<16xf32> to vector<1x16xf32>
        tpu.vector_store %arg15[%swap3A_851, %swap3A_852], %swap3A_855 {strides = array<i32>} : memref<80x128xf32, #tpu.memory_space<vmem>>, vector<1x16xf32>,
      }
      %jit3A_433 = arith.constant 25 : i32
      %div3A_434 = arith.divsi %mul3A_359, %jit3A_433 : i32
      %sign3A_435 = arith.constant 0 : i32
      %sign3A_436 = arith.cmpi sgt, %mul3A_359, %sign3A_435 : i32
      %sign3A_437 = arith.extui %sign3A_436 : i1 to i32
      %sign3A_438 = arith.constant 0 : i32
      %sign3A_439 = arith.cmpi slt, %mul3A_359, %sign3A_438 : i32
      %sign3A_440 = arith.extui %sign3A_439 : i1 to i32
      %sign3A_441 = arith.subi %sign3A_437, %sign3A_440 : i32
      %sign3A_442 = arith.constant 0 : i32
      %sign3A_443 = arith.cmpi sgt, %jit3A_433, %sign3A_442 : i32
      %sign3A_444 = arith.extui %sign3A_443 : i1 to i32
      %sign3A_445 = arith.constant 0 : i32
      %sign3A_446 = arith.cmpi slt, %jit3A_433, %sign3A_445 : i32
      %sign3A_447 = arith.extui %sign3A_446 : i1 to i32
      %sign3A_448 = arith.subi %sign3A_444, %sign3A_447 : i32
      %ne3A_449 = arith.cmpi ne, %sign3A_441, %sign3A_448 : i32
      %rem3A_450 = arith.remsi %mul3A_359, %jit3A_433 : i32
      %ne3A_451 = arith.constant 0 : i32
      %ne3A_452 = arith.cmpi ne, %rem3A_450, %ne3A_451 : i32
      %and3A_453 = arith.andi %ne3A_449, %ne3A_452 : i1
      %sub3A_454 = arith.constant 1 : i32
      %sub3A_455 = arith.subi %div3A_434, %sub3A_454 : i32
      %select_n3A_456 = arith.select %and3A_453, %sub3A_455, %div3A_434 : i32
      %jit3A_457 = arith.constant 2 : i32
      %eq3A_458 = arith.constant 0 : i32
      %eq3A_459 = arith.cmpi eq, %jit3A_457, %eq3A_458 : i32
      %jit3A_460 = arith.constant 1 : i32
      %select_n3A_461 = arith.select %eq3A_459, %jit3A_460, %jit3A_457 : i32
      %rem3A_462 = arith.remsi %select_n3A_456, %select_n3A_461 : i32
      %ne3A_463 = arith.constant 0 : i32
      %ne3A_464 = arith.cmpi ne, %rem3A_462, %ne3A_463 : i32
      %lt3A_465 = arith.constant 0 : i32
      %lt3A_466 = arith.cmpi slt, %rem3A_462, %lt3A_465 : i32
      %lt3A_467 = arith.constant 0 : i32
      %lt3A_468 = arith.cmpi slt, %select_n3A_461, %lt3A_467 : i32
      %ne3A_469 = arith.xori %lt3A_466, %lt3A_468 : i1
      %and3A_470 = arith.andi %ne3A_469, %ne3A_464 : i1
      %add3A_471 = arith.addi %rem3A_462, %select_n3A_461 : i32
      %select_n3A_472 = arith.select %and3A_470, %add3A_471, %rem3A_462 : i32
      %mul3A_473 = arith.constant 2000 : i32
      %mul3A_474 = arith.muli %select_n3A_472, %mul3A_473 : i32
      %jit3A_475 = arith.constant 25 : i32
      %eq3A_476 = arith.constant 0 : i32
      %eq3A_477 = arith.cmpi eq, %jit3A_475, %eq3A_476 : i32
      %jit3A_478 = arith.constant 1 : i32
      %select_n3A_479 = arith.select %eq3A_477, %jit3A_478, %jit3A_475 : i32
      %rem3A_480 = arith.remsi %mul3A_359, %select_n3A_479 : i32
      %ne3A_481 = arith.constant 0 : i32
      %ne3A_482 = arith.cmpi ne, %rem3A_480, %ne3A_481 : i32
      %lt3A_483 = arith.constant 0 : i32
      %lt3A_484 = arith.cmpi slt, %rem3A_480, %lt3A_483 : i32
      %lt3A_485 = arith.constant 0 : i32
      %lt3A_486 = arith.cmpi slt, %select_n3A_479, %lt3A_485 : i32
      %ne3A_487 = arith.xori %lt3A_484, %lt3A_486 : i1
      %and3A_488 = arith.andi %ne3A_487, %ne3A_482 : i1
      %add3A_489 = arith.addi %rem3A_480, %select_n3A_479 : i32
      %select_n3A_490 = arith.select %and3A_488, %add3A_489, %rem3A_480 : i32
      %mul3A_491 = arith.constant 80 : i32
      %mul3A_492 = arith.muli %select_n3A_490, %mul3A_491 : i32
      %add3A_493 = arith.addi %mul3A_474, %mul3A_492 : i32
      %add3A_494 = arith.constant 0 : i32
      %add3A_495 = arith.addi %add3A_493, %add3A_494 : i32
      %get3A_496 = arith.index_cast %add3A_495 : i32 to index
      %get3A_497 = tpu.vector_load %arg9[%get3A_496] {strides = array<i32>} : memref<4000xi32, #tpu.memory_space<vmem>>, vector<16xi32>,
      %get3A_498 = vector.shape_cast %get3A_497 : vector<16xi32> to vector<16xi32>
      %swap3A_499 = arith.constant 0 : index
      %swap3A_500 = tpu.vector_load %arg12[%swap3A_499] {strides = array<i32>} : memref<80xi32, #tpu.memory_space<vmem>>, vector<16xi32>,
      %swap3A_501 = vector.shape_cast %swap3A_500 : vector<16xi32> to vector<16xi32>
      %swap3A_502 = vector.shape_cast %get3A_498 : vector<16xi32> to vector<16xi32>
      tpu.vector_store %arg12[%swap3A_499], %swap3A_502 {strides = array<i32>} : memref<80xi32, #tpu.memory_space<vmem>>, vector<16xi32>,
      %add3A_503 = arith.constant 16 : i32
      %add3A_504 = arith.addi %add3A_493, %add3A_503 : i32
      %get3A_505 = arith.index_cast %add3A_504 : i32 to index
      %get3A_506 = tpu.vector_load %arg9[%get3A_505] {strides = array<i32>} : memref<4000xi32, #tpu.memory_space<vmem>>, vector<16xi32>,
      %get3A_507 = vector.shape_cast %get3A_506 : vector<16xi32> to vector<16xi32>
      %swap3A_508 = arith.constant 16 : index
      %swap3A_509 = tpu.vector_load %arg12[%swap3A_508] {strides = array<i32>} : memref<80xi32, #tpu.memory_space<vmem>>, vector<16xi32>,
      %swap3A_510 = vector.shape_cast %swap3A_509 : vector<16xi32> to vector<16xi32>
      %swap3A_511 = vector.shape_cast %get3A_507 : vector<16xi32> to vector<16xi32>
      tpu.vector_store %arg12[%swap3A_508], %swap3A_511 {strides = array<i32>} : memref<80xi32, #tpu.memory_space<vmem>>, vector<16xi32>,
      %add3A_512 = arith.constant 32 : i32
      %add3A_513 = arith.addi %add3A_493, %add3A_512 : i32
      %get3A_514 = arith.index_cast %add3A_513 : i32 to index
      %get3A_515 = tpu.vector_load %arg9[%get3A_514] {strides = array<i32>} : memref<4000xi32, #tpu.memory_space<vmem>>, vector<16xi32>,
      %get3A_516 = vector.shape_cast %get3A_515 : vector<16xi32> to vector<16xi32>
      %swap3A_517 = arith.constant 32 : index
      %swap3A_518 = tpu.vector_load %arg12[%swap3A_517] {strides = array<i32>} : memref<80xi32, #tpu.memory_space<vmem>>, vector<16xi32>,
      %swap3A_519 = vector.shape_cast %swap3A_518 : vector<16xi32> to vector<16xi32>
      %swap3A_520 = vector.shape_cast %get3A_516 : vector<16xi32> to vector<16xi32>
      tpu.vector_store %arg12[%swap3A_517], %swap3A_520 {strides = array<i32>} : memref<80xi32, #tpu.memory_space<vmem>>, vector<16xi32>,
      %add3A_521 = arith.constant 48 : i32
      %add3A_522 = arith.addi %add3A_493, %add3A_521 : i32
      %get3A_523 = arith.index_cast %add3A_522 : i32 to index
      %get3A_524 = tpu.vector_load %arg9[%get3A_523] {strides = array<i32>} : memref<4000xi32, #tpu.memory_space<vmem>>, vector<16xi32>,
      %get3A_525 = vector.shape_cast %get3A_524 : vector<16xi32> to vector<16xi32>
      %swap3A_526 = arith.constant 48 : index
      %swap3A_527 = tpu.vector_load %arg12[%swap3A_526] {strides = array<i32>} : memref<80xi32, #tpu.memory_space<vmem>>, vector<16xi32>,
      %swap3A_528 = vector.shape_cast %swap3A_527 : vector<16xi32> to vector<16xi32>
      %swap3A_529 = vector.shape_cast %get3A_525 : vector<16xi32> to vector<16xi32>
      tpu.vector_store %arg12[%swap3A_526], %swap3A_529 {strides = array<i32>} : memref<80xi32, #tpu.memory_space<vmem>>, vector<16xi32>,
      %add3A_530 = arith.constant 64 : i32
      %add3A_531 = arith.addi %add3A_493, %add3A_530 : i32
      %get3A_532 = arith.index_cast %add3A_531 : i32 to index
      %get3A_533 = tpu.vector_load %arg9[%get3A_532] {strides = array<i32>} : memref<4000xi32, #tpu.memory_space<vmem>>, vector<16xi32>,
      %get3A_534 = vector.shape_cast %get3A_533 : vector<16xi32> to vector<16xi32>
      %swap3A_535 = arith.constant 64 : index
      %swap3A_536 = tpu.vector_load %arg12[%swap3A_535] {strides = array<i32>} : memref<80xi32, #tpu.memory_space<vmem>>, vector<16xi32>,
      %swap3A_537 = vector.shape_cast %swap3A_536 : vector<16xi32> to vector<16xi32>
      %swap3A_538 = vector.shape_cast %get3A_534 : vector<16xi32> to vector<16xi32>
      tpu.vector_store %arg12[%swap3A_535], %swap3A_538 {strides = array<i32>} : memref<80xi32, #tpu.memory_space<vmem>>, vector<16xi32>,
      "tpu.region"() ({
        %run_scoped3A = tpu.sem_alloc : memref<!tpu.dma_semaphore, #tpu.memory_space<semaphore_mem>>
        %dma_start3A_720 = arith.constant 0 : i32
        %dma_start3A_721 = arith.constant 0 : i32
        %dma_start3A_722 = tpu.memref_slice %arg17[%dma_start3A_720, %dma_start3A_721] : memref<10112x128xf32, #tpu.memory_space<vmem_shared>> -> memref<10112x128xf32, #tpu.memory_space<vmem_shared>>
        tpu.enqueue_indirect_dma source(%arg15 : memref<80x128xf32, #tpu.memory_space<vmem>>) target(%dma_start3A_722 : memref<10112x128xf32, #tpu.memory_space<vmem_shared>>) offsets(%arg12 : memref<80xi32, #tpu.memory_space<vmem>>) semaphore(%run_scoped3A : memref<!tpu.dma_semaphore, #tpu.memory_space<semaphore_mem>>) {add = true}
        %dma_wait3A_723 = arith.constant 0 : i32
        %dma_wait3A_724 = arith.constant 0 : i32
        %dma_wait3A_725 = tpu.memref_slice %arg17[%dma_wait3A_723, %dma_wait3A_724] : memref<10112x128xf32, #tpu.memory_space<vmem_shared>> -> memref<10112x128xf32, #tpu.memory_space<vmem_shared>>
        tpu.wait_indirect_dma semaphore(%run_scoped3A : memref<!tpu.dma_semaphore, #tpu.memory_space<semaphore_mem>>) src(%arg15 : memref<80x128xf32, #tpu.memory_space<vmem>>) dst(%dma_wait3A_725 : memref<10112x128xf32, #tpu.memory_space<vmem_shared>>)
        tpu.yield
      }) : () -> ()
      %add3A_539 = arith.constant 1 : i32
      %add3A_540 = arith.addi %mul3A_359, %add3A_539 : i32
      %jit3A_541 = arith.constant 25 : i32
      %eq3A_542 = arith.constant 0 : i32
      %eq3A_543 = arith.cmpi eq, %jit3A_541, %eq3A_542 : i32
      %jit3A_544 = arith.constant 1 : i32
      %select_n3A_545 = arith.select %eq3A_543, %jit3A_544, %jit3A_541 : i32
      %rem3A_546 = arith.remsi %add3A_540, %select_n3A_545 : i32
      %ne3A_547 = arith.constant 0 : i32
      %ne3A_548 = arith.cmpi ne, %rem3A_546, %ne3A_547 : i32
      %lt3A_549 = arith.constant 0 : i32
      %lt3A_550 = arith.cmpi slt, %rem3A_546, %lt3A_549 : i32
      %lt3A_551 = arith.constant 0 : i32
      %lt3A_552 = arith.cmpi slt, %select_n3A_545, %lt3A_551 : i32
      %ne3A_553 = arith.xori %lt3A_550, %lt3A_552 : i1
      %and3A_554 = arith.andi %ne3A_553, %ne3A_548 : i1
      %add3A_555 = arith.addi %rem3A_546, %select_n3A_545 : i32
      %select_n3A_556 = arith.select %and3A_554, %add3A_555, %rem3A_546 : i32
      %eq3A_557 = arith.constant 0 : i32
      %eq3A_558 = arith.cmpi eq, %select_n3A_556, %eq3A_557 : i32
      %convert_element_type3A_559 = arith.extui %eq3A_558 : i1 to i32
      %cond3A_560 = arith.constant 0 : i32
      %cond3A_561 = arith.cmpi ne, %convert_element_type3A_559, %cond3A_560 : i32
      scf.if %cond3A_561 {
        %add3A_720 = arith.constant 25 : i32
        %add3A_721 = arith.addi %add3A_540, %add3A_720 : i32
        %lt3A_722 = arith.cmpi slt, %add3A_721, %while3A_157 : i32
        %convert_element_type3A_723 = arith.extui %lt3A_722 : i1 to i32
        %cond3A_724 = arith.constant 0 : i32
        %cond3A_725 = arith.cmpi ne, %convert_element_type3A_723, %cond3A_724 : i32
        scf.if %cond3A_725 {
          %jit3A_726 = arith.constant 25 : i32
          %div3A_727 = arith.divsi %add3A_540, %jit3A_726 : i32
          %sign3A_728 = arith.constant 0 : i32
          %sign3A_729 = arith.cmpi sgt, %add3A_540, %sign3A_728 : i32
          %sign3A_730 = arith.extui %sign3A_729 : i1 to i32
          %sign3A_731 = arith.constant 0 : i32
          %sign3A_732 = arith.cmpi slt, %add3A_540, %sign3A_731 : i32
          %sign3A_733 = arith.extui %sign3A_732 : i1 to i32
          %sign3A_734 = arith.subi %sign3A_730, %sign3A_733 : i32
          %sign3A_735 = arith.constant 0 : i32
          %sign3A_736 = arith.cmpi sgt, %jit3A_726, %sign3A_735 : i32
          %sign3A_737 = arith.extui %sign3A_736 : i1 to i32
          %sign3A_738 = arith.constant 0 : i32
          %sign3A_739 = arith.cmpi slt, %jit3A_726, %sign3A_738 : i32
          %sign3A_740 = arith.extui %sign3A_739 : i1 to i32
          %sign3A_741 = arith.subi %sign3A_737, %sign3A_740 : i32
          %ne3A_742 = arith.cmpi ne, %sign3A_734, %sign3A_741 : i32
          %rem3A_743 = arith.remsi %add3A_540, %jit3A_726 : i32
          %ne3A_744 = arith.constant 0 : i32
          %ne3A_745 = arith.cmpi ne, %rem3A_743, %ne3A_744 : i32
          %and3A_746 = arith.andi %ne3A_742, %ne3A_745 : i1
          %sub3A_747 = arith.constant 1 : i32
          %sub3A_748 = arith.subi %div3A_727, %sub3A_747 : i32
          %select_n3A_749 = arith.select %and3A_746, %sub3A_748, %div3A_727 : i32
          %add3A_750 = arith.constant 1 : i32
          %add3A_751 = arith.addi %select_n3A_749, %add3A_750 : i32
          %mul3A_752 = arith.constant 2000 : i32
          %mul3A_753 = arith.muli %add3A_751, %mul3A_752 : i32
          %add3A_754 = arith.addi %mul3A_4, %mul3A_753 : i32
          %jit3A_755 = arith.constant 2 : i32
          %eq3A_756 = arith.constant 0 : i32
          %eq3A_757 = arith.cmpi eq, %jit3A_755, %eq3A_756 : i32
          %jit3A_758 = arith.constant 1 : i32
          %select_n3A_759 = arith.select %eq3A_757, %jit3A_758, %jit3A_755 : i32
          %rem3A_760 = arith.remsi %add3A_751, %select_n3A_759 : i32
          %ne3A_761 = arith.constant 0 : i32
          %ne3A_762 = arith.cmpi ne, %rem3A_760, %ne3A_761 : i32
          %lt3A_763 = arith.constant 0 : i32
          %lt3A_764 = arith.cmpi slt, %rem3A_760, %lt3A_763 : i32
          %lt3A_765 = arith.constant 0 : i32
          %lt3A_766 = arith.cmpi slt, %select_n3A_759, %lt3A_765 : i32
          %ne3A_767 = arith.xori %lt3A_764, %lt3A_766 : i1
          %and3A_768 = arith.andi %ne3A_767, %ne3A_762 : i1
          %add3A_769 = arith.addi %rem3A_760, %select_n3A_759 : i32
          %select_n3A_770 = arith.select %and3A_768, %add3A_769, %rem3A_760 : i32
          %mul3A_771 = arith.constant 2000 : i32
          %mul3A_772 = arith.muli %select_n3A_770, %mul3A_771 : i32
          %dma_start3A_773 = tpu.memref_slice %arg8[%mul3A_772] : memref<4000xi32, #tpu.memory_space<vmem>> -> memref<2000xi32, #tpu.memory_space<vmem>>
          %dma_start3A_774 = tpu.memref_slice %arg3[%add3A_754] : memref<320000xi32, #tpu.memory_space<hbm>> -> memref<2000xi32, #tpu.memory_space<hbm>>
          %dma_start3A_775 = tpu.memref_slice %arg8[%mul3A_772] : memref<4000xi32, #tpu.memory_space<vmem>> -> memref<2000xi32, #tpu.memory_space<vmem>>
          %dma_start3A_776 = tpu.memref_slice %arg3[%add3A_754] : memref<320000xi32, #tpu.memory_space<hbm>> -> memref<2000xi32, #tpu.memory_space<hbm>>
          tpu.enqueue_dma source(%dma_start3A_776 : memref<2000xi32, #tpu.memory_space<hbm>>) target(%dma_start3A_775 : memref<2000xi32, #tpu.memory_space<vmem>>) target_semaphore(%arg20 : memref<!tpu.dma_semaphore, #tpu.memory_space<semaphore_mem>>)
          %dma_start3A_777 = tpu.memref_slice %arg9[%mul3A_772] : memref<4000xi32, #tpu.memory_space<vmem>> -> memref<2000xi32, #tpu.memory_space<vmem>>
          %dma_start3A_778 = tpu.memref_slice %arg4[%add3A_754] : memref<320000xi32, #tpu.memory_space<hbm>> -> memref<2000xi32, #tpu.memory_space<hbm>>
          %dma_start3A_779 = tpu.memref_slice %arg9[%mul3A_772] : memref<4000xi32, #tpu.memory_space<vmem>> -> memref<2000xi32, #tpu.memory_space<vmem>>
          %dma_start3A_780 = tpu.memref_slice %arg4[%add3A_754] : memref<320000xi32, #tpu.memory_space<hbm>> -> memref<2000xi32, #tpu.memory_space<hbm>>
          tpu.enqueue_dma source(%dma_start3A_780 : memref<2000xi32, #tpu.memory_space<hbm>>) target(%dma_start3A_779 : memref<2000xi32, #tpu.memory_space<vmem>>) target_semaphore(%arg20 : memref<!tpu.dma_semaphore, #tpu.memory_space<semaphore_mem>>)
        } else {
        }
      } else {
      }
      %add3A_562 = arith.constant 1 : i32
      %add3A_563 = arith.addi %add3A_540, %add3A_562 : i32
      %jit3A_564 = arith.constant 25 : i32
      %eq3A_565 = arith.constant 0 : i32
      %eq3A_566 = arith.cmpi eq, %jit3A_564, %eq3A_565 : i32
      %jit3A_567 = arith.constant 1 : i32
      %select_n3A_568 = arith.select %eq3A_566, %jit3A_567, %jit3A_564 : i32
      %rem3A_569 = arith.remsi %add3A_563, %select_n3A_568 : i32
      %ne3A_570 = arith.constant 0 : i32
      %ne3A_571 = arith.cmpi ne, %rem3A_569, %ne3A_570 : i32
      %lt3A_572 = arith.constant 0 : i32
      %lt3A_573 = arith.cmpi slt, %rem3A_569, %lt3A_572 : i32
      %lt3A_574 = arith.constant 0 : i32
      %lt3A_575 = arith.cmpi slt, %select_n3A_568, %lt3A_574 : i32
      %ne3A_576 = arith.xori %lt3A_573, %lt3A_575 : i1
      %and3A_577 = arith.andi %ne3A_576, %ne3A_571 : i1
      %add3A_578 = arith.addi %rem3A_569, %select_n3A_568 : i32
      %select_n3A_579 = arith.select %and3A_577, %add3A_578, %rem3A_569 : i32
      %eq3A_580 = arith.constant 0 : i32
      %eq3A_581 = arith.cmpi eq, %select_n3A_579, %eq3A_580 : i32
      %convert_element_type3A_582 = arith.extui %eq3A_581 : i1 to i32
      %cond3A_583 = arith.constant 0 : i32
      %cond3A_584 = arith.cmpi ne, %convert_element_type3A_582, %cond3A_583 : i32
      scf.if %cond3A_584 {
        %add3A_720 = arith.constant 1 : i32
        %add3A_721 = arith.addi %add3A_540, %add3A_720 : i32
        %lt3A_722 = arith.cmpi slt, %add3A_721, %while3A_157 : i32
        %convert_element_type3A_723 = arith.extui %lt3A_722 : i1 to i32
        %cond3A_724 = arith.constant 0 : i32
        %cond3A_725 = arith.cmpi ne, %convert_element_type3A_723, %cond3A_724 : i32
        scf.if %cond3A_725 {
          %dma_wait3A_726 = arith.constant 0 : i32
          %dma_wait3A_727 = tpu.memref_slice %arg8[%dma_wait3A_726] : memref<4000xi32, #tpu.memory_space<vmem>> -> memref<2000xi32, #tpu.memory_space<vmem>>
          %dma_wait3A_728 = arith.constant 0 : i32
          %dma_wait3A_729 = tpu.memref_slice %arg3[%dma_wait3A_728] : memref<320000xi32, #tpu.memory_space<hbm>> -> memref<2000xi32, #tpu.memory_space<hbm>>
          %dma_wait3A_730 = arith.constant 0 : i32
          %dma_wait3A_731 = tpu.memref_slice %arg8[%dma_wait3A_730] : memref<4000xi32, #tpu.memory_space<vmem>> -> memref<2000xi32, #tpu.memory_space<vmem>>
          %dma_wait3A_732 = arith.constant 0 : i32
          %dma_wait3A_733 = tpu.memref_slice %arg3[%dma_wait3A_732] : memref<320000xi32, #tpu.memory_space<hbm>> -> memref<2000xi32, #tpu.memory_space<hbm>>
          tpu.wait_dma2 semaphore(%arg20 : memref<!tpu.dma_semaphore, #tpu.memory_space<semaphore_mem>>) src(%dma_wait3A_733 : memref<2000xi32, #tpu.memory_space<hbm>>) dst(%dma_wait3A_731 : memref<2000xi32, #tpu.memory_space<vmem>>)
          %dma_wait3A_734 = arith.constant 0 : i32
          %dma_wait3A_735 = tpu.memref_slice %arg9[%dma_wait3A_734] : memref<4000xi32, #tpu.memory_space<vmem>> -> memref<2000xi32, #tpu.memory_space<vmem>>
          %dma_wait3A_736 = arith.constant 0 : i32
          %dma_wait3A_737 = tpu.memref_slice %arg4[%dma_wait3A_736] : memref<320000xi32, #tpu.memory_space<hbm>> -> memref<2000xi32, #tpu.memory_space<hbm>>
          %dma_wait3A_738 = arith.constant 0 : i32
          %dma_wait3A_739 = tpu.memref_slice %arg9[%dma_wait3A_738] : memref<4000xi32, #tpu.memory_space<vmem>> -> memref<2000xi32, #tpu.memory_space<vmem>>
          %dma_wait3A_740 = arith.constant 0 : i32
          %dma_wait3A_741 = tpu.memref_slice %arg4[%dma_wait3A_740] : memref<320000xi32, #tpu.memory_space<hbm>> -> memref<2000xi32, #tpu.memory_space<hbm>>
          tpu.wait_dma2 semaphore(%arg20 : memref<!tpu.dma_semaphore, #tpu.memory_space<semaphore_mem>>) src(%dma_wait3A_741 : memref<2000xi32, #tpu.memory_space<hbm>>) dst(%dma_wait3A_739 : memref<2000xi32, #tpu.memory_space<vmem>>)
        } else {
        }
      } else {
      }
      %add3A_585 = arith.constant 1 : i32
      %add3A_586 = arith.addi %add3A_540, %add3A_585 : i32
      %lt3A_587 = arith.cmpi slt, %add3A_586, %while3A_157 : i32
      %convert_element_type3A_588 = arith.extui %lt3A_587 : i1 to i32
      %cond3A_589 = arith.constant 0 : i32
      %cond3A_590 = arith.cmpi ne, %convert_element_type3A_588, %cond3A_589 : i32
      scf.if %cond3A_590 {
        %add3A_720 = arith.constant 1 : i32
        %add3A_721 = arith.addi %add3A_540, %add3A_720 : i32
        %mul3A_722 = arith.constant 80 : i32
        %mul3A_723 = arith.muli %add3A_721, %mul3A_722 : i32
        %add3A_724 = arith.addi %mul3A_4, %mul3A_723 : i32
        %dma_start3A_725 = arith.constant 0 : i32
        %dma_start3A_726 = tpu.memref_slice %arg5[%add3A_724, %dma_start3A_725] : memref<320000x128xf32, #tpu.memory_space<hbm>> -> memref<80x128xf32, #tpu.memory_space<hbm>>
        %dma_start3A_727 = arith.constant 0 : i32
        %dma_start3A_728 = tpu.memref_slice %arg5[%add3A_724, %dma_start3A_727] : memref<320000x128xf32, #tpu.memory_space<hbm>> -> memref<80x128xf32, #tpu.memory_space<hbm>>
        tpu.enqueue_dma source(%dma_start3A_728 : memref<80x128xf32, #tpu.memory_space<hbm>>) target(%arg13 : memref<80x128xf32, #tpu.memory_space<vmem>>) target_semaphore(%arg18 : memref<!tpu.dma_semaphore, #tpu.memory_space<semaphore_mem>>)
        %jit3A_729 = arith.constant 25 : i32
        %div3A_730 = arith.divsi %add3A_721, %jit3A_729 : i32
        %sign3A_731 = arith.constant 0 : i32
        %sign3A_732 = arith.cmpi sgt, %add3A_721, %sign3A_731 : i32
        %sign3A_733 = arith.extui %sign3A_732 : i1 to i32
        %sign3A_734 = arith.constant 0 : i32
        %sign3A_735 = arith.cmpi slt, %add3A_721, %sign3A_734 : i32
        %sign3A_736 = arith.extui %sign3A_735 : i1 to i32
        %sign3A_737 = arith.subi %sign3A_733, %sign3A_736 : i32
        %sign3A_738 = arith.constant 0 : i32
        %sign3A_739 = arith.cmpi sgt, %jit3A_729, %sign3A_738 : i32
        %sign3A_740 = arith.extui %sign3A_739 : i1 to i32
        %sign3A_741 = arith.constant 0 : i32
        %sign3A_742 = arith.cmpi slt, %jit3A_729, %sign3A_741 : i32
        %sign3A_743 = arith.extui %sign3A_742 : i1 to i32
        %sign3A_744 = arith.subi %sign3A_740, %sign3A_743 : i32
        %ne3A_745 = arith.cmpi ne, %sign3A_737, %sign3A_744 : i32
        %rem3A_746 = arith.remsi %add3A_721, %jit3A_729 : i32
        %ne3A_747 = arith.constant 0 : i32
        %ne3A_748 = arith.cmpi ne, %rem3A_746, %ne3A_747 : i32
        %and3A_749 = arith.andi %ne3A_745, %ne3A_748 : i1
        %sub3A_750 = arith.constant 1 : i32
        %sub3A_751 = arith.subi %div3A_730, %sub3A_750 : i32
        %select_n3A_752 = arith.select %and3A_749, %sub3A_751, %div3A_730 : i32
        %jit3A_753 = arith.constant 2 : i32
        %eq3A_754 = arith.constant 0 : i32
        %eq3A_755 = arith.cmpi eq, %jit3A_753, %eq3A_754 : i32
        %jit3A_756 = arith.constant 1 : i32
        %select_n3A_757 = arith.select %eq3A_755, %jit3A_756, %jit3A_753 : i32
        %rem3A_758 = arith.remsi %select_n3A_752, %select_n3A_757 : i32
        %ne3A_759 = arith.constant 0 : i32
        %ne3A_760 = arith.cmpi ne, %rem3A_758, %ne3A_759 : i32
        %lt3A_761 = arith.constant 0 : i32
        %lt3A_762 = arith.cmpi slt, %rem3A_758, %lt3A_761 : i32
        %lt3A_763 = arith.constant 0 : i32
        %lt3A_764 = arith.cmpi slt, %select_n3A_757, %lt3A_763 : i32
        %ne3A_765 = arith.xori %lt3A_762, %lt3A_764 : i1
        %and3A_766 = arith.andi %ne3A_765, %ne3A_760 : i1
        %add3A_767 = arith.addi %rem3A_758, %select_n3A_757 : i32
        %select_n3A_768 = arith.select %and3A_766, %add3A_767, %rem3A_758 : i32
        %mul3A_769 = arith.constant 2000 : i32
        %mul3A_770 = arith.muli %select_n3A_768, %mul3A_769 : i32
        %jit3A_771 = arith.constant 25 : i32
        %eq3A_772 = arith.constant 0 : i32
        %eq3A_773 = arith.cmpi eq, %jit3A_771, %eq3A_772 : i32
        %jit3A_774 = arith.constant 1 : i32
        %select_n3A_775 = arith.select %eq3A_773, %jit3A_774, %jit3A_771 : i32
        %rem3A_776 = arith.remsi %add3A_721, %select_n3A_775 : i32
        %ne3A_777 = arith.constant 0 : i32
        %ne3A_778 = arith.cmpi ne, %rem3A_776, %ne3A_777 : i32
        %lt3A_779 = arith.constant 0 : i32
        %lt3A_780 = arith.cmpi slt, %rem3A_776, %lt3A_779 : i32
        %lt3A_781 = arith.constant 0 : i32
        %lt3A_782 = arith.cmpi slt, %select_n3A_775, %lt3A_781 : i32
        %ne3A_783 = arith.xori %lt3A_780, %lt3A_782 : i1
        %and3A_784 = arith.andi %ne3A_783, %ne3A_778 : i1
        %add3A_785 = arith.addi %rem3A_776, %select_n3A_775 : i32
        %select_n3A_786 = arith.select %and3A_784, %add3A_785, %rem3A_776 : i32
        %mul3A_787 = arith.constant 80 : i32
        %mul3A_788 = arith.muli %select_n3A_786, %mul3A_787 : i32
        %add3A_789 = arith.addi %mul3A_770, %mul3A_788 : i32
        %add3A_790 = arith.constant 0 : i32
        %add3A_791 = arith.addi %add3A_789, %add3A_790 : i32
        %get3A_792 = arith.index_cast %add3A_791 : i32 to index
        %get3A_793 = tpu.vector_load %arg8[%get3A_792] {strides = array<i32>} : memref<4000xi32, #tpu.memory_space<vmem>>, vector<16xi32>,
        %get3A_794 = vector.shape_cast %get3A_793 : vector<16xi32> to vector<16xi32>
        %swap3A_795 = arith.constant 0 : index
        %swap3A_796 = tpu.vector_load %arg10[%swap3A_795] {strides = array<i32>} : memref<80xi32, #tpu.memory_space<vmem>>, vector<16xi32>,
        %swap3A_797 = vector.shape_cast %swap3A_796 : vector<16xi32> to vector<16xi32>
        %swap3A_798 = vector.shape_cast %get3A_794 : vector<16xi32> to vector<16xi32>
        tpu.vector_store %arg10[%swap3A_795], %swap3A_798 {strides = array<i32>} : memref<80xi32, #tpu.memory_space<vmem>>, vector<16xi32>,
        %add3A_799 = arith.constant 16 : i32
        %add3A_800 = arith.addi %add3A_789, %add3A_799 : i32
        %get3A_801 = arith.index_cast %add3A_800 : i32 to index
        %get3A_802 = tpu.vector_load %arg8[%get3A_801] {strides = array<i32>} : memref<4000xi32, #tpu.memory_space<vmem>>, vector<16xi32>,
        %get3A_803 = vector.shape_cast %get3A_802 : vector<16xi32> to vector<16xi32>
        %swap3A_804 = arith.constant 16 : index
        %swap3A_805 = tpu.vector_load %arg10[%swap3A_804] {strides = array<i32>} : memref<80xi32, #tpu.memory_space<vmem>>, vector<16xi32>,
        %swap3A_806 = vector.shape_cast %swap3A_805 : vector<16xi32> to vector<16xi32>
        %swap3A_807 = vector.shape_cast %get3A_803 : vector<16xi32> to vector<16xi32>
        tpu.vector_store %arg10[%swap3A_804], %swap3A_807 {strides = array<i32>} : memref<80xi32, #tpu.memory_space<vmem>>, vector<16xi32>,
        %add3A_808 = arith.constant 32 : i32
        %add3A_809 = arith.addi %add3A_789, %add3A_808 : i32
        %get3A_810 = arith.index_cast %add3A_809 : i32 to index
        %get3A_811 = tpu.vector_load %arg8[%get3A_810] {strides = array<i32>} : memref<4000xi32, #tpu.memory_space<vmem>>, vector<16xi32>,
        %get3A_812 = vector.shape_cast %get3A_811 : vector<16xi32> to vector<16xi32>
        %swap3A_813 = arith.constant 32 : index
        %swap3A_814 = tpu.vector_load %arg10[%swap3A_813] {strides = array<i32>} : memref<80xi32, #tpu.memory_space<vmem>>, vector<16xi32>,
        %swap3A_815 = vector.shape_cast %swap3A_814 : vector<16xi32> to vector<16xi32>
        %swap3A_816 = vector.shape_cast %get3A_812 : vector<16xi32> to vector<16xi32>
        tpu.vector_store %arg10[%swap3A_813], %swap3A_816 {strides = array<i32>} : memref<80xi32, #tpu.memory_space<vmem>>, vector<16xi32>,
        %add3A_817 = arith.constant 48 : i32
        %add3A_818 = arith.addi %add3A_789, %add3A_817 : i32
        %get3A_819 = arith.index_cast %add3A_818 : i32 to index
        %get3A_820 = tpu.vector_load %arg8[%get3A_819] {strides = array<i32>} : memref<4000xi32, #tpu.memory_space<vmem>>, vector<16xi32>,
        %get3A_821 = vector.shape_cast %get3A_820 : vector<16xi32> to vector<16xi32>
        %swap3A_822 = arith.constant 48 : index
        %swap3A_823 = tpu.vector_load %arg10[%swap3A_822] {strides = array<i32>} : memref<80xi32, #tpu.memory_space<vmem>>, vector<16xi32>,
        %swap3A_824 = vector.shape_cast %swap3A_823 : vector<16xi32> to vector<16xi32>
        %swap3A_825 = vector.shape_cast %get3A_821 : vector<16xi32> to vector<16xi32>
        tpu.vector_store %arg10[%swap3A_822], %swap3A_825 {strides = array<i32>} : memref<80xi32, #tpu.memory_space<vmem>>, vector<16xi32>,
        %add3A_826 = arith.constant 64 : i32
        %add3A_827 = arith.addi %add3A_789, %add3A_826 : i32
        %get3A_828 = arith.index_cast %add3A_827 : i32 to index
        %get3A_829 = tpu.vector_load %arg8[%get3A_828] {strides = array<i32>} : memref<4000xi32, #tpu.memory_space<vmem>>, vector<16xi32>,
        %get3A_830 = vector.shape_cast %get3A_829 : vector<16xi32> to vector<16xi32>
        %swap3A_831 = arith.constant 64 : index
        %swap3A_832 = tpu.vector_load %arg10[%swap3A_831] {strides = array<i32>} : memref<80xi32, #tpu.memory_space<vmem>>, vector<16xi32>,
        %swap3A_833 = vector.shape_cast %swap3A_832 : vector<16xi32> to vector<16xi32>
        %swap3A_834 = vector.shape_cast %get3A_830 : vector<16xi32> to vector<16xi32>
        tpu.vector_store %arg10[%swap3A_831], %swap3A_834 {strides = array<i32>} : memref<80xi32, #tpu.memory_space<vmem>>, vector<16xi32>,
        %dma_start3A_835 = arith.constant 0 : i32
        %dma_start3A_836 = arith.constant 0 : i32
        %dma_start3A_837 = tpu.memref_slice %arg2[%dma_start3A_835, %dma_start3A_836] : memref<10000x128xf32, #tpu.memory_space<hbm>> -> memref<10000x128xf32, #tpu.memory_space<hbm>>
        tpu.enqueue_indirect_dma source(%dma_start3A_837 : memref<10000x128xf32, #tpu.memory_space<hbm>>) target(%arg15 : memref<80x128xf32, #tpu.memory_space<vmem>>) offsets(%arg10 : memref<80xi32, #tpu.memory_space<vmem>>) semaphore(%arg18 : memref<!tpu.dma_semaphore, #tpu.memory_space<semaphore_mem>>)
      } else {
      }
      %dma_wait3A_591 = arith.constant 0 : i32
      %dma_wait3A_592 = arith.constant 0 : i32
      %dma_wait3A_593 = tpu.memref_slice %arg5[%dma_wait3A_591, %dma_wait3A_592] : memref<320000x128xf32, #tpu.memory_space<hbm>> -> memref<80x128xf32, #tpu.memory_space<hbm>>
      %dma_wait3A_594 = arith.constant 0 : i32
      %dma_wait3A_595 = arith.constant 0 : i32
      %dma_wait3A_596 = tpu.memref_slice %arg5[%dma_wait3A_594, %dma_wait3A_595] : memref<320000x128xf32, #tpu.memory_space<hbm>> -> memref<80x128xf32, #tpu.memory_space<hbm>>
      tpu.wait_dma2 semaphore(%arg19 : memref<!tpu.dma_semaphore, #tpu.memory_space<semaphore_mem>>) src(%dma_wait3A_596 : memref<80x128xf32, #tpu.memory_space<hbm>>) dst(%arg14 : memref<80x128xf32, #tpu.memory_space<vmem>>)
      %dma_wait3A_597 = arith.constant 0 : i32
      %dma_wait3A_598 = arith.constant 0 : i32
      %dma_wait3A_599 = tpu.memref_slice %arg2[%dma_wait3A_597, %dma_wait3A_598] : memref<10000x128xf32, #tpu.memory_space<hbm>> -> memref<80x128xf32, #tpu.memory_space<hbm>>
      %dma_wait3A_600 = arith.constant 0 : i32
      %dma_wait3A_601 = arith.constant 0 : i32
      %dma_wait3A_602 = tpu.memref_slice %arg2[%dma_wait3A_600, %dma_wait3A_601] : memref<10000x128xf32, #tpu.memory_space<hbm>> -> memref<80x128xf32, #tpu.memory_space<hbm>>
      tpu.wait_dma2 semaphore(%arg19 : memref<!tpu.dma_semaphore, #tpu.memory_space<semaphore_mem>>) src(%dma_wait3A_602 : memref<80x128xf32, #tpu.memory_space<hbm>>) dst(%arg16 : memref<80x128xf32, #tpu.memory_space<vmem>>)
      %while3A_603 = arith.constant 0 : i32
      %while3A_604 = arith.constant 0 : i32
      %while3A_605 = arith.constant 80 : i32
      %while3A_606 = arith.subi %while3A_605, %while3A_604 : i32
      %while3A_607 = arith.addi %while3A_604, %while3A_606 : i32
      %while3A_608 = arith.constant 1 : i32
      %while3A_609 = arith.divsi %while3A_606, %while3A_608 : i32
      %while3A_610 = arith.muli %while3A_609, %while3A_608 : i32
      %while3A_611 = arith.addi %while3A_604, %while3A_610 : i32
      %while3A_612 = arith.constant 1 : i32
      scf.for %while3A_720 = %while3A_604 to %while3A_611 step %while3A_612  : i32 {
        %get3A_721 = arith.index_cast %while3A_720 : i32 to index
        %get3A_722 = arith.constant 0 : index
        %get3A_723 = tpu.vector_load %arg16[%get3A_721, %get3A_722] {strides = array<i32>} : memref<80x128xf32, #tpu.memory_space<vmem>>, vector<1x16xf32>,
        %get3A_724 = vector.shape_cast %get3A_723 : vector<1x16xf32> to vector<16xf32>
        %get3A_725 = arith.index_cast %while3A_720 : i32 to index
        %get3A_726 = arith.constant 0 : index
        %get3A_727 = tpu.vector_load %arg14[%get3A_725, %get3A_726] {strides = array<i32>} : memref<80x128xf32, #tpu.memory_space<vmem>>, vector<1x16xf32>,
        %get3A_728 = vector.shape_cast %get3A_727 : vector<1x16xf32> to vector<16xf32>
        %add3A_729 = arith.addf %get3A_724, %get3A_728 : vector<16xf32>
        %max3A = arith.constant 0.000000e+00 : f32
        %max3A_730 = vector.broadcast %max3A : f32 to vector<16xf32>
        %max3A_731 = arith.maximumf %add3A_729, %max3A_730 : vector<16xf32>
        %swap3A_732 = arith.index_cast %while3A_720 : i32 to index
        %swap3A_733 = arith.constant 0 : index
        %swap3A_734 = tpu.vector_load %arg16[%swap3A_732, %swap3A_733] {strides = array<i32>} : memref<80x128xf32, #tpu.memory_space<vmem>>, vector<1x16xf32>,
        %swap3A_735 = vector.shape_cast %swap3A_734 : vector<1x16xf32> to vector<16xf32>
        %swap3A_736 = vector.shape_cast %max3A_731 : vector<16xf32> to vector<1x16xf32>
        tpu.vector_store %arg16[%swap3A_732, %swap3A_733], %swap3A_736 {strides = array<i32>} : memref<80x128xf32, #tpu.memory_space<vmem>>, vector<1x16xf32>,
        %get3A_737 = arith.index_cast %while3A_720 : i32 to index
        %get3A_738 = arith.constant 16 : index
        %get3A_739 = tpu.vector_load %arg16[%get3A_737, %get3A_738] {strides = array<i32>} : memref<80x128xf32, #tpu.memory_space<vmem>>, vector<1x16xf32>,
        %get3A_740 = vector.shape_cast %get3A_739 : vector<1x16xf32> to vector<16xf32>
        %get3A_741 = arith.index_cast %while3A_720 : i32 to index
        %get3A_742 = arith.constant 16 : index
        %get3A_743 = tpu.vector_load %arg14[%get3A_741, %get3A_742] {strides = array<i32>} : memref<80x128xf32, #tpu.memory_space<vmem>>, vector<1x16xf32>,
        %get3A_744 = vector.shape_cast %get3A_743 : vector<1x16xf32> to vector<16xf32>
        %add3A_745 = arith.addf %get3A_740, %get3A_744 : vector<16xf32>
        %max3A_746 = arith.constant 0.000000e+00 : f32
        %max3A_747 = vector.broadcast %max3A_746 : f32 to vector<16xf32>
        %max3A_748 = arith.maximumf %add3A_745, %max3A_747 : vector<16xf32>
        %swap3A_749 = arith.index_cast %while3A_720 : i32 to index
        %swap3A_750 = arith.constant 16 : index
        %swap3A_751 = tpu.vector_load %arg16[%swap3A_749, %swap3A_750] {strides = array<i32>} : memref<80x128xf32, #tpu.memory_space<vmem>>, vector<1x16xf32>,
        %swap3A_752 = vector.shape_cast %swap3A_751 : vector<1x16xf32> to vector<16xf32>
        %swap3A_753 = vector.shape_cast %max3A_748 : vector<16xf32> to vector<1x16xf32>
        tpu.vector_store %arg16[%swap3A_749, %swap3A_750], %swap3A_753 {strides = array<i32>} : memref<80x128xf32, #tpu.memory_space<vmem>>, vector<1x16xf32>,
        %get3A_754 = arith.index_cast %while3A_720 : i32 to index
        %get3A_755 = arith.constant 32 : index
        %get3A_756 = tpu.vector_load %arg16[%get3A_754, %get3A_755] {strides = array<i32>} : memref<80x128xf32, #tpu.memory_space<vmem>>, vector<1x16xf32>,
        %get3A_757 = vector.shape_cast %get3A_756 : vector<1x16xf32> to vector<16xf32>
        %get3A_758 = arith.index_cast %while3A_720 : i32 to index
        %get3A_759 = arith.constant 32 : index
        %get3A_760 = tpu.vector_load %arg14[%get3A_758, %get3A_759] {strides = array<i32>} : memref<80x128xf32, #tpu.memory_space<vmem>>, vector<1x16xf32>,
        %get3A_761 = vector.shape_cast %get3A_760 : vector<1x16xf32> to vector<16xf32>
        %add3A_762 = arith.addf %get3A_757, %get3A_761 : vector<16xf32>
        %max3A_763 = arith.constant 0.000000e+00 : f32
        %max3A_764 = vector.broadcast %max3A_763 : f32 to vector<16xf32>
        %max3A_765 = arith.maximumf %add3A_762, %max3A_764 : vector<16xf32>
        %swap3A_766 = arith.index_cast %while3A_720 : i32 to index
        %swap3A_767 = arith.constant 32 : index
        %swap3A_768 = tpu.vector_load %arg16[%swap3A_766, %swap3A_767] {strides = array<i32>} : memref<80x128xf32, #tpu.memory_space<vmem>>, vector<1x16xf32>,
        %swap3A_769 = vector.shape_cast %swap3A_768 : vector<1x16xf32> to vector<16xf32>
        %swap3A_770 = vector.shape_cast %max3A_765 : vector<16xf32> to vector<1x16xf32>
        tpu.vector_store %arg16[%swap3A_766, %swap3A_767], %swap3A_770 {strides = array<i32>} : memref<80x128xf32, #tpu.memory_space<vmem>>, vector<1x16xf32>,
        %get3A_771 = arith.index_cast %while3A_720 : i32 to index
        %get3A_772 = arith.constant 48 : index
        %get3A_773 = tpu.vector_load %arg16[%get3A_771, %get3A_772] {strides = array<i32>} : memref<80x128xf32, #tpu.memory_space<vmem>>, vector<1x16xf32>,
        %get3A_774 = vector.shape_cast %get3A_773 : vector<1x16xf32> to vector<16xf32>
        %get3A_775 = arith.index_cast %while3A_720 : i32 to index
        %get3A_776 = arith.constant 48 : index
        %get3A_777 = tpu.vector_load %arg14[%get3A_775, %get3A_776] {strides = array<i32>} : memref<80x128xf32, #tpu.memory_space<vmem>>, vector<1x16xf32>,
        %get3A_778 = vector.shape_cast %get3A_777 : vector<1x16xf32> to vector<16xf32>
        %add3A_779 = arith.addf %get3A_774, %get3A_778 : vector<16xf32>
        %max3A_780 = arith.constant 0.000000e+00 : f32
        %max3A_781 = vector.broadcast %max3A_780 : f32 to vector<16xf32>
        %max3A_782 = arith.maximumf %add3A_779, %max3A_781 : vector<16xf32>
        %swap3A_783 = arith.index_cast %while3A_720 : i32 to index
        %swap3A_784 = arith.constant 48 : index
        %swap3A_785 = tpu.vector_load %arg16[%swap3A_783, %swap3A_784] {strides = array<i32>} : memref<80x128xf32, #tpu.memory_space<vmem>>, vector<1x16xf32>,
        %swap3A_786 = vector.shape_cast %swap3A_785 : vector<1x16xf32> to vector<16xf32>
        %swap3A_787 = vector.shape_cast %max3A_782 : vector<16xf32> to vector<1x16xf32>
        tpu.vector_store %arg16[%swap3A_783, %swap3A_784], %swap3A_787 {strides = array<i32>} : memref<80x128xf32, #tpu.memory_space<vmem>>, vector<1x16xf32>,
        %get3A_788 = arith.index_cast %while3A_720 : i32 to index
        %get3A_789 = arith.constant 64 : index
        %get3A_790 = tpu.vector_load %arg16[%get3A_788, %get3A_789] {strides = array<i32>} : memref<80x128xf32, #tpu.memory_space<vmem>>, vector<1x16xf32>,
        %get3A_791 = vector.shape_cast %get3A_790 : vector<1x16xf32> to vector<16xf32>
        %get3A_792 = arith.index_cast %while3A_720 : i32 to index
        %get3A_793 = arith.constant 64 : index
        %get3A_794 = tpu.vector_load %arg14[%get3A_792, %get3A_793] {strides = array<i32>} : memref<80x128xf32, #tpu.memory_space<vmem>>, vector<1x16xf32>,
        %get3A_795 = vector.shape_cast %get3A_794 : vector<1x16xf32> to vector<16xf32>
        %add3A_796 = arith.addf %get3A_791, %get3A_795 : vector<16xf32>
        %max3A_797 = arith.constant 0.000000e+00 : f32
        %max3A_798 = vector.broadcast %max3A_797 : f32 to vector<16xf32>
        %max3A_799 = arith.maximumf %add3A_796, %max3A_798 : vector<16xf32>
        %swap3A_800 = arith.index_cast %while3A_720 : i32 to index
        %swap3A_801 = arith.constant 64 : index
        %swap3A_802 = tpu.vector_load %arg16[%swap3A_800, %swap3A_801] {strides = array<i32>} : memref<80x128xf32, #tpu.memory_space<vmem>>, vector<1x16xf32>,
        %swap3A_803 = vector.shape_cast %swap3A_802 : vector<1x16xf32> to vector<16xf32>
        %swap3A_804 = vector.shape_cast %max3A_799 : vector<16xf32> to vector<1x16xf32>
        tpu.vector_store %arg16[%swap3A_800, %swap3A_801], %swap3A_804 {strides = array<i32>} : memref<80x128xf32, #tpu.memory_space<vmem>>, vector<1x16xf32>,
        %get3A_805 = arith.index_cast %while3A_720 : i32 to index
        %get3A_806 = arith.constant 80 : index
        %get3A_807 = tpu.vector_load %arg16[%get3A_805, %get3A_806] {strides = array<i32>} : memref<80x128xf32, #tpu.memory_space<vmem>>, vector<1x16xf32>,
        %get3A_808 = vector.shape_cast %get3A_807 : vector<1x16xf32> to vector<16xf32>
        %get3A_809 = arith.index_cast %while3A_720 : i32 to index
        %get3A_810 = arith.constant 80 : index
        %get3A_811 = tpu.vector_load %arg14[%get3A_809, %get3A_810] {strides = array<i32>} : memref<80x128xf32, #tpu.memory_space<vmem>>, vector<1x16xf32>,
        %get3A_812 = vector.shape_cast %get3A_811 : vector<1x16xf32> to vector<16xf32>
        %add3A_813 = arith.addf %get3A_808, %get3A_812 : vector<16xf32>
        %max3A_814 = arith.constant 0.000000e+00 : f32
        %max3A_815 = vector.broadcast %max3A_814 : f32 to vector<16xf32>
        %max3A_816 = arith.maximumf %add3A_813, %max3A_815 : vector<16xf32>
        %swap3A_817 = arith.index_cast %while3A_720 : i32 to index
        %swap3A_818 = arith.constant 80 : index
        %swap3A_819 = tpu.vector_load %arg16[%swap3A_817, %swap3A_818] {strides = array<i32>} : memref<80x128xf32, #tpu.memory_space<vmem>>, vector<1x16xf32>,
        %swap3A_820 = vector.shape_cast %swap3A_819 : vector<1x16xf32> to vector<16xf32>
        %swap3A_821 = vector.shape_cast %max3A_816 : vector<16xf32> to vector<1x16xf32>
        tpu.vector_store %arg16[%swap3A_817, %swap3A_818], %swap3A_821 {strides = array<i32>} : memref<80x128xf32, #tpu.memory_space<vmem>>, vector<1x16xf32>,
        %get3A_822 = arith.index_cast %while3A_720 : i32 to index
        %get3A_823 = arith.constant 96 : index
        %get3A_824 = tpu.vector_load %arg16[%get3A_822, %get3A_823] {strides = array<i32>} : memref<80x128xf32, #tpu.memory_space<vmem>>, vector<1x16xf32>,
        %get3A_825 = vector.shape_cast %get3A_824 : vector<1x16xf32> to vector<16xf32>
        %get3A_826 = arith.index_cast %while3A_720 : i32 to index
        %get3A_827 = arith.constant 96 : index
        %get3A_828 = tpu.vector_load %arg14[%get3A_826, %get3A_827] {strides = array<i32>} : memref<80x128xf32, #tpu.memory_space<vmem>>, vector<1x16xf32>,
        %get3A_829 = vector.shape_cast %get3A_828 : vector<1x16xf32> to vector<16xf32>
        %add3A_830 = arith.addf %get3A_825, %get3A_829 : vector<16xf32>
        %max3A_831 = arith.constant 0.000000e+00 : f32
        %max3A_832 = vector.broadcast %max3A_831 : f32 to vector<16xf32>
        %max3A_833 = arith.maximumf %add3A_830, %max3A_832 : vector<16xf32>
        %swap3A_834 = arith.index_cast %while3A_720 : i32 to index
        %swap3A_835 = arith.constant 96 : index
        %swap3A_836 = tpu.vector_load %arg16[%swap3A_834, %swap3A_835] {strides = array<i32>} : memref<80x128xf32, #tpu.memory_space<vmem>>, vector<1x16xf32>,
        %swap3A_837 = vector.shape_cast %swap3A_836 : vector<1x16xf32> to vector<16xf32>
        %swap3A_838 = vector.shape_cast %max3A_833 : vector<16xf32> to vector<1x16xf32>
        tpu.vector_store %arg16[%swap3A_834, %swap3A_835], %swap3A_838 {strides = array<i32>} : memref<80x128xf32, #tpu.memory_space<vmem>>, vector<1x16xf32>,
        %get3A_839 = arith.index_cast %while3A_720 : i32 to index
        %get3A_840 = arith.constant 112 : index
        %get3A_841 = tpu.vector_load %arg16[%get3A_839, %get3A_840] {strides = array<i32>} : memref<80x128xf32, #tpu.memory_space<vmem>>, vector<1x16xf32>,
        %get3A_842 = vector.shape_cast %get3A_841 : vector<1x16xf32> to vector<16xf32>
        %get3A_843 = arith.index_cast %while3A_720 : i32 to index
        %get3A_844 = arith.constant 112 : index
        %get3A_845 = tpu.vector_load %arg14[%get3A_843, %get3A_844] {strides = array<i32>} : memref<80x128xf32, #tpu.memory_space<vmem>>, vector<1x16xf32>,
        %get3A_846 = vector.shape_cast %get3A_845 : vector<1x16xf32> to vector<16xf32>
        %add3A_847 = arith.addf %get3A_842, %get3A_846 : vector<16xf32>
        %max3A_848 = arith.constant 0.000000e+00 : f32
        %max3A_849 = vector.broadcast %max3A_848 : f32 to vector<16xf32>
        %max3A_850 = arith.maximumf %add3A_847, %max3A_849 : vector<16xf32>
        %swap3A_851 = arith.index_cast %while3A_720 : i32 to index
        %swap3A_852 = arith.constant 112 : index
        %swap3A_853 = tpu.vector_load %arg16[%swap3A_851, %swap3A_852] {strides = array<i32>} : memref<80x128xf32, #tpu.memory_space<vmem>>, vector<1x16xf32>,
        %swap3A_854 = vector.shape_cast %swap3A_853 : vector<1x16xf32> to vector<16xf32>
        %swap3A_855 = vector.shape_cast %max3A_850 : vector<16xf32> to vector<1x16xf32>
        tpu.vector_store %arg16[%swap3A_851, %swap3A_852], %swap3A_855 {strides = array<i32>} : memref<80x128xf32, #tpu.memory_space<vmem>>, vector<1x16xf32>,
      }
      %while3A_613 = arith.constant 1 : i32
      scf.for %while3A_720 = %while3A_611 to %while3A_607 step %while3A_613  : i32 {
        %get3A_721 = arith.index_cast %while3A_720 : i32 to index
        %get3A_722 = arith.constant 0 : index
        %get3A_723 = tpu.vector_load %arg16[%get3A_721, %get3A_722] {strides = array<i32>} : memref<80x128xf32, #tpu.memory_space<vmem>>, vector<1x16xf32>,
        %get3A_724 = vector.shape_cast %get3A_723 : vector<1x16xf32> to vector<16xf32>
        %get3A_725 = arith.index_cast %while3A_720 : i32 to index
        %get3A_726 = arith.constant 0 : index
        %get3A_727 = tpu.vector_load %arg14[%get3A_725, %get3A_726] {strides = array<i32>} : memref<80x128xf32, #tpu.memory_space<vmem>>, vector<1x16xf32>,
        %get3A_728 = vector.shape_cast %get3A_727 : vector<1x16xf32> to vector<16xf32>
        %add3A_729 = arith.addf %get3A_724, %get3A_728 : vector<16xf32>
        %max3A = arith.constant 0.000000e+00 : f32
        %max3A_730 = vector.broadcast %max3A : f32 to vector<16xf32>
        %max3A_731 = arith.maximumf %add3A_729, %max3A_730 : vector<16xf32>
        %swap3A_732 = arith.index_cast %while3A_720 : i32 to index
        %swap3A_733 = arith.constant 0 : index
        %swap3A_734 = tpu.vector_load %arg16[%swap3A_732, %swap3A_733] {strides = array<i32>} : memref<80x128xf32, #tpu.memory_space<vmem>>, vector<1x16xf32>,
        %swap3A_735 = vector.shape_cast %swap3A_734 : vector<1x16xf32> to vector<16xf32>
        %swap3A_736 = vector.shape_cast %max3A_731 : vector<16xf32> to vector<1x16xf32>
        tpu.vector_store %arg16[%swap3A_732, %swap3A_733], %swap3A_736 {strides = array<i32>} : memref<80x128xf32, #tpu.memory_space<vmem>>, vector<1x16xf32>,
        %get3A_737 = arith.index_cast %while3A_720 : i32 to index
        %get3A_738 = arith.constant 16 : index
        %get3A_739 = tpu.vector_load %arg16[%get3A_737, %get3A_738] {strides = array<i32>} : memref<80x128xf32, #tpu.memory_space<vmem>>, vector<1x16xf32>,
        %get3A_740 = vector.shape_cast %get3A_739 : vector<1x16xf32> to vector<16xf32>
        %get3A_741 = arith.index_cast %while3A_720 : i32 to index
        %get3A_742 = arith.constant 16 : index
        %get3A_743 = tpu.vector_load %arg14[%get3A_741, %get3A_742] {strides = array<i32>} : memref<80x128xf32, #tpu.memory_space<vmem>>, vector<1x16xf32>,
        %get3A_744 = vector.shape_cast %get3A_743 : vector<1x16xf32> to vector<16xf32>
        %add3A_745 = arith.addf %get3A_740, %get3A_744 : vector<16xf32>
        %max3A_746 = arith.constant 0.000000e+00 : f32
        %max3A_747 = vector.broadcast %max3A_746 : f32 to vector<16xf32>
        %max3A_748 = arith.maximumf %add3A_745, %max3A_747 : vector<16xf32>
        %swap3A_749 = arith.index_cast %while3A_720 : i32 to index
        %swap3A_750 = arith.constant 16 : index
        %swap3A_751 = tpu.vector_load %arg16[%swap3A_749, %swap3A_750] {strides = array<i32>} : memref<80x128xf32, #tpu.memory_space<vmem>>, vector<1x16xf32>,
        %swap3A_752 = vector.shape_cast %swap3A_751 : vector<1x16xf32> to vector<16xf32>
        %swap3A_753 = vector.shape_cast %max3A_748 : vector<16xf32> to vector<1x16xf32>
        tpu.vector_store %arg16[%swap3A_749, %swap3A_750], %swap3A_753 {strides = array<i32>} : memref<80x128xf32, #tpu.memory_space<vmem>>, vector<1x16xf32>,
        %get3A_754 = arith.index_cast %while3A_720 : i32 to index
        %get3A_755 = arith.constant 32 : index
        %get3A_756 = tpu.vector_load %arg16[%get3A_754, %get3A_755] {strides = array<i32>} : memref<80x128xf32, #tpu.memory_space<vmem>>, vector<1x16xf32>,
        %get3A_757 = vector.shape_cast %get3A_756 : vector<1x16xf32> to vector<16xf32>
        %get3A_758 = arith.index_cast %while3A_720 : i32 to index
        %get3A_759 = arith.constant 32 : index
        %get3A_760 = tpu.vector_load %arg14[%get3A_758, %get3A_759] {strides = array<i32>} : memref<80x128xf32, #tpu.memory_space<vmem>>, vector<1x16xf32>,
        %get3A_761 = vector.shape_cast %get3A_760 : vector<1x16xf32> to vector<16xf32>
        %add3A_762 = arith.addf %get3A_757, %get3A_761 : vector<16xf32>
        %max3A_763 = arith.constant 0.000000e+00 : f32
        %max3A_764 = vector.broadcast %max3A_763 : f32 to vector<16xf32>
        %max3A_765 = arith.maximumf %add3A_762, %max3A_764 : vector<16xf32>
        %swap3A_766 = arith.index_cast %while3A_720 : i32 to index
        %swap3A_767 = arith.constant 32 : index
        %swap3A_768 = tpu.vector_load %arg16[%swap3A_766, %swap3A_767] {strides = array<i32>} : memref<80x128xf32, #tpu.memory_space<vmem>>, vector<1x16xf32>,
        %swap3A_769 = vector.shape_cast %swap3A_768 : vector<1x16xf32> to vector<16xf32>
        %swap3A_770 = vector.shape_cast %max3A_765 : vector<16xf32> to vector<1x16xf32>
        tpu.vector_store %arg16[%swap3A_766, %swap3A_767], %swap3A_770 {strides = array<i32>} : memref<80x128xf32, #tpu.memory_space<vmem>>, vector<1x16xf32>,
        %get3A_771 = arith.index_cast %while3A_720 : i32 to index
        %get3A_772 = arith.constant 48 : index
        %get3A_773 = tpu.vector_load %arg16[%get3A_771, %get3A_772] {strides = array<i32>} : memref<80x128xf32, #tpu.memory_space<vmem>>, vector<1x16xf32>,
        %get3A_774 = vector.shape_cast %get3A_773 : vector<1x16xf32> to vector<16xf32>
        %get3A_775 = arith.index_cast %while3A_720 : i32 to index
        %get3A_776 = arith.constant 48 : index
        %get3A_777 = tpu.vector_load %arg14[%get3A_775, %get3A_776] {strides = array<i32>} : memref<80x128xf32, #tpu.memory_space<vmem>>, vector<1x16xf32>,
        %get3A_778 = vector.shape_cast %get3A_777 : vector<1x16xf32> to vector<16xf32>
        %add3A_779 = arith.addf %get3A_774, %get3A_778 : vector<16xf32>
        %max3A_780 = arith.constant 0.000000e+00 : f32
        %max3A_781 = vector.broadcast %max3A_780 : f32 to vector<16xf32>
        %max3A_782 = arith.maximumf %add3A_779, %max3A_781 : vector<16xf32>
        %swap3A_783 = arith.index_cast %while3A_720 : i32 to index
        %swap3A_784 = arith.constant 48 : index
        %swap3A_785 = tpu.vector_load %arg16[%swap3A_783, %swap3A_784] {strides = array<i32>} : memref<80x128xf32, #tpu.memory_space<vmem>>, vector<1x16xf32>,
        %swap3A_786 = vector.shape_cast %swap3A_785 : vector<1x16xf32> to vector<16xf32>
        %swap3A_787 = vector.shape_cast %max3A_782 : vector<16xf32> to vector<1x16xf32>
        tpu.vector_store %arg16[%swap3A_783, %swap3A_784], %swap3A_787 {strides = array<i32>} : memref<80x128xf32, #tpu.memory_space<vmem>>, vector<1x16xf32>,
        %get3A_788 = arith.index_cast %while3A_720 : i32 to index
        %get3A_789 = arith.constant 64 : index
        %get3A_790 = tpu.vector_load %arg16[%get3A_788, %get3A_789] {strides = array<i32>} : memref<80x128xf32, #tpu.memory_space<vmem>>, vector<1x16xf32>,
        %get3A_791 = vector.shape_cast %get3A_790 : vector<1x16xf32> to vector<16xf32>
        %get3A_792 = arith.index_cast %while3A_720 : i32 to index
        %get3A_793 = arith.constant 64 : index
        %get3A_794 = tpu.vector_load %arg14[%get3A_792, %get3A_793] {strides = array<i32>} : memref<80x128xf32, #tpu.memory_space<vmem>>, vector<1x16xf32>,
        %get3A_795 = vector.shape_cast %get3A_794 : vector<1x16xf32> to vector<16xf32>
        %add3A_796 = arith.addf %get3A_791, %get3A_795 : vector<16xf32>
        %max3A_797 = arith.constant 0.000000e+00 : f32
        %max3A_798 = vector.broadcast %max3A_797 : f32 to vector<16xf32>
        %max3A_799 = arith.maximumf %add3A_796, %max3A_798 : vector<16xf32>
        %swap3A_800 = arith.index_cast %while3A_720 : i32 to index
        %swap3A_801 = arith.constant 64 : index
        %swap3A_802 = tpu.vector_load %arg16[%swap3A_800, %swap3A_801] {strides = array<i32>} : memref<80x128xf32, #tpu.memory_space<vmem>>, vector<1x16xf32>,
        %swap3A_803 = vector.shape_cast %swap3A_802 : vector<1x16xf32> to vector<16xf32>
        %swap3A_804 = vector.shape_cast %max3A_799 : vector<16xf32> to vector<1x16xf32>
        tpu.vector_store %arg16[%swap3A_800, %swap3A_801], %swap3A_804 {strides = array<i32>} : memref<80x128xf32, #tpu.memory_space<vmem>>, vector<1x16xf32>,
        %get3A_805 = arith.index_cast %while3A_720 : i32 to index
        %get3A_806 = arith.constant 80 : index
        %get3A_807 = tpu.vector_load %arg16[%get3A_805, %get3A_806] {strides = array<i32>} : memref<80x128xf32, #tpu.memory_space<vmem>>, vector<1x16xf32>,
        %get3A_808 = vector.shape_cast %get3A_807 : vector<1x16xf32> to vector<16xf32>
        %get3A_809 = arith.index_cast %while3A_720 : i32 to index
        %get3A_810 = arith.constant 80 : index
        %get3A_811 = tpu.vector_load %arg14[%get3A_809, %get3A_810] {strides = array<i32>} : memref<80x128xf32, #tpu.memory_space<vmem>>, vector<1x16xf32>,
        %get3A_812 = vector.shape_cast %get3A_811 : vector<1x16xf32> to vector<16xf32>
        %add3A_813 = arith.addf %get3A_808, %get3A_812 : vector<16xf32>
        %max3A_814 = arith.constant 0.000000e+00 : f32
        %max3A_815 = vector.broadcast %max3A_814 : f32 to vector<16xf32>
        %max3A_816 = arith.maximumf %add3A_813, %max3A_815 : vector<16xf32>
        %swap3A_817 = arith.index_cast %while3A_720 : i32 to index
        %swap3A_818 = arith.constant 80 : index
        %swap3A_819 = tpu.vector_load %arg16[%swap3A_817, %swap3A_818] {strides = array<i32>} : memref<80x128xf32, #tpu.memory_space<vmem>>, vector<1x16xf32>,
        %swap3A_820 = vector.shape_cast %swap3A_819 : vector<1x16xf32> to vector<16xf32>
        %swap3A_821 = vector.shape_cast %max3A_816 : vector<16xf32> to vector<1x16xf32>
        tpu.vector_store %arg16[%swap3A_817, %swap3A_818], %swap3A_821 {strides = array<i32>} : memref<80x128xf32, #tpu.memory_space<vmem>>, vector<1x16xf32>,
        %get3A_822 = arith.index_cast %while3A_720 : i32 to index
        %get3A_823 = arith.constant 96 : index
        %get3A_824 = tpu.vector_load %arg16[%get3A_822, %get3A_823] {strides = array<i32>} : memref<80x128xf32, #tpu.memory_space<vmem>>, vector<1x16xf32>,
        %get3A_825 = vector.shape_cast %get3A_824 : vector<1x16xf32> to vector<16xf32>
        %get3A_826 = arith.index_cast %while3A_720 : i32 to index
        %get3A_827 = arith.constant 96 : index
        %get3A_828 = tpu.vector_load %arg14[%get3A_826, %get3A_827] {strides = array<i32>} : memref<80x128xf32, #tpu.memory_space<vmem>>, vector<1x16xf32>,
        %get3A_829 = vector.shape_cast %get3A_828 : vector<1x16xf32> to vector<16xf32>
        %add3A_830 = arith.addf %get3A_825, %get3A_829 : vector<16xf32>
        %max3A_831 = arith.constant 0.000000e+00 : f32
        %max3A_832 = vector.broadcast %max3A_831 : f32 to vector<16xf32>
        %max3A_833 = arith.maximumf %add3A_830, %max3A_832 : vector<16xf32>
        %swap3A_834 = arith.index_cast %while3A_720 : i32 to index
        %swap3A_835 = arith.constant 96 : index
        %swap3A_836 = tpu.vector_load %arg16[%swap3A_834, %swap3A_835] {strides = array<i32>} : memref<80x128xf32, #tpu.memory_space<vmem>>, vector<1x16xf32>,
        %swap3A_837 = vector.shape_cast %swap3A_836 : vector<1x16xf32> to vector<16xf32>
        %swap3A_838 = vector.shape_cast %max3A_833 : vector<16xf32> to vector<1x16xf32>
        tpu.vector_store %arg16[%swap3A_834, %swap3A_835], %swap3A_838 {strides = array<i32>} : memref<80x128xf32, #tpu.memory_space<vmem>>, vector<1x16xf32>,
        %get3A_839 = arith.index_cast %while3A_720 : i32 to index
        %get3A_840 = arith.constant 112 : index
        %get3A_841 = tpu.vector_load %arg16[%get3A_839, %get3A_840] {strides = array<i32>} : memref<80x128xf32, #tpu.memory_space<vmem>>, vector<1x16xf32>,
        %get3A_842 = vector.shape_cast %get3A_841 : vector<1x16xf32> to vector<16xf32>
        %get3A_843 = arith.index_cast %while3A_720 : i32 to index
        %get3A_844 = arith.constant 112 : index
        %get3A_845 = tpu.vector_load %arg14[%get3A_843, %get3A_844] {strides = array<i32>} : memref<80x128xf32, #tpu.memory_space<vmem>>, vector<1x16xf32>,
        %get3A_846 = vector.shape_cast %get3A_845 : vector<1x16xf32> to vector<16xf32>
        %add3A_847 = arith.addf %get3A_842, %get3A_846 : vector<16xf32>
        %max3A_848 = arith.constant 0.000000e+00 : f32
        %max3A_849 = vector.broadcast %max3A_848 : f32 to vector<16xf32>
        %max3A_850 = arith.maximumf %add3A_847, %max3A_849 : vector<16xf32>
        %swap3A_851 = arith.index_cast %while3A_720 : i32 to index
        %swap3A_852 = arith.constant 112 : index
        %swap3A_853 = tpu.vector_load %arg16[%swap3A_851, %swap3A_852] {strides = array<i32>} : memref<80x128xf32, #tpu.memory_space<vmem>>, vector<1x16xf32>,
        %swap3A_854 = vector.shape_cast %swap3A_853 : vector<1x16xf32> to vector<16xf32>
        %swap3A_855 = vector.shape_cast %max3A_850 : vector<16xf32> to vector<1x16xf32>
        tpu.vector_store %arg16[%swap3A_851, %swap3A_852], %swap3A_855 {strides = array<i32>} : memref<80x128xf32, #tpu.memory_space<vmem>>, vector<1x16xf32>,
      }
      %jit3A_614 = arith.constant 25 : i32
      %div3A_615 = arith.divsi %add3A_540, %jit3A_614 : i32
      %sign3A_616 = arith.constant 0 : i32
      %sign3A_617 = arith.cmpi sgt, %add3A_540, %sign3A_616 : i32
      %sign3A_618 = arith.extui %sign3A_617 : i1 to i32
      %sign3A_619 = arith.constant 0 : i32
      %sign3A_620 = arith.cmpi slt, %add3A_540, %sign3A_619 : i32
      %sign3A_621 = arith.extui %sign3A_620 : i1 to i32
      %sign3A_622 = arith.subi %sign3A_618, %sign3A_621 : i32
      %sign3A_623 = arith.constant 0 : i32
      %sign3A_624 = arith.cmpi sgt, %jit3A_614, %sign3A_623 : i32
      %sign3A_625 = arith.extui %sign3A_624 : i1 to i32
      %sign3A_626 = arith.constant 0 : i32
      %sign3A_627 = arith.cmpi slt, %jit3A_614, %sign3A_626 : i32
      %sign3A_628 = arith.extui %sign3A_627 : i1 to i32
      %sign3A_629 = arith.subi %sign3A_625, %sign3A_628 : i32
      %ne3A_630 = arith.cmpi ne, %sign3A_622, %sign3A_629 : i32
      %rem3A_631 = arith.remsi %add3A_540, %jit3A_614 : i32
      %ne3A_632 = arith.constant 0 : i32
      %ne3A_633 = arith.cmpi ne, %rem3A_631, %ne3A_632 : i32
      %and3A_634 = arith.andi %ne3A_630, %ne3A_633 : i1
      %sub3A_635 = arith.constant 1 : i32
      %sub3A_636 = arith.subi %div3A_615, %sub3A_635 : i32
      %select_n3A_637 = arith.select %and3A_634, %sub3A_636, %div3A_615 : i32
      %jit3A_638 = arith.constant 2 : i32
      %eq3A_639 = arith.constant 0 : i32
      %eq3A_640 = arith.cmpi eq, %jit3A_638, %eq3A_639 : i32
      %jit3A_641 = arith.constant 1 : i32
      %select_n3A_642 = arith.select %eq3A_640, %jit3A_641, %jit3A_638 : i32
      %rem3A_643 = arith.remsi %select_n3A_637, %select_n3A_642 : i32
      %ne3A_644 = arith.constant 0 : i32
      %ne3A_645 = arith.cmpi ne, %rem3A_643, %ne3A_644 : i32
      %lt3A_646 = arith.constant 0 : i32
      %lt3A_647 = arith.cmpi slt, %rem3A_643, %lt3A_646 : i32
      %lt3A_648 = arith.constant 0 : i32
      %lt3A_649 = arith.cmpi slt, %select_n3A_642, %lt3A_648 : i32
      %ne3A_650 = arith.xori %lt3A_647, %lt3A_649 : i1
      %and3A_651 = arith.andi %ne3A_650, %ne3A_645 : i1
      %add3A_652 = arith.addi %rem3A_643, %select_n3A_642 : i32
      %select_n3A_653 = arith.select %and3A_651, %add3A_652, %rem3A_643 : i32
      %mul3A_654 = arith.constant 2000 : i32
      %mul3A_655 = arith.muli %select_n3A_653, %mul3A_654 : i32
      %jit3A_656 = arith.constant 25 : i32
      %eq3A_657 = arith.constant 0 : i32
      %eq3A_658 = arith.cmpi eq, %jit3A_656, %eq3A_657 : i32
      %jit3A_659 = arith.constant 1 : i32
      %select_n3A_660 = arith.select %eq3A_658, %jit3A_659, %jit3A_656 : i32
      %rem3A_661 = arith.remsi %add3A_540, %select_n3A_660 : i32
      %ne3A_662 = arith.constant 0 : i32
      %ne3A_663 = arith.cmpi ne, %rem3A_661, %ne3A_662 : i32
      %lt3A_664 = arith.constant 0 : i32
      %lt3A_665 = arith.cmpi slt, %rem3A_661, %lt3A_664 : i32
      %lt3A_666 = arith.constant 0 : i32
      %lt3A_667 = arith.cmpi slt, %select_n3A_660, %lt3A_666 : i32
      %ne3A_668 = arith.xori %lt3A_665, %lt3A_667 : i1
      %and3A_669 = arith.andi %ne3A_668, %ne3A_663 : i1
      %add3A_670 = arith.addi %rem3A_661, %select_n3A_660 : i32
      %select_n3A_671 = arith.select %and3A_669, %add3A_670, %rem3A_661 : i32
      %mul3A_672 = arith.constant 80 : i32
      %mul3A_673 = arith.muli %select_n3A_671, %mul3A_672 : i32
      %add3A_674 = arith.addi %mul3A_655, %mul3A_673 : i32
      %add3A_675 = arith.constant 0 : i32
      %add3A_676 = arith.addi %add3A_674, %add3A_675 : i32
      %get3A_677 = arith.index_cast %add3A_676 : i32 to index
      %get3A_678 = tpu.vector_load %arg9[%get3A_677] {strides = array<i32>} : memref<4000xi32, #tpu.memory_space<vmem>>, vector<16xi32>,
      %get3A_679 = vector.shape_cast %get3A_678 : vector<16xi32> to vector<16xi32>
      %swap3A_680 = arith.constant 0 : index
      %swap3A_681 = tpu.vector_load %arg12[%swap3A_680] {strides = array<i32>} : memref<80xi32, #tpu.memory_space<vmem>>, vector<16xi32>,
      %swap3A_682 = vector.shape_cast %swap3A_681 : vector<16xi32> to vector<16xi32>
      %swap3A_683 = vector.shape_cast %get3A_679 : vector<16xi32> to vector<16xi32>
      tpu.vector_store %arg12[%swap3A_680], %swap3A_683 {strides = array<i32>} : memref<80xi32, #tpu.memory_space<vmem>>, vector<16xi32>,
      %add3A_684 = arith.constant 16 : i32
      %add3A_685 = arith.addi %add3A_674, %add3A_684 : i32
      %get3A_686 = arith.index_cast %add3A_685 : i32 to index
      %get3A_687 = tpu.vector_load %arg9[%get3A_686] {strides = array<i32>} : memref<4000xi32, #tpu.memory_space<vmem>>, vector<16xi32>,
      %get3A_688 = vector.shape_cast %get3A_687 : vector<16xi32> to vector<16xi32>
      %swap3A_689 = arith.constant 16 : index
      %swap3A_690 = tpu.vector_load %arg12[%swap3A_689] {strides = array<i32>} : memref<80xi32, #tpu.memory_space<vmem>>, vector<16xi32>,
      %swap3A_691 = vector.shape_cast %swap3A_690 : vector<16xi32> to vector<16xi32>
      %swap3A_692 = vector.shape_cast %get3A_688 : vector<16xi32> to vector<16xi32>
      tpu.vector_store %arg12[%swap3A_689], %swap3A_692 {strides = array<i32>} : memref<80xi32, #tpu.memory_space<vmem>>, vector<16xi32>,
      %add3A_693 = arith.constant 32 : i32
      %add3A_694 = arith.addi %add3A_674, %add3A_693 : i32
      %get3A_695 = arith.index_cast %add3A_694 : i32 to index
      %get3A_696 = tpu.vector_load %arg9[%get3A_695] {strides = array<i32>} : memref<4000xi32, #tpu.memory_space<vmem>>, vector<16xi32>,
      %get3A_697 = vector.shape_cast %get3A_696 : vector<16xi32> to vector<16xi32>
      %swap3A_698 = arith.constant 32 : index
      %swap3A_699 = tpu.vector_load %arg12[%swap3A_698] {strides = array<i32>} : memref<80xi32, #tpu.memory_space<vmem>>, vector<16xi32>,
      %swap3A_700 = vector.shape_cast %swap3A_699 : vector<16xi32> to vector<16xi32>
      %swap3A_701 = vector.shape_cast %get3A_697 : vector<16xi32> to vector<16xi32>
      tpu.vector_store %arg12[%swap3A_698], %swap3A_701 {strides = array<i32>} : memref<80xi32, #tpu.memory_space<vmem>>, vector<16xi32>,
      %add3A_702 = arith.constant 48 : i32
      %add3A_703 = arith.addi %add3A_674, %add3A_702 : i32
      %get3A_704 = arith.index_cast %add3A_703 : i32 to index
      %get3A_705 = tpu.vector_load %arg9[%get3A_704] {strides = array<i32>} : memref<4000xi32, #tpu.memory_space<vmem>>, vector<16xi32>,
      %get3A_706 = vector.shape_cast %get3A_705 : vector<16xi32> to vector<16xi32>
      %swap3A_707 = arith.constant 48 : index
      %swap3A_708 = tpu.vector_load %arg12[%swap3A_707] {strides = array<i32>} : memref<80xi32, #tpu.memory_space<vmem>>, vector<16xi32>,
      %swap3A_709 = vector.shape_cast %swap3A_708 : vector<16xi32> to vector<16xi32>
      %swap3A_710 = vector.shape_cast %get3A_706 : vector<16xi32> to vector<16xi32>
      tpu.vector_store %arg12[%swap3A_707], %swap3A_710 {strides = array<i32>} : memref<80xi32, #tpu.memory_space<vmem>>, vector<16xi32>,
      %add3A_711 = arith.constant 64 : i32
      %add3A_712 = arith.addi %add3A_674, %add3A_711 : i32
      %get3A_713 = arith.index_cast %add3A_712 : i32 to index
      %get3A_714 = tpu.vector_load %arg9[%get3A_713] {strides = array<i32>} : memref<4000xi32, #tpu.memory_space<vmem>>, vector<16xi32>,
      %get3A_715 = vector.shape_cast %get3A_714 : vector<16xi32> to vector<16xi32>
      %swap3A_716 = arith.constant 64 : index
      %swap3A_717 = tpu.vector_load %arg12[%swap3A_716] {strides = array<i32>} : memref<80xi32, #tpu.memory_space<vmem>>, vector<16xi32>,
      %swap3A_718 = vector.shape_cast %swap3A_717 : vector<16xi32> to vector<16xi32>
      %swap3A_719 = vector.shape_cast %get3A_715 : vector<16xi32> to vector<16xi32>
      tpu.vector_store %arg12[%swap3A_716], %swap3A_719 {strides = array<i32>} : memref<80xi32, #tpu.memory_space<vmem>>, vector<16xi32>,
      "tpu.region"() ({
        %run_scoped3A = tpu.sem_alloc : memref<!tpu.dma_semaphore, #tpu.memory_space<semaphore_mem>>
        %dma_start3A_720 = arith.constant 0 : i32
        %dma_start3A_721 = arith.constant 0 : i32
        %dma_start3A_722 = tpu.memref_slice %arg17[%dma_start3A_720, %dma_start3A_721] : memref<10112x128xf32, #tpu.memory_space<vmem_shared>> -> memref<10112x128xf32, #tpu.memory_space<vmem_shared>>
        tpu.enqueue_indirect_dma source(%arg16 : memref<80x128xf32, #tpu.memory_space<vmem>>) target(%dma_start3A_722 : memref<10112x128xf32, #tpu.memory_space<vmem_shared>>) offsets(%arg12 : memref<80xi32, #tpu.memory_space<vmem>>) semaphore(%run_scoped3A : memref<!tpu.dma_semaphore, #tpu.memory_space<semaphore_mem>>) {add = true}
        %dma_wait3A_723 = arith.constant 0 : i32
        %dma_wait3A_724 = arith.constant 0 : i32
        %dma_wait3A_725 = tpu.memref_slice %arg17[%dma_wait3A_723, %dma_wait3A_724] : memref<10112x128xf32, #tpu.memory_space<vmem_shared>> -> memref<10112x128xf32, #tpu.memory_space<vmem_shared>>
        tpu.wait_indirect_dma semaphore(%run_scoped3A : memref<!tpu.dma_semaphore, #tpu.memory_space<semaphore_mem>>) src(%arg16 : memref<80x128xf32, #tpu.memory_space<vmem>>) dst(%dma_wait3A_725 : memref<10112x128xf32, #tpu.memory_space<vmem_shared>>)
        tpu.yield
      }) : () -> ()
    }
    %jit3A_168 = arith.constant 124 : i32
    %jit3A_169 = arith.constant 25 : i32
    %eq3A_170 = arith.constant 0 : i32
    %eq3A_171 = arith.cmpi eq, %jit3A_169, %eq3A_170 : i32
    %jit3A_172 = arith.constant 1 : i32
    %select_n3A_173 = arith.select %eq3A_171, %jit3A_172, %jit3A_169 : i32
    %rem3A_174 = arith.remsi %jit3A_168, %select_n3A_173 : i32
    %ne3A_175 = arith.constant 0 : i32
    %ne3A_176 = arith.cmpi ne, %rem3A_174, %ne3A_175 : i32
    %lt3A_177 = arith.constant 0 : i32
    %lt3A_178 = arith.cmpi slt, %rem3A_174, %lt3A_177 : i32
    %lt3A_179 = arith.constant 0 : i32
    %lt3A_180 = arith.cmpi slt, %select_n3A_173, %lt3A_179 : i32
    %ne3A_181 = arith.xori %lt3A_178, %lt3A_180 : i1
    %and3A_182 = arith.andi %ne3A_181, %ne3A_176 : i1
    %add3A_183 = arith.addi %rem3A_174, %select_n3A_173 : i32
    %select_n3A_184 = arith.select %and3A_182, %add3A_183, %rem3A_174 : i32
    %eq3A_185 = arith.constant 0 : i32
    %eq3A_186 = arith.cmpi eq, %select_n3A_184, %eq3A_185 : i32
    %convert_element_type3A = arith.extui %eq3A_186 : i1 to i32
    %cond3A = arith.constant 124 : i32
    %cond3A_187 = arith.constant 125 : i32
    %cond3A_188 = arith.constant 0 : i32
    %cond3A_189 = arith.cmpi ne, %convert_element_type3A, %cond3A_188 : i32
    scf.if %cond3A_189 {
      %add3A_357 = arith.constant 25 : i32
      %add3A_358 = arith.addi %cond3A, %add3A_357 : i32
      %lt3A_359 = arith.cmpi slt, %add3A_358, %cond3A_187 : i32
      %convert_element_type3A_360 = arith.extui %lt3A_359 : i1 to i32
      %cond3A_361 = arith.constant 0 : i32
      %cond3A_362 = arith.cmpi ne, %convert_element_type3A_360, %cond3A_361 : i32
      scf.if %cond3A_362 {
        %jit3A_363 = arith.constant 25 : i32
        %div3A_364 = arith.divsi %cond3A, %jit3A_363 : i32
        %sign3A_365 = arith.constant 0 : i32
        %sign3A_366 = arith.cmpi sgt, %cond3A, %sign3A_365 : i32
        %sign3A_367 = arith.extui %sign3A_366 : i1 to i32
        %sign3A_368 = arith.constant 0 : i32
        %sign3A_369 = arith.cmpi slt, %cond3A, %sign3A_368 : i32
        %sign3A_370 = arith.extui %sign3A_369 : i1 to i32
        %sign3A_371 = arith.subi %sign3A_367, %sign3A_370 : i32
        %sign3A_372 = arith.constant 0 : i32
        %sign3A_373 = arith.cmpi sgt, %jit3A_363, %sign3A_372 : i32
        %sign3A_374 = arith.extui %sign3A_373 : i1 to i32
        %sign3A_375 = arith.constant 0 : i32
        %sign3A_376 = arith.cmpi slt, %jit3A_363, %sign3A_375 : i32
        %sign3A_377 = arith.extui %sign3A_376 : i1 to i32
        %sign3A_378 = arith.subi %sign3A_374, %sign3A_377 : i32
        %ne3A_379 = arith.cmpi ne, %sign3A_371, %sign3A_378 : i32
        %rem3A_380 = arith.remsi %cond3A, %jit3A_363 : i32
        %ne3A_381 = arith.constant 0 : i32
        %ne3A_382 = arith.cmpi ne, %rem3A_380, %ne3A_381 : i32
        %and3A_383 = arith.andi %ne3A_379, %ne3A_382 : i1
        %sub3A_384 = arith.constant 1 : i32
        %sub3A_385 = arith.subi %div3A_364, %sub3A_384 : i32
        %select_n3A_386 = arith.select %and3A_383, %sub3A_385, %div3A_364 : i32
        %add3A_387 = arith.constant 1 : i32
        %add3A_388 = arith.addi %select_n3A_386, %add3A_387 : i32
        %mul3A_389 = arith.constant 2000 : i32
        %mul3A_390 = arith.muli %add3A_388, %mul3A_389 : i32
        %add3A_391 = arith.addi %mul3A_4, %mul3A_390 : i32
        %jit3A_392 = arith.constant 2 : i32
        %eq3A_393 = arith.constant 0 : i32
        %eq3A_394 = arith.cmpi eq, %jit3A_392, %eq3A_393 : i32
        %jit3A_395 = arith.constant 1 : i32
        %select_n3A_396 = arith.select %eq3A_394, %jit3A_395, %jit3A_392 : i32
        %rem3A_397 = arith.remsi %add3A_388, %select_n3A_396 : i32
        %ne3A_398 = arith.constant 0 : i32
        %ne3A_399 = arith.cmpi ne, %rem3A_397, %ne3A_398 : i32
        %lt3A_400 = arith.constant 0 : i32
        %lt3A_401 = arith.cmpi slt, %rem3A_397, %lt3A_400 : i32
        %lt3A_402 = arith.constant 0 : i32
        %lt3A_403 = arith.cmpi slt, %select_n3A_396, %lt3A_402 : i32
        %ne3A_404 = arith.xori %lt3A_401, %lt3A_403 : i1
        %and3A_405 = arith.andi %ne3A_404, %ne3A_399 : i1
        %add3A_406 = arith.addi %rem3A_397, %select_n3A_396 : i32
        %select_n3A_407 = arith.select %and3A_405, %add3A_406, %rem3A_397 : i32
        %mul3A_408 = arith.constant 2000 : i32
        %mul3A_409 = arith.muli %select_n3A_407, %mul3A_408 : i32
        %dma_start3A_410 = tpu.memref_slice %arg8[%mul3A_409] : memref<4000xi32, #tpu.memory_space<vmem>> -> memref<2000xi32, #tpu.memory_space<vmem>>
        %dma_start3A_411 = tpu.memref_slice %arg3[%add3A_391] : memref<320000xi32, #tpu.memory_space<hbm>> -> memref<2000xi32, #tpu.memory_space<hbm>>
        %dma_start3A_412 = tpu.memref_slice %arg8[%mul3A_409] : memref<4000xi32, #tpu.memory_space<vmem>> -> memref<2000xi32, #tpu.memory_space<vmem>>
        %dma_start3A_413 = tpu.memref_slice %arg3[%add3A_391] : memref<320000xi32, #tpu.memory_space<hbm>> -> memref<2000xi32, #tpu.memory_space<hbm>>
        tpu.enqueue_dma source(%dma_start3A_413 : memref<2000xi32, #tpu.memory_space<hbm>>) target(%dma_start3A_412 : memref<2000xi32, #tpu.memory_space<vmem>>) target_semaphore(%arg20 : memref<!tpu.dma_semaphore, #tpu.memory_space<semaphore_mem>>)
        %dma_start3A_414 = tpu.memref_slice %arg9[%mul3A_409] : memref<4000xi32, #tpu.memory_space<vmem>> -> memref<2000xi32, #tpu.memory_space<vmem>>
        %dma_start3A_415 = tpu.memref_slice %arg4[%add3A_391] : memref<320000xi32, #tpu.memory_space<hbm>> -> memref<2000xi32, #tpu.memory_space<hbm>>
        %dma_start3A_416 = tpu.memref_slice %arg9[%mul3A_409] : memref<4000xi32, #tpu.memory_space<vmem>> -> memref<2000xi32, #tpu.memory_space<vmem>>
        %dma_start3A_417 = tpu.memref_slice %arg4[%add3A_391] : memref<320000xi32, #tpu.memory_space<hbm>> -> memref<2000xi32, #tpu.memory_space<hbm>>
        tpu.enqueue_dma source(%dma_start3A_417 : memref<2000xi32, #tpu.memory_space<hbm>>) target(%dma_start3A_416 : memref<2000xi32, #tpu.memory_space<vmem>>) target_semaphore(%arg20 : memref<!tpu.dma_semaphore, #tpu.memory_space<semaphore_mem>>)
      } else {
      }
    } else {
    }
    %add3A_190 = arith.constant 124 : i32
    %add3A_191 = arith.constant 1 : i32
    %add3A_192 = arith.addi %add3A_190, %add3A_191 : i32
    %jit3A_193 = arith.constant 25 : i32
    %eq3A_194 = arith.constant 0 : i32
    %eq3A_195 = arith.cmpi eq, %jit3A_193, %eq3A_194 : i32
    %jit3A_196 = arith.constant 1 : i32
    %select_n3A_197 = arith.select %eq3A_195, %jit3A_196, %jit3A_193 : i32
    %rem3A_198 = arith.remsi %add3A_192, %select_n3A_197 : i32
    %ne3A_199 = arith.constant 0 : i32
    %ne3A_200 = arith.cmpi ne, %rem3A_198, %ne3A_199 : i32
    %lt3A_201 = arith.constant 0 : i32
    %lt3A_202 = arith.cmpi slt, %rem3A_198, %lt3A_201 : i32
    %lt3A_203 = arith.constant 0 : i32
    %lt3A_204 = arith.cmpi slt, %select_n3A_197, %lt3A_203 : i32
    %ne3A_205 = arith.xori %lt3A_202, %lt3A_204 : i1
    %and3A_206 = arith.andi %ne3A_205, %ne3A_200 : i1
    %add3A_207 = arith.addi %rem3A_198, %select_n3A_197 : i32
    %select_n3A_208 = arith.select %and3A_206, %add3A_207, %rem3A_198 : i32
    %eq3A_209 = arith.constant 0 : i32
    %eq3A_210 = arith.cmpi eq, %select_n3A_208, %eq3A_209 : i32
    %convert_element_type3A_211 = arith.extui %eq3A_210 : i1 to i32
    %cond3A_212 = arith.constant 124 : i32
    %cond3A_213 = arith.constant 125 : i32
    %cond3A_214 = arith.constant 0 : i32
    %cond3A_215 = arith.cmpi ne, %convert_element_type3A_211, %cond3A_214 : i32
    scf.if %cond3A_215 {
      %add3A_357 = arith.constant 1 : i32
      %add3A_358 = arith.addi %cond3A_212, %add3A_357 : i32
      %lt3A_359 = arith.cmpi slt, %add3A_358, %cond3A_213 : i32
      %convert_element_type3A_360 = arith.extui %lt3A_359 : i1 to i32
      %cond3A_361 = arith.constant 0 : i32
      %cond3A_362 = arith.cmpi ne, %convert_element_type3A_360, %cond3A_361 : i32
      scf.if %cond3A_362 {
        %dma_wait3A_363 = arith.constant 0 : i32
        %dma_wait3A_364 = tpu.memref_slice %arg8[%dma_wait3A_363] : memref<4000xi32, #tpu.memory_space<vmem>> -> memref<2000xi32, #tpu.memory_space<vmem>>
        %dma_wait3A_365 = arith.constant 0 : i32
        %dma_wait3A_366 = tpu.memref_slice %arg3[%dma_wait3A_365] : memref<320000xi32, #tpu.memory_space<hbm>> -> memref<2000xi32, #tpu.memory_space<hbm>>
        %dma_wait3A_367 = arith.constant 0 : i32
        %dma_wait3A_368 = tpu.memref_slice %arg8[%dma_wait3A_367] : memref<4000xi32, #tpu.memory_space<vmem>> -> memref<2000xi32, #tpu.memory_space<vmem>>
        %dma_wait3A_369 = arith.constant 0 : i32
        %dma_wait3A_370 = tpu.memref_slice %arg3[%dma_wait3A_369] : memref<320000xi32, #tpu.memory_space<hbm>> -> memref<2000xi32, #tpu.memory_space<hbm>>
        tpu.wait_dma2 semaphore(%arg20 : memref<!tpu.dma_semaphore, #tpu.memory_space<semaphore_mem>>) src(%dma_wait3A_370 : memref<2000xi32, #tpu.memory_space<hbm>>) dst(%dma_wait3A_368 : memref<2000xi32, #tpu.memory_space<vmem>>)
        %dma_wait3A_371 = arith.constant 0 : i32
        %dma_wait3A_372 = tpu.memref_slice %arg9[%dma_wait3A_371] : memref<4000xi32, #tpu.memory_space<vmem>> -> memref<2000xi32, #tpu.memory_space<vmem>>
        %dma_wait3A_373 = arith.constant 0 : i32
        %dma_wait3A_374 = tpu.memref_slice %arg4[%dma_wait3A_373] : memref<320000xi32, #tpu.memory_space<hbm>> -> memref<2000xi32, #tpu.memory_space<hbm>>
        %dma_wait3A_375 = arith.constant 0 : i32
        %dma_wait3A_376 = tpu.memref_slice %arg9[%dma_wait3A_375] : memref<4000xi32, #tpu.memory_space<vmem>> -> memref<2000xi32, #tpu.memory_space<vmem>>
        %dma_wait3A_377 = arith.constant 0 : i32
        %dma_wait3A_378 = tpu.memref_slice %arg4[%dma_wait3A_377] : memref<320000xi32, #tpu.memory_space<hbm>> -> memref<2000xi32, #tpu.memory_space<hbm>>
        tpu.wait_dma2 semaphore(%arg20 : memref<!tpu.dma_semaphore, #tpu.memory_space<semaphore_mem>>) src(%dma_wait3A_378 : memref<2000xi32, #tpu.memory_space<hbm>>) dst(%dma_wait3A_376 : memref<2000xi32, #tpu.memory_space<vmem>>)
      } else {
      }
    } else {
    }
    %add3A_216 = arith.constant 124 : i32
    %add3A_217 = arith.constant 1 : i32
    %add3A_218 = arith.addi %add3A_216, %add3A_217 : i32
    %lt3A_219 = arith.constant 125 : i32
    %lt3A_220 = arith.cmpi slt, %add3A_218, %lt3A_219 : i32
    %convert_element_type3A_221 = arith.extui %lt3A_220 : i1 to i32
    %cond3A_222 = arith.constant 124 : i32
    %cond3A_223 = arith.constant 0 : i32
    %cond3A_224 = arith.cmpi ne, %convert_element_type3A_221, %cond3A_223 : i32
    scf.if %cond3A_224 {
      %add3A_357 = arith.constant 1 : i32
      %add3A_358 = arith.addi %cond3A_222, %add3A_357 : i32
      %mul3A_359 = arith.constant 80 : i32
      %mul3A_360 = arith.muli %add3A_358, %mul3A_359 : i32
      %add3A_361 = arith.addi %mul3A_4, %mul3A_360 : i32
      %dma_start3A_362 = arith.constant 0 : i32
      %dma_start3A_363 = tpu.memref_slice %arg5[%add3A_361, %dma_start3A_362] : memref<320000x128xf32, #tpu.memory_space<hbm>> -> memref<80x128xf32, #tpu.memory_space<hbm>>
      %dma_start3A_364 = arith.constant 0 : i32
      %dma_start3A_365 = tpu.memref_slice %arg5[%add3A_361, %dma_start3A_364] : memref<320000x128xf32, #tpu.memory_space<hbm>> -> memref<80x128xf32, #tpu.memory_space<hbm>>
      tpu.enqueue_dma source(%dma_start3A_365 : memref<80x128xf32, #tpu.memory_space<hbm>>) target(%arg14 : memref<80x128xf32, #tpu.memory_space<vmem>>) target_semaphore(%arg19 : memref<!tpu.dma_semaphore, #tpu.memory_space<semaphore_mem>>)
      %jit3A_366 = arith.constant 25 : i32
      %div3A_367 = arith.divsi %add3A_358, %jit3A_366 : i32
      %sign3A_368 = arith.constant 0 : i32
      %sign3A_369 = arith.cmpi sgt, %add3A_358, %sign3A_368 : i32
      %sign3A_370 = arith.extui %sign3A_369 : i1 to i32
      %sign3A_371 = arith.constant 0 : i32
      %sign3A_372 = arith.cmpi slt, %add3A_358, %sign3A_371 : i32
      %sign3A_373 = arith.extui %sign3A_372 : i1 to i32
      %sign3A_374 = arith.subi %sign3A_370, %sign3A_373 : i32
      %sign3A_375 = arith.constant 0 : i32
      %sign3A_376 = arith.cmpi sgt, %jit3A_366, %sign3A_375 : i32
      %sign3A_377 = arith.extui %sign3A_376 : i1 to i32
      %sign3A_378 = arith.constant 0 : i32
      %sign3A_379 = arith.cmpi slt, %jit3A_366, %sign3A_378 : i32
      %sign3A_380 = arith.extui %sign3A_379 : i1 to i32
      %sign3A_381 = arith.subi %sign3A_377, %sign3A_380 : i32
      %ne3A_382 = arith.cmpi ne, %sign3A_374, %sign3A_381 : i32
      %rem3A_383 = arith.remsi %add3A_358, %jit3A_366 : i32
      %ne3A_384 = arith.constant 0 : i32
      %ne3A_385 = arith.cmpi ne, %rem3A_383, %ne3A_384 : i32
      %and3A_386 = arith.andi %ne3A_382, %ne3A_385 : i1
      %sub3A_387 = arith.constant 1 : i32
      %sub3A_388 = arith.subi %div3A_367, %sub3A_387 : i32
      %select_n3A_389 = arith.select %and3A_386, %sub3A_388, %div3A_367 : i32
      %jit3A_390 = arith.constant 2 : i32
      %eq3A_391 = arith.constant 0 : i32
      %eq3A_392 = arith.cmpi eq, %jit3A_390, %eq3A_391 : i32
      %jit3A_393 = arith.constant 1 : i32
      %select_n3A_394 = arith.select %eq3A_392, %jit3A_393, %jit3A_390 : i32
      %rem3A_395 = arith.remsi %select_n3A_389, %select_n3A_394 : i32
      %ne3A_396 = arith.constant 0 : i32
      %ne3A_397 = arith.cmpi ne, %rem3A_395, %ne3A_396 : i32
      %lt3A_398 = arith.constant 0 : i32
      %lt3A_399 = arith.cmpi slt, %rem3A_395, %lt3A_398 : i32
      %lt3A_400 = arith.constant 0 : i32
      %lt3A_401 = arith.cmpi slt, %select_n3A_394, %lt3A_400 : i32
      %ne3A_402 = arith.xori %lt3A_399, %lt3A_401 : i1
      %and3A_403 = arith.andi %ne3A_402, %ne3A_397 : i1
      %add3A_404 = arith.addi %rem3A_395, %select_n3A_394 : i32
      %select_n3A_405 = arith.select %and3A_403, %add3A_404, %rem3A_395 : i32
      %mul3A_406 = arith.constant 2000 : i32
      %mul3A_407 = arith.muli %select_n3A_405, %mul3A_406 : i32
      %jit3A_408 = arith.constant 25 : i32
      %eq3A_409 = arith.constant 0 : i32
      %eq3A_410 = arith.cmpi eq, %jit3A_408, %eq3A_409 : i32
      %jit3A_411 = arith.constant 1 : i32
      %select_n3A_412 = arith.select %eq3A_410, %jit3A_411, %jit3A_408 : i32
      %rem3A_413 = arith.remsi %add3A_358, %select_n3A_412 : i32
      %ne3A_414 = arith.constant 0 : i32
      %ne3A_415 = arith.cmpi ne, %rem3A_413, %ne3A_414 : i32
      %lt3A_416 = arith.constant 0 : i32
      %lt3A_417 = arith.cmpi slt, %rem3A_413, %lt3A_416 : i32
      %lt3A_418 = arith.constant 0 : i32
      %lt3A_419 = arith.cmpi slt, %select_n3A_412, %lt3A_418 : i32
      %ne3A_420 = arith.xori %lt3A_417, %lt3A_419 : i1
      %and3A_421 = arith.andi %ne3A_420, %ne3A_415 : i1
      %add3A_422 = arith.addi %rem3A_413, %select_n3A_412 : i32
      %select_n3A_423 = arith.select %and3A_421, %add3A_422, %rem3A_413 : i32
      %mul3A_424 = arith.constant 80 : i32
      %mul3A_425 = arith.muli %select_n3A_423, %mul3A_424 : i32
      %add3A_426 = arith.addi %mul3A_407, %mul3A_425 : i32
      %add3A_427 = arith.constant 0 : i32
      %add3A_428 = arith.addi %add3A_426, %add3A_427 : i32
      %get3A_429 = arith.index_cast %add3A_428 : i32 to index
      %get3A_430 = tpu.vector_load %arg8[%get3A_429] {strides = array<i32>} : memref<4000xi32, #tpu.memory_space<vmem>>, vector<16xi32>,
      %get3A_431 = vector.shape_cast %get3A_430 : vector<16xi32> to vector<16xi32>
      %swap3A_432 = arith.constant 0 : index
      %swap3A_433 = tpu.vector_load %arg11[%swap3A_432] {strides = array<i32>} : memref<80xi32, #tpu.memory_space<vmem>>, vector<16xi32>,
      %swap3A_434 = vector.shape_cast %swap3A_433 : vector<16xi32> to vector<16xi32>
      %swap3A_435 = vector.shape_cast %get3A_431 : vector<16xi32> to vector<16xi32>
      tpu.vector_store %arg11[%swap3A_432], %swap3A_435 {strides = array<i32>} : memref<80xi32, #tpu.memory_space<vmem>>, vector<16xi32>,
      %add3A_436 = arith.constant 16 : i32
      %add3A_437 = arith.addi %add3A_426, %add3A_436 : i32
      %get3A_438 = arith.index_cast %add3A_437 : i32 to index
      %get3A_439 = tpu.vector_load %arg8[%get3A_438] {strides = array<i32>} : memref<4000xi32, #tpu.memory_space<vmem>>, vector<16xi32>,
      %get3A_440 = vector.shape_cast %get3A_439 : vector<16xi32> to vector<16xi32>
      %swap3A_441 = arith.constant 16 : index
      %swap3A_442 = tpu.vector_load %arg11[%swap3A_441] {strides = array<i32>} : memref<80xi32, #tpu.memory_space<vmem>>, vector<16xi32>,
      %swap3A_443 = vector.shape_cast %swap3A_442 : vector<16xi32> to vector<16xi32>
      %swap3A_444 = vector.shape_cast %get3A_440 : vector<16xi32> to vector<16xi32>
      tpu.vector_store %arg11[%swap3A_441], %swap3A_444 {strides = array<i32>} : memref<80xi32, #tpu.memory_space<vmem>>, vector<16xi32>,
      %add3A_445 = arith.constant 32 : i32
      %add3A_446 = arith.addi %add3A_426, %add3A_445 : i32
      %get3A_447 = arith.index_cast %add3A_446 : i32 to index
      %get3A_448 = tpu.vector_load %arg8[%get3A_447] {strides = array<i32>} : memref<4000xi32, #tpu.memory_space<vmem>>, vector<16xi32>,
      %get3A_449 = vector.shape_cast %get3A_448 : vector<16xi32> to vector<16xi32>
      %swap3A_450 = arith.constant 32 : index
      %swap3A_451 = tpu.vector_load %arg11[%swap3A_450] {strides = array<i32>} : memref<80xi32, #tpu.memory_space<vmem>>, vector<16xi32>,
      %swap3A_452 = vector.shape_cast %swap3A_451 : vector<16xi32> to vector<16xi32>
      %swap3A_453 = vector.shape_cast %get3A_449 : vector<16xi32> to vector<16xi32>
      tpu.vector_store %arg11[%swap3A_450], %swap3A_453 {strides = array<i32>} : memref<80xi32, #tpu.memory_space<vmem>>, vector<16xi32>,
      %add3A_454 = arith.constant 48 : i32
      %add3A_455 = arith.addi %add3A_426, %add3A_454 : i32
      %get3A_456 = arith.index_cast %add3A_455 : i32 to index
      %get3A_457 = tpu.vector_load %arg8[%get3A_456] {strides = array<i32>} : memref<4000xi32, #tpu.memory_space<vmem>>, vector<16xi32>,
      %get3A_458 = vector.shape_cast %get3A_457 : vector<16xi32> to vector<16xi32>
      %swap3A_459 = arith.constant 48 : index
      %swap3A_460 = tpu.vector_load %arg11[%swap3A_459] {strides = array<i32>} : memref<80xi32, #tpu.memory_space<vmem>>, vector<16xi32>,
      %swap3A_461 = vector.shape_cast %swap3A_460 : vector<16xi32> to vector<16xi32>
      %swap3A_462 = vector.shape_cast %get3A_458 : vector<16xi32> to vector<16xi32>
      tpu.vector_store %arg11[%swap3A_459], %swap3A_462 {strides = array<i32>} : memref<80xi32, #tpu.memory_space<vmem>>, vector<16xi32>,
      %add3A_463 = arith.constant 64 : i32
      %add3A_464 = arith.addi %add3A_426, %add3A_463 : i32
      %get3A_465 = arith.index_cast %add3A_464 : i32 to index
      %get3A_466 = tpu.vector_load %arg8[%get3A_465] {strides = array<i32>} : memref<4000xi32, #tpu.memory_space<vmem>>, vector<16xi32>,
      %get3A_467 = vector.shape_cast %get3A_466 : vector<16xi32> to vector<16xi32>
      %swap3A_468 = arith.constant 64 : index
      %swap3A_469 = tpu.vector_load %arg11[%swap3A_468] {strides = array<i32>} : memref<80xi32, #tpu.memory_space<vmem>>, vector<16xi32>,
      %swap3A_470 = vector.shape_cast %swap3A_469 : vector<16xi32> to vector<16xi32>
      %swap3A_471 = vector.shape_cast %get3A_467 : vector<16xi32> to vector<16xi32>
      tpu.vector_store %arg11[%swap3A_468], %swap3A_471 {strides = array<i32>} : memref<80xi32, #tpu.memory_space<vmem>>, vector<16xi32>,
      %dma_start3A_472 = arith.constant 0 : i32
      %dma_start3A_473 = arith.constant 0 : i32
      %dma_start3A_474 = tpu.memref_slice %arg2[%dma_start3A_472, %dma_start3A_473] : memref<10000x128xf32, #tpu.memory_space<hbm>> -> memref<10000x128xf32, #tpu.memory_space<hbm>>
      tpu.enqueue_indirect_dma source(%dma_start3A_474 : memref<10000x128xf32, #tpu.memory_space<hbm>>) target(%arg16 : memref<80x128xf32, #tpu.memory_space<vmem>>) offsets(%arg11 : memref<80xi32, #tpu.memory_space<vmem>>) semaphore(%arg19 : memref<!tpu.dma_semaphore, #tpu.memory_space<semaphore_mem>>)
    } else {
    }
    %dma_wait3A_225 = arith.constant 0 : i32
    %dma_wait3A_226 = arith.constant 0 : i32
    %dma_wait3A_227 = tpu.memref_slice %arg5[%dma_wait3A_225, %dma_wait3A_226] : memref<320000x128xf32, #tpu.memory_space<hbm>> -> memref<80x128xf32, #tpu.memory_space<hbm>>
    %dma_wait3A_228 = arith.constant 0 : i32
    %dma_wait3A_229 = arith.constant 0 : i32
    %dma_wait3A_230 = tpu.memref_slice %arg5[%dma_wait3A_228, %dma_wait3A_229] : memref<320000x128xf32, #tpu.memory_space<hbm>> -> memref<80x128xf32, #tpu.memory_space<hbm>>
    tpu.wait_dma2 semaphore(%arg18 : memref<!tpu.dma_semaphore, #tpu.memory_space<semaphore_mem>>) src(%dma_wait3A_230 : memref<80x128xf32, #tpu.memory_space<hbm>>) dst(%arg13 : memref<80x128xf32, #tpu.memory_space<vmem>>)
    %dma_wait3A_231 = arith.constant 0 : i32
    %dma_wait3A_232 = arith.constant 0 : i32
    %dma_wait3A_233 = tpu.memref_slice %arg2[%dma_wait3A_231, %dma_wait3A_232] : memref<10000x128xf32, #tpu.memory_space<hbm>> -> memref<80x128xf32, #tpu.memory_space<hbm>>
    %dma_wait3A_234 = arith.constant 0 : i32
    %dma_wait3A_235 = arith.constant 0 : i32
    %dma_wait3A_236 = tpu.memref_slice %arg2[%dma_wait3A_234, %dma_wait3A_235] : memref<10000x128xf32, #tpu.memory_space<hbm>> -> memref<80x128xf32, #tpu.memory_space<hbm>>
    tpu.wait_dma2 semaphore(%arg18 : memref<!tpu.dma_semaphore, #tpu.memory_space<semaphore_mem>>) src(%dma_wait3A_236 : memref<80x128xf32, #tpu.memory_space<hbm>>) dst(%arg15 : memref<80x128xf32, #tpu.memory_space<vmem>>)
    %while3A_237 = arith.constant 0 : i32
    %while3A_238 = arith.constant 0 : i32
    %while3A_239 = arith.constant 80 : i32
    %while3A_240 = arith.subi %while3A_239, %while3A_238 : i32
    %while3A_241 = arith.addi %while3A_238, %while3A_240 : i32
    %while3A_242 = arith.constant 1 : i32
    %while3A_243 = arith.divsi %while3A_240, %while3A_242 : i32
    %while3A_244 = arith.muli %while3A_243, %while3A_242 : i32
    %while3A_245 = arith.addi %while3A_238, %while3A_244 : i32
    %while3A_246 = arith.constant 1 : i32
    scf.for %while3A_357 = %while3A_238 to %while3A_245 step %while3A_246  : i32 {
      %get3A_358 = arith.index_cast %while3A_357 : i32 to index
      %get3A_359 = arith.constant 0 : index
      %get3A_360 = tpu.vector_load %arg15[%get3A_358, %get3A_359] {strides = array<i32>} : memref<80x128xf32, #tpu.memory_space<vmem>>, vector<1x16xf32>,
      %get3A_361 = vector.shape_cast %get3A_360 : vector<1x16xf32> to vector<16xf32>
      %get3A_362 = arith.index_cast %while3A_357 : i32 to index
      %get3A_363 = arith.constant 0 : index
      %get3A_364 = tpu.vector_load %arg13[%get3A_362, %get3A_363] {strides = array<i32>} : memref<80x128xf32, #tpu.memory_space<vmem>>, vector<1x16xf32>,
      %get3A_365 = vector.shape_cast %get3A_364 : vector<1x16xf32> to vector<16xf32>
      %add3A_366 = arith.addf %get3A_361, %get3A_365 : vector<16xf32>
      %max3A = arith.constant 0.000000e+00 : f32
      %max3A_367 = vector.broadcast %max3A : f32 to vector<16xf32>
      %max3A_368 = arith.maximumf %add3A_366, %max3A_367 : vector<16xf32>
      %swap3A_369 = arith.index_cast %while3A_357 : i32 to index
      %swap3A_370 = arith.constant 0 : index
      %swap3A_371 = tpu.vector_load %arg15[%swap3A_369, %swap3A_370] {strides = array<i32>} : memref<80x128xf32, #tpu.memory_space<vmem>>, vector<1x16xf32>,
      %swap3A_372 = vector.shape_cast %swap3A_371 : vector<1x16xf32> to vector<16xf32>
      %swap3A_373 = vector.shape_cast %max3A_368 : vector<16xf32> to vector<1x16xf32>
      tpu.vector_store %arg15[%swap3A_369, %swap3A_370], %swap3A_373 {strides = array<i32>} : memref<80x128xf32, #tpu.memory_space<vmem>>, vector<1x16xf32>,
      %get3A_374 = arith.index_cast %while3A_357 : i32 to index
      %get3A_375 = arith.constant 16 : index
      %get3A_376 = tpu.vector_load %arg15[%get3A_374, %get3A_375] {strides = array<i32>} : memref<80x128xf32, #tpu.memory_space<vmem>>, vector<1x16xf32>,
      %get3A_377 = vector.shape_cast %get3A_376 : vector<1x16xf32> to vector<16xf32>
      %get3A_378 = arith.index_cast %while3A_357 : i32 to index
      %get3A_379 = arith.constant 16 : index
      %get3A_380 = tpu.vector_load %arg13[%get3A_378, %get3A_379] {strides = array<i32>} : memref<80x128xf32, #tpu.memory_space<vmem>>, vector<1x16xf32>,
      %get3A_381 = vector.shape_cast %get3A_380 : vector<1x16xf32> to vector<16xf32>
      %add3A_382 = arith.addf %get3A_377, %get3A_381 : vector<16xf32>
      %max3A_383 = arith.constant 0.000000e+00 : f32
      %max3A_384 = vector.broadcast %max3A_383 : f32 to vector<16xf32>
      %max3A_385 = arith.maximumf %add3A_382, %max3A_384 : vector<16xf32>
      %swap3A_386 = arith.index_cast %while3A_357 : i32 to index
      %swap3A_387 = arith.constant 16 : index
      %swap3A_388 = tpu.vector_load %arg15[%swap3A_386, %swap3A_387] {strides = array<i32>} : memref<80x128xf32, #tpu.memory_space<vmem>>, vector<1x16xf32>,
      %swap3A_389 = vector.shape_cast %swap3A_388 : vector<1x16xf32> to vector<16xf32>
      %swap3A_390 = vector.shape_cast %max3A_385 : vector<16xf32> to vector<1x16xf32>
      tpu.vector_store %arg15[%swap3A_386, %swap3A_387], %swap3A_390 {strides = array<i32>} : memref<80x128xf32, #tpu.memory_space<vmem>>, vector<1x16xf32>,
      %get3A_391 = arith.index_cast %while3A_357 : i32 to index
      %get3A_392 = arith.constant 32 : index
      %get3A_393 = tpu.vector_load %arg15[%get3A_391, %get3A_392] {strides = array<i32>} : memref<80x128xf32, #tpu.memory_space<vmem>>, vector<1x16xf32>,
      %get3A_394 = vector.shape_cast %get3A_393 : vector<1x16xf32> to vector<16xf32>
      %get3A_395 = arith.index_cast %while3A_357 : i32 to index
      %get3A_396 = arith.constant 32 : index
      %get3A_397 = tpu.vector_load %arg13[%get3A_395, %get3A_396] {strides = array<i32>} : memref<80x128xf32, #tpu.memory_space<vmem>>, vector<1x16xf32>,
      %get3A_398 = vector.shape_cast %get3A_397 : vector<1x16xf32> to vector<16xf32>
      %add3A_399 = arith.addf %get3A_394, %get3A_398 : vector<16xf32>
      %max3A_400 = arith.constant 0.000000e+00 : f32
      %max3A_401 = vector.broadcast %max3A_400 : f32 to vector<16xf32>
      %max3A_402 = arith.maximumf %add3A_399, %max3A_401 : vector<16xf32>
      %swap3A_403 = arith.index_cast %while3A_357 : i32 to index
      %swap3A_404 = arith.constant 32 : index
      %swap3A_405 = tpu.vector_load %arg15[%swap3A_403, %swap3A_404] {strides = array<i32>} : memref<80x128xf32, #tpu.memory_space<vmem>>, vector<1x16xf32>,
      %swap3A_406 = vector.shape_cast %swap3A_405 : vector<1x16xf32> to vector<16xf32>
      %swap3A_407 = vector.shape_cast %max3A_402 : vector<16xf32> to vector<1x16xf32>
      tpu.vector_store %arg15[%swap3A_403, %swap3A_404], %swap3A_407 {strides = array<i32>} : memref<80x128xf32, #tpu.memory_space<vmem>>, vector<1x16xf32>,
      %get3A_408 = arith.index_cast %while3A_357 : i32 to index
      %get3A_409 = arith.constant 48 : index
      %get3A_410 = tpu.vector_load %arg15[%get3A_408, %get3A_409] {strides = array<i32>} : memref<80x128xf32, #tpu.memory_space<vmem>>, vector<1x16xf32>,
      %get3A_411 = vector.shape_cast %get3A_410 : vector<1x16xf32> to vector<16xf32>
      %get3A_412 = arith.index_cast %while3A_357 : i32 to index
      %get3A_413 = arith.constant 48 : index
      %get3A_414 = tpu.vector_load %arg13[%get3A_412, %get3A_413] {strides = array<i32>} : memref<80x128xf32, #tpu.memory_space<vmem>>, vector<1x16xf32>,
      %get3A_415 = vector.shape_cast %get3A_414 : vector<1x16xf32> to vector<16xf32>
      %add3A_416 = arith.addf %get3A_411, %get3A_415 : vector<16xf32>
      %max3A_417 = arith.constant 0.000000e+00 : f32
      %max3A_418 = vector.broadcast %max3A_417 : f32 to vector<16xf32>
      %max3A_419 = arith.maximumf %add3A_416, %max3A_418 : vector<16xf32>
      %swap3A_420 = arith.index_cast %while3A_357 : i32 to index
      %swap3A_421 = arith.constant 48 : index
      %swap3A_422 = tpu.vector_load %arg15[%swap3A_420, %swap3A_421] {strides = array<i32>} : memref<80x128xf32, #tpu.memory_space<vmem>>, vector<1x16xf32>,
      %swap3A_423 = vector.shape_cast %swap3A_422 : vector<1x16xf32> to vector<16xf32>
      %swap3A_424 = vector.shape_cast %max3A_419 : vector<16xf32> to vector<1x16xf32>
      tpu.vector_store %arg15[%swap3A_420, %swap3A_421], %swap3A_424 {strides = array<i32>} : memref<80x128xf32, #tpu.memory_space<vmem>>, vector<1x16xf32>,
      %get3A_425 = arith.index_cast %while3A_357 : i32 to index
      %get3A_426 = arith.constant 64 : index
      %get3A_427 = tpu.vector_load %arg15[%get3A_425, %get3A_426] {strides = array<i32>} : memref<80x128xf32, #tpu.memory_space<vmem>>, vector<1x16xf32>,
      %get3A_428 = vector.shape_cast %get3A_427 : vector<1x16xf32> to vector<16xf32>
      %get3A_429 = arith.index_cast %while3A_357 : i32 to index
      %get3A_430 = arith.constant 64 : index
      %get3A_431 = tpu.vector_load %arg13[%get3A_429, %get3A_430] {strides = array<i32>} : memref<80x128xf32, #tpu.memory_space<vmem>>, vector<1x16xf32>,
      %get3A_432 = vector.shape_cast %get3A_431 : vector<1x16xf32> to vector<16xf32>
      %add3A_433 = arith.addf %get3A_428, %get3A_432 : vector<16xf32>
      %max3A_434 = arith.constant 0.000000e+00 : f32
      %max3A_435 = vector.broadcast %max3A_434 : f32 to vector<16xf32>
      %max3A_436 = arith.maximumf %add3A_433, %max3A_435 : vector<16xf32>
      %swap3A_437 = arith.index_cast %while3A_357 : i32 to index
      %swap3A_438 = arith.constant 64 : index
      %swap3A_439 = tpu.vector_load %arg15[%swap3A_437, %swap3A_438] {strides = array<i32>} : memref<80x128xf32, #tpu.memory_space<vmem>>, vector<1x16xf32>,
      %swap3A_440 = vector.shape_cast %swap3A_439 : vector<1x16xf32> to vector<16xf32>
      %swap3A_441 = vector.shape_cast %max3A_436 : vector<16xf32> to vector<1x16xf32>
      tpu.vector_store %arg15[%swap3A_437, %swap3A_438], %swap3A_441 {strides = array<i32>} : memref<80x128xf32, #tpu.memory_space<vmem>>, vector<1x16xf32>,
      %get3A_442 = arith.index_cast %while3A_357 : i32 to index
      %get3A_443 = arith.constant 80 : index
      %get3A_444 = tpu.vector_load %arg15[%get3A_442, %get3A_443] {strides = array<i32>} : memref<80x128xf32, #tpu.memory_space<vmem>>, vector<1x16xf32>,
      %get3A_445 = vector.shape_cast %get3A_444 : vector<1x16xf32> to vector<16xf32>
      %get3A_446 = arith.index_cast %while3A_357 : i32 to index
      %get3A_447 = arith.constant 80 : index
      %get3A_448 = tpu.vector_load %arg13[%get3A_446, %get3A_447] {strides = array<i32>} : memref<80x128xf32, #tpu.memory_space<vmem>>, vector<1x16xf32>,
      %get3A_449 = vector.shape_cast %get3A_448 : vector<1x16xf32> to vector<16xf32>
      %add3A_450 = arith.addf %get3A_445, %get3A_449 : vector<16xf32>
      %max3A_451 = arith.constant 0.000000e+00 : f32
      %max3A_452 = vector.broadcast %max3A_451 : f32 to vector<16xf32>
      %max3A_453 = arith.maximumf %add3A_450, %max3A_452 : vector<16xf32>
      %swap3A_454 = arith.index_cast %while3A_357 : i32 to index
      %swap3A_455 = arith.constant 80 : index
      %swap3A_456 = tpu.vector_load %arg15[%swap3A_454, %swap3A_455] {strides = array<i32>} : memref<80x128xf32, #tpu.memory_space<vmem>>, vector<1x16xf32>,
      %swap3A_457 = vector.shape_cast %swap3A_456 : vector<1x16xf32> to vector<16xf32>
      %swap3A_458 = vector.shape_cast %max3A_453 : vector<16xf32> to vector<1x16xf32>
      tpu.vector_store %arg15[%swap3A_454, %swap3A_455], %swap3A_458 {strides = array<i32>} : memref<80x128xf32, #tpu.memory_space<vmem>>, vector<1x16xf32>,
      %get3A_459 = arith.index_cast %while3A_357 : i32 to index
      %get3A_460 = arith.constant 96 : index
      %get3A_461 = tpu.vector_load %arg15[%get3A_459, %get3A_460] {strides = array<i32>} : memref<80x128xf32, #tpu.memory_space<vmem>>, vector<1x16xf32>,
      %get3A_462 = vector.shape_cast %get3A_461 : vector<1x16xf32> to vector<16xf32>
      %get3A_463 = arith.index_cast %while3A_357 : i32 to index
      %get3A_464 = arith.constant 96 : index
      %get3A_465 = tpu.vector_load %arg13[%get3A_463, %get3A_464] {strides = array<i32>} : memref<80x128xf32, #tpu.memory_space<vmem>>, vector<1x16xf32>,
      %get3A_466 = vector.shape_cast %get3A_465 : vector<1x16xf32> to vector<16xf32>
      %add3A_467 = arith.addf %get3A_462, %get3A_466 : vector<16xf32>
      %max3A_468 = arith.constant 0.000000e+00 : f32
      %max3A_469 = vector.broadcast %max3A_468 : f32 to vector<16xf32>
      %max3A_470 = arith.maximumf %add3A_467, %max3A_469 : vector<16xf32>
      %swap3A_471 = arith.index_cast %while3A_357 : i32 to index
      %swap3A_472 = arith.constant 96 : index
      %swap3A_473 = tpu.vector_load %arg15[%swap3A_471, %swap3A_472] {strides = array<i32>} : memref<80x128xf32, #tpu.memory_space<vmem>>, vector<1x16xf32>,
      %swap3A_474 = vector.shape_cast %swap3A_473 : vector<1x16xf32> to vector<16xf32>
      %swap3A_475 = vector.shape_cast %max3A_470 : vector<16xf32> to vector<1x16xf32>
      tpu.vector_store %arg15[%swap3A_471, %swap3A_472], %swap3A_475 {strides = array<i32>} : memref<80x128xf32, #tpu.memory_space<vmem>>, vector<1x16xf32>,
      %get3A_476 = arith.index_cast %while3A_357 : i32 to index
      %get3A_477 = arith.constant 112 : index
      %get3A_478 = tpu.vector_load %arg15[%get3A_476, %get3A_477] {strides = array<i32>} : memref<80x128xf32, #tpu.memory_space<vmem>>, vector<1x16xf32>,
      %get3A_479 = vector.shape_cast %get3A_478 : vector<1x16xf32> to vector<16xf32>
      %get3A_480 = arith.index_cast %while3A_357 : i32 to index
      %get3A_481 = arith.constant 112 : index
      %get3A_482 = tpu.vector_load %arg13[%get3A_480, %get3A_481] {strides = array<i32>} : memref<80x128xf32, #tpu.memory_space<vmem>>, vector<1x16xf32>,
      %get3A_483 = vector.shape_cast %get3A_482 : vector<1x16xf32> to vector<16xf32>
      %add3A_484 = arith.addf %get3A_479, %get3A_483 : vector<16xf32>
      %max3A_485 = arith.constant 0.000000e+00 : f32
      %max3A_486 = vector.broadcast %max3A_485 : f32 to vector<16xf32>
      %max3A_487 = arith.maximumf %add3A_484, %max3A_486 : vector<16xf32>
      %swap3A_488 = arith.index_cast %while3A_357 : i32 to index
      %swap3A_489 = arith.constant 112 : index
      %swap3A_490 = tpu.vector_load %arg15[%swap3A_488, %swap3A_489] {strides = array<i32>} : memref<80x128xf32, #tpu.memory_space<vmem>>, vector<1x16xf32>,
      %swap3A_491 = vector.shape_cast %swap3A_490 : vector<1x16xf32> to vector<16xf32>
      %swap3A_492 = vector.shape_cast %max3A_487 : vector<16xf32> to vector<1x16xf32>
      tpu.vector_store %arg15[%swap3A_488, %swap3A_489], %swap3A_492 {strides = array<i32>} : memref<80x128xf32, #tpu.memory_space<vmem>>, vector<1x16xf32>,
    }
    %while3A_247 = arith.constant 1 : i32
    scf.for %while3A_357 = %while3A_245 to %while3A_241 step %while3A_247  : i32 {
      %get3A_358 = arith.index_cast %while3A_357 : i32 to index
      %get3A_359 = arith.constant 0 : index
      %get3A_360 = tpu.vector_load %arg15[%get3A_358, %get3A_359] {strides = array<i32>} : memref<80x128xf32, #tpu.memory_space<vmem>>, vector<1x16xf32>,
      %get3A_361 = vector.shape_cast %get3A_360 : vector<1x16xf32> to vector<16xf32>
      %get3A_362 = arith.index_cast %while3A_357 : i32 to index
      %get3A_363 = arith.constant 0 : index
      %get3A_364 = tpu.vector_load %arg13[%get3A_362, %get3A_363] {strides = array<i32>} : memref<80x128xf32, #tpu.memory_space<vmem>>, vector<1x16xf32>,
      %get3A_365 = vector.shape_cast %get3A_364 : vector<1x16xf32> to vector<16xf32>
      %add3A_366 = arith.addf %get3A_361, %get3A_365 : vector<16xf32>
      %max3A = arith.constant 0.000000e+00 : f32
      %max3A_367 = vector.broadcast %max3A : f32 to vector<16xf32>
      %max3A_368 = arith.maximumf %add3A_366, %max3A_367 : vector<16xf32>
      %swap3A_369 = arith.index_cast %while3A_357 : i32 to index
      %swap3A_370 = arith.constant 0 : index
      %swap3A_371 = tpu.vector_load %arg15[%swap3A_369, %swap3A_370] {strides = array<i32>} : memref<80x128xf32, #tpu.memory_space<vmem>>, vector<1x16xf32>,
      %swap3A_372 = vector.shape_cast %swap3A_371 : vector<1x16xf32> to vector<16xf32>
      %swap3A_373 = vector.shape_cast %max3A_368 : vector<16xf32> to vector<1x16xf32>
      tpu.vector_store %arg15[%swap3A_369, %swap3A_370], %swap3A_373 {strides = array<i32>} : memref<80x128xf32, #tpu.memory_space<vmem>>, vector<1x16xf32>,
      %get3A_374 = arith.index_cast %while3A_357 : i32 to index
      %get3A_375 = arith.constant 16 : index
      %get3A_376 = tpu.vector_load %arg15[%get3A_374, %get3A_375] {strides = array<i32>} : memref<80x128xf32, #tpu.memory_space<vmem>>, vector<1x16xf32>,
      %get3A_377 = vector.shape_cast %get3A_376 : vector<1x16xf32> to vector<16xf32>
      %get3A_378 = arith.index_cast %while3A_357 : i32 to index
      %get3A_379 = arith.constant 16 : index
      %get3A_380 = tpu.vector_load %arg13[%get3A_378, %get3A_379] {strides = array<i32>} : memref<80x128xf32, #tpu.memory_space<vmem>>, vector<1x16xf32>,
      %get3A_381 = vector.shape_cast %get3A_380 : vector<1x16xf32> to vector<16xf32>
      %add3A_382 = arith.addf %get3A_377, %get3A_381 : vector<16xf32>
      %max3A_383 = arith.constant 0.000000e+00 : f32
      %max3A_384 = vector.broadcast %max3A_383 : f32 to vector<16xf32>
      %max3A_385 = arith.maximumf %add3A_382, %max3A_384 : vector<16xf32>
      %swap3A_386 = arith.index_cast %while3A_357 : i32 to index
      %swap3A_387 = arith.constant 16 : index
      %swap3A_388 = tpu.vector_load %arg15[%swap3A_386, %swap3A_387] {strides = array<i32>} : memref<80x128xf32, #tpu.memory_space<vmem>>, vector<1x16xf32>,
      %swap3A_389 = vector.shape_cast %swap3A_388 : vector<1x16xf32> to vector<16xf32>
      %swap3A_390 = vector.shape_cast %max3A_385 : vector<16xf32> to vector<1x16xf32>
      tpu.vector_store %arg15[%swap3A_386, %swap3A_387], %swap3A_390 {strides = array<i32>} : memref<80x128xf32, #tpu.memory_space<vmem>>, vector<1x16xf32>,
      %get3A_391 = arith.index_cast %while3A_357 : i32 to index
      %get3A_392 = arith.constant 32 : index
      %get3A_393 = tpu.vector_load %arg15[%get3A_391, %get3A_392] {strides = array<i32>} : memref<80x128xf32, #tpu.memory_space<vmem>>, vector<1x16xf32>,
      %get3A_394 = vector.shape_cast %get3A_393 : vector<1x16xf32> to vector<16xf32>
      %get3A_395 = arith.index_cast %while3A_357 : i32 to index
      %get3A_396 = arith.constant 32 : index
      %get3A_397 = tpu.vector_load %arg13[%get3A_395, %get3A_396] {strides = array<i32>} : memref<80x128xf32, #tpu.memory_space<vmem>>, vector<1x16xf32>,
      %get3A_398 = vector.shape_cast %get3A_397 : vector<1x16xf32> to vector<16xf32>
      %add3A_399 = arith.addf %get3A_394, %get3A_398 : vector<16xf32>
      %max3A_400 = arith.constant 0.000000e+00 : f32
      %max3A_401 = vector.broadcast %max3A_400 : f32 to vector<16xf32>
      %max3A_402 = arith.maximumf %add3A_399, %max3A_401 : vector<16xf32>
      %swap3A_403 = arith.index_cast %while3A_357 : i32 to index
      %swap3A_404 = arith.constant 32 : index
      %swap3A_405 = tpu.vector_load %arg15[%swap3A_403, %swap3A_404] {strides = array<i32>} : memref<80x128xf32, #tpu.memory_space<vmem>>, vector<1x16xf32>,
      %swap3A_406 = vector.shape_cast %swap3A_405 : vector<1x16xf32> to vector<16xf32>
      %swap3A_407 = vector.shape_cast %max3A_402 : vector<16xf32> to vector<1x16xf32>
      tpu.vector_store %arg15[%swap3A_403, %swap3A_404], %swap3A_407 {strides = array<i32>} : memref<80x128xf32, #tpu.memory_space<vmem>>, vector<1x16xf32>,
      %get3A_408 = arith.index_cast %while3A_357 : i32 to index
      %get3A_409 = arith.constant 48 : index
      %get3A_410 = tpu.vector_load %arg15[%get3A_408, %get3A_409] {strides = array<i32>} : memref<80x128xf32, #tpu.memory_space<vmem>>, vector<1x16xf32>,
      %get3A_411 = vector.shape_cast %get3A_410 : vector<1x16xf32> to vector<16xf32>
      %get3A_412 = arith.index_cast %while3A_357 : i32 to index
      %get3A_413 = arith.constant 48 : index
      %get3A_414 = tpu.vector_load %arg13[%get3A_412, %get3A_413] {strides = array<i32>} : memref<80x128xf32, #tpu.memory_space<vmem>>, vector<1x16xf32>,
      %get3A_415 = vector.shape_cast %get3A_414 : vector<1x16xf32> to vector<16xf32>
      %add3A_416 = arith.addf %get3A_411, %get3A_415 : vector<16xf32>
      %max3A_417 = arith.constant 0.000000e+00 : f32
      %max3A_418 = vector.broadcast %max3A_417 : f32 to vector<16xf32>
      %max3A_419 = arith.maximumf %add3A_416, %max3A_418 : vector<16xf32>
      %swap3A_420 = arith.index_cast %while3A_357 : i32 to index
      %swap3A_421 = arith.constant 48 : index
      %swap3A_422 = tpu.vector_load %arg15[%swap3A_420, %swap3A_421] {strides = array<i32>} : memref<80x128xf32, #tpu.memory_space<vmem>>, vector<1x16xf32>,
      %swap3A_423 = vector.shape_cast %swap3A_422 : vector<1x16xf32> to vector<16xf32>
      %swap3A_424 = vector.shape_cast %max3A_419 : vector<16xf32> to vector<1x16xf32>
      tpu.vector_store %arg15[%swap3A_420, %swap3A_421], %swap3A_424 {strides = array<i32>} : memref<80x128xf32, #tpu.memory_space<vmem>>, vector<1x16xf32>,
      %get3A_425 = arith.index_cast %while3A_357 : i32 to index
      %get3A_426 = arith.constant 64 : index
      %get3A_427 = tpu.vector_load %arg15[%get3A_425, %get3A_426] {strides = array<i32>} : memref<80x128xf32, #tpu.memory_space<vmem>>, vector<1x16xf32>,
      %get3A_428 = vector.shape_cast %get3A_427 : vector<1x16xf32> to vector<16xf32>
      %get3A_429 = arith.index_cast %while3A_357 : i32 to index
      %get3A_430 = arith.constant 64 : index
      %get3A_431 = tpu.vector_load %arg13[%get3A_429, %get3A_430] {strides = array<i32>} : memref<80x128xf32, #tpu.memory_space<vmem>>, vector<1x16xf32>,
      %get3A_432 = vector.shape_cast %get3A_431 : vector<1x16xf32> to vector<16xf32>
      %add3A_433 = arith.addf %get3A_428, %get3A_432 : vector<16xf32>
      %max3A_434 = arith.constant 0.000000e+00 : f32
      %max3A_435 = vector.broadcast %max3A_434 : f32 to vector<16xf32>
      %max3A_436 = arith.maximumf %add3A_433, %max3A_435 : vector<16xf32>
      %swap3A_437 = arith.index_cast %while3A_357 : i32 to index
      %swap3A_438 = arith.constant 64 : index
      %swap3A_439 = tpu.vector_load %arg15[%swap3A_437, %swap3A_438] {strides = array<i32>} : memref<80x128xf32, #tpu.memory_space<vmem>>, vector<1x16xf32>,
      %swap3A_440 = vector.shape_cast %swap3A_439 : vector<1x16xf32> to vector<16xf32>
      %swap3A_441 = vector.shape_cast %max3A_436 : vector<16xf32> to vector<1x16xf32>
      tpu.vector_store %arg15[%swap3A_437, %swap3A_438], %swap3A_441 {strides = array<i32>} : memref<80x128xf32, #tpu.memory_space<vmem>>, vector<1x16xf32>,
      %get3A_442 = arith.index_cast %while3A_357 : i32 to index
      %get3A_443 = arith.constant 80 : index
      %get3A_444 = tpu.vector_load %arg15[%get3A_442, %get3A_443] {strides = array<i32>} : memref<80x128xf32, #tpu.memory_space<vmem>>, vector<1x16xf32>,
      %get3A_445 = vector.shape_cast %get3A_444 : vector<1x16xf32> to vector<16xf32>
      %get3A_446 = arith.index_cast %while3A_357 : i32 to index
      %get3A_447 = arith.constant 80 : index
      %get3A_448 = tpu.vector_load %arg13[%get3A_446, %get3A_447] {strides = array<i32>} : memref<80x128xf32, #tpu.memory_space<vmem>>, vector<1x16xf32>,
      %get3A_449 = vector.shape_cast %get3A_448 : vector<1x16xf32> to vector<16xf32>
      %add3A_450 = arith.addf %get3A_445, %get3A_449 : vector<16xf32>
      %max3A_451 = arith.constant 0.000000e+00 : f32
      %max3A_452 = vector.broadcast %max3A_451 : f32 to vector<16xf32>
      %max3A_453 = arith.maximumf %add3A_450, %max3A_452 : vector<16xf32>
      %swap3A_454 = arith.index_cast %while3A_357 : i32 to index
      %swap3A_455 = arith.constant 80 : index
      %swap3A_456 = tpu.vector_load %arg15[%swap3A_454, %swap3A_455] {strides = array<i32>} : memref<80x128xf32, #tpu.memory_space<vmem>>, vector<1x16xf32>,
      %swap3A_457 = vector.shape_cast %swap3A_456 : vector<1x16xf32> to vector<16xf32>
      %swap3A_458 = vector.shape_cast %max3A_453 : vector<16xf32> to vector<1x16xf32>
      tpu.vector_store %arg15[%swap3A_454, %swap3A_455], %swap3A_458 {strides = array<i32>} : memref<80x128xf32, #tpu.memory_space<vmem>>, vector<1x16xf32>,
      %get3A_459 = arith.index_cast %while3A_357 : i32 to index
      %get3A_460 = arith.constant 96 : index
      %get3A_461 = tpu.vector_load %arg15[%get3A_459, %get3A_460] {strides = array<i32>} : memref<80x128xf32, #tpu.memory_space<vmem>>, vector<1x16xf32>,
      %get3A_462 = vector.shape_cast %get3A_461 : vector<1x16xf32> to vector<16xf32>
      %get3A_463 = arith.index_cast %while3A_357 : i32 to index
      %get3A_464 = arith.constant 96 : index
      %get3A_465 = tpu.vector_load %arg13[%get3A_463, %get3A_464] {strides = array<i32>} : memref<80x128xf32, #tpu.memory_space<vmem>>, vector<1x16xf32>,
      %get3A_466 = vector.shape_cast %get3A_465 : vector<1x16xf32> to vector<16xf32>
      %add3A_467 = arith.addf %get3A_462, %get3A_466 : vector<16xf32>
      %max3A_468 = arith.constant 0.000000e+00 : f32
      %max3A_469 = vector.broadcast %max3A_468 : f32 to vector<16xf32>
      %max3A_470 = arith.maximumf %add3A_467, %max3A_469 : vector<16xf32>
      %swap3A_471 = arith.index_cast %while3A_357 : i32 to index
      %swap3A_472 = arith.constant 96 : index
      %swap3A_473 = tpu.vector_load %arg15[%swap3A_471, %swap3A_472] {strides = array<i32>} : memref<80x128xf32, #tpu.memory_space<vmem>>, vector<1x16xf32>,
      %swap3A_474 = vector.shape_cast %swap3A_473 : vector<1x16xf32> to vector<16xf32>
      %swap3A_475 = vector.shape_cast %max3A_470 : vector<16xf32> to vector<1x16xf32>
      tpu.vector_store %arg15[%swap3A_471, %swap3A_472], %swap3A_475 {strides = array<i32>} : memref<80x128xf32, #tpu.memory_space<vmem>>, vector<1x16xf32>,
      %get3A_476 = arith.index_cast %while3A_357 : i32 to index
      %get3A_477 = arith.constant 112 : index
      %get3A_478 = tpu.vector_load %arg15[%get3A_476, %get3A_477] {strides = array<i32>} : memref<80x128xf32, #tpu.memory_space<vmem>>, vector<1x16xf32>,
      %get3A_479 = vector.shape_cast %get3A_478 : vector<1x16xf32> to vector<16xf32>
      %get3A_480 = arith.index_cast %while3A_357 : i32 to index
      %get3A_481 = arith.constant 112 : index
      %get3A_482 = tpu.vector_load %arg13[%get3A_480, %get3A_481] {strides = array<i32>} : memref<80x128xf32, #tpu.memory_space<vmem>>, vector<1x16xf32>,
      %get3A_483 = vector.shape_cast %get3A_482 : vector<1x16xf32> to vector<16xf32>
      %add3A_484 = arith.addf %get3A_479, %get3A_483 : vector<16xf32>
      %max3A_485 = arith.constant 0.000000e+00 : f32
      %max3A_486 = vector.broadcast %max3A_485 : f32 to vector<16xf32>
      %max3A_487 = arith.maximumf %add3A_484, %max3A_486 : vector<16xf32>
      %swap3A_488 = arith.index_cast %while3A_357 : i32 to index
      %swap3A_489 = arith.constant 112 : index
      %swap3A_490 = tpu.vector_load %arg15[%swap3A_488, %swap3A_489] {strides = array<i32>} : memref<80x128xf32, #tpu.memory_space<vmem>>, vector<1x16xf32>,
      %swap3A_491 = vector.shape_cast %swap3A_490 : vector<1x16xf32> to vector<16xf32>
      %swap3A_492 = vector.shape_cast %max3A_487 : vector<16xf32> to vector<1x16xf32>
      tpu.vector_store %arg15[%swap3A_488, %swap3A_489], %swap3A_492 {strides = array<i32>} : memref<80x128xf32, #tpu.memory_space<vmem>>, vector<1x16xf32>,
    }
    %jit3A_248 = arith.constant 124 : i32
    %jit3A_249 = arith.constant 25 : i32
    %div3A_250 = arith.divsi %jit3A_248, %jit3A_249 : i32
    %sign3A_251 = arith.constant 0 : i32
    %sign3A_252 = arith.cmpi sgt, %jit3A_248, %sign3A_251 : i32
    %sign3A_253 = arith.extui %sign3A_252 : i1 to i32
    %sign3A_254 = arith.constant 0 : i32
    %sign3A_255 = arith.cmpi slt, %jit3A_248, %sign3A_254 : i32
    %sign3A_256 = arith.extui %sign3A_255 : i1 to i32
    %sign3A_257 = arith.subi %sign3A_253, %sign3A_256 : i32
    %sign3A_258 = arith.constant 0 : i32
    %sign3A_259 = arith.cmpi sgt, %jit3A_249, %sign3A_258 : i32
    %sign3A_260 = arith.extui %sign3A_259 : i1 to i32
    %sign3A_261 = arith.constant 0 : i32
    %sign3A_262 = arith.cmpi slt, %jit3A_249, %sign3A_261 : i32
    %sign3A_263 = arith.extui %sign3A_262 : i1 to i32
    %sign3A_264 = arith.subi %sign3A_260, %sign3A_263 : i32
    %ne3A_265 = arith.cmpi ne, %sign3A_257, %sign3A_264 : i32
    %rem3A_266 = arith.remsi %jit3A_248, %jit3A_249 : i32
    %ne3A_267 = arith.constant 0 : i32
    %ne3A_268 = arith.cmpi ne, %rem3A_266, %ne3A_267 : i32
    %and3A_269 = arith.andi %ne3A_265, %ne3A_268 : i1
    %sub3A_270 = arith.constant 1 : i32
    %sub3A_271 = arith.subi %div3A_250, %sub3A_270 : i32
    %select_n3A_272 = arith.select %and3A_269, %sub3A_271, %div3A_250 : i32
    %jit3A_273 = arith.constant 2 : i32
    %eq3A_274 = arith.constant 0 : i32
    %eq3A_275 = arith.cmpi eq, %jit3A_273, %eq3A_274 : i32
    %jit3A_276 = arith.constant 1 : i32
    %select_n3A_277 = arith.select %eq3A_275, %jit3A_276, %jit3A_273 : i32
    %rem3A_278 = arith.remsi %select_n3A_272, %select_n3A_277 : i32
    %ne3A_279 = arith.constant 0 : i32
    %ne3A_280 = arith.cmpi ne, %rem3A_278, %ne3A_279 : i32
    %lt3A_281 = arith.constant 0 : i32
    %lt3A_282 = arith.cmpi slt, %rem3A_278, %lt3A_281 : i32
    %lt3A_283 = arith.constant 0 : i32
    %lt3A_284 = arith.cmpi slt, %select_n3A_277, %lt3A_283 : i32
    %ne3A_285 = arith.xori %lt3A_282, %lt3A_284 : i1
    %and3A_286 = arith.andi %ne3A_285, %ne3A_280 : i1
    %add3A_287 = arith.addi %rem3A_278, %select_n3A_277 : i32
    %select_n3A_288 = arith.select %and3A_286, %add3A_287, %rem3A_278 : i32
    %mul3A_289 = arith.constant 2000 : i32
    %mul3A_290 = arith.muli %select_n3A_288, %mul3A_289 : i32
    %jit3A_291 = arith.constant 124 : i32
    %jit3A_292 = arith.constant 25 : i32
    %eq3A_293 = arith.constant 0 : i32
    %eq3A_294 = arith.cmpi eq, %jit3A_292, %eq3A_293 : i32
    %jit3A_295 = arith.constant 1 : i32
    %select_n3A_296 = arith.select %eq3A_294, %jit3A_295, %jit3A_292 : i32
    %rem3A_297 = arith.remsi %jit3A_291, %select_n3A_296 : i32
    %ne3A_298 = arith.constant 0 : i32
    %ne3A_299 = arith.cmpi ne, %rem3A_297, %ne3A_298 : i32
    %lt3A_300 = arith.constant 0 : i32
    %lt3A_301 = arith.cmpi slt, %rem3A_297, %lt3A_300 : i32
    %lt3A_302 = arith.constant 0 : i32
    %lt3A_303 = arith.cmpi slt, %select_n3A_296, %lt3A_302 : i32
    %ne3A_304 = arith.xori %lt3A_301, %lt3A_303 : i1
    %and3A_305 = arith.andi %ne3A_304, %ne3A_299 : i1
    %add3A_306 = arith.addi %rem3A_297, %select_n3A_296 : i32
    %select_n3A_307 = arith.select %and3A_305, %add3A_306, %rem3A_297 : i32
    %mul3A_308 = arith.constant 80 : i32
    %mul3A_309 = arith.muli %select_n3A_307, %mul3A_308 : i32
    %add3A_310 = arith.addi %mul3A_290, %mul3A_309 : i32
    %add3A_311 = arith.constant 0 : i32
    %add3A_312 = arith.addi %add3A_310, %add3A_311 : i32
    %get3A_313 = arith.index_cast %add3A_312 : i32 to index
    %get3A_314 = tpu.vector_load %arg9[%get3A_313] {strides = array<i32>} : memref<4000xi32, #tpu.memory_space<vmem>>, vector<16xi32>,
    %get3A_315 = vector.shape_cast %get3A_314 : vector<16xi32> to vector<16xi32>
    %swap3A_316 = arith.constant 0 : index
    %swap3A_317 = tpu.vector_load %arg12[%swap3A_316] {strides = array<i32>} : memref<80xi32, #tpu.memory_space<vmem>>, vector<16xi32>,
    %swap3A_318 = vector.shape_cast %swap3A_317 : vector<16xi32> to vector<16xi32>
    %swap3A_319 = vector.shape_cast %get3A_315 : vector<16xi32> to vector<16xi32>
    tpu.vector_store %arg12[%swap3A_316], %swap3A_319 {strides = array<i32>} : memref<80xi32, #tpu.memory_space<vmem>>, vector<16xi32>,
    %add3A_320 = arith.constant 16 : i32
    %add3A_321 = arith.addi %add3A_310, %add3A_320 : i32
    %get3A_322 = arith.index_cast %add3A_321 : i32 to index
    %get3A_323 = tpu.vector_load %arg9[%get3A_322] {strides = array<i32>} : memref<4000xi32, #tpu.memory_space<vmem>>, vector<16xi32>,
    %get3A_324 = vector.shape_cast %get3A_323 : vector<16xi32> to vector<16xi32>
    %swap3A_325 = arith.constant 16 : index
    %swap3A_326 = tpu.vector_load %arg12[%swap3A_325] {strides = array<i32>} : memref<80xi32, #tpu.memory_space<vmem>>, vector<16xi32>,
    %swap3A_327 = vector.shape_cast %swap3A_326 : vector<16xi32> to vector<16xi32>
    %swap3A_328 = vector.shape_cast %get3A_324 : vector<16xi32> to vector<16xi32>
    tpu.vector_store %arg12[%swap3A_325], %swap3A_328 {strides = array<i32>} : memref<80xi32, #tpu.memory_space<vmem>>, vector<16xi32>,
    %add3A_329 = arith.constant 32 : i32
    %add3A_330 = arith.addi %add3A_310, %add3A_329 : i32
    %get3A_331 = arith.index_cast %add3A_330 : i32 to index
    %get3A_332 = tpu.vector_load %arg9[%get3A_331] {strides = array<i32>} : memref<4000xi32, #tpu.memory_space<vmem>>, vector<16xi32>,
    %get3A_333 = vector.shape_cast %get3A_332 : vector<16xi32> to vector<16xi32>
    %swap3A_334 = arith.constant 32 : index
    %swap3A_335 = tpu.vector_load %arg12[%swap3A_334] {strides = array<i32>} : memref<80xi32, #tpu.memory_space<vmem>>, vector<16xi32>,
    %swap3A_336 = vector.shape_cast %swap3A_335 : vector<16xi32> to vector<16xi32>
    %swap3A_337 = vector.shape_cast %get3A_333 : vector<16xi32> to vector<16xi32>
    tpu.vector_store %arg12[%swap3A_334], %swap3A_337 {strides = array<i32>} : memref<80xi32, #tpu.memory_space<vmem>>, vector<16xi32>,
    %add3A_338 = arith.constant 48 : i32
    %add3A_339 = arith.addi %add3A_310, %add3A_338 : i32
    %get3A_340 = arith.index_cast %add3A_339 : i32 to index
    %get3A_341 = tpu.vector_load %arg9[%get3A_340] {strides = array<i32>} : memref<4000xi32, #tpu.memory_space<vmem>>, vector<16xi32>,
    %get3A_342 = vector.shape_cast %get3A_341 : vector<16xi32> to vector<16xi32>
    %swap3A_343 = arith.constant 48 : index
    %swap3A_344 = tpu.vector_load %arg12[%swap3A_343] {strides = array<i32>} : memref<80xi32, #tpu.memory_space<vmem>>, vector<16xi32>,
    %swap3A_345 = vector.shape_cast %swap3A_344 : vector<16xi32> to vector<16xi32>
    %swap3A_346 = vector.shape_cast %get3A_342 : vector<16xi32> to vector<16xi32>
    tpu.vector_store %arg12[%swap3A_343], %swap3A_346 {strides = array<i32>} : memref<80xi32, #tpu.memory_space<vmem>>, vector<16xi32>,
    %add3A_347 = arith.constant 64 : i32
    %add3A_348 = arith.addi %add3A_310, %add3A_347 : i32
    %get3A_349 = arith.index_cast %add3A_348 : i32 to index
    %get3A_350 = tpu.vector_load %arg9[%get3A_349] {strides = array<i32>} : memref<4000xi32, #tpu.memory_space<vmem>>, vector<16xi32>,
    %get3A_351 = vector.shape_cast %get3A_350 : vector<16xi32> to vector<16xi32>
    %swap3A_352 = arith.constant 64 : index
    %swap3A_353 = tpu.vector_load %arg12[%swap3A_352] {strides = array<i32>} : memref<80xi32, #tpu.memory_space<vmem>>, vector<16xi32>,
    %swap3A_354 = vector.shape_cast %swap3A_353 : vector<16xi32> to vector<16xi32>
    %swap3A_355 = vector.shape_cast %get3A_351 : vector<16xi32> to vector<16xi32>
    tpu.vector_store %arg12[%swap3A_352], %swap3A_355 {strides = array<i32>} : memref<80xi32, #tpu.memory_space<vmem>>, vector<16xi32>,
    "tpu.region"() ({
      %run_scoped3A = tpu.sem_alloc : memref<!tpu.dma_semaphore, #tpu.memory_space<semaphore_mem>>
      %dma_start3A_357 = arith.constant 0 : i32
      %dma_start3A_358 = arith.constant 0 : i32
      %dma_start3A_359 = tpu.memref_slice %arg17[%dma_start3A_357, %dma_start3A_358] : memref<10112x128xf32, #tpu.memory_space<vmem_shared>> -> memref<10112x128xf32, #tpu.memory_space<vmem_shared>>
      tpu.enqueue_indirect_dma source(%arg15 : memref<80x128xf32, #tpu.memory_space<vmem>>) target(%dma_start3A_359 : memref<10112x128xf32, #tpu.memory_space<vmem_shared>>) offsets(%arg12 : memref<80xi32, #tpu.memory_space<vmem>>) semaphore(%run_scoped3A : memref<!tpu.dma_semaphore, #tpu.memory_space<semaphore_mem>>) {add = true}
      %dma_wait3A_360 = arith.constant 0 : i32
      %dma_wait3A_361 = arith.constant 0 : i32
      %dma_wait3A_362 = tpu.memref_slice %arg17[%dma_wait3A_360, %dma_wait3A_361] : memref<10112x128xf32, #tpu.memory_space<vmem_shared>> -> memref<10112x128xf32, #tpu.memory_space<vmem_shared>>
      tpu.wait_indirect_dma semaphore(%run_scoped3A : memref<!tpu.dma_semaphore, #tpu.memory_space<semaphore_mem>>) src(%arg15 : memref<80x128xf32, #tpu.memory_space<vmem>>) dst(%dma_wait3A_362 : memref<10112x128xf32, #tpu.memory_space<vmem_shared>>)
      tpu.yield
    }) : () -> ()
    %barrier3A_356 = arith.constant 0 : index
    tpu.barrier barrier_id(%barrier3A_356)
    "tpu.region"() ({
      %run_scoped3A = tpu.sem_alloc : memref<!tpu.dma_semaphore, #tpu.memory_space<semaphore_mem>>
      %dma_start3A_357 = arith.constant 0 : i32
      %dma_start3A_358 = tpu.memref_slice %arg7[%arg0, %mul3A_2, %dma_start3A_357] : memref<2x10112x128xf32, #tpu.memory_space<hbm>> -> memref<1x632x128xf32, #tpu.memory_space<hbm>>
      %dma_start3A_359 = tpu.memref_squeeze %dma_start3A_358 : memref<1x632x128xf32, #tpu.memory_space<hbm>> -> memref<632x128xf32, #tpu.memory_space<hbm>>
      %dma_start3A_360 = arith.constant 0 : i32
      %dma_start3A_361 = tpu.memref_slice %arg17[%mul3A_2, %dma_start3A_360] : memref<10112x128xf32, #tpu.memory_space<vmem_shared>> -> memref<632x128xf32, #tpu.memory_space<vmem_shared>>
      tpu.enqueue_dma source(%dma_start3A_361 : memref<632x128xf32, #tpu.memory_space<vmem_shared>>) target(%dma_start3A_359 : memref<632x128xf32, #tpu.memory_space<hbm>>) target_semaphore(%run_scoped3A : memref<!tpu.dma_semaphore, #tpu.memory_space<semaphore_mem>>)
      %dma_wait3A_362 = arith.constant 0 : i32
      %dma_wait3A_363 = tpu.memref_slice %arg7[%arg0, %mul3A_2, %dma_wait3A_362] : memref<2x10112x128xf32, #tpu.memory_space<hbm>> -> memref<1x632x128xf32, #tpu.memory_space<hbm>>
      %dma_wait3A_364 = tpu.memref_squeeze %dma_wait3A_363 : memref<1x632x128xf32, #tpu.memory_space<hbm>> -> memref<632x128xf32, #tpu.memory_space<hbm>>
      %dma_wait3A_365 = arith.constant 0 : i32
      %dma_wait3A_366 = tpu.memref_slice %arg17[%mul3A_2, %dma_wait3A_365] : memref<10112x128xf32, #tpu.memory_space<vmem_shared>> -> memref<632x128xf32, #tpu.memory_space<vmem_shared>>
      tpu.wait_dma2 semaphore(%run_scoped3A : memref<!tpu.dma_semaphore, #tpu.memory_space<semaphore_mem>>) src(%dma_wait3A_366 : memref<632x128xf32, #tpu.memory_space<vmem_shared>>) dst(%dma_wait3A_364 : memref<632x128xf32, #tpu.memory_space<hbm>>)
      tpu.yield
    }) : () -> ()
    return
  }
}

module attributes {stable_mosaic.version = 14 : i64} {
  func.func @_tc_body(%arg0: memref<2x10112x128xf32, #tpu.memory_space<vmem>>, %arg1: memref<10000x128xf32, #tpu.memory_space<vmem>>, %arg2: memref<128x256xf32, #tpu.memory_space<vmem>>, %arg3: memref<1x256xf32, #tpu.memory_space<vmem>>, %arg4: memref<1x256xf32, #tpu.memory_space<vmem>>, %arg5: memref<256x128xf32, #tpu.memory_space<vmem>>, %arg6: memref<1x128xf32, #tpu.memory_space<vmem>>, %arg7: memref<1x128xf32, #tpu.memory_space<vmem>>, %arg8: memref<1x1xf32, #tpu.memory_space<vmem>>, %arg9: memref<10000x128xf32, #tpu.memory_space<vmem>>) attributes {dimension_semantics = [], scalar_prefetch = 0 : i64, scratch_operands = 0 : i64, tpu.core_type = #tpu.core_type<tc>} {
    %get3A = arith.constant 0 : index
    %get3A_0 = arith.constant 0 : index
    %get3A_1 = arith.constant 0 : index
    %get3A_2 = vector.load %arg0[%get3A, %get3A_0, %get3A_1] : memref<2x10112x128xf32, #tpu.memory_space<vmem>>, vector<1x10112x128xf32>
    %get3A_3 = vector.shape_cast %get3A_2 : vector<1x10112x128xf32> to vector<10112x128xf32>
    %slice3A = vector.extract_strided_slice %get3A_3 {offsets = [0, 0], sizes = [10000, 128], strides = [1, 1]} : vector<10112x128xf32> to vector<10000x128xf32>
    %get3A_4 = arith.constant 1 : index
    %get3A_5 = arith.constant 0 : index
    %get3A_6 = arith.constant 0 : index
    %get3A_7 = vector.load %arg0[%get3A_4, %get3A_5, %get3A_6] : memref<2x10112x128xf32, #tpu.memory_space<vmem>>, vector<1x10112x128xf32>
    %get3A_8 = vector.shape_cast %get3A_7 : vector<1x10112x128xf32> to vector<10112x128xf32>
    %slice3A_9 = vector.extract_strided_slice %get3A_8 {offsets = [0, 0], sizes = [10000, 128], strides = [1, 1]} : vector<10112x128xf32> to vector<10000x128xf32>
    %add3A = arith.addf %slice3A, %slice3A_9 : vector<10000x128xf32>
    %get3A_10 = arith.constant 0 : index
    %get3A_11 = arith.constant 0 : index
    %get3A_12 = vector.load %arg8[%get3A_10, %get3A_11] : memref<1x1xf32, #tpu.memory_space<vmem>>, vector<1x1xf32>
    %get3A_13 = vector.extract %get3A_12[0, 0] : f32 from vector<1x1xf32>
    %add3A_14 = arith.constant 1.000000e+00 : f32
    %add3A_15 = arith.addf %add3A_14, %get3A_13 : f32
    %get3A_16 = arith.constant 0 : index
    %get3A_17 = arith.constant 0 : index
    %get3A_18 = vector.load %arg1[%get3A_16, %get3A_17] : memref<10000x128xf32, #tpu.memory_space<vmem>>, vector<10000x128xf32>
    %mul3A = vector.broadcast %add3A_15 : f32 to vector<10000x128xf32>
    %mul3A_19 = arith.mulf %mul3A, %get3A_18 : vector<10000x128xf32>
    %add3A_20 = arith.addf %add3A, %mul3A_19 : vector<10000x128xf32>
    %get3A_21 = arith.constant 0 : index
    %get3A_22 = arith.constant 0 : index
    %get3A_23 = vector.load %arg2[%get3A_21, %get3A_22] : memref<128x256xf32, #tpu.memory_space<vmem>>, vector<128x256xf32>
    %dot_general3A = arith.constant dense<0.000000e+00> : vector<10000x256xf32>
    %dot_general3A_24 = tpu.matmul %add3A_20, %get3A_23, %dot_general3A {dimension_numbers = #tpu.dot_dimension_numbers<[1], [0], [0], [1], [0, 0, 1, 1], [], []>, precision = #tpu.contract_precision<fp32>, transpose_lhs_hint = false} : vector<10000x128xf32>, vector<128x256xf32>, vector<10000x256xf32> -> vector<10000x256xf32>
    %reduce_sum3A = arith.constant dense<0.000000e+00> : vector<256xf32>
    %reduce_sum3A_25 = vector.multi_reduction <add>, %dot_general3A_24, %reduce_sum3A [0] : vector<10000x256xf32> to vector<256xf32>
    %broadcast_in_dim3A = vector.shape_cast %reduce_sum3A_25 : vector<256xf32> to vector<1x256xf32>
    %div3A = arith.constant 1.000000e+04 : f32
    %div3A_26 = vector.broadcast %div3A : f32 to vector<1x256xf32>
    %div3A_27 = arith.divf %broadcast_in_dim3A, %div3A_26 : vector<1x256xf32>
    %sub3A = vector.broadcast %div3A_27 : vector<1x256xf32> to vector<10000x256xf32>
    %sub3A_28 = arith.subf %dot_general3A_24, %sub3A : vector<10000x256xf32>
    %mul3A_29 = arith.mulf %sub3A_28, %sub3A_28 : vector<10000x256xf32>
    %reduce_sum3A_30 = arith.constant dense<0.000000e+00> : vector<256xf32>
    %reduce_sum3A_31 = vector.multi_reduction <add>, %mul3A_29, %reduce_sum3A_30 [0] : vector<10000x256xf32> to vector<256xf32>
    %broadcast_in_dim3A_32 = vector.shape_cast %reduce_sum3A_31 : vector<256xf32> to vector<1x256xf32>
    %div3A_33 = arith.constant 1.000000e+04 : f32
    %div3A_34 = vector.broadcast %div3A_33 : f32 to vector<1x256xf32>
    %div3A_35 = arith.divf %broadcast_in_dim3A_32, %div3A_34 : vector<1x256xf32>
    %add3A_36 = arith.constant 9.99999974E-6 : f32
    %add3A_37 = vector.broadcast %add3A_36 : f32 to vector<1x256xf32>
    %add3A_38 = arith.addf %div3A_35, %add3A_37 : vector<1x256xf32>
    %rsqrt3A = math.rsqrt %add3A_38 : vector<1x256xf32>
    %mul3A_39 = vector.broadcast %rsqrt3A : vector<1x256xf32> to vector<10000x256xf32>
    %mul3A_40 = arith.mulf %sub3A_28, %mul3A_39 : vector<10000x256xf32>
    %get3A_41 = arith.constant 0 : index
    %get3A_42 = arith.constant 0 : index
    %get3A_43 = vector.load %arg3[%get3A_41, %get3A_42] : memref<1x256xf32, #tpu.memory_space<vmem>>, vector<1x256xf32>
    %mul3A_44 = vector.broadcast %get3A_43 : vector<1x256xf32> to vector<10000x256xf32>
    %mul3A_45 = arith.mulf %mul3A_40, %mul3A_44 : vector<10000x256xf32>
    %get3A_46 = arith.constant 0 : index
    %get3A_47 = arith.constant 0 : index
    %get3A_48 = vector.load %arg4[%get3A_46, %get3A_47] : memref<1x256xf32, #tpu.memory_space<vmem>>, vector<1x256xf32>
    %add3A_49 = vector.broadcast %get3A_48 : vector<1x256xf32> to vector<10000x256xf32>
    %add3A_50 = arith.addf %mul3A_45, %add3A_49 : vector<10000x256xf32>
    %max3A = arith.constant 0.000000e+00 : f32
    %max3A_51 = vector.broadcast %max3A : f32 to vector<10000x256xf32>
    %max3A_52 = arith.maximumf %add3A_50, %max3A_51 : vector<10000x256xf32>
    %get3A_53 = arith.constant 0 : index
    %get3A_54 = arith.constant 0 : index
    %get3A_55 = vector.load %arg5[%get3A_53, %get3A_54] : memref<256x128xf32, #tpu.memory_space<vmem>>, vector<256x128xf32>
    %dot_general3A_56 = arith.constant dense<0.000000e+00> : vector<10000x128xf32>
    %dot_general3A_57 = tpu.matmul %max3A_52, %get3A_55, %dot_general3A_56 {dimension_numbers = #tpu.dot_dimension_numbers<[1], [0], [0], [1], [0, 0, 1, 1], [], []>, precision = #tpu.contract_precision<fp32>, transpose_lhs_hint = false} : vector<10000x256xf32>, vector<256x128xf32>, vector<10000x128xf32> -> vector<10000x128xf32>
    %reduce_sum3A_58 = arith.constant dense<0.000000e+00> : vector<128xf32>
    %reduce_sum3A_59 = vector.multi_reduction <add>, %dot_general3A_57, %reduce_sum3A_58 [0] : vector<10000x128xf32> to vector<128xf32>
    %broadcast_in_dim3A_60 = vector.shape_cast %reduce_sum3A_59 : vector<128xf32> to vector<1x128xf32>
    %div3A_61 = arith.constant 1.000000e+04 : f32
    %div3A_62 = vector.broadcast %div3A_61 : f32 to vector<1x128xf32>
    %div3A_63 = arith.divf %broadcast_in_dim3A_60, %div3A_62 : vector<1x128xf32>
    %sub3A_64 = vector.broadcast %div3A_63 : vector<1x128xf32> to vector<10000x128xf32>
    %sub3A_65 = arith.subf %dot_general3A_57, %sub3A_64 : vector<10000x128xf32>
    %mul3A_66 = arith.mulf %sub3A_65, %sub3A_65 : vector<10000x128xf32>
    %reduce_sum3A_67 = arith.constant dense<0.000000e+00> : vector<128xf32>
    %reduce_sum3A_68 = vector.multi_reduction <add>, %mul3A_66, %reduce_sum3A_67 [0] : vector<10000x128xf32> to vector<128xf32>
    %broadcast_in_dim3A_69 = vector.shape_cast %reduce_sum3A_68 : vector<128xf32> to vector<1x128xf32>
    %div3A_70 = arith.constant 1.000000e+04 : f32
    %div3A_71 = vector.broadcast %div3A_70 : f32 to vector<1x128xf32>
    %div3A_72 = arith.divf %broadcast_in_dim3A_69, %div3A_71 : vector<1x128xf32>
    %add3A_73 = arith.constant 9.99999974E-6 : f32
    %add3A_74 = vector.broadcast %add3A_73 : f32 to vector<1x128xf32>
    %add3A_75 = arith.addf %div3A_72, %add3A_74 : vector<1x128xf32>
    %rsqrt3A_76 = math.rsqrt %add3A_75 : vector<1x128xf32>
    %mul3A_77 = vector.broadcast %rsqrt3A_76 : vector<1x128xf32> to vector<10000x128xf32>
    %mul3A_78 = arith.mulf %sub3A_65, %mul3A_77 : vector<10000x128xf32>
    %get3A_79 = arith.constant 0 : index
    %get3A_80 = arith.constant 0 : index
    %get3A_81 = vector.load %arg6[%get3A_79, %get3A_80] : memref<1x128xf32, #tpu.memory_space<vmem>>, vector<1x128xf32>
    %mul3A_82 = vector.broadcast %get3A_81 : vector<1x128xf32> to vector<10000x128xf32>
    %mul3A_83 = arith.mulf %mul3A_78, %mul3A_82 : vector<10000x128xf32>
    %get3A_84 = arith.constant 0 : index
    %get3A_85 = arith.constant 0 : index
    %get3A_86 = vector.load %arg7[%get3A_84, %get3A_85] : memref<1x128xf32, #tpu.memory_space<vmem>>, vector<1x128xf32>
    %add3A_87 = vector.broadcast %get3A_86 : vector<1x128xf32> to vector<10000x128xf32>
    %add3A_88 = arith.addf %mul3A_83, %add3A_87 : vector<10000x128xf32>
    %max3A_89 = arith.constant 0.000000e+00 : f32
    %max3A_90 = vector.broadcast %max3A_89 : f32 to vector<10000x128xf32>
    %max3A_91 = arith.maximumf %add3A_88, %max3A_90 : vector<10000x128xf32>
    %swap3A = arith.constant 0 : index
    %swap3A_92 = arith.constant 0 : index
    %swap3A_93 = vector.load %arg9[%swap3A, %swap3A_92] : memref<10000x128xf32, #tpu.memory_space<vmem>>, vector<10000x128xf32>
    tpu.vector_store %arg9[%swap3A, %swap3A_92], %max3A_91 {strides = array<i32>} : memref<10000x128xf32, #tpu.memory_space<vmem>>, vector<10000x128xf32>,
    return
  }
}

</mosaic_0001>

<sc_bundles>
// kernel: kernel.4.cloned.1.call-start
scs
__scs_entry_jumppad:
0x0: {  	(pc) =	sbr.rel $0x88, $3  }
0x1: {  	(tag) =	ssettag $0x0;
	lr =	simm.s32 $0x1  }
0x2: {  	[smem:$0x3F97] =	sst lr;
	_ =	strace $0xD0000000  }
0x3: {  	_ = 	snop  }
0x4: {  	_ = 	snop  }
0x5: {  	_ = 	snop  }
0x6: {  	_ = 	snop  }
0x7: {  	_ = 	snop  }
__scs_overlays_trampoline_lowered:
0x8: {  	[smem:$0x3FA6] =	sst s0  }
0x9: {  	[smem:$0x3FA7] =	sst s1  }
0xa: {  	[smem:$0x3FA8] =	sst s2  }
0xb: {  	[smem:$0x3FA9] =	sst s3  }
0xc: {  	[smem:$0x3FAA] =	sst s4  }
0xd: {  	[smem:$0x3FAB] =	sst s5  }
0xe: {  	[smem:$0x3FAC] =	sst s6  }
0xf: {  	[smem:$0x3FAD] =	sst s7  }
0x10: {  	[smem:$0x3FAE] =	sst s8  }
0x11: {  	[smem:$0x3FAF] =	sst s9;
	s0 =	simm.s32 @!p0 $0x0  }
0x12: {  	s1 =	sld [smem:$0x3F95];
	s0 =	simm.s32 @p0 $0x1  }
0x13: {  	[smem:$0x3FB0] =	sst s0;
	s0 =	simm.s32 @!p1 $0x0  }
0x14: {  	s2 =	sld [smem:$0x3F94];
	s0 =	simm.s32 @p1 $0x1  }
0x15: {  	[smem:$0x3FB1] =	sst s0;
	s0 =	simm.s32 @!p2 $0x0  }
0x16: {  	s3 =	sld [smem:$0x3FDB];
	s0 =	simm.s32 @p2 $0x1  }
0x17: {  	s4 =	simm.s32 $0x1BF5;
	[smem:$0x3FB3] =	sst s0  }
0x18: {  	s0 =	sld [smem:$0x3F96];
	_ =	swait.ge [sflag:s4], $0x0  }
0x19: {  	s7 =	sld [smem:$0x3F97]  }
0x1a: {  	s8 =	sadd.s32 $0xFFFFE003, lr  }
0x1b: {  	s9 =	sadd.s32 $0xFFFFFEF7, lr;
	s5 =	simm.s32 $0xFFFFFFFF;
	p2 =	slt.u32 s8, $0xFFFFF086  }
0x1c: {  	p1 =	slt.u32 s9, $0xF7A;
	s5 =	simm.s32 @!p2 $0x0  }
0x1d: {  	s5 =	simm.s32 @p1 $0x1;
	p0 =	seq.s32 s7, s2  }
0x1e: {  	s7 =	smul.u32 @!p0 $0xF7A, s2;
	p2 =	seq.s32 @!p0 s5, $0x0  }
0x1f: {  	s9 =	smul.u32 $0xF7A, s1;
	s8 =	simm.s32 @!p0 $0x1BF5;
	p2 =	por !p2, p0  }
0x20: {  	[sflag:s8] =	ssyncset.s32 @!p0 $0xFFFFF086;
	s6 =	sadd.s32 @!p0 s3, s7;
	s7 =	simm.s32 @!p0 $0x108  }
0x21: {  	s3 =	sadd.s32 s3, s9;
	s6 =	sadd.s32 @!p0 $0x88, s6;
	s7 =	simm.s32 @p2 $0x1082  }
0x22: {  	[simem:s7], [sflag:s8] =	dma.local @!p0 [hbm:s6], $0xF7A  }
0x23: {  	s9 =	sor.u32 $0xD0000000, s2;
	s6 =	simm.s32 $0x108;
	_ =	swait.ge @!p0 [sflag:s8], $0x0  }
0x24: {  	s3 =	sadd.s32 $0x88, s3;
	s6 =	simm.s32 @!p1 $0x1082;
	[sflag:s4] =	ssyncset.s32 $0xFFFFF086  }
0x25: {  	[simem:s6], [sflag:s4] =	dma.local [hbm:s3], $0xF7A  }
0x26: {  	[smem:$0x3F97] =	sst s1;
	(tag) =	ssettag s2;
	_ =	strace s9  }
0x27: {  	s1 =	sld [smem:$0x3FA7]  }
0x28: {  	s2 =	sld [smem:$0x3FA8]  }
0x29: {  	s4 =	sld [smem:$0x3FAA]  }
0x2a: {  	p0 =	seq.s32 s5, $0x0;
	s5 =	sld [smem:$0x3FAB]  }
0x2b: {  	s6 =	sld [smem:$0x3FAC]  }
0x2c: {  	s7 =	sld [smem:$0x3FAD]  }
0x2d: {  	s3 =	simm.s32 $0x108;
	s8 =	sld [smem:$0x3FAE]  }
0x2e: {  	s3 =	simm.s32 @!p0 $0x1082;
	s9 =	sld [smem:$0x3FAF]  }
0x2f: {  	lr =	sadd.s32 s0, s3;
	s0 =	sld [smem:$0x3FA6]  }
0x30: {  	s3 =	sld [smem:$0x3FA9]  }
0x31: {  	[smem:$0x3FB2] =	sst s10  }
0x32: {  	s10 =	sld [smem:$0x3FB0];
	_ =	sdelay $0x3  }
0x33: {  	p0 =	seq.s32 s10, $0x1;
	s10 =	sld [smem:$0x3FB2];
	_ =	sdelay $0x3  }
0x34: {  	[smem:$0x3FB2] =	sst s10  }
0x35: {  	s10 =	sld [smem:$0x3FB1];
	_ =	sdelay $0x3  }
0x36: {  	p1 =	seq.s32 s10, $0x1;
	s10 =	sld [smem:$0x3FB2];
	_ =	sdelay $0x3  }
0x37: {  	[smem:$0x3FB2] =	sst s10  }
0x38: {  	s10 =	sld [smem:$0x3FB3]  }
0x39: {  	_ = 	snop;
	(pc) =	sbr.ind lr, $3  }
0x3a: {  	_ = 	snop  }
0x3b: {  	_ = 	snop  }
0x3c: {  	p2 =	seq.s32 s10, $0x1;
	s10 =	sld [smem:$0x3FB2]  }
0x3d: {  	_ =	shalt  }
0x3e: {  	_ =	shalt  }
0x3f: {  	_ =	shalt  }
0x40: {  	_ =	shalt  }
0x41: {  	_ =	shalt  }
0x42: {  	_ =	shalt  }
0x43: {  	_ =	shalt  }
0x44: {  	_ =	shalt  }
0x45: {  	_ =	shalt  }
0x46: {  	_ =	shalt  }
0x47: {  	_ =	shalt  }
0x48: {  	_ =	shalt  }
0x49: {  	_ =	shalt  }
0x4a: {  	_ =	shalt  }
0x4b: {  	_ =	shalt  }
0x4c: {  	_ =	shalt  }
0x4d: {  	_ =	shalt  }
0x4e: {  	_ =	shalt  }
0x4f: {  	_ =	shalt  }
0x50: {  	_ =	shalt  }
0x51: {  	_ =	shalt  }
0x52: {  	_ =	shalt  }
0x53: {  	_ =	shalt  }
0x54: {  	_ =	shalt  }
0x55: {  	_ =	shalt  }
0x56: {  	_ =	shalt  }
0x57: {  	_ =	shalt  }
0x58: {  	_ =	shalt  }
0x59: {  	_ =	shalt  }
0x5a: {  	_ =	shalt  }
0x5b: {  	_ =	shalt  }
0x5c: {  	_ =	shalt  }
0x5d: {  	_ =	shalt  }
0x5e: {  	_ =	shalt  }
0x5f: {  	_ =	shalt  }
0x60: {  	_ =	shalt  }
0x61: {  	_ =	shalt  }
0x62: {  	_ =	shalt  }
0x63: {  	_ =	shalt  }
0x64: {  	_ =	shalt  }
0x65: {  	_ =	shalt  }
0x66: {  	_ =	shalt  }
0x67: {  	_ =	shalt  }
0x68: {  	_ =	shalt  }
0x69: {  	_ =	shalt  }
0x6a: {  	_ =	shalt  }
0x6b: {  	_ =	shalt  }
0x6c: {  	_ =	shalt  }
0x6d: {  	_ =	shalt  }
0x6e: {  	_ =	shalt  }
0x6f: {  	_ =	shalt  }
0x70: {  	_ =	shalt  }
0x71: {  	_ =	shalt  }
0x72: {  	_ =	shalt  }
0x73: {  	_ =	shalt  }
0x74: {  	_ =	shalt  }
0x75: {  	_ =	shalt  }
0x76: {  	_ =	shalt  }
0x77: {  	_ =	shalt  }
0x78: {  	_ =	shalt  }
0x79: {  	_ =	shalt  }
0x7a: {  	_ =	shalt  }
0x7b: {  	_ =	shalt  }
0x7c: {  	_ =	shalt  }
0x7d: {  	_ =	shalt  }
0x7e: {  	_ =	shalt  }
0x7f: {  	_ =	shalt  }
0x80: {  	_ =	shalt  }
0x81: {  	_ =	shalt  }
0x82: {  	_ =	shalt  }
0x83: {  	_ =	shalt  }
0x84: {  	_ =	shalt  }
0x85: {  	_ =	shalt  }
0x86: {  	_ =	shalt  }
0x87: {  	_ =	shalt  }
.Lfunc_end0:
.L_simem_size_0:
called_computation_lowered:
.L_overlay_start_0:
0x88: {  	s2 =	sld [smem:$0x3FD9]  }
0x89: {  	s3 =	sld [smem:$0x3FFE];
	_ =	sdelay $0x1  }
0x8a: {  	s1 =	srdreg.scid  }
0x8b: {  	s0 =	sand.u32 $0x1, s1  }
0x8c: {  	s17 =	sshll.u32 s0, $0xA;
	s2 =	sadd.s32 s3, s2  }
0x8d: {  	s2 =	sadd.s32 s2, s17  }
0x8e: {  	[smem:$0x3FBE] =	sst s2  }
0x8f: {  	_ = 	snop  }
0x90: {  	s2 =	sld [smem:$0x3FC9]  }
0x91: {  	s18 =	sld [smem:$0x3FC7]  }
0x92: {  	s4 =	sld [smem:$0x3FD0];
	(tm) =	ssettm $0x1  }
0x93: {  	s5 =	sld [smem:$0x3FFB];
	_ =	sdelay $0x3  }
0x94: {  	_ =	strace s5  }
0x95: {  	s5 =	sld [smem:$0x3FFC];
	_ =	sdelay $0x3  }
0x96: {  	_ =	strace s5  }
0x97: {  	s5 =	sld [smem:$0x3FFD];
	_ =	sdelay $0x3  }
0x98: {  	_ =	strace s5  }
0x99: {  	_ =	strace $0x8FFFFFFF  }
0x9a: {  	s19 =	sld [smem:$0x3FDB];
	_ =	sdelay $0x1  }
0x9b: {  	s6 =	simm.s32 $_scs_section_size  }
0x9c: {  	s7 =	simm.s32 $_size__tile_overlayer_lowered;
	s8 =	simm.s32 $_tile_overlayer_lowered  }
0x9d: {  	s22 =	simm.s32 $0x1BFF;
	s21 =	sshll.u32 s8, $0x1;
	s5 =	sadd.s32 s6, s19  }
0x9e: {  	s9 =	simm.s32 $0x0;
	s20 =	sshll.u32 s7, $0x1;
	s7 =	sadd.s32 s21, s5  }
0x9f: {  	[timem:s9], [sflag:s22] =	dma.local [hbm:s7], s20  }
0xa0: {  	_ =	swait.ge [sflag:s22], s20  }
0xa1: {  	s6 =	ssub.s32 $0x0, s20;
	[sflag:s22] =	ssyncset.done $0x0  }
0xa2: {  	[sflag:s22] =	ssyncadd.s32 s6;
	_ =	sdelay $0x1  }
0xa3: {  	s23 =	simm.s32 $0x1B8B  }
0xa4: {  	_ =	swait.ge [sflag:s23], $0x1  }
0xa5: {  	[sflag:s23] =	ssyncset.done $0x0  }
0xa6: {  	s25 =	simm.s32 $0x1B8E;
	s24 =	sld [smem:$0x3FFE];
	[sflag:s23] =	ssyncadd.s32 $0xFFFFFFFF  }
0xa7: {  	s26 =	simm.s32 $execute0_lowered;
	[smem:$0x3FD2] =	sst s25  }
0xa8: {  	s7 =	sshll.u32 s26, $0x1;
	_ =	strace $0x80000046;
	[dreg:$0x1] =	wrdreg $0xFFFFFFFF  }
0xa9: {  	s28 =	simm.s32 $_size_execute0_lowered;
	s5 =	sadd.s32 s5, s7;
	[dreg:$0x0] =	wrdreg $0x0  }
0xaa: {  	s7 =	sshll.u32 s28, $0x1;
	[dreg:$0x2] =	wrdreg s5  }
0xab: {  	[dreg:$0x3] =	wrdreg s7  }
0xac: {  	[dreg:$0x4] =	wrdreg $0xC0  }
0xad: {  	_ =	task [dreg:s9], $0x5FFFF  }
0xae: {  	[dreg:$0x1] =	wrdreg $0xFFFFFFFF  }
0xaf: {  	[dreg:$0x0] =	wrdreg $0x60  }
0xb0: {  	[dreg:$0x2] =	wrdreg s2  }
0xb1: {  	[dreg:$0x3] =	wrdreg s24  }
0xb2: {  	[dreg:$0x4] =	wrdreg s4  }
0xb3: {  	[dreg:$0x5] =	wrdreg s18  }
0xb4: {  	[dreg:$0x6] =	wrdreg $0xC1800  }
0xb5: {  	[dreg:$0x7] =	wrdreg $0x9  }
0xb6: {  	_ =	task.clear_ibuf [dreg:s9], $0x8FFFF;
	_ =	strace $0x90000046  }
0xb7: {  	s29 =	simm.s32 $0x9;
	_ =	strace $0x80000048  }
0xb8: {  	_ =	swait.ge [sflag:s29], $0x1  }
0xb9: {  	[sflag:s29] =	ssyncadd.s32 $0xFFFFFFFF  }
0xba: {  	_ =	strace $0x90000048  }
0xbb: {  	_ =	sfence  }
0xbc: {  	s30 =	sld [smem:$0x0];
	_ =	sdelay $0x2  }
0xbd: {  	s31 =	sshll.u32 s1, $0xD;
	s1 =	sshrl.u32 s1, $0x2  }
0xbe: {  	s3 =	sand.u32 $0x4000, s31;
	s1 =	sadd.s32 s1, s30  }
0xbf: {  	s0 =	sor.u32 s3, s0;
	s1 =	sshll.u32 s1, $0x11  }
0xc0: {  	s0 =	sor.u32 s1, s0  }
0xc1: {  	s0 =	sadd.s32 $0x8F2B, s0  }
0xc2: {  	[sflag:s0] =	ssyncadd.remote.s32 $0x1  }
0xc3: {  	_ =	sfence.sel $0xFFFF  }
0xc4: {  	[dreg:$0x0] =	wrdreg $0xFFFFFFFF;
	(pc) =	sbr.abs _section_cstart, $3  }
0xc5: {  	[dreg:$0x1] =	wrdreg $0xFFFFFFFF  }
0xc6: {  	_ =	task.clear_ibuf [dreg:s9], $0x2FFFF;
	_ =	strace $0x9FFFFFFF  }
0xc7: {  	(tm) =	ssettm $0x7FFFFFFF  }
tec
execute0_lowered:
.L_overlay_start_1:
0x0: {  	(tag) =	ssettag $0x1  }
0x1: {  	s1 =	rddreg [dreg:$0x0]  }
0x2: {  	s0 =	rddreg [dreg:$0x1]  }
0x3: {  	s2 =	rddreg [dreg:$0x2]  }
0x4: {  	s3 =	rddreg [dreg:$0x3]  }
0x5: {  	s4 =	rddreg [dreg:$0x4]  }
0x6: {  	s5 =	srdreg.scid;
	s6 =	simm.s32 $0x0;
	s13 =	stileid.u32  }
0x7: {  	s17 =	simm.s32 $0x4;
	s28 =	simm.s32 $0x1;
	s29 =	simm.s32 $0x2100  }
0x8: {  	s30 =	simm.s32 $0x2;
	s31 =	simm.s32 $0x0;
	s5 =	sand.u32 $0x1, s5  }
0x9: {  	[smem:$0x7FF] =	sst s6;
	s9 =	smul.u32 $0x13C00, s13;
	s7 =	sadd.s32 $0x800, s0  }
0xa: {  	s10 =	sadd.s32 $0xA600, s0;
	s19 =	sshll.u32 s13, $0x1;
	s20 =	smul.u32 $0x4F000, s13  }
0xb: {  	s23 =	sshll.u32 s13, $0x6;
	s8 =	smul.u32 $0x13C000, s5;
	_ =	strace $0x80000047  }
0xc: {  	[dreg:$0x6] =	wrdreg s10;
	s11 =	ssub.s32 $0x2, s5;
	s5 =	sor.u32 s5, s19  }
0xd: {  	s19 =	simm.s32 $0x3;
	s12 =	sshrl.u32 s11, $0x1;
	s10 =	sshrl.u32 s20, $0x2  }
0xe: {  	s20 =	simm.s32 $0x2180;
	s8 =	sadd.s32 s9, s8;
	s9 =	smul.u32 $0x2710, s5  }
0xf: {  	s21 =	ssub.s32 s11, s12;
	s22 =	sadd.s32 s10, s4;
	s5 =	smul.u32 $0x27100, s5  }
0x10: {  	s10 =	sor.u32 $0x1C04, s23;
	s23 =	simm.s32 $0x7180;
	s8 =	sshrl.u32 s8, $0x3  }
0x11: {  	s26 =	smax.u32 s21, $0x1;
	s16 =	sshrl.u32 s22, $0x3;
	s21 =	simm.s32 $0x50  }
0x12: {  	s24 =	sshrl.u32 s9, $0x3;
	s5 =	sadd.s32 s3, s5;
	[dreg:$0xb] =	wrdreg s26  }
0x13: {  	s22 =	simm.s32 $0x2000;
	s25 =	sadd.s32 s7, s24;
	[dreg:$0x9] =	wrdreg s5  }
0x14: {  	s0 =	sadd.s32 s8, s0;
	s12 =	sadd.s32 s2, s24;
	[dreg:$0x7] =	wrdreg s25  }
0x15: {  	s26 =	simm.s32 $0x9980;
	s0 =	sadd.s32 $0xCE00, s0;
	[dreg:$0x8] =	wrdreg s12  }
0x16: {  	s24 =	simm.s32 $0x4980;
	[dreg:$0xa] =	wrdreg s0;
	s25 =	simm.s32 $0x2080  }
.LBB2_1:
0x17: {  	s0 =	rddreg [dreg:$0x6]  }
0x18: {  	[spmem:s16], [sflag:s10] =	dma.local [hbm:s0], $0x2780  }
0x19: {  	_ =	swait.ge [sflag:s17], $0x2780  }
0x1a: {  	[sflag:s17] =	ssyncset.done $0x0  }
0x1b: {  	[sflag:s17] =	ssyncadd.s32 $0xFFFFD880  }
0x1c: {  	[bflag:$0x0] =	sbarrier.arrive $0xFFFF  }
0x1d: {  	s14 =	rddreg [dreg:$0x7]  }
0x1e: {  	[tilespmem:s6], [sflag:$0x3] =	stream.linear.gather [hbm4b:s14+s6], $0x7D0, $0x38;
	[tilespmem:$0x1FD80] =	vst v63  }
0x1f: {  	s5 =	simm.s32 $0x1000;
	s15 =	rddreg [dreg:$0x8]  }
0x20: {  	[tilespmem:s5], [sflag:$0x3] =	stream.linear.gather [hbm4b:s15+s6], $0x7D0, $0x38;
	[tilespmem:$0x1FD80] =	vst v63  }
0x21: {  	_ =	swait.ge [sflag:s19], $0x7D0  }
0x22: {  	[sflag:s19] =	ssyncset.done $0x0  }
0x23: {  	[sflag:s19] =	ssyncadd.s32 $0xFFFFF830  }
0x24: {  	_ =	swait.ge [sflag:s19], $0x7D0  }
0x25: {  	[sflag:s19] =	ssyncset.done $0x0  }
0x26: {  	s18 =	rddreg [dreg:$0x9];
	[sflag:s19] =	ssyncadd.s32 $0xFFFFF830  }
0x27: {  	[tilespmem:s20], [sflag:$0x1] =	stream.linear.gather [hbm4b:s18+s6], $0x2800, $0x38;
	[tilespmem:$0x1FD80] =	vst v63  }
0x28: {  	v0 =	vld [tilespmem:$0x0]  }
0x29: {  	v1 =	vld [tilespmem:$0x10]  }
0x2a: {  	v2 =	vld [tilespmem:$0x20]  }
0x2b: {  	v3 =	vld [tilespmem:$0x30]  }
0x2c: {  	v4 =	vld [tilespmem:$0x40]  }
0x2d: {  	[tilespmem:$0x2000] =	vst v0  }
0x2e: {  	[tilespmem:$0x2010] =	vst v1  }
0x2f: {  	[tilespmem:$0x2020] =	vst v2  }
0x30: {  	[tilespmem:$0x2030] =	vst v3  }
0x31: {  	s0 =	simm.s32 $0x0;
	[tilespmem:$0x2040] =	vst v4  }
0x32: {  	[tilespmem:s23], [sflag:$0x1] =	stream.indirect.gather [hbm4b:s1+s21], $0x80, s22, s21, $0xb8;
	[tilespmem:$0x1FD80] =	vst v63  }
.LBB2_2:
0x33: {  	s5 =	smul.u32 $0x52, s0;
	_ =	sdelay $0x1  }
0x34: {  	s5 =	sshrl.u32 s5, $0xA  }
0x35: {  	s5 =	sand.u32 $0x3F, s5  }
0x36: {  	s5 =	smul.u32 $0x19, s5  }
0x37: {  	s8 =	sshll.u32 s0, $0x1  }
0x38: {  	p0 =	sgt.u32 s0, $0x31;
	s13 =	ssub.s32 s8, s5  }
0x39: {  	s5 =	sand.u32 @!p0 $0xFF, s13  }
0x3a: {  	p2 =	sne.s32 @!p0 s5, $0x0  }
0x3b: {  	p1 =	por p2, p0  }
0x3c: {  	s5 =	smul.u32 @!p1 $0x29, s8;
	_ =	sdelay $0x1  }
0x3d: {  	s5 =	sshrl.u32 @!p1 s5, $0xA  }
0x3e: {  	s5 =	sand.u32 @!p1 $0x3F, s5  }
0x3f: {  	s5 =	sadd.s32 @!p1 $0x1, s5  }
0x40: {  	s11 =	sand.u32 @!p1 $0x1, s5;
	s5 =	smul.u32 @!p1 $0x7D0, s5  }
0x41: {  	s18 =	simm.s32 @!p1 $0x0;
	p3 =	seq.s32 @!p1 s11, $0x1  }
0x42: {  	s11 =	simm.s32 @!p1 $0x7D0;
	p2 =	por @!p0 !p3, p2;
	s5 =	sadd.s32 @!p1 s9, s5  }
0x43: {  	p2 =	por !p2, p0;
	s12 =	sshrl.u32 @!p1 s5, $0x3;
	s5 =	sor.u32 $0x1, s8  }
0x44: {  	s11 =	simm.s32 @!p2 $0x0;
	s14 =	sadd.s32 @!p1 s7, s12;
	s15 =	smul.u32 $0x29, s5  }
0x45: {  	[tilespmem:s11], [sflag:$0x3] =	stream.linear.gather @!p1 [hbm4b:s14+s18], $0x7D0, $0x38;
	[tilespmem:$0x1FD80] =	vst v63  }
0x46: {  	s15 =	sshrl.u32 s15, $0xA  }
0x47: {  	s14 =	sand.u32 $0x3F, s15  }
0x48: {  	s12 =	sadd.s32 @!p1 s2, s12;
	s11 =	sor.u32 @!p1 $0x1000, s11;
	s15 =	smul.u32 $0x19, s14  }
0x49: {  	[tilespmem:s11], [sflag:$0x3] =	stream.linear.gather @!p1 [hbm4b:s12+s18], $0x7D0, $0x38;
	[tilespmem:$0x1FD80] =	vst v63  }
0x4a: {  	s11 =	ssub.s32 s5, s15  }
0x4b: {  	s12 =	sand.u32 $0xFF, s11  }
0x4c: {  	p1 =	sne.s32 s12, $0x0  }
0x4d: {  	s15 =	simm.s32 @!p1 $0x3  }
0x4e: {  	_ =	swait.ge @!p1 [sflag:s15], $0x7D0  }
0x4f: {  	s18 =	smul.u32 $0x50, s5;
	[sflag:s15] =	ssyncset.done @!p1 $0x0  }
0x50: {  	[sflag:s15] =	ssyncadd.s32 @!p1 $0xFFFFF830  }
0x51: {  	s18 =	sadd.s32 s9, s18;
	_ =	swait.ge @!p1 [sflag:s15], $0x7D0  }
0x52: {  	s14 =	sand.u32 $0x1, s14;
	s18 =	sshll.u32 s18, $0x4;
	[sflag:s15] =	ssyncset.done @!p1 $0x0  }
0x53: {  	s12 =	smul.u32 $0x140, s12;
	[sflag:s15] =	ssyncadd.s32 @!p1 $0xFFFFF830;
	s15 =	sadd.s32 s3, s18  }
0x54: {  	s18 =	simm.s32 $0x0;
	p1 =	seq.s32 s14, $0x1;
	s14 =	simm.s32 $0x7D0  }
0x55: {  	[tilespmem:s24], [sflag:$0x2] =	stream.linear.gather [hbm4b:s15+s18], $0x2800, $0x38;
	[tilespmem:$0x1FD80] =	vst v63  }
0x56: {  	s14 =	simm.s32 @!p1 $0x0;
	s18 =	sshrl.u32 s12, $0x2  }
0x57: {  	s12 =	sadd.s32 s18, s14  }
0x58: {  	v0 =	vld [tilespmem:s12+$0x0];
	_ =	sdelay $0x4  }
0x59: {  	[tilespmem:$0x2080] =	vst v0  }
0x5a: {  	v0 =	vld [tilespmem:s12+$0x10];
	_ =	sdelay $0x4  }
0x5b: {  	[tilespmem:$0x2090] =	vst v0  }
0x5c: {  	v0 =	vld [tilespmem:s12+$0x20];
	_ =	sdelay $0x4  }
0x5d: {  	[tilespmem:$0x20A0] =	vst v0  }
0x5e: {  	v0 =	vld [tilespmem:s12+$0x30];
	_ =	sdelay $0x4  }
0x5f: {  	[tilespmem:$0x20B0] =	vst v0  }
0x60: {  	v0 =	vld [tilespmem:s12+$0x40];
	_ =	sdelay $0x4  }
0x61: {  	[tilespmem:$0x20C0] =	vst v0  }
0x62: {  	[tilespmem:s26], [sflag:$0x2] =	stream.indirect.gather [hbm4b:s1+s21], $0x80, s25, s21, $0xb8;
	[tilespmem:$0x1FD80] =	vst v63  }
0x63: {  	_ =	swait.ge [sflag:s28], $0x2800  }
0x64: {  	[sflag:s28] =	ssyncset.done $0x0  }
0x65: {  	[sflag:s28] =	ssyncadd.s32 $0xFFFFD800  }
0x66: {  	_ =	swait.ge [sflag:s28], $0x2800  }
0x67: {  	[sflag:s28] =	ssyncset.done $0x0  }
0x68: {  	s12 =	simm.s32 $0x0;
	[sflag:s28] =	ssyncadd.s32 $0xFFFFD800  }
0x69: {  	v6 =	vld [tilespmem:s12+$0x2180]  }
0x6a: {  	v11 =	vld [tilespmem:s12+$0x2190]  }
0x6b: {  	v5 =	vld [tilespmem:s12+$0x21A0]  }
0x6c: {  	v4 =	vld [tilespmem:s12+$0x21B0]  }
0x6d: {  	v3 =	vld [tilespmem:s12+$0x21C0]  }
0x6e: {  	v2 =	vld [tilespmem:s12+$0x21D0]  }
0x6f: {  	v1 =	vld [tilespmem:s12+$0x21E0]  }
0x70: {  	v0 =	vld [tilespmem:s12+$0x21F0]  }
0x71: {  	v12 =	vld [tilespmem:s12+$0x7180]  }
0x72: {  	v13 =	vld [tilespmem:s12+$0x7190]  }
0x73: {  	v10 =	vld [tilespmem:s12+$0x71A0]  }
0x74: {  	v9 =	vld [tilespmem:s12+$0x71B0]  }
0x75: {  	v8 =	vld [tilespmem:s12+$0x71C0]  }
0x76: {  	v7 =	vld [tilespmem:s12+$0x71D0];
	v12 =	vadd.f32 v6, v12  }
0x77: {  	s13 =	sand.u32 $0xFF, s13;
	s14 =	simm.s32 $0x200;
	v11 =	vadd.f32 v11, v13;
	v6 =	vld [tilespmem:s12+$0x71E0]  }
.LBB2_3:
0x78: {  	s15 =	sshra.s32 s14, $0x2;
	p1 =	sne.s32 s14, $0x9E00;
	v12 =	vmax.f32 v12, $0.0e+00;
	v5 =	vadd.f32 v5, v10;
	v10 =	vld [tilespmem:s12+$0x71F0]  }
0x79: {  	v13 =	vld [tilespmem:s15+$0x2180];
	[tilespmem:s12+$0x7180] =	vst v12;
	v11 =	vmax.f32 v11, $0.0e+00;
	v4 =	vadd.f32 v4, v9  }
0x7a: {  	v14 =	vld [tilespmem:s15+$0x2190];
	[tilespmem:s12+$0x7190] =	vst v11;
	v9 =	vmax.f32 v5, $0.0e+00;
	v3 =	vadd.f32 v3, v8  }
0x7b: {  	v5 =	vld [tilespmem:s15+$0x21A0];
	[tilespmem:s12+$0x71A0] =	vst v9;
	v8 =	vmax.f32 v4, $0.0e+00;
	v2 =	vadd.f32 v2, v7  }
0x7c: {  	v4 =	vld [tilespmem:s15+$0x21B0];
	[tilespmem:s12+$0x71B0] =	vst v8;
	v7 =	vmax.f32 v3, $0.0e+00;
	v1 =	vadd.f32 v1, v6  }
0x7d: {  	v3 =	vld [tilespmem:s15+$0x21C0];
	[tilespmem:s12+$0x71C0] =	vst v7;
	v6 =	vmax.f32 v2, $0.0e+00;
	v0 =	vadd.f32 v0, v10  }
0x7e: {  	v2 =	vld [tilespmem:s15+$0x21D0];
	[tilespmem:s12+$0x71D0] =	vst v6;
	v6 =	vmax.f32 v1, $0.0e+00  }
0x7f: {  	v1 =	vld [tilespmem:s15+$0x21E0];
	[tilespmem:s12+$0x71E0] =	vst v6;
	v6 =	vmax.f32 v0, $0.0e+00  }
0x80: {  	v0 =	vld [tilespmem:s15+$0x21F0];
	[tilespmem:s12+$0x71F0] =	vst v6;
	s12 =	smov.u32 s15  }
0x81: {  	v6 =	vld [tilespmem:s12+$0x7180]  }
0x82: {  	v11 =	vld [tilespmem:s12+$0x7190]  }
.Ltmp0:
0x83: {  	v10 =	vld [tilespmem:s12+$0x71A0];
	(pc) =	sbr.rel @p1 .LBB2_3-.Ltmp0, $4  }
0x84: {  	v9 =	vld [tilespmem:s12+$0x71B0]  }
0x85: {  	v8 =	vld [tilespmem:s12+$0x71C0]  }
0x86: {  	v12 =	vadd.f32 v13, v6;
	v7 =	vld [tilespmem:s12+$0x71D0]  }
0x87: {  	s14 =	sadd.s32 $0x200, s14;
	v11 =	vadd.f32 v14, v11;
	v6 =	vld [tilespmem:s12+$0x71E0]  }
0x88: {  	v12 =	vmax.f32 v12, $0.0e+00;
	v5 =	vadd.f32 v5, v10;
	v10 =	vld [tilespmem:s12+$0x71F0]  }
0x89: {  	[tilespmem:s12+$0x7180] =	vst v12;
	v11 =	vmax.f32 v11, $0.0e+00;
	v4 =	vadd.f32 v4, v9  }
0x8a: {  	s14 =	smulhi.u32 $0x51EB851F, s8;
	[tilespmem:s12+$0x7190] =	vst v11;
	v5 =	vmax.f32 v5, $0.0e+00;
	v3 =	vadd.f32 v3, v8  }
0x8b: {  	[tilespmem:s12+$0x71A0] =	vst v5;
	v4 =	vmax.f32 v4, $0.0e+00;
	v2 =	vadd.f32 v2, v7  }
0x8c: {  	s14 =	sshrl.u32 s14, $0x3;
	[tilespmem:s12+$0x71B0] =	vst v4;
	v3 =	vmax.f32 v3, $0.0e+00;
	v1 =	vadd.f32 v1, v6  }
0x8d: {  	s13 =	smul.u32 $0x140, s13;
	s14 =	sand.u32 $0x1, s14;
	[tilespmem:s12+$0x71C0] =	vst v3;
	v2 =	vmax.f32 v2, $0.0e+00;
	v0 =	vadd.f32 v0, v10  }
0x8e: {  	p1 =	seq.s32 s14, $0x1;
	s14 =	simm.s32 $0x7D0;
	[tilespmem:s12+$0x71D0] =	vst v2;
	v1 =	vmax.f32 v1, $0.0e+00  }
0x8f: {  	s13 =	sshrl.u32 s13, $0x2;
	s14 =	simm.s32 @!p1 $0x0;
	[tilespmem:s12+$0x71E0] =	vst v1;
	v0 =	vmax.f32 v0, $0.0e+00  }
0x90: {  	s13 =	sadd.s32 s13, s14;
	[tilespmem:s12+$0x71F0] =	vst v0  }
0x91: {  	v0 =	vld [tilespmem:s13+$0x1000];
	_ =	sdelay $0x4  }
0x92: {  	[tilespmem:$0x2100] =	vst v0  }
0x93: {  	v0 =	vld [tilespmem:s13+$0x1010];
	_ =	sdelay $0x4  }
0x94: {  	[tilespmem:$0x2110] =	vst v0  }
0x95: {  	v0 =	vld [tilespmem:s13+$0x1020];
	_ =	sdelay $0x4  }
0x96: {  	[tilespmem:$0x2120] =	vst v0  }
0x97: {  	v0 =	vld [tilespmem:s13+$0x1030];
	_ =	sdelay $0x2  }
0x98: {  	s11 =	sand.u32 @!p0 $0xFF, s11  }
0x99: {  	p2 =	sne.s32 @!p0 s11, $0x0  }
0x9a: {  	p1 =	por p2, p0;
	[tilespmem:$0x2130] =	vst v0  }
0x9b: {  	s11 =	smulhi.u32 @!p1 $0x51EB851F, s5;
	v0 =	vld [tilespmem:s13+$0x1040];
	_ =	sdelay $0x1  }
0x9c: {  	s11 =	sshrl.u32 @!p1 s11, $0x3  }
0x9d: {  	s8 =	sadd.s32 $0x2, s8;
	s11 =	sadd.s32 @!p1 $0x1, s11  }
0x9e: {  	s15 =	smulhi.u32 $0x51EB851F, s8;
	s14 =	simm.s32 @!p1 $0x0;
	s12 =	sand.u32 @!p1 $0x1, s11  }
0x9f: {  	s11 =	smul.u32 @!p1 $0x7D0, s11;
	p3 =	seq.s32 @!p1 s12, $0x1;
	s12 =	simm.s32 @!p1 $0x7D0;
	[tilespmem:$0x2140] =	vst v0  }
0xa0: {  	[spmem:s4] =	stream.indirect.scatter.add.f32 [tilespmem:s23], [sflag:$0x4], $0x80, s29, s21, $0xb8;
	[tilespmem:$0x1FD80] =	vst v63  }
0xa1: {  	p2 =	por @!p0 !p3, p2;
	s11 =	sadd.s32 @!p1 s9, s11;
	_ =	swait.ge [sflag:s17], $0x2800  }
0xa2: {  	p0 =	por !p2, p0;
	s11 =	sshrl.u32 @!p1 s11, $0x3;
	[sflag:s17] =	ssyncset.done $0x0  }
0xa3: {  	s12 =	simm.s32 @!p0 $0x0;
	s13 =	sadd.s32 @!p1 s7, s11;
	[sflag:s17] =	ssyncadd.s32 $0xFFFFD800  }
0xa4: {  	[tilespmem:s12], [sflag:$0x3] =	stream.linear.gather @!p1 [hbm4b:s13+s14], $0x7D0, $0x38;
	[tilespmem:$0x1FD80] =	vst v63  }
0xa5: {  	s13 =	sshrl.u32 s15, $0x3  }
0xa6: {  	s11 =	sadd.s32 @!p1 s2, s11;
	s12 =	sor.u32 @!p1 $0x1000, s12;
	s15 =	smul.u32 $0x19, s13  }
0xa7: {  	[tilespmem:s12], [sflag:$0x3] =	stream.linear.gather @!p1 [hbm4b:s11+s14], $0x7D0, $0x38;
	[tilespmem:$0x1FD80] =	vst v63  }
0xa8: {  	s11 =	ssub.s32 s8, s15  }
0xa9: {  	p0 =	sne.s32 s11, $0x0  }
0xaa: {  	s12 =	simm.s32 @!p0 $0x3  }
0xab: {  	_ =	swait.ge @!p0 [sflag:s12], $0x7D0  }
0xac: {  	s8 =	smul.u32 $0x50, s8;
	[sflag:s12] =	ssyncset.done @!p0 $0x0  }
0xad: {  	[sflag:s12] =	ssyncadd.s32 @!p0 $0xFFFFF830  }
0xae: {  	s14 =	simm.s32 $0x0;
	s8 =	sadd.s32 s9, s8;
	_ =	swait.ge @!p0 [sflag:s12], $0x7D0  }
0xaf: {  	s15 =	sand.u32 $0x1, s13;
	s8 =	sshll.u32 s8, $0x4;
	[sflag:s12] =	ssyncset.done @!p0 $0x0  }
0xb0: {  	s11 =	smul.u32 $0x140, s11;
	s8 =	sadd.s32 s3, s8;
	[sflag:s12] =	ssyncadd.s32 @!p0 $0xFFFFF830  }
0xb1: {  	[tilespmem:s20], [sflag:$0x1] =	stream.linear.gather [hbm4b:s8+s14], $0x2800, $0x38;
	[tilespmem:$0x1FD80] =	vst v63  }
0xb2: {  	p0 =	seq.s32 s15, $0x1;
	s8 =	simm.s32 $0x7D0  }
0xb3: {  	s11 =	sshra.s32 s11, $0x2;
	s8 =	simm.s32 @!p0 $0x0  }
0xb4: {  	s8 =	sadd.s32 s11, s8  }
0xb5: {  	v0 =	vld [tilespmem:s8+$0x0];
	_ =	sdelay $0x4  }
0xb6: {  	[tilespmem:$0x2000] =	vst v0  }
0xb7: {  	v0 =	vld [tilespmem:s8+$0x10];
	_ =	sdelay $0x4  }
0xb8: {  	[tilespmem:$0x2010] =	vst v0  }
0xb9: {  	v0 =	vld [tilespmem:s8+$0x20];
	_ =	sdelay $0x4  }
0xba: {  	[tilespmem:$0x2020] =	vst v0  }
0xbb: {  	v0 =	vld [tilespmem:s8+$0x30];
	_ =	sdelay $0x4  }
0xbc: {  	[tilespmem:$0x2030] =	vst v0  }
0xbd: {  	v0 =	vld [tilespmem:s8+$0x40];
	_ =	sdelay $0x4  }
0xbe: {  	[tilespmem:$0x2040] =	vst v0  }
0xbf: {  	[tilespmem:s23], [sflag:$0x1] =	stream.indirect.gather [hbm4b:s1+s21], $0x80, s22, s21, $0xb8;
	[tilespmem:$0x1FD80] =	vst v63  }
0xc0: {  	_ =	swait.ge [sflag:s30], $0x2800  }
0xc1: {  	[sflag:s30] =	ssyncset.done $0x0  }
0xc2: {  	[sflag:s30] =	ssyncadd.s32 $0xFFFFD800  }
0xc3: {  	_ =	swait.ge [sflag:s30], $0x2800  }
0xc4: {  	[sflag:s30] =	ssyncset.done $0x0  }
0xc5: {  	s8 =	simm.s32 $0x0;
	[sflag:s30] =	ssyncadd.s32 $0xFFFFD800  }
0xc6: {  	v6 =	vld [tilespmem:s8+$0x4980]  }
0xc7: {  	v11 =	vld [tilespmem:s8+$0x4990]  }
0xc8: {  	v5 =	vld [tilespmem:s8+$0x49A0]  }
0xc9: {  	v4 =	vld [tilespmem:s8+$0x49B0]  }
0xca: {  	v3 =	vld [tilespmem:s8+$0x49C0]  }
0xcb: {  	v2 =	vld [tilespmem:s8+$0x49D0]  }
0xcc: {  	v1 =	vld [tilespmem:s8+$0x49E0]  }
0xcd: {  	v0 =	vld [tilespmem:s8+$0x49F0]  }
0xce: {  	v12 =	vld [tilespmem:s8+$0x9980]  }
0xcf: {  	v13 =	vld [tilespmem:s8+$0x9990]  }
0xd0: {  	v10 =	vld [tilespmem:s8+$0x99A0]  }
0xd1: {  	v9 =	vld [tilespmem:s8+$0x99B0]  }
0xd2: {  	v8 =	vld [tilespmem:s8+$0x99C0]  }
0xd3: {  	v7 =	vld [tilespmem:s8+$0x99D0];
	v12 =	vadd.f32 v6, v12  }
0xd4: {  	s11 =	simm.s32 $0x200;
	v11 =	vadd.f32 v11, v13;
	v6 =	vld [tilespmem:s8+$0x99E0]  }
.LBB2_5:
0xd5: {  	s12 =	sshra.s32 s11, $0x2;
	p0 =	sne.s32 s11, $0x9E00;
	v12 =	vmax.f32 v12, $0.0e+00;
	v5 =	vadd.f32 v5, v10;
	v10 =	vld [tilespmem:s8+$0x99F0]  }
0xd6: {  	v13 =	vld [tilespmem:s12+$0x4980];
	[tilespmem:s8+$0x9980] =	vst v12;
	v11 =	vmax.f32 v11, $0.0e+00;
	v4 =	vadd.f32 v4, v9  }
0xd7: {  	v14 =	vld [tilespmem:s12+$0x4990];
	[tilespmem:s8+$0x9990] =	vst v11;
	v9 =	vmax.f32 v5, $0.0e+00;
	v3 =	vadd.f32 v3, v8  }
0xd8: {  	v5 =	vld [tilespmem:s12+$0x49A0];
	[tilespmem:s8+$0x99A0] =	vst v9;
	v8 =	vmax.f32 v4, $0.0e+00;
	v2 =	vadd.f32 v2, v7  }
0xd9: {  	v4 =	vld [tilespmem:s12+$0x49B0];
	[tilespmem:s8+$0x99B0] =	vst v8;
	v7 =	vmax.f32 v3, $0.0e+00;
	v1 =	vadd.f32 v1, v6  }
0xda: {  	v3 =	vld [tilespmem:s12+$0x49C0];
	[tilespmem:s8+$0x99C0] =	vst v7;
	v6 =	vmax.f32 v2, $0.0e+00;
	v0 =	vadd.f32 v0, v10  }
0xdb: {  	v2 =	vld [tilespmem:s12+$0x49D0];
	[tilespmem:s8+$0x99D0] =	vst v6;
	v6 =	vmax.f32 v1, $0.0e+00  }
0xdc: {  	v1 =	vld [tilespmem:s12+$0x49E0];
	[tilespmem:s8+$0x99E0] =	vst v6;
	v6 =	vmax.f32 v0, $0.0e+00  }
0xdd: {  	v0 =	vld [tilespmem:s12+$0x49F0];
	[tilespmem:s8+$0x99F0] =	vst v6;
	s8 =	smov.u32 s12  }
0xde: {  	v6 =	vld [tilespmem:s8+$0x9980]  }
0xdf: {  	v11 =	vld [tilespmem:s8+$0x9990]  }
.Ltmp1:
0xe0: {  	v10 =	vld [tilespmem:s8+$0x99A0];
	(pc) =	sbr.rel @p0 .LBB2_5-.Ltmp1, $4  }
0xe1: {  	v9 =	vld [tilespmem:s8+$0x99B0]  }
0xe2: {  	v8 =	vld [tilespmem:s8+$0x99C0]  }
0xe3: {  	v12 =	vadd.f32 v13, v6;
	v7 =	vld [tilespmem:s8+$0x99D0]  }
0xe4: {  	s11 =	sadd.s32 $0x200, s11;
	v11 =	vadd.f32 v14, v11;
	v6 =	vld [tilespmem:s8+$0x99E0]  }
0xe5: {  	v12 =	vmax.f32 v12, $0.0e+00;
	v5 =	vadd.f32 v5, v10;
	v63 =	vld [tilespmem:s8+$0x99F0]  }
0xe6: {  	[tilespmem:s8+$0x9980] =	vst v12;
	v11 =	vmax.f32 v11, $0.0e+00;
	v4 =	vadd.f32 v4, v9  }
0xe7: {  	s5 =	smulhi.u32 $0x51EB851F, s5;
	[tilespmem:s8+$0x9990] =	vst v11;
	v5 =	vmax.f32 v5, $0.0e+00;
	v3 =	vadd.f32 v3, v8  }
0xe8: {  	[tilespmem:s8+$0x99A0] =	vst v5;
	v4 =	vmax.f32 v4, $0.0e+00;
	v2 =	vadd.f32 v2, v7  }
0xe9: {  	s5 =	sshrl.u32 s5, $0x3;
	[tilespmem:s8+$0x99B0] =	vst v4;
	v3 =	vmax.f32 v3, $0.0e+00;
	v1 =	vadd.f32 v1, v6  }
0xea: {  	s5 =	sand.u32 $0x1, s5;
	[tilespmem:s8+$0x99C0] =	vst v3;
	v2 =	vmax.f32 v2, $0.0e+00;
	v0 =	vadd.f32 v0, v63  }
0xeb: {  	p0 =	seq.s32 s5, $0x1;
	s5 =	simm.s32 $0x7D0;
	[tilespmem:s8+$0x99D0] =	vst v2;
	v1 =	vmax.f32 v1, $0.0e+00  }
0xec: {  	s5 =	simm.s32 @!p0 $0x0;
	[tilespmem:s8+$0x99E0] =	vst v1;
	v0 =	vmax.f32 v0, $0.0e+00  }
0xed: {  	s5 =	sadd.s32 s18, s5;
	[tilespmem:s8+$0x99F0] =	vst v0  }
0xee: {  	v0 =	vld [tilespmem:s5+$0x1000];
	_ =	sdelay $0x4  }
0xef: {  	[tilespmem:$0x2100] =	vst v0  }
0xf0: {  	v0 =	vld [tilespmem:s5+$0x1010];
	_ =	sdelay $0x4  }
0xf1: {  	[tilespmem:$0x2110] =	vst v0  }
0xf2: {  	v0 =	vld [tilespmem:s5+$0x1020];
	_ =	sdelay $0x4  }
0xf3: {  	[tilespmem:$0x2120] =	vst v0  }
0xf4: {  	v0 =	vld [tilespmem:s5+$0x1030];
	_ =	sdelay $0x4  }
0xf5: {  	[tilespmem:$0x2130] =	vst v0  }
0xf6: {  	v0 =	vld [tilespmem:s5+$0x1040];
	_ =	sdelay $0x2  }
0xf7: {  	s0 =	sadd.s32 $0x1, s0  }
0xf8: {  	p0 =	sne.s32 s0, $0x3E  }
.Ltmp2:
0xf9: {  	[tilespmem:$0x2140] =	vst v0;
	(pc) =	sbr.rel @p0 .LBB2_2-.Ltmp2, $4  }
0xfa: {  	[spmem:s4] =	stream.indirect.scatter.add.f32 [tilespmem:s26], [sflag:$0x4], $0x80, s29, s21, $0xb8;
	[tilespmem:$0x1FD80] =	vst v63  }
0xfb: {  	_ =	swait.ge [sflag:s17], $0x2800  }
0xfc: {  	[sflag:s17] =	ssyncset.done $0x0  }
0xfd: {  	[sflag:s17] =	ssyncadd.s32 $0xFFFFD800  }
0xfe: {  	_ =	swait.ge [sflag:s28], $0x2800  }
0xff: {  	[sflag:s28] =	ssyncset.done $0x0  }
0x100: {  	[sflag:s28] =	ssyncadd.s32 $0xFFFFD800  }
0x101: {  	_ =	swait.ge [sflag:s28], $0x2800  }
0x102: {  	[sflag:s28] =	ssyncset.done $0x0  }
0x103: {  	s0 =	simm.s32 $0x0;
	[sflag:s28] =	ssyncadd.s32 $0xFFFFD800  }
0x104: {  	v6 =	vld [tilespmem:s0+$0x2180]  }
0x105: {  	v11 =	vld [tilespmem:s0+$0x2190]  }
0x106: {  	v5 =	vld [tilespmem:s0+$0x21A0]  }
0x107: {  	v4 =	vld [tilespmem:s0+$0x21B0]  }
0x108: {  	v3 =	vld [tilespmem:s0+$0x21C0]  }
0x109: {  	v2 =	vld [tilespmem:s0+$0x21D0]  }
0x10a: {  	v1 =	vld [tilespmem:s0+$0x21E0]  }
0x10b: {  	v0 =	vld [tilespmem:s0+$0x21F0]  }
0x10c: {  	v12 =	vld [tilespmem:s0+$0x7180]  }
0x10d: {  	v13 =	vld [tilespmem:s0+$0x7190]  }
0x10e: {  	v10 =	vld [tilespmem:s0+$0x71A0]  }
0x10f: {  	v9 =	vld [tilespmem:s0+$0x71B0]  }
0x110: {  	v8 =	vld [tilespmem:s0+$0x71C0]  }
0x111: {  	v7 =	vld [tilespmem:s0+$0x71D0];
	v12 =	vadd.f32 v6, v12  }
0x112: {  	s5 =	simm.s32 $0x200;
	v11 =	vadd.f32 v11, v13;
	v6 =	vld [tilespmem:s0+$0x71E0]  }
.LBB2_8:
0x113: {  	s8 =	sshra.s32 s5, $0x2;
	p0 =	sne.s32 s5, $0x9E00;
	v12 =	vmax.f32 v12, $0.0e+00;
	v5 =	vadd.f32 v5, v10;
	v10 =	vld [tilespmem:s0+$0x71F0]  }
0x114: {  	v13 =	vld [tilespmem:s8+$0x2180];
	[tilespmem:s0+$0x7180] =	vst v12;
	v11 =	vmax.f32 v11, $0.0e+00;
	v4 =	vadd.f32 v4, v9  }
0x115: {  	v14 =	vld [tilespmem:s8+$0x2190];
	[tilespmem:s0+$0x7190] =	vst v11;
	v9 =	vmax.f32 v5, $0.0e+00;
	v3 =	vadd.f32 v3, v8  }
0x116: {  	v5 =	vld [tilespmem:s8+$0x21A0];
	[tilespmem:s0+$0x71A0] =	vst v9;
	v8 =	vmax.f32 v4, $0.0e+00;
	v2 =	vadd.f32 v2, v7  }
0x117: {  	v4 =	vld [tilespmem:s8+$0x21B0];
	[tilespmem:s0+$0x71B0] =	vst v8;
	v7 =	vmax.f32 v3, $0.0e+00;
	v1 =	vadd.f32 v1, v6  }
0x118: {  	v3 =	vld [tilespmem:s8+$0x21C0];
	[tilespmem:s0+$0x71C0] =	vst v7;
	v6 =	vmax.f32 v2, $0.0e+00;
	v0 =	vadd.f32 v0, v10  }
0x119: {  	v2 =	vld [tilespmem:s8+$0x21D0];
	[tilespmem:s0+$0x71D0] =	vst v6;
	v6 =	vmax.f32 v1, $0.0e+00  }
0x11a: {  	v1 =	vld [tilespmem:s8+$0x21E0];
	[tilespmem:s0+$0x71E0] =	vst v6;
	v6 =	vmax.f32 v0, $0.0e+00  }
0x11b: {  	v0 =	vld [tilespmem:s8+$0x21F0];
	[tilespmem:s0+$0x71F0] =	vst v6;
	s0 =	smov.u32 s8  }
0x11c: {  	v6 =	vld [tilespmem:s0+$0x7180]  }
0x11d: {  	v11 =	vld [tilespmem:s0+$0x7190]  }
.Ltmp3:
0x11e: {  	v10 =	vld [tilespmem:s0+$0x71A0];
	(pc) =	sbr.rel @p0 .LBB2_8-.Ltmp3, $4  }
0x11f: {  	v9 =	vld [tilespmem:s0+$0x71B0]  }
0x120: {  	v8 =	vld [tilespmem:s0+$0x71C0]  }
0x121: {  	v12 =	vadd.f32 v13, v6;
	v7 =	vld [tilespmem:s0+$0x71D0]  }
0x122: {  	s5 =	sadd.s32 $0x200, s5;
	v11 =	vadd.f32 v14, v11;
	v6 =	vld [tilespmem:s0+$0x71E0]  }
0x123: {  	v12 =	vmax.f32 v12, $0.0e+00;
	v5 =	vadd.f32 v5, v10;
	v63 =	vld [tilespmem:s0+$0x71F0]  }
0x124: {  	[tilespmem:s0+$0x7180] =	vst v12;
	v11 =	vmax.f32 v11, $0.0e+00;
	v4 =	vadd.f32 v4, v9  }
0x125: {  	[tilespmem:s0+$0x7190] =	vst v11;
	v5 =	vmax.f32 v5, $0.0e+00;
	v3 =	vadd.f32 v3, v8  }
0x126: {  	[tilespmem:s0+$0x71A0] =	vst v5;
	v4 =	vmax.f32 v4, $0.0e+00;
	v2 =	vadd.f32 v2, v7  }
0x127: {  	[tilespmem:s0+$0x71B0] =	vst v4;
	v3 =	vmax.f32 v3, $0.0e+00;
	v1 =	vadd.f32 v1, v6  }
0x128: {  	[tilespmem:s0+$0x71C0] =	vst v3;
	v2 =	vmax.f32 v2, $0.0e+00;
	v0 =	vadd.f32 v0, v63  }
0x129: {  	[tilespmem:s0+$0x71D0] =	vst v2;
	v1 =	vmax.f32 v1, $0.0e+00  }
0x12a: {  	[tilespmem:s0+$0x71E0] =	vst v1;
	v0 =	vmax.f32 v0, $0.0e+00  }
0x12b: {  	[tilespmem:s0+$0x71F0] =	vst v0  }
0x12c: {  	v0 =	vld [tilespmem:$0x1780]  }
0x12d: {  	v1 =	vld [tilespmem:$0x1790]  }
0x12e: {  	v2 =	vld [tilespmem:$0x17A0]  }
0x12f: {  	v3 =	vld [tilespmem:$0x17B0]  }
0x130: {  	v4 =	vld [tilespmem:$0x17C0]  }
0x131: {  	[tilespmem:$0x2100] =	vst v0  }
0x132: {  	[tilespmem:$0x2110] =	vst v1  }
0x133: {  	[tilespmem:$0x2120] =	vst v2  }
0x134: {  	[tilespmem:$0x2130] =	vst v3  }
0x135: {  	[tilespmem:$0x2140] =	vst v4  }
0x136: {  	[spmem:s4] =	stream.indirect.scatter.add.f32 [tilespmem:s23], [sflag:$0x4], $0x80, s29, s21, $0xb8;
	[tilespmem:$0x1FD80] =	vst v63  }
0x137: {  	_ =	swait.ge [sflag:s17], $0x2800  }
0x138: {  	[sflag:s17] =	ssyncset.done $0x0  }
0x139: {  	[sflag:s17] =	ssyncadd.s32 $0xFFFFD800  }
0x13a: {  	[bflag:$0x0] =	sbarrier.arrive $0xFFFF  }
0x13b: {  	s15 =	rddreg [dreg:$0xa]  }
0x13c: {  	[hbm:s15], [sflag:s10] =	dma.local [spmem:s16], $0x2780  }
0x13d: {  	_ =	swait.ge [sflag:s17], $0x2780  }
0x13e: {  	s31 =	sadd.s32 $0x1, s31;
	s18 =	rddreg [dreg:$0xb]  }
0x13f: {  	p0 =	sne.s32 s31, s18  }
.Ltmp4:
0x140: {  	_ = 	snop;
	(pc) =	sbr.rel @p0 .LBB2_1-.Ltmp4, $3  }
0x141: {  	_ =	sdelay $0x1  }
0x142: {  	[sflag:s17] =	ssyncset.done $0x0  }
0x143: {  	[sflag:s17] =	ssyncadd.s32 $0xFFFFD880  }
0x144: {  	_ =	sfence.sel $0x180000  }
0x145: {  	[bflag:$0x0] =	sbarrier.arrive $0xFFFF  }
0x146: {  	_ =	strace $0x90000047  }
0x147: {  	s0 =	stileid.u32;
	[bflag:$0x2] =	sbarrier.arrive $0xFFFF  }
0x148: {  	p0 =	sne.s32 s0, $0x0;
	s0 =	rddreg [dreg:$0x5]  }
0x149: {  	s0 =	sadd.s32 @!p0 $0x100000, s0  }
0x14a: {  	[sflag:s0] =	ssyncadd.tile.s32 @!p0 $0x1;
	_ =	shalt  }
.Lfunc_end2:
_tile_overlayer_lowered:
.L_overlay_start_2:
0x14b: {  	(tag) =	ssettag $0x2  }
0x14c: {  	s0 =	rddreg [dreg:$0x0];
	s2 =	stileid.u32  }
0x14d: {  	s1 =	rddreg [dreg:$0x1];
	p0 =	sne.s32 s2, $0x0  }
0x14e: {  	s3 =	rddreg [dreg:$0x2];
	[bflag:$0x3] =	sbarrier.arrive $0xFFFF;
	s2 =	simm.s32 @!p0 $0x1C04  }
0x14f: {  	[timem:s3], [sflag:s2] =	dma.local @!p0 [hbm:s0], s1  }
0x150: {  	s0 =	simm.s32 @!p0 $0x4  }
0x151: {  	_ =	swait.ge @!p0 [sflag:s0], s1  }
0x152: {  	s1 =	ssub.s32 @!p0 $0x0, s1;
	[sflag:s0] =	ssyncset.done @!p0 $0x0  }
0x153: {  	[sflag:s0] =	ssyncadd.s32 @!p0 s1  }
0x154: {  	[bflag:$0x3] =	sbarrier.arrive $0xFFFF  }
0x155: {  	_ =	shalt  }

</sc_bundles>
